<compile_context>
chip_gen: v7x
topology: tpu7x:2x2x1
jax: 0.10.2.dev20260603
libtpu: 0.0.44.dev20260713+nightly
codegen_flags: <defaults>
</compile_context>

<pallas_src>
import functools

import jax
import jax.numpy as jnp
from jax import lax
from jax.experimental import pallas as pl
from jax.experimental.pallas import tpu as pltpu
from jax.experimental.pallas import tpu_sc as plsc

N_NODES = 50000
N_EDGES = 1600000
N_GRAPHS = 1000
D = 128
DE = 16
CN = 80
N_NODE_CHUNKS = N_NODES // CN
CE = 80
EB = 400

NC = 2
NS = 16
NW = NC * NS

EPT = N_EDGES // NW
EBLK = EPT // EB
NGV = (N_GRAPHS + 15) // 16

OFF_CHARGE = 100
OFF_TIME = 113
OFF_COUNT = 1113
NT_ROWS = 1369

B_SENT = N_NODES
B_TIME = N_NODES + 8
B_CNT = N_NODES + 8 + N_GRAPHS
BIG = B_CNT + NGV * 16

_mesh = plsc.VectorSubcoreMesh(core_axis_name="c", subcore_axis_name="s",
                               num_cores=NC, num_subcores=NS)


def _take16(vec, idx):
    dnums = lax.GatherDimensionNumbers(offset_dims=(),
                                       collapsed_slice_dims=(0,),
                                       start_index_map=(0,))
    return lax.gather(vec, idx[:, None], dnums, (1,),
                      mode=lax.GatherScatterMode.PROMISE_IN_BOUNDS)


def _backbone_body(ints_hbm, nidx_hbm, e_hbm, ei0_hbm, ei1_hbm, wn_hbm,
                   wet_hbm,
                   h0_out, ee_out, ei0_out, ei1_out,
                   big, idx6, rows, e_rows, wn_sp, wet_v, sem, semw):
    wid = lax.axis_index("s") * NC + lax.axis_index("c")

    stage = pltpu.async_copy(wn_hbm, wn_sp, semw)
    pltpu.sync_copy(wet_hbm, wet_v)
    pltpu.sync_copy(ints_hbm, big.at[pl.ds(0, B_CNT)])

    lanes = lax.iota(jnp.int32, 16)

    def lower_bound(tgt):
        lo = jnp.zeros((16,), jnp.int32)
        hi = jnp.full((16,), N_NODES, jnp.int32)
        for _ in range(16):
            mid = (lo + hi) >> 1
            vals = plsc.load_gather(big, [mid])
            lt = vals < tgt
            lo = jnp.where(lt, mid + 1, lo)
            hi = jnp.where(lt, hi, mid)
        return lo

    def cnt_body(k, carry):
        g = k * 16 + lanes
        cnt = lower_bound(g + 1) - lower_bound(g)
        cnt = jnp.clip(cnt, 0, 255)
        big[pl.ds(B_CNT + k * 16, 16)] = cnt + OFF_COUNT
        return carry

    lax.fori_loop(0, NGV, cnt_body, 0)
    stage.wait()

    lo = wid * N_NODE_CHUNKS // NW
    hi = (wid + 1) * N_NODE_CHUNKS // NW

    def wait_node_write():
        pltpu.make_async_copy(rows.at[0],
                              h0_out.at[pl.ds(0, CN), pl.ds(0, D)],
                              semw).wait()

    def node_chunk(chunk, first):
        base = chunk * CN
        pltpu.sync_copy(nidx_hbm.at[chunk], idx6.at[pl.ds(2 * CN, 3 * CN)])
        for v in range(CN // 16):
            bv = idx6[pl.ds(2 * CN + v * 16, 16)]
            idx6[pl.ds(5 * CN + v * 16, 16)] = plsc.load_gather(big, [bv + B_CNT])
            idx6[pl.ds(6 * CN + v * 16, 16)] = plsc.load_gather(big, [bv + B_TIME])
        if not first:
            for _ in range(4):
                wait_node_write()
        cps = [pltpu.async_copy(wn_sp.at[idx6.at[pl.ds((3 + b) * CN, CN)]],
                                rows.at[b], sem)
               for b in range(4)]
        for cp in cps:
            cp.wait()
        for b in range(4):
            pltpu.async_copy(rows.at[b],
                             h0_out.at[pl.ds(base, CN), pl.ds(b * D, D)],
                             semw)

    node_chunk(lo, True)

    def node_body(chunk, carry):
        node_chunk(chunk, False)
        return carry

    lax.fori_loop(lo + 1, hi, node_body, 0)
    for _ in range(4):
        wait_node_write()

    ebase = wid * EPT
    pltpu.sync_copy(e_hbm.at[pl.ds(ebase, EPT)], big.at[pl.ds(0, EPT)])
    wcols = [wet_v[pl.ds(k * 16, 16)] for k in range(DE)]
    scat0 = lanes * DE

    def compute_block(off, buf):
        def group(g, carry):
            ev = big[pl.ds(off + g * 16, 16)]
            rix = buf * EB + g * 16 + lanes
            for k in range(DE):
                col = _take16(wcols[k], ev)
                plsc.store_scatter(e_rows,
                                   [rix, jnp.full((16,), k, jnp.int32)], col)
            return carry

        lax.fori_loop(0, EB // 16, group, 0)

    def fire_write(off, buf):
        pltpu.async_copy(e_rows.at[pl.ds(buf * EB, EB)],
                         ee_out.at[pl.ds(ebase + off, EB)], semw)

    def wait_write(off, buf):
        pltpu.make_async_copy(e_rows.at[pl.ds(buf * EB, EB)],
                              ee_out.at[pl.ds(ebase + off, EB)], semw).wait()

    compute_block(0, 0)
    fire_write(0, 0)
    compute_block(EB, 1)
    wait_write(0, 0)
    fire_write(EB, 1)

    def pair_body(p, carry):
        o0 = 2 * p * EB
        o1 = o0 + EB
        compute_block(o0, 0)
        wait_write(o1 - 2 * EB, 1)
        fire_write(o0, 0)
        compute_block(o1, 1)
        wait_write(o0, 0)
        fire_write(o1, 1)
        return carry

    lax.fori_loop(1, EBLK // 2, pair_body, 0)

    o_last = (EBLK - 1) * EB
    compute_block(o_last, 0)
    wait_write(o_last - EB, 1)
    fire_write(o_last, 0)
    wait_write(o_last, 0)

    for src, dst in ((ei0_hbm, ei0_out), (ei1_hbm, ei1_out)):
        pltpu.sync_copy(src.at[pl.ds(ebase, EPT)], big.at[pl.ds(0, EPT)])
        pltpu.sync_copy(big.at[pl.ds(0, EPT)], dst.at[pl.ds(ebase, EPT)])


_backbone = functools.partial(
    pl.kernel,
    out_type=(
        jax.ShapeDtypeStruct((N_NODES, 4 * D), jnp.float32),
        jax.ShapeDtypeStruct((N_EDGES, DE), jnp.float32),
        jax.ShapeDtypeStruct((N_EDGES,), jnp.int32),
        jax.ShapeDtypeStruct((N_EDGES,), jnp.int32),
    ),
    mesh=_mesh,
    compiler_params=pltpu.CompilerParams(needs_layout_passes=False,
                                         use_tc_tiling_on_sc=False),
    scratch_types=[
        pltpu.VMEM((BIG,), jnp.int32),
        pltpu.VMEM((7 * CN,), jnp.int32),
        pltpu.VMEM((4, CN, D), jnp.float32),
        pltpu.VMEM((2 * EB, DE), jnp.float32),
        pltpu.VMEM_SHARED((NT_ROWS, D), jnp.float32),
        pltpu.VMEM((DE * 16,), jnp.float32),
        pltpu.SemaphoreType.DMA,
        pltpu.SemaphoreType.DMA,
    ],
)(_backbone_body)


def kernel(a, c, e, edge_index, t, batch, W_atom, W_charge, W_edge, W_time, W_count):
    a = jnp.asarray(a, jnp.int32)
    c = jnp.asarray(c, jnp.int32)
    e = jnp.asarray(e, jnp.int32)
    t = jnp.asarray(t, jnp.int32)
    batch = jnp.asarray(batch, jnp.int32)
    wn = jnp.concatenate([W_atom, W_charge, W_time, W_count], axis=0)
    sent = jnp.full((8,), jnp.iinfo(jnp.int32).max, jnp.int32)
    ints = jnp.concatenate([batch, sent, t + OFF_TIME])
    nidx = jnp.stack([batch.reshape(N_NODE_CHUNKS, CN),
                      a.reshape(N_NODE_CHUNKS, CN),
                      c.reshape(N_NODE_CHUNKS, CN) + OFF_CHARGE],
                     axis=1).reshape(N_NODE_CHUNKS, 3 * CN)
    wet = jnp.zeros((DE, 16), jnp.float32).at[:, :5].set(W_edge.T).reshape(-1)
    ei = jnp.asarray(edge_index, jnp.int32)
    h0, e_embed, ei0, ei1 = _backbone(ints, nidx, e, ei[0], ei[1], wn, wet)
    return (h0, (ei0, ei1), e_embed)

# --- scband reference (transcript-rebuilt; emitter-appended) ---
"""Pipeline reference for scband-embedding-backbone-32615981646482 (READ-ONLY COPY).

The authoritative reference and input builder live on the scoring server;
editing this copy changes nothing except your own understanding.
"""

import jax, jax.numpy as jnp
import numpy as np

N_NODES = 50000
N_EDGES = 1600000
N_GRAPHS = 1000

def setup_inputs(seed: int = 0) -> dict:
    key = jax.random.key(seed)
    ks = jax.random.split(key, 11)
    a = jax.random.randint(ks[0], (N_NODES,), 0, 100)
    c = jax.random.randint(ks[1], (N_NODES,), 0, 13)
    e = jax.random.randint(ks[2], (N_EDGES,), 0, 5)
    edge_index = jax.random.randint(ks[3], (2, N_EDGES), 0, N_NODES)
    t = jax.random.randint(ks[4], (N_GRAPHS,), 0, 1000)
    batch = jnp.sort(jax.random.randint(ks[5], (N_NODES,), 0, N_GRAPHS))
    W_atom = jax.random.normal(ks[6], (100, 128), dtype=jnp.float32) * 0.02
    W_charge = jax.random.normal(ks[7], (13, 128), dtype=jnp.float32) * 0.02
    W_edge = jax.random.normal(ks[8], (5, 16), dtype=jnp.float32) * 0.02
    W_time = jax.random.normal(ks[9], (1000, 128), dtype=jnp.float32) * 0.02
    W_count = jax.random.normal(ks[10], (256, 128), dtype=jnp.float32) * 0.02
    return {"a": a, "c": c, "e": e, "edge_index": edge_index, "t": t, "batch": batch,
            "W_atom": W_atom, "W_charge": W_charge, "W_edge": W_edge, "W_time": W_time, "W_count": W_count}

def reference(a, c, e, edge_index, t, batch, W_atom, W_charge, W_edge, W_time, W_count):
    # N_nodes = torch.bincount(batch)
    N_nodes = jnp.bincount(batch, length=N_GRAPHS)
    N_nodes = jnp.clip(N_nodes, 0, W_count.shape[0] - 1)
    a_embed = jnp.take(W_atom, a, axis=0)
    c_embed = jnp.take(W_charge, c, axis=0)
    # node_count_embedding(N_nodes)[batch]
    count_embed = jnp.take(jnp.take(W_count, N_nodes, axis=0), batch, axis=0)
    # time_embedding(t)[batch]
    t_embed = jnp.take(jnp.take(W_time, t, axis=0), batch, axis=0)
    h_0 = jnp.concatenate([a_embed, c_embed, count_embed, t_embed], axis=-1)
    e_embed = jnp.take(W_edge, e, axis=0)
    edge_index_tuple = (edge_index[0], edge_index[1])
    return (h_0, edge_index_tuple, e_embed)

if __name__ == "__main__":
    import jax
    _d = setup_inputs()
    print(jax.jit(kernel)(*tuple(_d.values())))

</pallas_src>

<mosaic_0001>
#map = affine_map<(d0, d1) -> (0)>
#map1 = affine_map<(d0, d1) -> (0, 0)>
module attributes {stable_mosaic.version = 14 : i64} {
  func.func @_backbone_body(%arg0: i32, %arg1: i32, %arg2: memref<51008xi32, #tpu.memory_space<hbm>>, %arg3: memref<625x240xi32, #tpu.memory_space<hbm>>, %arg4: memref<1600000xi32, #tpu.memory_space<hbm>>, %arg5: memref<1600000xi32, #tpu.memory_space<hbm>>, %arg6: memref<1600000xi32, #tpu.memory_space<hbm>>, %arg7: memref<1369x128xf32, #tpu.memory_space<hbm>>, %arg8: memref<256xf32, #tpu.memory_space<hbm>>, %arg9: memref<50000x512xf32, #tpu.memory_space<hbm>>, %arg10: memref<1600000x16xf32, #tpu.memory_space<hbm>>, %arg11: memref<1600000xi32, #tpu.memory_space<hbm>>, %arg12: memref<1600000xi32, #tpu.memory_space<hbm>>, %arg13: memref<52016xi32, #tpu.memory_space<vmem>>, %arg14: memref<560xi32, #tpu.memory_space<vmem>>, %arg15: memref<4x80x128xf32, #tpu.memory_space<vmem>>, %arg16: memref<800x16xf32, #tpu.memory_space<vmem>>, %arg17: memref<1369x128xf32, #tpu.memory_space<vmem_shared>>, %arg18: memref<256xf32, #tpu.memory_space<vmem>>, %arg19: memref<!tpu.dma_semaphore, #tpu.memory_space<semaphore_mem>>, %arg20: memref<!tpu.dma_semaphore, #tpu.memory_space<semaphore_mem>>) attributes {dimension_semantics = [#tpu.dimension_semantics<core_parallel>, #tpu.dimension_semantics<subcore_parallel>], iteration_bounds = array<i64: 2, 16>, scalar_prefetch = 0 : i64, scratch_operands = 8 : i64, tpu.core_type = #tpu.core_type<sc_vector_subcore>, window_params = [{transform_indices = #map}, {transform_indices = #map1}, {transform_indices = #map}, {transform_indices = #map}, {transform_indices = #map}, {transform_indices = #map1}, {transform_indices = #map}, {transform_indices = #map1}, {transform_indices = #map1}, {transform_indices = #map}, {transform_indices = #map}]} {
    %mul3A = arith.constant 2 : i32
    %mul3A_0 = arith.muli %arg1, %mul3A : i32
    %add3A = arith.addi %mul3A_0, %arg0 : i32
    tpu.enqueue_dma source(%arg7 : memref<1369x128xf32, #tpu.memory_space<hbm>>) target(%arg17 : memref<1369x128xf32, #tpu.memory_space<vmem_shared>>) target_semaphore(%arg20 : memref<!tpu.dma_semaphore, #tpu.memory_space<semaphore_mem>>)
    "tpu.region"() ({
      %run_scoped3A = tpu.sem_alloc : memref<!tpu.dma_semaphore, #tpu.memory_space<semaphore_mem>>
      tpu.enqueue_dma source(%arg8 : memref<256xf32, #tpu.memory_space<hbm>>) target(%arg18 : memref<256xf32, #tpu.memory_space<vmem>>) target_semaphore(%run_scoped3A : memref<!tpu.dma_semaphore, #tpu.memory_space<semaphore_mem>>)
      tpu.wait_dma2 semaphore(%run_scoped3A : memref<!tpu.dma_semaphore, #tpu.memory_space<semaphore_mem>>) src(%arg8 : memref<256xf32, #tpu.memory_space<hbm>>) dst(%arg18 : memref<256xf32, #tpu.memory_space<vmem>>)
      tpu.yield
    }) : () -> ()
    "tpu.region"() ({
      %run_scoped3A = tpu.sem_alloc : memref<!tpu.dma_semaphore, #tpu.memory_space<semaphore_mem>>
      %dma_start3A_454 = arith.constant 0 : i32
      %dma_start3A_455 = tpu.memref_slice %arg13[%dma_start3A_454] : memref<52016xi32, #tpu.memory_space<vmem>> -> memref<51008xi32, #tpu.memory_space<vmem>>
      %dma_start3A_456 = arith.constant 0 : i32
      %dma_start3A_457 = tpu.memref_slice %arg13[%dma_start3A_456] : memref<52016xi32, #tpu.memory_space<vmem>> -> memref<51008xi32, #tpu.memory_space<vmem>>
      tpu.enqueue_dma source(%arg2 : memref<51008xi32, #tpu.memory_space<hbm>>) target(%dma_start3A_457 : memref<51008xi32, #tpu.memory_space<vmem>>) target_semaphore(%run_scoped3A : memref<!tpu.dma_semaphore, #tpu.memory_space<semaphore_mem>>)
      %dma_wait3A_458 = arith.constant 0 : i32
      %dma_wait3A_459 = tpu.memref_slice %arg13[%dma_wait3A_458] : memref<52016xi32, #tpu.memory_space<vmem>> -> memref<51008xi32, #tpu.memory_space<vmem>>
      %dma_wait3A_460 = arith.constant 0 : i32
      %dma_wait3A_461 = tpu.memref_slice %arg13[%dma_wait3A_460] : memref<52016xi32, #tpu.memory_space<vmem>> -> memref<51008xi32, #tpu.memory_space<vmem>>
      tpu.wait_dma2 semaphore(%run_scoped3A : memref<!tpu.dma_semaphore, #tpu.memory_space<semaphore_mem>>) src(%arg2 : memref<51008xi32, #tpu.memory_space<hbm>>) dst(%dma_wait3A_461 : memref<51008xi32, #tpu.memory_space<vmem>>)
      tpu.yield
    }) : () -> ()
    %iota3A = tpu.iota {dimensions = array<i32: 0>} : vector<16xi32>
    %scan3A = arith.constant 0 : i32
    %scan3A_1 = arith.constant 0 : i32
    %scan3A_2 = arith.constant 63 : i32
    %scan3A_3 = arith.addi %scan3A_1, %scan3A_2 : i32
    %scan3A_4 = arith.constant 1 : i32
    scf.for %scan3A_454 = %scan3A_1 to %scan3A_3 step %scan3A_4  : i32 {
      %mul3A_455 = arith.constant 16 : i32
      %mul3A_456 = arith.muli %scan3A_454, %mul3A_455 : i32
      %add3A_457 = vector.broadcast %mul3A_456 : i32 to vector<16xi32>
      %add3A_458 = arith.addi %add3A_457, %iota3A : vector<16xi32>
      %add3A_459 = arith.constant 1 : i32
      %add3A_460 = vector.broadcast %add3A_459 : i32 to vector<16xi32>
      %add3A_461 = arith.addi %add3A_458, %add3A_460 : vector<16xi32>
      %broadcast_in_dim3A = arith.constant 0 : i32
      %broadcast_in_dim3A_462 = vector.broadcast %broadcast_in_dim3A : i32 to vector<16xi32>
      %broadcast_in_dim3A_463 = arith.constant 50000 : i32
      %broadcast_in_dim3A_464 = vector.broadcast %broadcast_in_dim3A_463 : i32 to vector<16xi32>
      %add3A_465 = arith.addi %broadcast_in_dim3A_462, %broadcast_in_dim3A_464 : vector<16xi32>
      %shift_right_arithmetic3A = arith.constant 1 : i32
      %shift_right_arithmetic3A_466 = vector.broadcast %shift_right_arithmetic3A : i32 to vector<16xi32>
      %shift_right_arithmetic3A_467 = arith.shrsi %add3A_465, %shift_right_arithmetic3A_466 : vector<16xi32>
      %gather3A_468 = tpu.vector_load_idx %arg13[%shift_right_arithmetic3A_467] : memref<52016xi32, #tpu.memory_space<vmem>>[vector<16xi32>], vector<16xi32>,
      %lt3A = arith.cmpi slt, %gather3A_468, %add3A_461 : vector<16xi32>
      %add3A_469 = arith.constant 1 : i32
      %add3A_470 = vector.broadcast %add3A_469 : i32 to vector<16xi32>
      %add3A_471 = arith.addi %shift_right_arithmetic3A_467, %add3A_470 : vector<16xi32>
      %select_n3A_472 = arith.select %lt3A, %add3A_471, %broadcast_in_dim3A_462 : vector<16xi1>, vector<16xi32>
      %select_n3A_473 = arith.select %lt3A, %broadcast_in_dim3A_464, %shift_right_arithmetic3A_467 : vector<16xi1>, vector<16xi32>
      %add3A_474 = arith.addi %select_n3A_472, %select_n3A_473 : vector<16xi32>
      %shift_right_arithmetic3A_475 = arith.constant 1 : i32
      %shift_right_arithmetic3A_476 = vector.broadcast %shift_right_arithmetic3A_475 : i32 to vector<16xi32>
      %shift_right_arithmetic3A_477 = arith.shrsi %add3A_474, %shift_right_arithmetic3A_476 : vector<16xi32>
      %gather3A_478 = tpu.vector_load_idx %arg13[%shift_right_arithmetic3A_477] : memref<52016xi32, #tpu.memory_space<vmem>>[vector<16xi32>], vector<16xi32>,
      %lt3A_479 = arith.cmpi slt, %gather3A_478, %add3A_461 : vector<16xi32>
      %add3A_480 = arith.constant 1 : i32
      %add3A_481 = vector.broadcast %add3A_480 : i32 to vector<16xi32>
      %add3A_482 = arith.addi %shift_right_arithmetic3A_477, %add3A_481 : vector<16xi32>
      %select_n3A_483 = arith.select %lt3A_479, %add3A_482, %select_n3A_472 : vector<16xi1>, vector<16xi32>
      %select_n3A_484 = arith.select %lt3A_479, %select_n3A_473, %shift_right_arithmetic3A_477 : vector<16xi1>, vector<16xi32>
      %add3A_485 = arith.addi %select_n3A_483, %select_n3A_484 : vector<16xi32>
      %shift_right_arithmetic3A_486 = arith.constant 1 : i32
      %shift_right_arithmetic3A_487 = vector.broadcast %shift_right_arithmetic3A_486 : i32 to vector<16xi32>
      %shift_right_arithmetic3A_488 = arith.shrsi %add3A_485, %shift_right_arithmetic3A_487 : vector<16xi32>
      %gather3A_489 = tpu.vector_load_idx %arg13[%shift_right_arithmetic3A_488] : memref<52016xi32, #tpu.memory_space<vmem>>[vector<16xi32>], vector<16xi32>,
      %lt3A_490 = arith.cmpi slt, %gather3A_489, %add3A_461 : vector<16xi32>
      %add3A_491 = arith.constant 1 : i32
      %add3A_492 = vector.broadcast %add3A_491 : i32 to vector<16xi32>
      %add3A_493 = arith.addi %shift_right_arithmetic3A_488, %add3A_492 : vector<16xi32>
      %select_n3A_494 = arith.select %lt3A_490, %add3A_493, %select_n3A_483 : vector<16xi1>, vector<16xi32>
      %select_n3A_495 = arith.select %lt3A_490, %select_n3A_484, %shift_right_arithmetic3A_488 : vector<16xi1>, vector<16xi32>
      %add3A_496 = arith.addi %select_n3A_494, %select_n3A_495 : vector<16xi32>
      %shift_right_arithmetic3A_497 = arith.constant 1 : i32
      %shift_right_arithmetic3A_498 = vector.broadcast %shift_right_arithmetic3A_497 : i32 to vector<16xi32>
      %shift_right_arithmetic3A_499 = arith.shrsi %add3A_496, %shift_right_arithmetic3A_498 : vector<16xi32>
      %gather3A_500 = tpu.vector_load_idx %arg13[%shift_right_arithmetic3A_499] : memref<52016xi32, #tpu.memory_space<vmem>>[vector<16xi32>], vector<16xi32>,
      %lt3A_501 = arith.cmpi slt, %gather3A_500, %add3A_461 : vector<16xi32>
      %add3A_502 = arith.constant 1 : i32
      %add3A_503 = vector.broadcast %add3A_502 : i32 to vector<16xi32>
      %add3A_504 = arith.addi %shift_right_arithmetic3A_499, %add3A_503 : vector<16xi32>
      %select_n3A_505 = arith.select %lt3A_501, %add3A_504, %select_n3A_494 : vector<16xi1>, vector<16xi32>
      %select_n3A_506 = arith.select %lt3A_501, %select_n3A_495, %shift_right_arithmetic3A_499 : vector<16xi1>, vector<16xi32>
      %add3A_507 = arith.addi %select_n3A_505, %select_n3A_506 : vector<16xi32>
      %shift_right_arithmetic3A_508 = arith.constant 1 : i32
      %shift_right_arithmetic3A_509 = vector.broadcast %shift_right_arithmetic3A_508 : i32 to vector<16xi32>
      %shift_right_arithmetic3A_510 = arith.shrsi %add3A_507, %shift_right_arithmetic3A_509 : vector<16xi32>
      %gather3A_511 = tpu.vector_load_idx %arg13[%shift_right_arithmetic3A_510] : memref<52016xi32, #tpu.memory_space<vmem>>[vector<16xi32>], vector<16xi32>,
      %lt3A_512 = arith.cmpi slt, %gather3A_511, %add3A_461 : vector<16xi32>
      %add3A_513 = arith.constant 1 : i32
      %add3A_514 = vector.broadcast %add3A_513 : i32 to vector<16xi32>
      %add3A_515 = arith.addi %shift_right_arithmetic3A_510, %add3A_514 : vector<16xi32>
      %select_n3A_516 = arith.select %lt3A_512, %add3A_515, %select_n3A_505 : vector<16xi1>, vector<16xi32>
      %select_n3A_517 = arith.select %lt3A_512, %select_n3A_506, %shift_right_arithmetic3A_510 : vector<16xi1>, vector<16xi32>
      %add3A_518 = arith.addi %select_n3A_516, %select_n3A_517 : vector<16xi32>
      %shift_right_arithmetic3A_519 = arith.constant 1 : i32
      %shift_right_arithmetic3A_520 = vector.broadcast %shift_right_arithmetic3A_519 : i32 to vector<16xi32>
      %shift_right_arithmetic3A_521 = arith.shrsi %add3A_518, %shift_right_arithmetic3A_520 : vector<16xi32>
      %gather3A_522 = tpu.vector_load_idx %arg13[%shift_right_arithmetic3A_521] : memref<52016xi32, #tpu.memory_space<vmem>>[vector<16xi32>], vector<16xi32>,
      %lt3A_523 = arith.cmpi slt, %gather3A_522, %add3A_461 : vector<16xi32>
      %add3A_524 = arith.constant 1 : i32
      %add3A_525 = vector.broadcast %add3A_524 : i32 to vector<16xi32>
      %add3A_526 = arith.addi %shift_right_arithmetic3A_521, %add3A_525 : vector<16xi32>
      %select_n3A_527 = arith.select %lt3A_523, %add3A_526, %select_n3A_516 : vector<16xi1>, vector<16xi32>
      %select_n3A_528 = arith.select %lt3A_523, %select_n3A_517, %shift_right_arithmetic3A_521 : vector<16xi1>, vector<16xi32>
      %add3A_529 = arith.addi %select_n3A_527, %select_n3A_528 : vector<16xi32>
      %shift_right_arithmetic3A_530 = arith.constant 1 : i32
      %shift_right_arithmetic3A_531 = vector.broadcast %shift_right_arithmetic3A_530 : i32 to vector<16xi32>
      %shift_right_arithmetic3A_532 = arith.shrsi %add3A_529, %shift_right_arithmetic3A_531 : vector<16xi32>
      %gather3A_533 = tpu.vector_load_idx %arg13[%shift_right_arithmetic3A_532] : memref<52016xi32, #tpu.memory_space<vmem>>[vector<16xi32>], vector<16xi32>,
      %lt3A_534 = arith.cmpi slt, %gather3A_533, %add3A_461 : vector<16xi32>
      %add3A_535 = arith.constant 1 : i32
      %add3A_536 = vector.broadcast %add3A_535 : i32 to vector<16xi32>
      %add3A_537 = arith.addi %shift_right_arithmetic3A_532, %add3A_536 : vector<16xi32>
      %select_n3A_538 = arith.select %lt3A_534, %add3A_537, %select_n3A_527 : vector<16xi1>, vector<16xi32>
      %select_n3A_539 = arith.select %lt3A_534, %select_n3A_528, %shift_right_arithmetic3A_532 : vector<16xi1>, vector<16xi32>
      %add3A_540 = arith.addi %select_n3A_538, %select_n3A_539 : vector<16xi32>
      %shift_right_arithmetic3A_541 = arith.constant 1 : i32
      %shift_right_arithmetic3A_542 = vector.broadcast %shift_right_arithmetic3A_541 : i32 to vector<16xi32>
      %shift_right_arithmetic3A_543 = arith.shrsi %add3A_540, %shift_right_arithmetic3A_542 : vector<16xi32>
      %gather3A_544 = tpu.vector_load_idx %arg13[%shift_right_arithmetic3A_543] : memref<52016xi32, #tpu.memory_space<vmem>>[vector<16xi32>], vector<16xi32>,
      %lt3A_545 = arith.cmpi slt, %gather3A_544, %add3A_461 : vector<16xi32>
      %add3A_546 = arith.constant 1 : i32
      %add3A_547 = vector.broadcast %add3A_546 : i32 to vector<16xi32>
      %add3A_548 = arith.addi %shift_right_arithmetic3A_543, %add3A_547 : vector<16xi32>
      %select_n3A_549 = arith.select %lt3A_545, %add3A_548, %select_n3A_538 : vector<16xi1>, vector<16xi32>
      %select_n3A_550 = arith.select %lt3A_545, %select_n3A_539, %shift_right_arithmetic3A_543 : vector<16xi1>, vector<16xi32>
      %add3A_551 = arith.addi %select_n3A_549, %select_n3A_550 : vector<16xi32>
      %shift_right_arithmetic3A_552 = arith.constant 1 : i32
      %shift_right_arithmetic3A_553 = vector.broadcast %shift_right_arithmetic3A_552 : i32 to vector<16xi32>
      %shift_right_arithmetic3A_554 = arith.shrsi %add3A_551, %shift_right_arithmetic3A_553 : vector<16xi32>
      %gather3A_555 = tpu.vector_load_idx %arg13[%shift_right_arithmetic3A_554] : memref<52016xi32, #tpu.memory_space<vmem>>[vector<16xi32>], vector<16xi32>,
      %lt3A_556 = arith.cmpi slt, %gather3A_555, %add3A_461 : vector<16xi32>
      %add3A_557 = arith.constant 1 : i32
      %add3A_558 = vector.broadcast %add3A_557 : i32 to vector<16xi32>
      %add3A_559 = arith.addi %shift_right_arithmetic3A_554, %add3A_558 : vector<16xi32>
      %select_n3A_560 = arith.select %lt3A_556, %add3A_559, %select_n3A_549 : vector<16xi1>, vector<16xi32>
      %select_n3A_561 = arith.select %lt3A_556, %select_n3A_550, %shift_right_arithmetic3A_554 : vector<16xi1>, vector<16xi32>
      %add3A_562 = arith.addi %select_n3A_560, %select_n3A_561 : vector<16xi32>
      %shift_right_arithmetic3A_563 = arith.constant 1 : i32
      %shift_right_arithmetic3A_564 = vector.broadcast %shift_right_arithmetic3A_563 : i32 to vector<16xi32>
      %shift_right_arithmetic3A_565 = arith.shrsi %add3A_562, %shift_right_arithmetic3A_564 : vector<16xi32>
      %gather3A_566 = tpu.vector_load_idx %arg13[%shift_right_arithmetic3A_565] : memref<52016xi32, #tpu.memory_space<vmem>>[vector<16xi32>], vector<16xi32>,
      %lt3A_567 = arith.cmpi slt, %gather3A_566, %add3A_461 : vector<16xi32>
      %add3A_568 = arith.constant 1 : i32
      %add3A_569 = vector.broadcast %add3A_568 : i32 to vector<16xi32>
      %add3A_570 = arith.addi %shift_right_arithmetic3A_565, %add3A_569 : vector<16xi32>
      %select_n3A_571 = arith.select %lt3A_567, %add3A_570, %select_n3A_560 : vector<16xi1>, vector<16xi32>
      %select_n3A_572 = arith.select %lt3A_567, %select_n3A_561, %shift_right_arithmetic3A_565 : vector<16xi1>, vector<16xi32>
      %add3A_573 = arith.addi %select_n3A_571, %select_n3A_572 : vector<16xi32>
      %shift_right_arithmetic3A_574 = arith.constant 1 : i32
      %shift_right_arithmetic3A_575 = vector.broadcast %shift_right_arithmetic3A_574 : i32 to vector<16xi32>
      %shift_right_arithmetic3A_576 = arith.shrsi %add3A_573, %shift_right_arithmetic3A_575 : vector<16xi32>
      %gather3A_577 = tpu.vector_load_idx %arg13[%shift_right_arithmetic3A_576] : memref<52016xi32, #tpu.memory_space<vmem>>[vector<16xi32>], vector<16xi32>,
      %lt3A_578 = arith.cmpi slt, %gather3A_577, %add3A_461 : vector<16xi32>
      %add3A_579 = arith.constant 1 : i32
      %add3A_580 = vector.broadcast %add3A_579 : i32 to vector<16xi32>
      %add3A_581 = arith.addi %shift_right_arithmetic3A_576, %add3A_580 : vector<16xi32>
      %select_n3A_582 = arith.select %lt3A_578, %add3A_581, %select_n3A_571 : vector<16xi1>, vector<16xi32>
      %select_n3A_583 = arith.select %lt3A_578, %select_n3A_572, %shift_right_arithmetic3A_576 : vector<16xi1>, vector<16xi32>
      %add3A_584 = arith.addi %select_n3A_582, %select_n3A_583 : vector<16xi32>
      %shift_right_arithmetic3A_585 = arith.constant 1 : i32
      %shift_right_arithmetic3A_586 = vector.broadcast %shift_right_arithmetic3A_585 : i32 to vector<16xi32>
      %shift_right_arithmetic3A_587 = arith.shrsi %add3A_584, %shift_right_arithmetic3A_586 : vector<16xi32>
      %gather3A_588 = tpu.vector_load_idx %arg13[%shift_right_arithmetic3A_587] : memref<52016xi32, #tpu.memory_space<vmem>>[vector<16xi32>], vector<16xi32>,
      %lt3A_589 = arith.cmpi slt, %gather3A_588, %add3A_461 : vector<16xi32>
      %add3A_590 = arith.constant 1 : i32
      %add3A_591 = vector.broadcast %add3A_590 : i32 to vector<16xi32>
      %add3A_592 = arith.addi %shift_right_arithmetic3A_587, %add3A_591 : vector<16xi32>
      %select_n3A_593 = arith.select %lt3A_589, %add3A_592, %select_n3A_582 : vector<16xi1>, vector<16xi32>
      %select_n3A_594 = arith.select %lt3A_589, %select_n3A_583, %shift_right_arithmetic3A_587 : vector<16xi1>, vector<16xi32>
      %add3A_595 = arith.addi %select_n3A_593, %select_n3A_594 : vector<16xi32>
      %shift_right_arithmetic3A_596 = arith.constant 1 : i32
      %shift_right_arithmetic3A_597 = vector.broadcast %shift_right_arithmetic3A_596 : i32 to vector<16xi32>
      %shift_right_arithmetic3A_598 = arith.shrsi %add3A_595, %shift_right_arithmetic3A_597 : vector<16xi32>
      %gather3A_599 = tpu.vector_load_idx %arg13[%shift_right_arithmetic3A_598] : memref<52016xi32, #tpu.memory_space<vmem>>[vector<16xi32>], vector<16xi32>,
      %lt3A_600 = arith.cmpi slt, %gather3A_599, %add3A_461 : vector<16xi32>
      %add3A_601 = arith.constant 1 : i32
      %add3A_602 = vector.broadcast %add3A_601 : i32 to vector<16xi32>
      %add3A_603 = arith.addi %shift_right_arithmetic3A_598, %add3A_602 : vector<16xi32>
      %select_n3A_604 = arith.select %lt3A_600, %add3A_603, %select_n3A_593 : vector<16xi1>, vector<16xi32>
      %select_n3A_605 = arith.select %lt3A_600, %select_n3A_594, %shift_right_arithmetic3A_598 : vector<16xi1>, vector<16xi32>
      %add3A_606 = arith.addi %select_n3A_604, %select_n3A_605 : vector<16xi32>
      %shift_right_arithmetic3A_607 = arith.constant 1 : i32
      %shift_right_arithmetic3A_608 = vector.broadcast %shift_right_arithmetic3A_607 : i32 to vector<16xi32>
      %shift_right_arithmetic3A_609 = arith.shrsi %add3A_606, %shift_right_arithmetic3A_608 : vector<16xi32>
      %gather3A_610 = tpu.vector_load_idx %arg13[%shift_right_arithmetic3A_609] : memref<52016xi32, #tpu.memory_space<vmem>>[vector<16xi32>], vector<16xi32>,
      %lt3A_611 = arith.cmpi slt, %gather3A_610, %add3A_461 : vector<16xi32>
      %add3A_612 = arith.constant 1 : i32
      %add3A_613 = vector.broadcast %add3A_612 : i32 to vector<16xi32>
      %add3A_614 = arith.addi %shift_right_arithmetic3A_609, %add3A_613 : vector<16xi32>
      %select_n3A_615 = arith.select %lt3A_611, %add3A_614, %select_n3A_604 : vector<16xi1>, vector<16xi32>
      %select_n3A_616 = arith.select %lt3A_611, %select_n3A_605, %shift_right_arithmetic3A_609 : vector<16xi1>, vector<16xi32>
      %add3A_617 = arith.addi %select_n3A_615, %select_n3A_616 : vector<16xi32>
      %shift_right_arithmetic3A_618 = arith.constant 1 : i32
      %shift_right_arithmetic3A_619 = vector.broadcast %shift_right_arithmetic3A_618 : i32 to vector<16xi32>
      %shift_right_arithmetic3A_620 = arith.shrsi %add3A_617, %shift_right_arithmetic3A_619 : vector<16xi32>
      %gather3A_621 = tpu.vector_load_idx %arg13[%shift_right_arithmetic3A_620] : memref<52016xi32, #tpu.memory_space<vmem>>[vector<16xi32>], vector<16xi32>,
      %lt3A_622 = arith.cmpi slt, %gather3A_621, %add3A_461 : vector<16xi32>
      %add3A_623 = arith.constant 1 : i32
      %add3A_624 = vector.broadcast %add3A_623 : i32 to vector<16xi32>
      %add3A_625 = arith.addi %shift_right_arithmetic3A_620, %add3A_624 : vector<16xi32>
      %select_n3A_626 = arith.select %lt3A_622, %add3A_625, %select_n3A_615 : vector<16xi1>, vector<16xi32>
      %select_n3A_627 = arith.select %lt3A_622, %select_n3A_616, %shift_right_arithmetic3A_620 : vector<16xi1>, vector<16xi32>
      %add3A_628 = arith.addi %select_n3A_626, %select_n3A_627 : vector<16xi32>
      %shift_right_arithmetic3A_629 = arith.constant 1 : i32
      %shift_right_arithmetic3A_630 = vector.broadcast %shift_right_arithmetic3A_629 : i32 to vector<16xi32>
      %shift_right_arithmetic3A_631 = arith.shrsi %add3A_628, %shift_right_arithmetic3A_630 : vector<16xi32>
      %gather3A_632 = tpu.vector_load_idx %arg13[%shift_right_arithmetic3A_631] : memref<52016xi32, #tpu.memory_space<vmem>>[vector<16xi32>], vector<16xi32>,
      %lt3A_633 = arith.cmpi slt, %gather3A_632, %add3A_461 : vector<16xi32>
      %add3A_634 = arith.constant 1 : i32
      %add3A_635 = vector.broadcast %add3A_634 : i32 to vector<16xi32>
      %add3A_636 = arith.addi %shift_right_arithmetic3A_631, %add3A_635 : vector<16xi32>
      %select_n3A_637 = arith.select %lt3A_633, %add3A_636, %select_n3A_626 : vector<16xi1>, vector<16xi32>
      %select_n3A_638 = arith.select %lt3A_633, %select_n3A_627, %shift_right_arithmetic3A_631 : vector<16xi1>, vector<16xi32>
      %broadcast_in_dim3A_639 = arith.constant 0 : i32
      %broadcast_in_dim3A_640 = vector.broadcast %broadcast_in_dim3A_639 : i32 to vector<16xi32>
      %broadcast_in_dim3A_641 = arith.constant 50000 : i32
      %broadcast_in_dim3A_642 = vector.broadcast %broadcast_in_dim3A_641 : i32 to vector<16xi32>
      %add3A_643 = arith.addi %broadcast_in_dim3A_640, %broadcast_in_dim3A_642 : vector<16xi32>
      %shift_right_arithmetic3A_644 = arith.constant 1 : i32
      %shift_right_arithmetic3A_645 = vector.broadcast %shift_right_arithmetic3A_644 : i32 to vector<16xi32>
      %shift_right_arithmetic3A_646 = arith.shrsi %add3A_643, %shift_right_arithmetic3A_645 : vector<16xi32>
      %gather3A_647 = tpu.vector_load_idx %arg13[%shift_right_arithmetic3A_646] : memref<52016xi32, #tpu.memory_space<vmem>>[vector<16xi32>], vector<16xi32>,
      %lt3A_648 = arith.cmpi slt, %gather3A_647, %add3A_458 : vector<16xi32>
      %add3A_649 = arith.constant 1 : i32
      %add3A_650 = vector.broadcast %add3A_649 : i32 to vector<16xi32>
      %add3A_651 = arith.addi %shift_right_arithmetic3A_646, %add3A_650 : vector<16xi32>
      %select_n3A_652 = arith.select %lt3A_648, %add3A_651, %broadcast_in_dim3A_640 : vector<16xi1>, vector<16xi32>
      %select_n3A_653 = arith.select %lt3A_648, %broadcast_in_dim3A_642, %shift_right_arithmetic3A_646 : vector<16xi1>, vector<16xi32>
      %add3A_654 = arith.addi %select_n3A_652, %select_n3A_653 : vector<16xi32>
      %shift_right_arithmetic3A_655 = arith.constant 1 : i32
      %shift_right_arithmetic3A_656 = vector.broadcast %shift_right_arithmetic3A_655 : i32 to vector<16xi32>
      %shift_right_arithmetic3A_657 = arith.shrsi %add3A_654, %shift_right_arithmetic3A_656 : vector<16xi32>
      %gather3A_658 = tpu.vector_load_idx %arg13[%shift_right_arithmetic3A_657] : memref<52016xi32, #tpu.memory_space<vmem>>[vector<16xi32>], vector<16xi32>,
      %lt3A_659 = arith.cmpi slt, %gather3A_658, %add3A_458 : vector<16xi32>
      %add3A_660 = arith.constant 1 : i32
      %add3A_661 = vector.broadcast %add3A_660 : i32 to vector<16xi32>
      %add3A_662 = arith.addi %shift_right_arithmetic3A_657, %add3A_661 : vector<16xi32>
      %select_n3A_663 = arith.select %lt3A_659, %add3A_662, %select_n3A_652 : vector<16xi1>, vector<16xi32>
      %select_n3A_664 = arith.select %lt3A_659, %select_n3A_653, %shift_right_arithmetic3A_657 : vector<16xi1>, vector<16xi32>
      %add3A_665 = arith.addi %select_n3A_663, %select_n3A_664 : vector<16xi32>
      %shift_right_arithmetic3A_666 = arith.constant 1 : i32
      %shift_right_arithmetic3A_667 = vector.broadcast %shift_right_arithmetic3A_666 : i32 to vector<16xi32>
      %shift_right_arithmetic3A_668 = arith.shrsi %add3A_665, %shift_right_arithmetic3A_667 : vector<16xi32>
      %gather3A_669 = tpu.vector_load_idx %arg13[%shift_right_arithmetic3A_668] : memref<52016xi32, #tpu.memory_space<vmem>>[vector<16xi32>], vector<16xi32>,
      %lt3A_670 = arith.cmpi slt, %gather3A_669, %add3A_458 : vector<16xi32>
      %add3A_671 = arith.constant 1 : i32
      %add3A_672 = vector.broadcast %add3A_671 : i32 to vector<16xi32>
      %add3A_673 = arith.addi %shift_right_arithmetic3A_668, %add3A_672 : vector<16xi32>
      %select_n3A_674 = arith.select %lt3A_670, %add3A_673, %select_n3A_663 : vector<16xi1>, vector<16xi32>
      %select_n3A_675 = arith.select %lt3A_670, %select_n3A_664, %shift_right_arithmetic3A_668 : vector<16xi1>, vector<16xi32>
      %add3A_676 = arith.addi %select_n3A_674, %select_n3A_675 : vector<16xi32>
      %shift_right_arithmetic3A_677 = arith.constant 1 : i32
      %shift_right_arithmetic3A_678 = vector.broadcast %shift_right_arithmetic3A_677 : i32 to vector<16xi32>
      %shift_right_arithmetic3A_679 = arith.shrsi %add3A_676, %shift_right_arithmetic3A_678 : vector<16xi32>
      %gather3A_680 = tpu.vector_load_idx %arg13[%shift_right_arithmetic3A_679] : memref<52016xi32, #tpu.memory_space<vmem>>[vector<16xi32>], vector<16xi32>,
      %lt3A_681 = arith.cmpi slt, %gather3A_680, %add3A_458 : vector<16xi32>
      %add3A_682 = arith.constant 1 : i32
      %add3A_683 = vector.broadcast %add3A_682 : i32 to vector<16xi32>
      %add3A_684 = arith.addi %shift_right_arithmetic3A_679, %add3A_683 : vector<16xi32>
      %select_n3A_685 = arith.select %lt3A_681, %add3A_684, %select_n3A_674 : vector<16xi1>, vector<16xi32>
      %select_n3A_686 = arith.select %lt3A_681, %select_n3A_675, %shift_right_arithmetic3A_679 : vector<16xi1>, vector<16xi32>
      %add3A_687 = arith.addi %select_n3A_685, %select_n3A_686 : vector<16xi32>
      %shift_right_arithmetic3A_688 = arith.constant 1 : i32
      %shift_right_arithmetic3A_689 = vector.broadcast %shift_right_arithmetic3A_688 : i32 to vector<16xi32>
      %shift_right_arithmetic3A_690 = arith.shrsi %add3A_687, %shift_right_arithmetic3A_689 : vector<16xi32>
      %gather3A_691 = tpu.vector_load_idx %arg13[%shift_right_arithmetic3A_690] : memref<52016xi32, #tpu.memory_space<vmem>>[vector<16xi32>], vector<16xi32>,
      %lt3A_692 = arith.cmpi slt, %gather3A_691, %add3A_458 : vector<16xi32>
      %add3A_693 = arith.constant 1 : i32
      %add3A_694 = vector.broadcast %add3A_693 : i32 to vector<16xi32>
      %add3A_695 = arith.addi %shift_right_arithmetic3A_690, %add3A_694 : vector<16xi32>
      %select_n3A_696 = arith.select %lt3A_692, %add3A_695, %select_n3A_685 : vector<16xi1>, vector<16xi32>
      %select_n3A_697 = arith.select %lt3A_692, %select_n3A_686, %shift_right_arithmetic3A_690 : vector<16xi1>, vector<16xi32>
      %add3A_698 = arith.addi %select_n3A_696, %select_n3A_697 : vector<16xi32>
      %shift_right_arithmetic3A_699 = arith.constant 1 : i32
      %shift_right_arithmetic3A_700 = vector.broadcast %shift_right_arithmetic3A_699 : i32 to vector<16xi32>
      %shift_right_arithmetic3A_701 = arith.shrsi %add3A_698, %shift_right_arithmetic3A_700 : vector<16xi32>
      %gather3A_702 = tpu.vector_load_idx %arg13[%shift_right_arithmetic3A_701] : memref<52016xi32, #tpu.memory_space<vmem>>[vector<16xi32>], vector<16xi32>,
      %lt3A_703 = arith.cmpi slt, %gather3A_702, %add3A_458 : vector<16xi32>
      %add3A_704 = arith.constant 1 : i32
      %add3A_705 = vector.broadcast %add3A_704 : i32 to vector<16xi32>
      %add3A_706 = arith.addi %shift_right_arithmetic3A_701, %add3A_705 : vector<16xi32>
      %select_n3A_707 = arith.select %lt3A_703, %add3A_706, %select_n3A_696 : vector<16xi1>, vector<16xi32>
      %select_n3A_708 = arith.select %lt3A_703, %select_n3A_697, %shift_right_arithmetic3A_701 : vector<16xi1>, vector<16xi32>
      %add3A_709 = arith.addi %select_n3A_707, %select_n3A_708 : vector<16xi32>
      %shift_right_arithmetic3A_710 = arith.constant 1 : i32
      %shift_right_arithmetic3A_711 = vector.broadcast %shift_right_arithmetic3A_710 : i32 to vector<16xi32>
      %shift_right_arithmetic3A_712 = arith.shrsi %add3A_709, %shift_right_arithmetic3A_711 : vector<16xi32>
      %gather3A_713 = tpu.vector_load_idx %arg13[%shift_right_arithmetic3A_712] : memref<52016xi32, #tpu.memory_space<vmem>>[vector<16xi32>], vector<16xi32>,
      %lt3A_714 = arith.cmpi slt, %gather3A_713, %add3A_458 : vector<16xi32>
      %add3A_715 = arith.constant 1 : i32
      %add3A_716 = vector.broadcast %add3A_715 : i32 to vector<16xi32>
      %add3A_717 = arith.addi %shift_right_arithmetic3A_712, %add3A_716 : vector<16xi32>
      %select_n3A_718 = arith.select %lt3A_714, %add3A_717, %select_n3A_707 : vector<16xi1>, vector<16xi32>
      %select_n3A_719 = arith.select %lt3A_714, %select_n3A_708, %shift_right_arithmetic3A_712 : vector<16xi1>, vector<16xi32>
      %add3A_720 = arith.addi %select_n3A_718, %select_n3A_719 : vector<16xi32>
      %shift_right_arithmetic3A_721 = arith.constant 1 : i32
      %shift_right_arithmetic3A_722 = vector.broadcast %shift_right_arithmetic3A_721 : i32 to vector<16xi32>
      %shift_right_arithmetic3A_723 = arith.shrsi %add3A_720, %shift_right_arithmetic3A_722 : vector<16xi32>
      %gather3A_724 = tpu.vector_load_idx %arg13[%shift_right_arithmetic3A_723] : memref<52016xi32, #tpu.memory_space<vmem>>[vector<16xi32>], vector<16xi32>,
      %lt3A_725 = arith.cmpi slt, %gather3A_724, %add3A_458 : vector<16xi32>
      %add3A_726 = arith.constant 1 : i32
      %add3A_727 = vector.broadcast %add3A_726 : i32 to vector<16xi32>
      %add3A_728 = arith.addi %shift_right_arithmetic3A_723, %add3A_727 : vector<16xi32>
      %select_n3A_729 = arith.select %lt3A_725, %add3A_728, %select_n3A_718 : vector<16xi1>, vector<16xi32>
      %select_n3A_730 = arith.select %lt3A_725, %select_n3A_719, %shift_right_arithmetic3A_723 : vector<16xi1>, vector<16xi32>
      %add3A_731 = arith.addi %select_n3A_729, %select_n3A_730 : vector<16xi32>
      %shift_right_arithmetic3A_732 = arith.constant 1 : i32
      %shift_right_arithmetic3A_733 = vector.broadcast %shift_right_arithmetic3A_732 : i32 to vector<16xi32>
      %shift_right_arithmetic3A_734 = arith.shrsi %add3A_731, %shift_right_arithmetic3A_733 : vector<16xi32>
      %gather3A_735 = tpu.vector_load_idx %arg13[%shift_right_arithmetic3A_734] : memref<52016xi32, #tpu.memory_space<vmem>>[vector<16xi32>], vector<16xi32>,
      %lt3A_736 = arith.cmpi slt, %gather3A_735, %add3A_458 : vector<16xi32>
      %add3A_737 = arith.constant 1 : i32
      %add3A_738 = vector.broadcast %add3A_737 : i32 to vector<16xi32>
      %add3A_739 = arith.addi %shift_right_arithmetic3A_734, %add3A_738 : vector<16xi32>
      %select_n3A_740 = arith.select %lt3A_736, %add3A_739, %select_n3A_729 : vector<16xi1>, vector<16xi32>
      %select_n3A_741 = arith.select %lt3A_736, %select_n3A_730, %shift_right_arithmetic3A_734 : vector<16xi1>, vector<16xi32>
      %add3A_742 = arith.addi %select_n3A_740, %select_n3A_741 : vector<16xi32>
      %shift_right_arithmetic3A_743 = arith.constant 1 : i32
      %shift_right_arithmetic3A_744 = vector.broadcast %shift_right_arithmetic3A_743 : i32 to vector<16xi32>
      %shift_right_arithmetic3A_745 = arith.shrsi %add3A_742, %shift_right_arithmetic3A_744 : vector<16xi32>
      %gather3A_746 = tpu.vector_load_idx %arg13[%shift_right_arithmetic3A_745] : memref<52016xi32, #tpu.memory_space<vmem>>[vector<16xi32>], vector<16xi32>,
      %lt3A_747 = arith.cmpi slt, %gather3A_746, %add3A_458 : vector<16xi32>
      %add3A_748 = arith.constant 1 : i32
      %add3A_749 = vector.broadcast %add3A_748 : i32 to vector<16xi32>
      %add3A_750 = arith.addi %shift_right_arithmetic3A_745, %add3A_749 : vector<16xi32>
      %select_n3A_751 = arith.select %lt3A_747, %add3A_750, %select_n3A_740 : vector<16xi1>, vector<16xi32>
      %select_n3A_752 = arith.select %lt3A_747, %select_n3A_741, %shift_right_arithmetic3A_745 : vector<16xi1>, vector<16xi32>
      %add3A_753 = arith.addi %select_n3A_751, %select_n3A_752 : vector<16xi32>
      %shift_right_arithmetic3A_754 = arith.constant 1 : i32
      %shift_right_arithmetic3A_755 = vector.broadcast %shift_right_arithmetic3A_754 : i32 to vector<16xi32>
      %shift_right_arithmetic3A_756 = arith.shrsi %add3A_753, %shift_right_arithmetic3A_755 : vector<16xi32>
      %gather3A_757 = tpu.vector_load_idx %arg13[%shift_right_arithmetic3A_756] : memref<52016xi32, #tpu.memory_space<vmem>>[vector<16xi32>], vector<16xi32>,
      %lt3A_758 = arith.cmpi slt, %gather3A_757, %add3A_458 : vector<16xi32>
      %add3A_759 = arith.constant 1 : i32
      %add3A_760 = vector.broadcast %add3A_759 : i32 to vector<16xi32>
      %add3A_761 = arith.addi %shift_right_arithmetic3A_756, %add3A_760 : vector<16xi32>
      %select_n3A_762 = arith.select %lt3A_758, %add3A_761, %select_n3A_751 : vector<16xi1>, vector<16xi32>
      %select_n3A_763 = arith.select %lt3A_758, %select_n3A_752, %shift_right_arithmetic3A_756 : vector<16xi1>, vector<16xi32>
      %add3A_764 = arith.addi %select_n3A_762, %select_n3A_763 : vector<16xi32>
      %shift_right_arithmetic3A_765 = arith.constant 1 : i32
      %shift_right_arithmetic3A_766 = vector.broadcast %shift_right_arithmetic3A_765 : i32 to vector<16xi32>
      %shift_right_arithmetic3A_767 = arith.shrsi %add3A_764, %shift_right_arithmetic3A_766 : vector<16xi32>
      %gather3A_768 = tpu.vector_load_idx %arg13[%shift_right_arithmetic3A_767] : memref<52016xi32, #tpu.memory_space<vmem>>[vector<16xi32>], vector<16xi32>,
      %lt3A_769 = arith.cmpi slt, %gather3A_768, %add3A_458 : vector<16xi32>
      %add3A_770 = arith.constant 1 : i32
      %add3A_771 = vector.broadcast %add3A_770 : i32 to vector<16xi32>
      %add3A_772 = arith.addi %shift_right_arithmetic3A_767, %add3A_771 : vector<16xi32>
      %select_n3A_773 = arith.select %lt3A_769, %add3A_772, %select_n3A_762 : vector<16xi1>, vector<16xi32>
      %select_n3A_774 = arith.select %lt3A_769, %select_n3A_763, %shift_right_arithmetic3A_767 : vector<16xi1>, vector<16xi32>
      %add3A_775 = arith.addi %select_n3A_773, %select_n3A_774 : vector<16xi32>
      %shift_right_arithmetic3A_776 = arith.constant 1 : i32
      %shift_right_arithmetic3A_777 = vector.broadcast %shift_right_arithmetic3A_776 : i32 to vector<16xi32>
      %shift_right_arithmetic3A_778 = arith.shrsi %add3A_775, %shift_right_arithmetic3A_777 : vector<16xi32>
      %gather3A_779 = tpu.vector_load_idx %arg13[%shift_right_arithmetic3A_778] : memref<52016xi32, #tpu.memory_space<vmem>>[vector<16xi32>], vector<16xi32>,
      %lt3A_780 = arith.cmpi slt, %gather3A_779, %add3A_458 : vector<16xi32>
      %add3A_781 = arith.constant 1 : i32
      %add3A_782 = vector.broadcast %add3A_781 : i32 to vector<16xi32>
      %add3A_783 = arith.addi %shift_right_arithmetic3A_778, %add3A_782 : vector<16xi32>
      %select_n3A_784 = arith.select %lt3A_780, %add3A_783, %select_n3A_773 : vector<16xi1>, vector<16xi32>
      %select_n3A_785 = arith.select %lt3A_780, %select_n3A_774, %shift_right_arithmetic3A_778 : vector<16xi1>, vector<16xi32>
      %add3A_786 = arith.addi %select_n3A_784, %select_n3A_785 : vector<16xi32>
      %shift_right_arithmetic3A_787 = arith.constant 1 : i32
      %shift_right_arithmetic3A_788 = vector.broadcast %shift_right_arithmetic3A_787 : i32 to vector<16xi32>
      %shift_right_arithmetic3A_789 = arith.shrsi %add3A_786, %shift_right_arithmetic3A_788 : vector<16xi32>
      %gather3A_790 = tpu.vector_load_idx %arg13[%shift_right_arithmetic3A_789] : memref<52016xi32, #tpu.memory_space<vmem>>[vector<16xi32>], vector<16xi32>,
      %lt3A_791 = arith.cmpi slt, %gather3A_790, %add3A_458 : vector<16xi32>
      %add3A_792 = arith.constant 1 : i32
      %add3A_793 = vector.broadcast %add3A_792 : i32 to vector<16xi32>
      %add3A_794 = arith.addi %shift_right_arithmetic3A_789, %add3A_793 : vector<16xi32>
      %select_n3A_795 = arith.select %lt3A_791, %add3A_794, %select_n3A_784 : vector<16xi1>, vector<16xi32>
      %select_n3A_796 = arith.select %lt3A_791, %select_n3A_785, %shift_right_arithmetic3A_789 : vector<16xi1>, vector<16xi32>
      %add3A_797 = arith.addi %select_n3A_795, %select_n3A_796 : vector<16xi32>
      %shift_right_arithmetic3A_798 = arith.constant 1 : i32
      %shift_right_arithmetic3A_799 = vector.broadcast %shift_right_arithmetic3A_798 : i32 to vector<16xi32>
      %shift_right_arithmetic3A_800 = arith.shrsi %add3A_797, %shift_right_arithmetic3A_799 : vector<16xi32>
      %gather3A_801 = tpu.vector_load_idx %arg13[%shift_right_arithmetic3A_800] : memref<52016xi32, #tpu.memory_space<vmem>>[vector<16xi32>], vector<16xi32>,
      %lt3A_802 = arith.cmpi slt, %gather3A_801, %add3A_458 : vector<16xi32>
      %add3A_803 = arith.constant 1 : i32
      %add3A_804 = vector.broadcast %add3A_803 : i32 to vector<16xi32>
      %add3A_805 = arith.addi %shift_right_arithmetic3A_800, %add3A_804 : vector<16xi32>
      %select_n3A_806 = arith.select %lt3A_802, %add3A_805, %select_n3A_795 : vector<16xi1>, vector<16xi32>
      %select_n3A_807 = arith.select %lt3A_802, %select_n3A_796, %shift_right_arithmetic3A_800 : vector<16xi1>, vector<16xi32>
      %add3A_808 = arith.addi %select_n3A_806, %select_n3A_807 : vector<16xi32>
      %shift_right_arithmetic3A_809 = arith.constant 1 : i32
      %shift_right_arithmetic3A_810 = vector.broadcast %shift_right_arithmetic3A_809 : i32 to vector<16xi32>
      %shift_right_arithmetic3A_811 = arith.shrsi %add3A_808, %shift_right_arithmetic3A_810 : vector<16xi32>
      %gather3A_812 = tpu.vector_load_idx %arg13[%shift_right_arithmetic3A_811] : memref<52016xi32, #tpu.memory_space<vmem>>[vector<16xi32>], vector<16xi32>,
      %lt3A_813 = arith.cmpi slt, %gather3A_812, %add3A_458 : vector<16xi32>
      %add3A_814 = arith.constant 1 : i32
      %add3A_815 = vector.broadcast %add3A_814 : i32 to vector<16xi32>
      %add3A_816 = arith.addi %shift_right_arithmetic3A_811, %add3A_815 : vector<16xi32>
      %select_n3A_817 = arith.select %lt3A_813, %add3A_816, %select_n3A_806 : vector<16xi1>, vector<16xi32>
      %select_n3A_818 = arith.select %lt3A_813, %select_n3A_807, %shift_right_arithmetic3A_811 : vector<16xi1>, vector<16xi32>
      %sub3A_819 = arith.subi %select_n3A_637, %select_n3A_817 : vector<16xi32>
      %jit3A_820 = arith.constant 0 : i32
      %jit3A_821 = arith.constant 255 : i32
      %max3A = vector.broadcast %jit3A_820 : i32 to vector<16xi32>
      %max3A_822 = arith.maxsi %max3A, %sub3A_819 : vector<16xi32>
      %min3A = vector.broadcast %jit3A_821 : i32 to vector<16xi32>
      %min3A_823 = arith.minsi %min3A, %max3A_822 : vector<16xi32>
      %add3A_824 = arith.constant 1113 : i32
      %add3A_825 = vector.broadcast %add3A_824 : i32 to vector<16xi32>
      %add3A_826 = arith.addi %min3A_823, %add3A_825 : vector<16xi32>
      %mul3A_827 = arith.constant 16 : i32
      %mul3A_828 = arith.muli %scan3A_454, %mul3A_827 : i32
      %add3A_829 = arith.constant 51008 : i32
      %add3A_830 = arith.addi %add3A_829, %mul3A_828 : i32
      %swap3A_831 = arith.index_cast %add3A_830 : i32 to index
      %swap3A_832 = tpu.vector_load %arg13[%swap3A_831] {strides = array<i32>} : memref<52016xi32, #tpu.memory_space<vmem>>, vector<16xi32>,
      tpu.vector_store %arg13[%swap3A_831], %add3A_826 {strides = array<i32>} : memref<52016xi32, #tpu.memory_space<vmem>>, vector<16xi32>,
    }
    %scan3A_5 = arith.constant 63 : i32
    tpu.wait_dma2 semaphore(%arg20 : memref<!tpu.dma_semaphore, #tpu.memory_space<semaphore_mem>>) src(%arg7 : memref<1369x128xf32, #tpu.memory_space<hbm>>) dst(%arg17 : memref<1369x128xf32, #tpu.memory_space<vmem_shared>>)
    %mul3A_6 = arith.constant 625 : i32
    %mul3A_7 = arith.muli %add3A, %mul3A_6 : i32
    %jit3A = arith.constant 32 : i32
    %div3A = arith.divsi %mul3A_7, %jit3A : i32
    %sign3A = arith.constant 0 : i32
    %sign3A_8 = arith.cmpi sgt, %mul3A_7, %sign3A : i32
    %sign3A_9 = arith.extui %sign3A_8 : i1 to i32
    %sign3A_10 = arith.constant 0 : i32
    %sign3A_11 = arith.cmpi slt, %mul3A_7, %sign3A_10 : i32
    %sign3A_12 = arith.extui %sign3A_11 : i1 to i32
    %sign3A_13 = arith.subi %sign3A_9, %sign3A_12 : i32
    %sign3A_14 = arith.constant 0 : i32
    %sign3A_15 = arith.cmpi sgt, %jit3A, %sign3A_14 : i32
    %sign3A_16 = arith.extui %sign3A_15 : i1 to i32
    %sign3A_17 = arith.constant 0 : i32
    %sign3A_18 = arith.cmpi slt, %jit3A, %sign3A_17 : i32
    %sign3A_19 = arith.extui %sign3A_18 : i1 to i32
    %sign3A_20 = arith.subi %sign3A_16, %sign3A_19 : i32
    %ne3A = arith.cmpi ne, %sign3A_13, %sign3A_20 : i32
    %rem3A = arith.remsi %mul3A_7, %jit3A : i32
    %ne3A_21 = arith.constant 0 : i32
    %ne3A_22 = arith.cmpi ne, %rem3A, %ne3A_21 : i32
    %and3A = arith.andi %ne3A, %ne3A_22 : i1
    %sub3A = arith.constant 1 : i32
    %sub3A_23 = arith.subi %div3A, %sub3A : i32
    %select_n3A = arith.select %and3A, %sub3A_23, %div3A : i32
    %add3A_24 = arith.constant 1 : i32
    %add3A_25 = arith.addi %add3A, %add3A_24 : i32
    %mul3A_26 = arith.constant 625 : i32
    %mul3A_27 = arith.muli %add3A_25, %mul3A_26 : i32
    %jit3A_28 = arith.constant 32 : i32
    %div3A_29 = arith.divsi %mul3A_27, %jit3A_28 : i32
    %sign3A_30 = arith.constant 0 : i32
    %sign3A_31 = arith.cmpi sgt, %mul3A_27, %sign3A_30 : i32
    %sign3A_32 = arith.extui %sign3A_31 : i1 to i32
    %sign3A_33 = arith.constant 0 : i32
    %sign3A_34 = arith.cmpi slt, %mul3A_27, %sign3A_33 : i32
    %sign3A_35 = arith.extui %sign3A_34 : i1 to i32
    %sign3A_36 = arith.subi %sign3A_32, %sign3A_35 : i32
    %sign3A_37 = arith.constant 0 : i32
    %sign3A_38 = arith.cmpi sgt, %jit3A_28, %sign3A_37 : i32
    %sign3A_39 = arith.extui %sign3A_38 : i1 to i32
    %sign3A_40 = arith.constant 0 : i32
    %sign3A_41 = arith.cmpi slt, %jit3A_28, %sign3A_40 : i32
    %sign3A_42 = arith.extui %sign3A_41 : i1 to i32
    %sign3A_43 = arith.subi %sign3A_39, %sign3A_42 : i32
    %ne3A_44 = arith.cmpi ne, %sign3A_36, %sign3A_43 : i32
    %rem3A_45 = arith.remsi %mul3A_27, %jit3A_28 : i32
    %ne3A_46 = arith.constant 0 : i32
    %ne3A_47 = arith.cmpi ne, %rem3A_45, %ne3A_46 : i32
    %and3A_48 = arith.andi %ne3A_44, %ne3A_47 : i1
    %sub3A_49 = arith.constant 1 : i32
    %sub3A_50 = arith.subi %div3A_29, %sub3A_49 : i32
    %select_n3A_51 = arith.select %and3A_48, %sub3A_50, %div3A_29 : i32
    %mul3A_52 = arith.constant 80 : i32
    %mul3A_53 = arith.muli %select_n3A, %mul3A_52 : i32
    "tpu.region"() ({
      %run_scoped3A = tpu.sem_alloc : memref<!tpu.dma_semaphore, #tpu.memory_space<semaphore_mem>>
      %dma_start3A_454 = arith.constant 160 : i32
      %dma_start3A_455 = tpu.memref_slice %arg14[%dma_start3A_454] : memref<560xi32, #tpu.memory_space<vmem>> -> memref<240xi32, #tpu.memory_space<vmem>>
      %dma_start3A_456 = arith.constant 0 : i32
      %dma_start3A_457 = tpu.memref_slice %arg3[%select_n3A, %dma_start3A_456] : memref<625x240xi32, #tpu.memory_space<hbm>> -> memref<1x240xi32, #tpu.memory_space<hbm>>
      %dma_start3A_458 = tpu.memref_squeeze %dma_start3A_457 : memref<1x240xi32, #tpu.memory_space<hbm>> -> memref<240xi32, #tpu.memory_space<hbm>>
      %dma_start3A_459 = arith.constant 160 : i32
      %dma_start3A_460 = tpu.memref_slice %arg14[%dma_start3A_459] : memref<560xi32, #tpu.memory_space<vmem>> -> memref<240xi32, #tpu.memory_space<vmem>>
      %dma_start3A_461 = arith.constant 0 : i32
      %dma_start3A_462 = tpu.memref_slice %arg3[%select_n3A, %dma_start3A_461] : memref<625x240xi32, #tpu.memory_space<hbm>> -> memref<1x240xi32, #tpu.memory_space<hbm>>
      %dma_start3A_463 = tpu.memref_squeeze %dma_start3A_462 : memref<1x240xi32, #tpu.memory_space<hbm>> -> memref<240xi32, #tpu.memory_space<hbm>>
      tpu.enqueue_dma source(%dma_start3A_463 : memref<240xi32, #tpu.memory_space<hbm>>) target(%dma_start3A_460 : memref<240xi32, #tpu.memory_space<vmem>>) target_semaphore(%run_scoped3A : memref<!tpu.dma_semaphore, #tpu.memory_space<semaphore_mem>>)
      %dma_wait3A_464 = arith.constant 160 : i32
      %dma_wait3A_465 = tpu.memref_slice %arg14[%dma_wait3A_464] : memref<560xi32, #tpu.memory_space<vmem>> -> memref<240xi32, #tpu.memory_space<vmem>>
      %dma_wait3A_466 = arith.constant 0 : i32
      %dma_wait3A_467 = tpu.memref_slice %arg3[%select_n3A, %dma_wait3A_466] : memref<625x240xi32, #tpu.memory_space<hbm>> -> memref<1x240xi32, #tpu.memory_space<hbm>>
      %dma_wait3A_468 = tpu.memref_squeeze %dma_wait3A_467 : memref<1x240xi32, #tpu.memory_space<hbm>> -> memref<240xi32, #tpu.memory_space<hbm>>
      %dma_wait3A_469 = arith.constant 160 : i32
      %dma_wait3A_470 = tpu.memref_slice %arg14[%dma_wait3A_469] : memref<560xi32, #tpu.memory_space<vmem>> -> memref<240xi32, #tpu.memory_space<vmem>>
      %dma_wait3A_471 = arith.constant 0 : i32
      %dma_wait3A_472 = tpu.memref_slice %arg3[%select_n3A, %dma_wait3A_471] : memref<625x240xi32, #tpu.memory_space<hbm>> -> memref<1x240xi32, #tpu.memory_space<hbm>>
      %dma_wait3A_473 = tpu.memref_squeeze %dma_wait3A_472 : memref<1x240xi32, #tpu.memory_space<hbm>> -> memref<240xi32, #tpu.memory_space<hbm>>
      tpu.wait_dma2 semaphore(%run_scoped3A : memref<!tpu.dma_semaphore, #tpu.memory_space<semaphore_mem>>) src(%dma_wait3A_473 : memref<240xi32, #tpu.memory_space<hbm>>) dst(%dma_wait3A_470 : memref<240xi32, #tpu.memory_space<vmem>>)
      tpu.yield
    }) : () -> ()
    %get3A = arith.constant 160 : index
    %get3A_54 = tpu.vector_load %arg14[%get3A] {strides = array<i32>} : memref<560xi32, #tpu.memory_space<vmem>>, vector<16xi32>,
    %add3A_55 = arith.constant 51008 : i32
    %add3A_56 = vector.broadcast %add3A_55 : i32 to vector<16xi32>
    %add3A_57 = arith.addi %get3A_54, %add3A_56 : vector<16xi32>
    %gather3A = tpu.vector_load_idx %arg13[%add3A_57] : memref<52016xi32, #tpu.memory_space<vmem>>[vector<16xi32>], vector<16xi32>,
    %swap3A = arith.constant 400 : index
    %swap3A_58 = tpu.vector_load %arg14[%swap3A] {strides = array<i32>} : memref<560xi32, #tpu.memory_space<vmem>>, vector<16xi32>,
    tpu.vector_store %arg14[%swap3A], %gather3A {strides = array<i32>} : memref<560xi32, #tpu.memory_space<vmem>>, vector<16xi32>,
    %add3A_59 = arith.constant 50008 : i32
    %add3A_60 = vector.broadcast %add3A_59 : i32 to vector<16xi32>
    %add3A_61 = arith.addi %get3A_54, %add3A_60 : vector<16xi32>
    %gather3A_62 = tpu.vector_load_idx %arg13[%add3A_61] : memref<52016xi32, #tpu.memory_space<vmem>>[vector<16xi32>], vector<16xi32>,
    %swap3A_63 = arith.constant 480 : index
    %swap3A_64 = tpu.vector_load %arg14[%swap3A_63] {strides = array<i32>} : memref<560xi32, #tpu.memory_space<vmem>>, vector<16xi32>,
    tpu.vector_store %arg14[%swap3A_63], %gather3A_62 {strides = array<i32>} : memref<560xi32, #tpu.memory_space<vmem>>, vector<16xi32>,
    %get3A_65 = arith.constant 176 : index
    %get3A_66 = tpu.vector_load %arg14[%get3A_65] {strides = array<i32>} : memref<560xi32, #tpu.memory_space<vmem>>, vector<16xi32>,
    %add3A_67 = arith.constant 51008 : i32
    %add3A_68 = vector.broadcast %add3A_67 : i32 to vector<16xi32>
    %add3A_69 = arith.addi %get3A_66, %add3A_68 : vector<16xi32>
    %gather3A_70 = tpu.vector_load_idx %arg13[%add3A_69] : memref<52016xi32, #tpu.memory_space<vmem>>[vector<16xi32>], vector<16xi32>,
    %swap3A_71 = arith.constant 416 : index
    %swap3A_72 = tpu.vector_load %arg14[%swap3A_71] {strides = array<i32>} : memref<560xi32, #tpu.memory_space<vmem>>, vector<16xi32>,
    tpu.vector_store %arg14[%swap3A_71], %gather3A_70 {strides = array<i32>} : memref<560xi32, #tpu.memory_space<vmem>>, vector<16xi32>,
    %add3A_73 = arith.constant 50008 : i32
    %add3A_74 = vector.broadcast %add3A_73 : i32 to vector<16xi32>
    %add3A_75 = arith.addi %get3A_66, %add3A_74 : vector<16xi32>
    %gather3A_76 = tpu.vector_load_idx %arg13[%add3A_75] : memref<52016xi32, #tpu.memory_space<vmem>>[vector<16xi32>], vector<16xi32>,
    %swap3A_77 = arith.constant 496 : index
    %swap3A_78 = tpu.vector_load %arg14[%swap3A_77] {strides = array<i32>} : memref<560xi32, #tpu.memory_space<vmem>>, vector<16xi32>,
    tpu.vector_store %arg14[%swap3A_77], %gather3A_76 {strides = array<i32>} : memref<560xi32, #tpu.memory_space<vmem>>, vector<16xi32>,
    %get3A_79 = arith.constant 192 : index
    %get3A_80 = tpu.vector_load %arg14[%get3A_79] {strides = array<i32>} : memref<560xi32, #tpu.memory_space<vmem>>, vector<16xi32>,
    %add3A_81 = arith.constant 51008 : i32
    %add3A_82 = vector.broadcast %add3A_81 : i32 to vector<16xi32>
    %add3A_83 = arith.addi %get3A_80, %add3A_82 : vector<16xi32>
    %gather3A_84 = tpu.vector_load_idx %arg13[%add3A_83] : memref<52016xi32, #tpu.memory_space<vmem>>[vector<16xi32>], vector<16xi32>,
    %swap3A_85 = arith.constant 432 : index
    %swap3A_86 = tpu.vector_load %arg14[%swap3A_85] {strides = array<i32>} : memref<560xi32, #tpu.memory_space<vmem>>, vector<16xi32>,
    tpu.vector_store %arg14[%swap3A_85], %gather3A_84 {strides = array<i32>} : memref<560xi32, #tpu.memory_space<vmem>>, vector<16xi32>,
    %add3A_87 = arith.constant 50008 : i32
    %add3A_88 = vector.broadcast %add3A_87 : i32 to vector<16xi32>
    %add3A_89 = arith.addi %get3A_80, %add3A_88 : vector<16xi32>
    %gather3A_90 = tpu.vector_load_idx %arg13[%add3A_89] : memref<52016xi32, #tpu.memory_space<vmem>>[vector<16xi32>], vector<16xi32>,
    %swap3A_91 = arith.constant 512 : index
    %swap3A_92 = tpu.vector_load %arg14[%swap3A_91] {strides = array<i32>} : memref<560xi32, #tpu.memory_space<vmem>>, vector<16xi32>,
    tpu.vector_store %arg14[%swap3A_91], %gather3A_90 {strides = array<i32>} : memref<560xi32, #tpu.memory_space<vmem>>, vector<16xi32>,
    %get3A_93 = arith.constant 208 : index
    %get3A_94 = tpu.vector_load %arg14[%get3A_93] {strides = array<i32>} : memref<560xi32, #tpu.memory_space<vmem>>, vector<16xi32>,
    %add3A_95 = arith.constant 51008 : i32
    %add3A_96 = vector.broadcast %add3A_95 : i32 to vector<16xi32>
    %add3A_97 = arith.addi %get3A_94, %add3A_96 : vector<16xi32>
    %gather3A_98 = tpu.vector_load_idx %arg13[%add3A_97] : memref<52016xi32, #tpu.memory_space<vmem>>[vector<16xi32>], vector<16xi32>,
    %swap3A_99 = arith.constant 448 : index
    %swap3A_100 = tpu.vector_load %arg14[%swap3A_99] {strides = array<i32>} : memref<560xi32, #tpu.memory_space<vmem>>, vector<16xi32>,
    tpu.vector_store %arg14[%swap3A_99], %gather3A_98 {strides = array<i32>} : memref<560xi32, #tpu.memory_space<vmem>>, vector<16xi32>,
    %add3A_101 = arith.constant 50008 : i32
    %add3A_102 = vector.broadcast %add3A_101 : i32 to vector<16xi32>
    %add3A_103 = arith.addi %get3A_94, %add3A_102 : vector<16xi32>
    %gather3A_104 = tpu.vector_load_idx %arg13[%add3A_103] : memref<52016xi32, #tpu.memory_space<vmem>>[vector<16xi32>], vector<16xi32>,
    %swap3A_105 = arith.constant 528 : index
    %swap3A_106 = tpu.vector_load %arg14[%swap3A_105] {strides = array<i32>} : memref<560xi32, #tpu.memory_space<vmem>>, vector<16xi32>,
    tpu.vector_store %arg14[%swap3A_105], %gather3A_104 {strides = array<i32>} : memref<560xi32, #tpu.memory_space<vmem>>, vector<16xi32>,
    %get3A_107 = arith.constant 224 : index
    %get3A_108 = tpu.vector_load %arg14[%get3A_107] {strides = array<i32>} : memref<560xi32, #tpu.memory_space<vmem>>, vector<16xi32>,
    %add3A_109 = arith.constant 51008 : i32
    %add3A_110 = vector.broadcast %add3A_109 : i32 to vector<16xi32>
    %add3A_111 = arith.addi %get3A_108, %add3A_110 : vector<16xi32>
    %gather3A_112 = tpu.vector_load_idx %arg13[%add3A_111] : memref<52016xi32, #tpu.memory_space<vmem>>[vector<16xi32>], vector<16xi32>,
    %swap3A_113 = arith.constant 464 : index
    %swap3A_114 = tpu.vector_load %arg14[%swap3A_113] {strides = array<i32>} : memref<560xi32, #tpu.memory_space<vmem>>, vector<16xi32>,
    tpu.vector_store %arg14[%swap3A_113], %gather3A_112 {strides = array<i32>} : memref<560xi32, #tpu.memory_space<vmem>>, vector<16xi32>,
    %add3A_115 = arith.constant 50008 : i32
    %add3A_116 = vector.broadcast %add3A_115 : i32 to vector<16xi32>
    %add3A_117 = arith.addi %get3A_108, %add3A_116 : vector<16xi32>
    %gather3A_118 = tpu.vector_load_idx %arg13[%add3A_117] : memref<52016xi32, #tpu.memory_space<vmem>>[vector<16xi32>], vector<16xi32>,
    %swap3A_119 = arith.constant 544 : index
    %swap3A_120 = tpu.vector_load %arg14[%swap3A_119] {strides = array<i32>} : memref<560xi32, #tpu.memory_space<vmem>>, vector<16xi32>,
    tpu.vector_store %arg14[%swap3A_119], %gather3A_118 {strides = array<i32>} : memref<560xi32, #tpu.memory_space<vmem>>, vector<16xi32>,
    %dma_start3A = arith.constant 0 : i32
    %dma_start3A_121 = arith.constant 0 : i32
    %dma_start3A_122 = arith.constant 0 : i32
    %dma_start3A_123 = tpu.memref_slice %arg15[%dma_start3A, %dma_start3A_121, %dma_start3A_122] : memref<4x80x128xf32, #tpu.memory_space<vmem>> -> memref<1x80x128xf32, #tpu.memory_space<vmem>>
    %dma_start3A_124 = tpu.memref_squeeze %dma_start3A_123 : memref<1x80x128xf32, #tpu.memory_space<vmem>> -> memref<80x128xf32, #tpu.memory_space<vmem>>
    %dma_start3A_125 = arith.constant 240 : i32
    %dma_start3A_126 = tpu.memref_slice %arg14[%dma_start3A_125] : memref<560xi32, #tpu.memory_space<vmem>> -> memref<80xi32, #tpu.memory_space<vmem>>
    %dma_start3A_127 = arith.constant 0 : i32
    %dma_start3A_128 = arith.constant 0 : i32
    %dma_start3A_129 = tpu.memref_slice %arg17[%dma_start3A_127, %dma_start3A_128] : memref<1369x128xf32, #tpu.memory_space<vmem_shared>> -> memref<1369x128xf32, #tpu.memory_space<vmem_shared>>
    tpu.enqueue_indirect_dma source(%dma_start3A_129 : memref<1369x128xf32, #tpu.memory_space<vmem_shared>>) target(%dma_start3A_124 : memref<80x128xf32, #tpu.memory_space<vmem>>) offsets(%dma_start3A_126 : memref<80xi32, #tpu.memory_space<vmem>>) semaphore(%arg19 : memref<!tpu.dma_semaphore, #tpu.memory_space<semaphore_mem>>)
    %dma_start3A_130 = arith.constant 1 : i32
    %dma_start3A_131 = arith.constant 0 : i32
    %dma_start3A_132 = arith.constant 0 : i32
    %dma_start3A_133 = tpu.memref_slice %arg15[%dma_start3A_130, %dma_start3A_131, %dma_start3A_132] : memref<4x80x128xf32, #tpu.memory_space<vmem>> -> memref<1x80x128xf32, #tpu.memory_space<vmem>>
    %dma_start3A_134 = tpu.memref_squeeze %dma_start3A_133 : memref<1x80x128xf32, #tpu.memory_space<vmem>> -> memref<80x128xf32, #tpu.memory_space<vmem>>
    %dma_start3A_135 = arith.constant 320 : i32
    %dma_start3A_136 = tpu.memref_slice %arg14[%dma_start3A_135] : memref<560xi32, #tpu.memory_space<vmem>> -> memref<80xi32, #tpu.memory_space<vmem>>
    %dma_start3A_137 = arith.constant 0 : i32
    %dma_start3A_138 = arith.constant 0 : i32
    %dma_start3A_139 = tpu.memref_slice %arg17[%dma_start3A_137, %dma_start3A_138] : memref<1369x128xf32, #tpu.memory_space<vmem_shared>> -> memref<1369x128xf32, #tpu.memory_space<vmem_shared>>
    tpu.enqueue_indirect_dma source(%dma_start3A_139 : memref<1369x128xf32, #tpu.memory_space<vmem_shared>>) target(%dma_start3A_134 : memref<80x128xf32, #tpu.memory_space<vmem>>) offsets(%dma_start3A_136 : memref<80xi32, #tpu.memory_space<vmem>>) semaphore(%arg19 : memref<!tpu.dma_semaphore, #tpu.memory_space<semaphore_mem>>)
    %dma_start3A_140 = arith.constant 2 : i32
    %dma_start3A_141 = arith.constant 0 : i32
    %dma_start3A_142 = arith.constant 0 : i32
    %dma_start3A_143 = tpu.memref_slice %arg15[%dma_start3A_140, %dma_start3A_141, %dma_start3A_142] : memref<4x80x128xf32, #tpu.memory_space<vmem>> -> memref<1x80x128xf32, #tpu.memory_space<vmem>>
    %dma_start3A_144 = tpu.memref_squeeze %dma_start3A_143 : memref<1x80x128xf32, #tpu.memory_space<vmem>> -> memref<80x128xf32, #tpu.memory_space<vmem>>
    %dma_start3A_145 = arith.constant 400 : i32
    %dma_start3A_146 = tpu.memref_slice %arg14[%dma_start3A_145] : memref<560xi32, #tpu.memory_space<vmem>> -> memref<80xi32, #tpu.memory_space<vmem>>
    %dma_start3A_147 = arith.constant 0 : i32
    %dma_start3A_148 = arith.constant 0 : i32
    %dma_start3A_149 = tpu.memref_slice %arg17[%dma_start3A_147, %dma_start3A_148] : memref<1369x128xf32, #tpu.memory_space<vmem_shared>> -> memref<1369x128xf32, #tpu.memory_space<vmem_shared>>
    tpu.enqueue_indirect_dma source(%dma_start3A_149 : memref<1369x128xf32, #tpu.memory_space<vmem_shared>>) target(%dma_start3A_144 : memref<80x128xf32, #tpu.memory_space<vmem>>) offsets(%dma_start3A_146 : memref<80xi32, #tpu.memory_space<vmem>>) semaphore(%arg19 : memref<!tpu.dma_semaphore, #tpu.memory_space<semaphore_mem>>)
    %dma_start3A_150 = arith.constant 3 : i32
    %dma_start3A_151 = arith.constant 0 : i32
    %dma_start3A_152 = arith.constant 0 : i32
    %dma_start3A_153 = tpu.memref_slice %arg15[%dma_start3A_150, %dma_start3A_151, %dma_start3A_152] : memref<4x80x128xf32, #tpu.memory_space<vmem>> -> memref<1x80x128xf32, #tpu.memory_space<vmem>>
    %dma_start3A_154 = tpu.memref_squeeze %dma_start3A_153 : memref<1x80x128xf32, #tpu.memory_space<vmem>> -> memref<80x128xf32, #tpu.memory_space<vmem>>
    %dma_start3A_155 = arith.constant 480 : i32
    %dma_start3A_156 = tpu.memref_slice %arg14[%dma_start3A_155] : memref<560xi32, #tpu.memory_space<vmem>> -> memref<80xi32, #tpu.memory_space<vmem>>
    %dma_start3A_157 = arith.constant 0 : i32
    %dma_start3A_158 = arith.constant 0 : i32
    %dma_start3A_159 = tpu.memref_slice %arg17[%dma_start3A_157, %dma_start3A_158] : memref<1369x128xf32, #tpu.memory_space<vmem_shared>> -> memref<1369x128xf32, #tpu.memory_space<vmem_shared>>
    tpu.enqueue_indirect_dma source(%dma_start3A_159 : memref<1369x128xf32, #tpu.memory_space<vmem_shared>>) target(%dma_start3A_154 : memref<80x128xf32, #tpu.memory_space<vmem>>) offsets(%dma_start3A_156 : memref<80xi32, #tpu.memory_space<vmem>>) semaphore(%arg19 : memref<!tpu.dma_semaphore, #tpu.memory_space<semaphore_mem>>)
    %dma_wait3A = arith.constant 0 : i32
    %dma_wait3A_160 = arith.constant 0 : i32
    %dma_wait3A_161 = arith.constant 0 : i32
    %dma_wait3A_162 = tpu.memref_slice %arg15[%dma_wait3A, %dma_wait3A_160, %dma_wait3A_161] : memref<4x80x128xf32, #tpu.memory_space<vmem>> -> memref<1x80x128xf32, #tpu.memory_space<vmem>>
    %dma_wait3A_163 = tpu.memref_squeeze %dma_wait3A_162 : memref<1x80x128xf32, #tpu.memory_space<vmem>> -> memref<80x128xf32, #tpu.memory_space<vmem>>
    %dma_wait3A_164 = arith.constant 240 : i32
    %dma_wait3A_165 = tpu.memref_slice %arg14[%dma_wait3A_164] : memref<560xi32, #tpu.memory_space<vmem>> -> memref<80xi32, #tpu.memory_space<vmem>>
    %dma_wait3A_166 = arith.constant 0 : i32
    %dma_wait3A_167 = arith.constant 0 : i32
    %dma_wait3A_168 = tpu.memref_slice %arg17[%dma_wait3A_166, %dma_wait3A_167] : memref<1369x128xf32, #tpu.memory_space<vmem_shared>> -> memref<1369x128xf32, #tpu.memory_space<vmem_shared>>
    tpu.wait_indirect_dma semaphore(%arg19 : memref<!tpu.dma_semaphore, #tpu.memory_space<semaphore_mem>>) src(%dma_wait3A_168 : memref<1369x128xf32, #tpu.memory_space<vmem_shared>>) dst(%dma_wait3A_163 : memref<80x128xf32, #tpu.memory_space<vmem>>)
    %dma_wait3A_169 = arith.constant 1 : i32
    %dma_wait3A_170 = arith.constant 0 : i32
    %dma_wait3A_171 = arith.constant 0 : i32
    %dma_wait3A_172 = tpu.memref_slice %arg15[%dma_wait3A_169, %dma_wait3A_170, %dma_wait3A_171] : memref<4x80x128xf32, #tpu.memory_space<vmem>> -> memref<1x80x128xf32, #tpu.memory_space<vmem>>
    %dma_wait3A_173 = tpu.memref_squeeze %dma_wait3A_172 : memref<1x80x128xf32, #tpu.memory_space<vmem>> -> memref<80x128xf32, #tpu.memory_space<vmem>>
    %dma_wait3A_174 = arith.constant 320 : i32
    %dma_wait3A_175 = tpu.memref_slice %arg14[%dma_wait3A_174] : memref<560xi32, #tpu.memory_space<vmem>> -> memref<80xi32, #tpu.memory_space<vmem>>
    %dma_wait3A_176 = arith.constant 0 : i32
    %dma_wait3A_177 = arith.constant 0 : i32
    %dma_wait3A_178 = tpu.memref_slice %arg17[%dma_wait3A_176, %dma_wait3A_177] : memref<1369x128xf32, #tpu.memory_space<vmem_shared>> -> memref<1369x128xf32, #tpu.memory_space<vmem_shared>>
    tpu.wait_indirect_dma semaphore(%arg19 : memref<!tpu.dma_semaphore, #tpu.memory_space<semaphore_mem>>) src(%dma_wait3A_178 : memref<1369x128xf32, #tpu.memory_space<vmem_shared>>) dst(%dma_wait3A_173 : memref<80x128xf32, #tpu.memory_space<vmem>>)
    %dma_wait3A_179 = arith.constant 2 : i32
    %dma_wait3A_180 = arith.constant 0 : i32
    %dma_wait3A_181 = arith.constant 0 : i32
    %dma_wait3A_182 = tpu.memref_slice %arg15[%dma_wait3A_179, %dma_wait3A_180, %dma_wait3A_181] : memref<4x80x128xf32, #tpu.memory_space<vmem>> -> memref<1x80x128xf32, #tpu.memory_space<vmem>>
    %dma_wait3A_183 = tpu.memref_squeeze %dma_wait3A_182 : memref<1x80x128xf32, #tpu.memory_space<vmem>> -> memref<80x128xf32, #tpu.memory_space<vmem>>
    %dma_wait3A_184 = arith.constant 400 : i32
    %dma_wait3A_185 = tpu.memref_slice %arg14[%dma_wait3A_184] : memref<560xi32, #tpu.memory_space<vmem>> -> memref<80xi32, #tpu.memory_space<vmem>>
    %dma_wait3A_186 = arith.constant 0 : i32
    %dma_wait3A_187 = arith.constant 0 : i32
    %dma_wait3A_188 = tpu.memref_slice %arg17[%dma_wait3A_186, %dma_wait3A_187] : memref<1369x128xf32, #tpu.memory_space<vmem_shared>> -> memref<1369x128xf32, #tpu.memory_space<vmem_shared>>
    tpu.wait_indirect_dma semaphore(%arg19 : memref<!tpu.dma_semaphore, #tpu.memory_space<semaphore_mem>>) src(%dma_wait3A_188 : memref<1369x128xf32, #tpu.memory_space<vmem_shared>>) dst(%dma_wait3A_183 : memref<80x128xf32, #tpu.memory_space<vmem>>)
    %dma_wait3A_189 = arith.constant 3 : i32
    %dma_wait3A_190 = arith.constant 0 : i32
    %dma_wait3A_191 = arith.constant 0 : i32
    %dma_wait3A_192 = tpu.memref_slice %arg15[%dma_wait3A_189, %dma_wait3A_190, %dma_wait3A_191] : memref<4x80x128xf32, #tpu.memory_space<vmem>> -> memref<1x80x128xf32, #tpu.memory_space<vmem>>
    %dma_wait3A_193 = tpu.memref_squeeze %dma_wait3A_192 : memref<1x80x128xf32, #tpu.memory_space<vmem>> -> memref<80x128xf32, #tpu.memory_space<vmem>>
    %dma_wait3A_194 = arith.constant 480 : i32
    %dma_wait3A_195 = tpu.memref_slice %arg14[%dma_wait3A_194] : memref<560xi32, #tpu.memory_space<vmem>> -> memref<80xi32, #tpu.memory_space<vmem>>
    %dma_wait3A_196 = arith.constant 0 : i32
    %dma_wait3A_197 = arith.constant 0 : i32
    %dma_wait3A_198 = tpu.memref_slice %arg17[%dma_wait3A_196, %dma_wait3A_197] : memref<1369x128xf32, #tpu.memory_space<vmem_shared>> -> memref<1369x128xf32, #tpu.memory_space<vmem_shared>>
    tpu.wait_indirect_dma semaphore(%arg19 : memref<!tpu.dma_semaphore, #tpu.memory_space<semaphore_mem>>) src(%dma_wait3A_198 : memref<1369x128xf32, #tpu.memory_space<vmem_shared>>) dst(%dma_wait3A_193 : memref<80x128xf32, #tpu.memory_space<vmem>>)
    %dma_start3A_199 = arith.constant 0 : i32
    %dma_start3A_200 = arith.constant 0 : i32
    %dma_start3A_201 = arith.constant 0 : i32
    %dma_start3A_202 = tpu.memref_slice %arg15[%dma_start3A_199, %dma_start3A_200, %dma_start3A_201] : memref<4x80x128xf32, #tpu.memory_space<vmem>> -> memref<1x80x128xf32, #tpu.memory_space<vmem>>
    %dma_start3A_203 = tpu.memref_squeeze %dma_start3A_202 : memref<1x80x128xf32, #tpu.memory_space<vmem>> -> memref<80x128xf32, #tpu.memory_space<vmem>>
    %dma_start3A_204 = arith.constant 0 : i32
    %dma_start3A_205 = tpu.memref_slice %arg9[%mul3A_53, %dma_start3A_204] : memref<50000x512xf32, #tpu.memory_space<hbm>> -> memref<80x128xf32, #tpu.memory_space<hbm>>
    %dma_start3A_206 = arith.constant 0 : i32
    %dma_start3A_207 = tpu.memref_slice %arg9[%mul3A_53, %dma_start3A_206] : memref<50000x512xf32, #tpu.memory_space<hbm>> -> memref<80x128xf32, #tpu.memory_space<hbm>>
    %dma_start3A_208 = arith.constant 0 : i32
    %dma_start3A_209 = arith.constant 0 : i32
    %dma_start3A_210 = tpu.memref_slice %arg15[%dma_start3A_199, %dma_start3A_208, %dma_start3A_209] : memref<4x80x128xf32, #tpu.memory_space<vmem>> -> memref<1x80x128xf32, #tpu.memory_space<vmem>>
    %dma_start3A_211 = tpu.memref_squeeze %dma_start3A_210 : memref<1x80x128xf32, #tpu.memory_space<vmem>> -> memref<80x128xf32, #tpu.memory_space<vmem>>
    tpu.enqueue_dma source(%dma_start3A_211 : memref<80x128xf32, #tpu.memory_space<vmem>>) target(%dma_start3A_207 : memref<80x128xf32, #tpu.memory_space<hbm>>) target_semaphore(%arg20 : memref<!tpu.dma_semaphore, #tpu.memory_space<semaphore_mem>>)
    %dma_start3A_212 = arith.constant 1 : i32
    %dma_start3A_213 = arith.constant 0 : i32
    %dma_start3A_214 = arith.constant 0 : i32
    %dma_start3A_215 = tpu.memref_slice %arg15[%dma_start3A_212, %dma_start3A_213, %dma_start3A_214] : memref<4x80x128xf32, #tpu.memory_space<vmem>> -> memref<1x80x128xf32, #tpu.memory_space<vmem>>
    %dma_start3A_216 = tpu.memref_squeeze %dma_start3A_215 : memref<1x80x128xf32, #tpu.memory_space<vmem>> -> memref<80x128xf32, #tpu.memory_space<vmem>>
    %dma_start3A_217 = arith.constant 128 : i32
    %dma_start3A_218 = tpu.memref_slice %arg9[%mul3A_53, %dma_start3A_217] : memref<50000x512xf32, #tpu.memory_space<hbm>> -> memref<80x128xf32, #tpu.memory_space<hbm>>
    %dma_start3A_219 = arith.constant 128 : i32
    %dma_start3A_220 = tpu.memref_slice %arg9[%mul3A_53, %dma_start3A_219] : memref<50000x512xf32, #tpu.memory_space<hbm>> -> memref<80x128xf32, #tpu.memory_space<hbm>>
    %dma_start3A_221 = arith.constant 0 : i32
    %dma_start3A_222 = arith.constant 0 : i32
    %dma_start3A_223 = tpu.memref_slice %arg15[%dma_start3A_212, %dma_start3A_221, %dma_start3A_222] : memref<4x80x128xf32, #tpu.memory_space<vmem>> -> memref<1x80x128xf32, #tpu.memory_space<vmem>>
    %dma_start3A_224 = tpu.memref_squeeze %dma_start3A_223 : memref<1x80x128xf32, #tpu.memory_space<vmem>> -> memref<80x128xf32, #tpu.memory_space<vmem>>
    tpu.enqueue_dma source(%dma_start3A_224 : memref<80x128xf32, #tpu.memory_space<vmem>>) target(%dma_start3A_220 : memref<80x128xf32, #tpu.memory_space<hbm>>) target_semaphore(%arg20 : memref<!tpu.dma_semaphore, #tpu.memory_space<semaphore_mem>>)
    %dma_start3A_225 = arith.constant 2 : i32
    %dma_start3A_226 = arith.constant 0 : i32
    %dma_start3A_227 = arith.constant 0 : i32
    %dma_start3A_228 = tpu.memref_slice %arg15[%dma_start3A_225, %dma_start3A_226, %dma_start3A_227] : memref<4x80x128xf32, #tpu.memory_space<vmem>> -> memref<1x80x128xf32, #tpu.memory_space<vmem>>
    %dma_start3A_229 = tpu.memref_squeeze %dma_start3A_228 : memref<1x80x128xf32, #tpu.memory_space<vmem>> -> memref<80x128xf32, #tpu.memory_space<vmem>>
    %dma_start3A_230 = arith.constant 256 : i32
    %dma_start3A_231 = tpu.memref_slice %arg9[%mul3A_53, %dma_start3A_230] : memref<50000x512xf32, #tpu.memory_space<hbm>> -> memref<80x128xf32, #tpu.memory_space<hbm>>
    %dma_start3A_232 = arith.constant 256 : i32
    %dma_start3A_233 = tpu.memref_slice %arg9[%mul3A_53, %dma_start3A_232] : memref<50000x512xf32, #tpu.memory_space<hbm>> -> memref<80x128xf32, #tpu.memory_space<hbm>>
    %dma_start3A_234 = arith.constant 0 : i32
    %dma_start3A_235 = arith.constant 0 : i32
    %dma_start3A_236 = tpu.memref_slice %arg15[%dma_start3A_225, %dma_start3A_234, %dma_start3A_235] : memref<4x80x128xf32, #tpu.memory_space<vmem>> -> memref<1x80x128xf32, #tpu.memory_space<vmem>>
    %dma_start3A_237 = tpu.memref_squeeze %dma_start3A_236 : memref<1x80x128xf32, #tpu.memory_space<vmem>> -> memref<80x128xf32, #tpu.memory_space<vmem>>
    tpu.enqueue_dma source(%dma_start3A_237 : memref<80x128xf32, #tpu.memory_space<vmem>>) target(%dma_start3A_233 : memref<80x128xf32, #tpu.memory_space<hbm>>) target_semaphore(%arg20 : memref<!tpu.dma_semaphore, #tpu.memory_space<semaphore_mem>>)
    %dma_start3A_238 = arith.constant 3 : i32
    %dma_start3A_239 = arith.constant 0 : i32
    %dma_start3A_240 = arith.constant 0 : i32
    %dma_start3A_241 = tpu.memref_slice %arg15[%dma_start3A_238, %dma_start3A_239, %dma_start3A_240] : memref<4x80x128xf32, #tpu.memory_space<vmem>> -> memref<1x80x128xf32, #tpu.memory_space<vmem>>
    %dma_start3A_242 = tpu.memref_squeeze %dma_start3A_241 : memref<1x80x128xf32, #tpu.memory_space<vmem>> -> memref<80x128xf32, #tpu.memory_space<vmem>>
    %dma_start3A_243 = arith.constant 384 : i32
    %dma_start3A_244 = tpu.memref_slice %arg9[%mul3A_53, %dma_start3A_243] : memref<50000x512xf32, #tpu.memory_space<hbm>> -> memref<80x128xf32, #tpu.memory_space<hbm>>
    %dma_start3A_245 = arith.constant 384 : i32
    %dma_start3A_246 = tpu.memref_slice %arg9[%mul3A_53, %dma_start3A_245] : memref<50000x512xf32, #tpu.memory_space<hbm>> -> memref<80x128xf32, #tpu.memory_space<hbm>>
    %dma_start3A_247 = arith.constant 0 : i32
    %dma_start3A_248 = arith.constant 0 : i32
    %dma_start3A_249 = tpu.memref_slice %arg15[%dma_start3A_238, %dma_start3A_247, %dma_start3A_248] : memref<4x80x128xf32, #tpu.memory_space<vmem>> -> memref<1x80x128xf32, #tpu.memory_space<vmem>>
    %dma_start3A_250 = tpu.memref_squeeze %dma_start3A_249 : memref<1x80x128xf32, #tpu.memory_space<vmem>> -> memref<80x128xf32, #tpu.memory_space<vmem>>
    tpu.enqueue_dma source(%dma_start3A_250 : memref<80x128xf32, #tpu.memory_space<vmem>>) target(%dma_start3A_246 : memref<80x128xf32, #tpu.memory_space<hbm>>) target_semaphore(%arg20 : memref<!tpu.dma_semaphore, #tpu.memory_space<semaphore_mem>>)
    %add3A_251 = arith.constant 1 : i32
    %add3A_252 = arith.addi %select_n3A, %add3A_251 : i32
    %while3A = arith.constant 0 : i32
    %while3A_253 = arith.subi %select_n3A_51, %add3A_252 : i32
    %while3A_254 = arith.addi %add3A_252, %while3A_253 : i32
    %while3A_255 = arith.constant 1 : i32
    %while3A_256 = arith.divsi %while3A_253, %while3A_255 : i32
    %while3A_257 = arith.muli %while3A_256, %while3A_255 : i32
    %while3A_258 = arith.addi %add3A_252, %while3A_257 : i32
    %while3A_259 = arith.constant 1 : i32
    scf.for %while3A_454 = %add3A_252 to %while3A_258 step %while3A_259  : i32 {
      %mul3A_455 = arith.constant 80 : i32
      %mul3A_456 = arith.muli %while3A_454, %mul3A_455 : i32
      "tpu.region"() ({
        %run_scoped3A = tpu.sem_alloc : memref<!tpu.dma_semaphore, #tpu.memory_space<semaphore_mem>>
        %dma_start3A_719 = arith.constant 160 : i32
        %dma_start3A_720 = tpu.memref_slice %arg14[%dma_start3A_719] : memref<560xi32, #tpu.memory_space<vmem>> -> memref<240xi32, #tpu.memory_space<vmem>>
        %dma_start3A_721 = arith.constant 0 : i32
        %dma_start3A_722 = tpu.memref_slice %arg3[%while3A_454, %dma_start3A_721] : memref<625x240xi32, #tpu.memory_space<hbm>> -> memref<1x240xi32, #tpu.memory_space<hbm>>
        %dma_start3A_723 = tpu.memref_squeeze %dma_start3A_722 : memref<1x240xi32, #tpu.memory_space<hbm>> -> memref<240xi32, #tpu.memory_space<hbm>>
        %dma_start3A_724 = arith.constant 160 : i32
        %dma_start3A_725 = tpu.memref_slice %arg14[%dma_start3A_724] : memref<560xi32, #tpu.memory_space<vmem>> -> memref<240xi32, #tpu.memory_space<vmem>>
        %dma_start3A_726 = arith.constant 0 : i32
        %dma_start3A_727 = tpu.memref_slice %arg3[%while3A_454, %dma_start3A_726] : memref<625x240xi32, #tpu.memory_space<hbm>> -> memref<1x240xi32, #tpu.memory_space<hbm>>
        %dma_start3A_728 = tpu.memref_squeeze %dma_start3A_727 : memref<1x240xi32, #tpu.memory_space<hbm>> -> memref<240xi32, #tpu.memory_space<hbm>>
        tpu.enqueue_dma source(%dma_start3A_728 : memref<240xi32, #tpu.memory_space<hbm>>) target(%dma_start3A_725 : memref<240xi32, #tpu.memory_space<vmem>>) target_semaphore(%run_scoped3A : memref<!tpu.dma_semaphore, #tpu.memory_space<semaphore_mem>>)
        %dma_wait3A_729 = arith.constant 160 : i32
        %dma_wait3A_730 = tpu.memref_slice %arg14[%dma_wait3A_729] : memref<560xi32, #tpu.memory_space<vmem>> -> memref<240xi32, #tpu.memory_space<vmem>>
        %dma_wait3A_731 = arith.constant 0 : i32
        %dma_wait3A_732 = tpu.memref_slice %arg3[%while3A_454, %dma_wait3A_731] : memref<625x240xi32, #tpu.memory_space<hbm>> -> memref<1x240xi32, #tpu.memory_space<hbm>>
        %dma_wait3A_733 = tpu.memref_squeeze %dma_wait3A_732 : memref<1x240xi32, #tpu.memory_space<hbm>> -> memref<240xi32, #tpu.memory_space<hbm>>
        %dma_wait3A_734 = arith.constant 160 : i32
        %dma_wait3A_735 = tpu.memref_slice %arg14[%dma_wait3A_734] : memref<560xi32, #tpu.memory_space<vmem>> -> memref<240xi32, #tpu.memory_space<vmem>>
        %dma_wait3A_736 = arith.constant 0 : i32
        %dma_wait3A_737 = tpu.memref_slice %arg3[%while3A_454, %dma_wait3A_736] : memref<625x240xi32, #tpu.memory_space<hbm>> -> memref<1x240xi32, #tpu.memory_space<hbm>>
        %dma_wait3A_738 = tpu.memref_squeeze %dma_wait3A_737 : memref<1x240xi32, #tpu.memory_space<hbm>> -> memref<240xi32, #tpu.memory_space<hbm>>
        tpu.wait_dma2 semaphore(%run_scoped3A : memref<!tpu.dma_semaphore, #tpu.memory_space<semaphore_mem>>) src(%dma_wait3A_738 : memref<240xi32, #tpu.memory_space<hbm>>) dst(%dma_wait3A_735 : memref<240xi32, #tpu.memory_space<vmem>>)
        tpu.yield
      }) : () -> ()
      %get3A_457 = arith.constant 160 : index
      %get3A_458 = tpu.vector_load %arg14[%get3A_457] {strides = array<i32>} : memref<560xi32, #tpu.memory_space<vmem>>, vector<16xi32>,
      %add3A_459 = arith.constant 51008 : i32
      %add3A_460 = vector.broadcast %add3A_459 : i32 to vector<16xi32>
      %add3A_461 = arith.addi %get3A_458, %add3A_460 : vector<16xi32>
      %gather3A_462 = tpu.vector_load_idx %arg13[%add3A_461] : memref<52016xi32, #tpu.memory_space<vmem>>[vector<16xi32>], vector<16xi32>,
      %swap3A_463 = arith.constant 400 : index
      %swap3A_464 = tpu.vector_load %arg14[%swap3A_463] {strides = array<i32>} : memref<560xi32, #tpu.memory_space<vmem>>, vector<16xi32>,
      tpu.vector_store %arg14[%swap3A_463], %gather3A_462 {strides = array<i32>} : memref<560xi32, #tpu.memory_space<vmem>>, vector<16xi32>,
      %add3A_465 = arith.constant 50008 : i32
      %add3A_466 = vector.broadcast %add3A_465 : i32 to vector<16xi32>
      %add3A_467 = arith.addi %get3A_458, %add3A_466 : vector<16xi32>
      %gather3A_468 = tpu.vector_load_idx %arg13[%add3A_467] : memref<52016xi32, #tpu.memory_space<vmem>>[vector<16xi32>], vector<16xi32>,
      %swap3A_469 = arith.constant 480 : index
      %swap3A_470 = tpu.vector_load %arg14[%swap3A_469] {strides = array<i32>} : memref<560xi32, #tpu.memory_space<vmem>>, vector<16xi32>,
      tpu.vector_store %arg14[%swap3A_469], %gather3A_468 {strides = array<i32>} : memref<560xi32, #tpu.memory_space<vmem>>, vector<16xi32>,
      %get3A_471 = arith.constant 176 : index
      %get3A_472 = tpu.vector_load %arg14[%get3A_471] {strides = array<i32>} : memref<560xi32, #tpu.memory_space<vmem>>, vector<16xi32>,
      %add3A_473 = arith.constant 51008 : i32
      %add3A_474 = vector.broadcast %add3A_473 : i32 to vector<16xi32>
      %add3A_475 = arith.addi %get3A_472, %add3A_474 : vector<16xi32>
      %gather3A_476 = tpu.vector_load_idx %arg13[%add3A_475] : memref<52016xi32, #tpu.memory_space<vmem>>[vector<16xi32>], vector<16xi32>,
      %swap3A_477 = arith.constant 416 : index
      %swap3A_478 = tpu.vector_load %arg14[%swap3A_477] {strides = array<i32>} : memref<560xi32, #tpu.memory_space<vmem>>, vector<16xi32>,
      tpu.vector_store %arg14[%swap3A_477], %gather3A_476 {strides = array<i32>} : memref<560xi32, #tpu.memory_space<vmem>>, vector<16xi32>,
      %add3A_479 = arith.constant 50008 : i32
      %add3A_480 = vector.broadcast %add3A_479 : i32 to vector<16xi32>
      %add3A_481 = arith.addi %get3A_472, %add3A_480 : vector<16xi32>
      %gather3A_482 = tpu.vector_load_idx %arg13[%add3A_481] : memref<52016xi32, #tpu.memory_space<vmem>>[vector<16xi32>], vector<16xi32>,
      %swap3A_483 = arith.constant 496 : index
      %swap3A_484 = tpu.vector_load %arg14[%swap3A_483] {strides = array<i32>} : memref<560xi32, #tpu.memory_space<vmem>>, vector<16xi32>,
      tpu.vector_store %arg14[%swap3A_483], %gather3A_482 {strides = array<i32>} : memref<560xi32, #tpu.memory_space<vmem>>, vector<16xi32>,
      %get3A_485 = arith.constant 192 : index
      %get3A_486 = tpu.vector_load %arg14[%get3A_485] {strides = array<i32>} : memref<560xi32, #tpu.memory_space<vmem>>, vector<16xi32>,
      %add3A_487 = arith.constant 51008 : i32
      %add3A_488 = vector.broadcast %add3A_487 : i32 to vector<16xi32>
      %add3A_489 = arith.addi %get3A_486, %add3A_488 : vector<16xi32>
      %gather3A_490 = tpu.vector_load_idx %arg13[%add3A_489] : memref<52016xi32, #tpu.memory_space<vmem>>[vector<16xi32>], vector<16xi32>,
      %swap3A_491 = arith.constant 432 : index
      %swap3A_492 = tpu.vector_load %arg14[%swap3A_491] {strides = array<i32>} : memref<560xi32, #tpu.memory_space<vmem>>, vector<16xi32>,
      tpu.vector_store %arg14[%swap3A_491], %gather3A_490 {strides = array<i32>} : memref<560xi32, #tpu.memory_space<vmem>>, vector<16xi32>,
      %add3A_493 = arith.constant 50008 : i32
      %add3A_494 = vector.broadcast %add3A_493 : i32 to vector<16xi32>
      %add3A_495 = arith.addi %get3A_486, %add3A_494 : vector<16xi32>
      %gather3A_496 = tpu.vector_load_idx %arg13[%add3A_495] : memref<52016xi32, #tpu.memory_space<vmem>>[vector<16xi32>], vector<16xi32>,
      %swap3A_497 = arith.constant 512 : index
      %swap3A_498 = tpu.vector_load %arg14[%swap3A_497] {strides = array<i32>} : memref<560xi32, #tpu.memory_space<vmem>>, vector<16xi32>,
      tpu.vector_store %arg14[%swap3A_497], %gather3A_496 {strides = array<i32>} : memref<560xi32, #tpu.memory_space<vmem>>, vector<16xi32>,
      %get3A_499 = arith.constant 208 : index
      %get3A_500 = tpu.vector_load %arg14[%get3A_499] {strides = array<i32>} : memref<560xi32, #tpu.memory_space<vmem>>, vector<16xi32>,
      %add3A_501 = arith.constant 51008 : i32
      %add3A_502 = vector.broadcast %add3A_501 : i32 to vector<16xi32>
      %add3A_503 = arith.addi %get3A_500, %add3A_502 : vector<16xi32>
      %gather3A_504 = tpu.vector_load_idx %arg13[%add3A_503] : memref<52016xi32, #tpu.memory_space<vmem>>[vector<16xi32>], vector<16xi32>,
      %swap3A_505 = arith.constant 448 : index
      %swap3A_506 = tpu.vector_load %arg14[%swap3A_505] {strides = array<i32>} : memref<560xi32, #tpu.memory_space<vmem>>, vector<16xi32>,
      tpu.vector_store %arg14[%swap3A_505], %gather3A_504 {strides = array<i32>} : memref<560xi32, #tpu.memory_space<vmem>>, vector<16xi32>,
      %add3A_507 = arith.constant 50008 : i32
      %add3A_508 = vector.broadcast %add3A_507 : i32 to vector<16xi32>
      %add3A_509 = arith.addi %get3A_500, %add3A_508 : vector<16xi32>
      %gather3A_510 = tpu.vector_load_idx %arg13[%add3A_509] : memref<52016xi32, #tpu.memory_space<vmem>>[vector<16xi32>], vector<16xi32>,
      %swap3A_511 = arith.constant 528 : index
      %swap3A_512 = tpu.vector_load %arg14[%swap3A_511] {strides = array<i32>} : memref<560xi32, #tpu.memory_space<vmem>>, vector<16xi32>,
      tpu.vector_store %arg14[%swap3A_511], %gather3A_510 {strides = array<i32>} : memref<560xi32, #tpu.memory_space<vmem>>, vector<16xi32>,
      %get3A_513 = arith.constant 224 : index
      %get3A_514 = tpu.vector_load %arg14[%get3A_513] {strides = array<i32>} : memref<560xi32, #tpu.memory_space<vmem>>, vector<16xi32>,
      %add3A_515 = arith.constant 51008 : i32
      %add3A_516 = vector.broadcast %add3A_515 : i32 to vector<16xi32>
      %add3A_517 = arith.addi %get3A_514, %add3A_516 : vector<16xi32>
      %gather3A_518 = tpu.vector_load_idx %arg13[%add3A_517] : memref<52016xi32, #tpu.memory_space<vmem>>[vector<16xi32>], vector<16xi32>,
      %swap3A_519 = arith.constant 464 : index
      %swap3A_520 = tpu.vector_load %arg14[%swap3A_519] {strides = array<i32>} : memref<560xi32, #tpu.memory_space<vmem>>, vector<16xi32>,
      tpu.vector_store %arg14[%swap3A_519], %gather3A_518 {strides = array<i32>} : memref<560xi32, #tpu.memory_space<vmem>>, vector<16xi32>,
      %add3A_521 = arith.constant 50008 : i32
      %add3A_522 = vector.broadcast %add3A_521 : i32 to vector<16xi32>
      %add3A_523 = arith.addi %get3A_514, %add3A_522 : vector<16xi32>
      %gather3A_524 = tpu.vector_load_idx %arg13[%add3A_523] : memref<52016xi32, #tpu.memory_space<vmem>>[vector<16xi32>], vector<16xi32>,
      %swap3A_525 = arith.constant 544 : index
      %swap3A_526 = tpu.vector_load %arg14[%swap3A_525] {strides = array<i32>} : memref<560xi32, #tpu.memory_space<vmem>>, vector<16xi32>,
      tpu.vector_store %arg14[%swap3A_525], %gather3A_524 {strides = array<i32>} : memref<560xi32, #tpu.memory_space<vmem>>, vector<16xi32>,
      %dma_wait3A_527 = arith.constant 0 : i32
      %dma_wait3A_528 = arith.constant 0 : i32
      %dma_wait3A_529 = arith.constant 0 : i32
      %dma_wait3A_530 = tpu.memref_slice %arg15[%dma_wait3A_527, %dma_wait3A_528, %dma_wait3A_529] : memref<4x80x128xf32, #tpu.memory_space<vmem>> -> memref<1x80x128xf32, #tpu.memory_space<vmem>>
      %dma_wait3A_531 = tpu.memref_squeeze %dma_wait3A_530 : memref<1x80x128xf32, #tpu.memory_space<vmem>> -> memref<80x128xf32, #tpu.memory_space<vmem>>
      %dma_wait3A_532 = arith.constant 0 : i32
      %dma_wait3A_533 = arith.constant 0 : i32
      %dma_wait3A_534 = tpu.memref_slice %arg9[%dma_wait3A_532, %dma_wait3A_533] : memref<50000x512xf32, #tpu.memory_space<hbm>> -> memref<80x128xf32, #tpu.memory_space<hbm>>
      %dma_wait3A_535 = arith.constant 0 : i32
      %dma_wait3A_536 = arith.constant 0 : i32
      %dma_wait3A_537 = tpu.memref_slice %arg9[%dma_wait3A_535, %dma_wait3A_536] : memref<50000x512xf32, #tpu.memory_space<hbm>> -> memref<80x128xf32, #tpu.memory_space<hbm>>
      %dma_wait3A_538 = arith.constant 0 : i32
      %dma_wait3A_539 = arith.constant 0 : i32
      %dma_wait3A_540 = tpu.memref_slice %arg15[%dma_wait3A_527, %dma_wait3A_538, %dma_wait3A_539] : memref<4x80x128xf32, #tpu.memory_space<vmem>> -> memref<1x80x128xf32, #tpu.memory_space<vmem>>
      %dma_wait3A_541 = tpu.memref_squeeze %dma_wait3A_540 : memref<1x80x128xf32, #tpu.memory_space<vmem>> -> memref<80x128xf32, #tpu.memory_space<vmem>>
      tpu.wait_dma2 semaphore(%arg20 : memref<!tpu.dma_semaphore, #tpu.memory_space<semaphore_mem>>) src(%dma_wait3A_541 : memref<80x128xf32, #tpu.memory_space<vmem>>) dst(%dma_wait3A_537 : memref<80x128xf32, #tpu.memory_space<hbm>>)
      %dma_wait3A_542 = arith.constant 0 : i32
      %dma_wait3A_543 = arith.constant 0 : i32
      %dma_wait3A_544 = arith.constant 0 : i32
      %dma_wait3A_545 = tpu.memref_slice %arg15[%dma_wait3A_542, %dma_wait3A_543, %dma_wait3A_544] : memref<4x80x128xf32, #tpu.memory_space<vmem>> -> memref<1x80x128xf32, #tpu.memory_space<vmem>>
      %dma_wait3A_546 = tpu.memref_squeeze %dma_wait3A_545 : memref<1x80x128xf32, #tpu.memory_space<vmem>> -> memref<80x128xf32, #tpu.memory_space<vmem>>
      %dma_wait3A_547 = arith.constant 0 : i32
      %dma_wait3A_548 = arith.constant 0 : i32
      %dma_wait3A_549 = tpu.memref_slice %arg9[%dma_wait3A_547, %dma_wait3A_548] : memref<50000x512xf32, #tpu.memory_space<hbm>> -> memref<80x128xf32, #tpu.memory_space<hbm>>
      %dma_wait3A_550 = arith.constant 0 : i32
      %dma_wait3A_551 = arith.constant 0 : i32
      %dma_wait3A_552 = tpu.memref_slice %arg9[%dma_wait3A_550, %dma_wait3A_551] : memref<50000x512xf32, #tpu.memory_space<hbm>> -> memref<80x128xf32, #tpu.memory_space<hbm>>
      %dma_wait3A_553 = arith.constant 0 : i32
      %dma_wait3A_554 = arith.constant 0 : i32
      %dma_wait3A_555 = tpu.memref_slice %arg15[%dma_wait3A_542, %dma_wait3A_553, %dma_wait3A_554] : memref<4x80x128xf32, #tpu.memory_space<vmem>> -> memref<1x80x128xf32, #tpu.memory_space<vmem>>
      %dma_wait3A_556 = tpu.memref_squeeze %dma_wait3A_555 : memref<1x80x128xf32, #tpu.memory_space<vmem>> -> memref<80x128xf32, #tpu.memory_space<vmem>>
      tpu.wait_dma2 semaphore(%arg20 : memref<!tpu.dma_semaphore, #tpu.memory_space<semaphore_mem>>) src(%dma_wait3A_556 : memref<80x128xf32, #tpu.memory_space<vmem>>) dst(%dma_wait3A_552 : memref<80x128xf32, #tpu.memory_space<hbm>>)
      %dma_wait3A_557 = arith.constant 0 : i32
      %dma_wait3A_558 = arith.constant 0 : i32
      %dma_wait3A_559 = arith.constant 0 : i32
      %dma_wait3A_560 = tpu.memref_slice %arg15[%dma_wait3A_557, %dma_wait3A_558, %dma_wait3A_559] : memref<4x80x128xf32, #tpu.memory_space<vmem>> -> memref<1x80x128xf32, #tpu.memory_space<vmem>>
      %dma_wait3A_561 = tpu.memref_squeeze %dma_wait3A_560 : memref<1x80x128xf32, #tpu.memory_space<vmem>> -> memref<80x128xf32, #tpu.memory_space<vmem>>
      %dma_wait3A_562 = arith.constant 0 : i32
      %dma_wait3A_563 = arith.constant 0 : i32
      %dma_wait3A_564 = tpu.memref_slice %arg9[%dma_wait3A_562, %dma_wait3A_563] : memref<50000x512xf32, #tpu.memory_space<hbm>> -> memref<80x128xf32, #tpu.memory_space<hbm>>
      %dma_wait3A_565 = arith.constant 0 : i32
      %dma_wait3A_566 = arith.constant 0 : i32
      %dma_wait3A_567 = tpu.memref_slice %arg9[%dma_wait3A_565, %dma_wait3A_566] : memref<50000x512xf32, #tpu.memory_space<hbm>> -> memref<80x128xf32, #tpu.memory_space<hbm>>
      %dma_wait3A_568 = arith.constant 0 : i32
      %dma_wait3A_569 = arith.constant 0 : i32
      %dma_wait3A_570 = tpu.memref_slice %arg15[%dma_wait3A_557, %dma_wait3A_568, %dma_wait3A_569] : memref<4x80x128xf32, #tpu.memory_space<vmem>> -> memref<1x80x128xf32, #tpu.memory_space<vmem>>
      %dma_wait3A_571 = tpu.memref_squeeze %dma_wait3A_570 : memref<1x80x128xf32, #tpu.memory_space<vmem>> -> memref<80x128xf32, #tpu.memory_space<vmem>>
      tpu.wait_dma2 semaphore(%arg20 : memref<!tpu.dma_semaphore, #tpu.memory_space<semaphore_mem>>) src(%dma_wait3A_571 : memref<80x128xf32, #tpu.memory_space<vmem>>) dst(%dma_wait3A_567 : memref<80x128xf32, #tpu.memory_space<hbm>>)
      %dma_wait3A_572 = arith.constant 0 : i32
      %dma_wait3A_573 = arith.constant 0 : i32
      %dma_wait3A_574 = arith.constant 0 : i32
      %dma_wait3A_575 = tpu.memref_slice %arg15[%dma_wait3A_572, %dma_wait3A_573, %dma_wait3A_574] : memref<4x80x128xf32, #tpu.memory_space<vmem>> -> memref<1x80x128xf32, #tpu.memory_space<vmem>>
      %dma_wait3A_576 = tpu.memref_squeeze %dma_wait3A_575 : memref<1x80x128xf32, #tpu.memory_space<vmem>> -> memref<80x128xf32, #tpu.memory_space<vmem>>
      %dma_wait3A_577 = arith.constant 0 : i32
      %dma_wait3A_578 = arith.constant 0 : i32
      %dma_wait3A_579 = tpu.memref_slice %arg9[%dma_wait3A_577, %dma_wait3A_578] : memref<50000x512xf32, #tpu.memory_space<hbm>> -> memref<80x128xf32, #tpu.memory_space<hbm>>
      %dma_wait3A_580 = arith.constant 0 : i32
      %dma_wait3A_581 = arith.constant 0 : i32
      %dma_wait3A_582 = tpu.memref_slice %arg9[%dma_wait3A_580, %dma_wait3A_581] : memref<50000x512xf32, #tpu.memory_space<hbm>> -> memref<80x128xf32, #tpu.memory_space<hbm>>
      %dma_wait3A_583 = arith.constant 0 : i32
      %dma_wait3A_584 = arith.constant 0 : i32
      %dma_wait3A_585 = tpu.memref_slice %arg15[%dma_wait3A_572, %dma_wait3A_583, %dma_wait3A_584] : memref<4x80x128xf32, #tpu.memory_space<vmem>> -> memref<1x80x128xf32, #tpu.memory_space<vmem>>
      %dma_wait3A_586 = tpu.memref_squeeze %dma_wait3A_585 : memref<1x80x128xf32, #tpu.memory_space<vmem>> -> memref<80x128xf32, #tpu.memory_space<vmem>>
      tpu.wait_dma2 semaphore(%arg20 : memref<!tpu.dma_semaphore, #tpu.memory_space<semaphore_mem>>) src(%dma_wait3A_586 : memref<80x128xf32, #tpu.memory_space<vmem>>) dst(%dma_wait3A_582 : memref<80x128xf32, #tpu.memory_space<hbm>>)
      %dma_start3A_587 = arith.constant 0 : i32
      %dma_start3A_588 = arith.constant 0 : i32
      %dma_start3A_589 = arith.constant 0 : i32
      %dma_start3A_590 = tpu.memref_slice %arg15[%dma_start3A_587, %dma_start3A_588, %dma_start3A_589] : memref<4x80x128xf32, #tpu.memory_space<vmem>> -> memref<1x80x128xf32, #tpu.memory_space<vmem>>
      %dma_start3A_591 = tpu.memref_squeeze %dma_start3A_590 : memref<1x80x128xf32, #tpu.memory_space<vmem>> -> memref<80x128xf32, #tpu.memory_space<vmem>>
      %dma_start3A_592 = arith.constant 240 : i32
      %dma_start3A_593 = tpu.memref_slice %arg14[%dma_start3A_592] : memref<560xi32, #tpu.memory_space<vmem>> -> memref<80xi32, #tpu.memory_space<vmem>>
      %dma_start3A_594 = arith.constant 0 : i32
      %dma_start3A_595 = arith.constant 0 : i32
      %dma_start3A_596 = tpu.memref_slice %arg17[%dma_start3A_594, %dma_start3A_595] : memref<1369x128xf32, #tpu.memory_space<vmem_shared>> -> memref<1369x128xf32, #tpu.memory_space<vmem_shared>>
      tpu.enqueue_indirect_dma source(%dma_start3A_596 : memref<1369x128xf32, #tpu.memory_space<vmem_shared>>) target(%dma_start3A_591 : memref<80x128xf32, #tpu.memory_space<vmem>>) offsets(%dma_start3A_593 : memref<80xi32, #tpu.memory_space<vmem>>) semaphore(%arg19 : memref<!tpu.dma_semaphore, #tpu.memory_space<semaphore_mem>>)
      %dma_start3A_597 = arith.constant 1 : i32
      %dma_start3A_598 = arith.constant 0 : i32
      %dma_start3A_599 = arith.constant 0 : i32
      %dma_start3A_600 = tpu.memref_slice %arg15[%dma_start3A_597, %dma_start3A_598, %dma_start3A_599] : memref<4x80x128xf32, #tpu.memory_space<vmem>> -> memref<1x80x128xf32, #tpu.memory_space<vmem>>
      %dma_start3A_601 = tpu.memref_squeeze %dma_start3A_600 : memref<1x80x128xf32, #tpu.memory_space<vmem>> -> memref<80x128xf32, #tpu.memory_space<vmem>>
      %dma_start3A_602 = arith.constant 320 : i32
      %dma_start3A_603 = tpu.memref_slice %arg14[%dma_start3A_602] : memref<560xi32, #tpu.memory_space<vmem>> -> memref<80xi32, #tpu.memory_space<vmem>>
      %dma_start3A_604 = arith.constant 0 : i32
      %dma_start3A_605 = arith.constant 0 : i32
      %dma_start3A_606 = tpu.memref_slice %arg17[%dma_start3A_604, %dma_start3A_605] : memref<1369x128xf32, #tpu.memory_space<vmem_shared>> -> memref<1369x128xf32, #tpu.memory_space<vmem_shared>>
      tpu.enqueue_indirect_dma source(%dma_start3A_606 : memref<1369x128xf32, #tpu.memory_space<vmem_shared>>) target(%dma_start3A_601 : memref<80x128xf32, #tpu.memory_space<vmem>>) offsets(%dma_start3A_603 : memref<80xi32, #tpu.memory_space<vmem>>) semaphore(%arg19 : memref<!tpu.dma_semaphore, #tpu.memory_space<semaphore_mem>>)
      %dma_start3A_607 = arith.constant 2 : i32
      %dma_start3A_608 = arith.constant 0 : i32
      %dma_start3A_609 = arith.constant 0 : i32
      %dma_start3A_610 = tpu.memref_slice %arg15[%dma_start3A_607, %dma_start3A_608, %dma_start3A_609] : memref<4x80x128xf32, #tpu.memory_space<vmem>> -> memref<1x80x128xf32, #tpu.memory_space<vmem>>
      %dma_start3A_611 = tpu.memref_squeeze %dma_start3A_610 : memref<1x80x128xf32, #tpu.memory_space<vmem>> -> memref<80x128xf32, #tpu.memory_space<vmem>>
      %dma_start3A_612 = arith.constant 400 : i32
      %dma_start3A_613 = tpu.memref_slice %arg14[%dma_start3A_612] : memref<560xi32, #tpu.memory_space<vmem>> -> memref<80xi32, #tpu.memory_space<vmem>>
      %dma_start3A_614 = arith.constant 0 : i32
      %dma_start3A_615 = arith.constant 0 : i32
      %dma_start3A_616 = tpu.memref_slice %arg17[%dma_start3A_614, %dma_start3A_615] : memref<1369x128xf32, #tpu.memory_space<vmem_shared>> -> memref<1369x128xf32, #tpu.memory_space<vmem_shared>>
      tpu.enqueue_indirect_dma source(%dma_start3A_616 : memref<1369x128xf32, #tpu.memory_space<vmem_shared>>) target(%dma_start3A_611 : memref<80x128xf32, #tpu.memory_space<vmem>>) offsets(%dma_start3A_613 : memref<80xi32, #tpu.memory_space<vmem>>) semaphore(%arg19 : memref<!tpu.dma_semaphore, #tpu.memory_space<semaphore_mem>>)
      %dma_start3A_617 = arith.constant 3 : i32
      %dma_start3A_618 = arith.constant 0 : i32
      %dma_start3A_619 = arith.constant 0 : i32
      %dma_start3A_620 = tpu.memref_slice %arg15[%dma_start3A_617, %dma_start3A_618, %dma_start3A_619] : memref<4x80x128xf32, #tpu.memory_space<vmem>> -> memref<1x80x128xf32, #tpu.memory_space<vmem>>
      %dma_start3A_621 = tpu.memref_squeeze %dma_start3A_620 : memref<1x80x128xf32, #tpu.memory_space<vmem>> -> memref<80x128xf32, #tpu.memory_space<vmem>>
      %dma_start3A_622 = arith.constant 480 : i32
      %dma_start3A_623 = tpu.memref_slice %arg14[%dma_start3A_622] : memref<560xi32, #tpu.memory_space<vmem>> -> memref<80xi32, #tpu.memory_space<vmem>>
      %dma_start3A_624 = arith.constant 0 : i32
      %dma_start3A_625 = arith.constant 0 : i32
      %dma_start3A_626 = tpu.memref_slice %arg17[%dma_start3A_624, %dma_start3A_625] : memref<1369x128xf32, #tpu.memory_space<vmem_shared>> -> memref<1369x128xf32, #tpu.memory_space<vmem_shared>>
      tpu.enqueue_indirect_dma source(%dma_start3A_626 : memref<1369x128xf32, #tpu.memory_space<vmem_shared>>) target(%dma_start3A_621 : memref<80x128xf32, #tpu.memory_space<vmem>>) offsets(%dma_start3A_623 : memref<80xi32, #tpu.memory_space<vmem>>) semaphore(%arg19 : memref<!tpu.dma_semaphore, #tpu.memory_space<semaphore_mem>>)
      %dma_wait3A_627 = arith.constant 0 : i32
      %dma_wait3A_628 = arith.constant 0 : i32
      %dma_wait3A_629 = arith.constant 0 : i32
      %dma_wait3A_630 = tpu.memref_slice %arg15[%dma_wait3A_627, %dma_wait3A_628, %dma_wait3A_629] : memref<4x80x128xf32, #tpu.memory_space<vmem>> -> memref<1x80x128xf32, #tpu.memory_space<vmem>>
      %dma_wait3A_631 = tpu.memref_squeeze %dma_wait3A_630 : memref<1x80x128xf32, #tpu.memory_space<vmem>> -> memref<80x128xf32, #tpu.memory_space<vmem>>
      %dma_wait3A_632 = arith.constant 240 : i32
      %dma_wait3A_633 = tpu.memref_slice %arg14[%dma_wait3A_632] : memref<560xi32, #tpu.memory_space<vmem>> -> memref<80xi32, #tpu.memory_space<vmem>>
      %dma_wait3A_634 = arith.constant 0 : i32
      %dma_wait3A_635 = arith.constant 0 : i32
      %dma_wait3A_636 = tpu.memref_slice %arg17[%dma_wait3A_634, %dma_wait3A_635] : memref<1369x128xf32, #tpu.memory_space<vmem_shared>> -> memref<1369x128xf32, #tpu.memory_space<vmem_shared>>
      tpu.wait_indirect_dma semaphore(%arg19 : memref<!tpu.dma_semaphore, #tpu.memory_space<semaphore_mem>>) src(%dma_wait3A_636 : memref<1369x128xf32, #tpu.memory_space<vmem_shared>>) dst(%dma_wait3A_631 : memref<80x128xf32, #tpu.memory_space<vmem>>)
      %dma_wait3A_637 = arith.constant 1 : i32
      %dma_wait3A_638 = arith.constant 0 : i32
      %dma_wait3A_639 = arith.constant 0 : i32
      %dma_wait3A_640 = tpu.memref_slice %arg15[%dma_wait3A_637, %dma_wait3A_638, %dma_wait3A_639] : memref<4x80x128xf32, #tpu.memory_space<vmem>> -> memref<1x80x128xf32, #tpu.memory_space<vmem>>
      %dma_wait3A_641 = tpu.memref_squeeze %dma_wait3A_640 : memref<1x80x128xf32, #tpu.memory_space<vmem>> -> memref<80x128xf32, #tpu.memory_space<vmem>>
      %dma_wait3A_642 = arith.constant 320 : i32
      %dma_wait3A_643 = tpu.memref_slice %arg14[%dma_wait3A_642] : memref<560xi32, #tpu.memory_space<vmem>> -> memref<80xi32, #tpu.memory_space<vmem>>
      %dma_wait3A_644 = arith.constant 0 : i32
      %dma_wait3A_645 = arith.constant 0 : i32
      %dma_wait3A_646 = tpu.memref_slice %arg17[%dma_wait3A_644, %dma_wait3A_645] : memref<1369x128xf32, #tpu.memory_space<vmem_shared>> -> memref<1369x128xf32, #tpu.memory_space<vmem_shared>>
      tpu.wait_indirect_dma semaphore(%arg19 : memref<!tpu.dma_semaphore, #tpu.memory_space<semaphore_mem>>) src(%dma_wait3A_646 : memref<1369x128xf32, #tpu.memory_space<vmem_shared>>) dst(%dma_wait3A_641 : memref<80x128xf32, #tpu.memory_space<vmem>>)
      %dma_wait3A_647 = arith.constant 2 : i32
      %dma_wait3A_648 = arith.constant 0 : i32
      %dma_wait3A_649 = arith.constant 0 : i32
      %dma_wait3A_650 = tpu.memref_slice %arg15[%dma_wait3A_647, %dma_wait3A_648, %dma_wait3A_649] : memref<4x80x128xf32, #tpu.memory_space<vmem>> -> memref<1x80x128xf32, #tpu.memory_space<vmem>>
      %dma_wait3A_651 = tpu.memref_squeeze %dma_wait3A_650 : memref<1x80x128xf32, #tpu.memory_space<vmem>> -> memref<80x128xf32, #tpu.memory_space<vmem>>
      %dma_wait3A_652 = arith.constant 400 : i32
      %dma_wait3A_653 = tpu.memref_slice %arg14[%dma_wait3A_652] : memref<560xi32, #tpu.memory_space<vmem>> -> memref<80xi32, #tpu.memory_space<vmem>>
      %dma_wait3A_654 = arith.constant 0 : i32
      %dma_wait3A_655 = arith.constant 0 : i32
      %dma_wait3A_656 = tpu.memref_slice %arg17[%dma_wait3A_654, %dma_wait3A_655] : memref<1369x128xf32, #tpu.memory_space<vmem_shared>> -> memref<1369x128xf32, #tpu.memory_space<vmem_shared>>
      tpu.wait_indirect_dma semaphore(%arg19 : memref<!tpu.dma_semaphore, #tpu.memory_space<semaphore_mem>>) src(%dma_wait3A_656 : memref<1369x128xf32, #tpu.memory_space<vmem_shared>>) dst(%dma_wait3A_651 : memref<80x128xf32, #tpu.memory_space<vmem>>)
      %dma_wait3A_657 = arith.constant 3 : i32
      %dma_wait3A_658 = arith.constant 0 : i32
      %dma_wait3A_659 = arith.constant 0 : i32
      %dma_wait3A_660 = tpu.memref_slice %arg15[%dma_wait3A_657, %dma_wait3A_658, %dma_wait3A_659] : memref<4x80x128xf32, #tpu.memory_space<vmem>> -> memref<1x80x128xf32, #tpu.memory_space<vmem>>
      %dma_wait3A_661 = tpu.memref_squeeze %dma_wait3A_660 : memref<1x80x128xf32, #tpu.memory_space<vmem>> -> memref<80x128xf32, #tpu.memory_space<vmem>>
      %dma_wait3A_662 = arith.constant 480 : i32
      %dma_wait3A_663 = tpu.memref_slice %arg14[%dma_wait3A_662] : memref<560xi32, #tpu.memory_space<vmem>> -> memref<80xi32, #tpu.memory_space<vmem>>
      %dma_wait3A_664 = arith.constant 0 : i32
      %dma_wait3A_665 = arith.constant 0 : i32
      %dma_wait3A_666 = tpu.memref_slice %arg17[%dma_wait3A_664, %dma_wait3A_665] : memref<1369x128xf32, #tpu.memory_space<vmem_shared>> -> memref<1369x128xf32, #tpu.memory_space<vmem_shared>>
      tpu.wait_indirect_dma semaphore(%arg19 : memref<!tpu.dma_semaphore, #tpu.memory_space<semaphore_mem>>) src(%dma_wait3A_666 : memref<1369x128xf32, #tpu.memory_space<vmem_shared>>) dst(%dma_wait3A_661 : memref<80x128xf32, #tpu.memory_space<vmem>>)
      %dma_start3A_667 = arith.constant 0 : i32
      %dma_start3A_668 = arith.constant 0 : i32
      %dma_start3A_669 = arith.constant 0 : i32
      %dma_start3A_670 = tpu.memref_slice %arg15[%dma_start3A_667, %dma_start3A_668, %dma_start3A_669] : memref<4x80x128xf32, #tpu.memory_space<vmem>> -> memref<1x80x128xf32, #tpu.memory_space<vmem>>
      %dma_start3A_671 = tpu.memref_squeeze %dma_start3A_670 : memref<1x80x128xf32, #tpu.memory_space<vmem>> -> memref<80x128xf32, #tpu.memory_space<vmem>>
      %dma_start3A_672 = arith.constant 0 : i32
      %dma_start3A_673 = tpu.memref_slice %arg9[%mul3A_456, %dma_start3A_672] : memref<50000x512xf32, #tpu.memory_space<hbm>> -> memref<80x128xf32, #tpu.memory_space<hbm>>
      %dma_start3A_674 = arith.constant 0 : i32
      %dma_start3A_675 = tpu.memref_slice %arg9[%mul3A_456, %dma_start3A_674] : memref<50000x512xf32, #tpu.memory_space<hbm>> -> memref<80x128xf32, #tpu.memory_space<hbm>>
      %dma_start3A_676 = arith.constant 0 : i32
      %dma_start3A_677 = arith.constant 0 : i32
      %dma_start3A_678 = tpu.memref_slice %arg15[%dma_start3A_667, %dma_start3A_676, %dma_start3A_677] : memref<4x80x128xf32, #tpu.memory_space<vmem>> -> memref<1x80x128xf32, #tpu.memory_space<vmem>>
      %dma_start3A_679 = tpu.memref_squeeze %dma_start3A_678 : memref<1x80x128xf32, #tpu.memory_space<vmem>> -> memref<80x128xf32, #tpu.memory_space<vmem>>
      tpu.enqueue_dma source(%dma_start3A_679 : memref<80x128xf32, #tpu.memory_space<vmem>>) target(%dma_start3A_675 : memref<80x128xf32, #tpu.memory_space<hbm>>) target_semaphore(%arg20 : memref<!tpu.dma_semaphore, #tpu.memory_space<semaphore_mem>>)
      %dma_start3A_680 = arith.constant 1 : i32
      %dma_start3A_681 = arith.constant 0 : i32
      %dma_start3A_682 = arith.constant 0 : i32
      %dma_start3A_683 = tpu.memref_slice %arg15[%dma_start3A_680, %dma_start3A_681, %dma_start3A_682] : memref<4x80x128xf32, #tpu.memory_space<vmem>> -> memref<1x80x128xf32, #tpu.memory_space<vmem>>
      %dma_start3A_684 = tpu.memref_squeeze %dma_start3A_683 : memref<1x80x128xf32, #tpu.memory_space<vmem>> -> memref<80x128xf32, #tpu.memory_space<vmem>>
      %dma_start3A_685 = arith.constant 128 : i32
      %dma_start3A_686 = tpu.memref_slice %arg9[%mul3A_456, %dma_start3A_685] : memref<50000x512xf32, #tpu.memory_space<hbm>> -> memref<80x128xf32, #tpu.memory_space<hbm>>
      %dma_start3A_687 = arith.constant 128 : i32
      %dma_start3A_688 = tpu.memref_slice %arg9[%mul3A_456, %dma_start3A_687] : memref<50000x512xf32, #tpu.memory_space<hbm>> -> memref<80x128xf32, #tpu.memory_space<hbm>>
      %dma_start3A_689 = arith.constant 0 : i32
      %dma_start3A_690 = arith.constant 0 : i32
      %dma_start3A_691 = tpu.memref_slice %arg15[%dma_start3A_680, %dma_start3A_689, %dma_start3A_690] : memref<4x80x128xf32, #tpu.memory_space<vmem>> -> memref<1x80x128xf32, #tpu.memory_space<vmem>>
      %dma_start3A_692 = tpu.memref_squeeze %dma_start3A_691 : memref<1x80x128xf32, #tpu.memory_space<vmem>> -> memref<80x128xf32, #tpu.memory_space<vmem>>
      tpu.enqueue_dma source(%dma_start3A_692 : memref<80x128xf32, #tpu.memory_space<vmem>>) target(%dma_start3A_688 : memref<80x128xf32, #tpu.memory_space<hbm>>) target_semaphore(%arg20 : memref<!tpu.dma_semaphore, #tpu.memory_space<semaphore_mem>>)
      %dma_start3A_693 = arith.constant 2 : i32
      %dma_start3A_694 = arith.constant 0 : i32
      %dma_start3A_695 = arith.constant 0 : i32
      %dma_start3A_696 = tpu.memref_slice %arg15[%dma_start3A_693, %dma_start3A_694, %dma_start3A_695] : memref<4x80x128xf32, #tpu.memory_space<vmem>> -> memref<1x80x128xf32, #tpu.memory_space<vmem>>
      %dma_start3A_697 = tpu.memref_squeeze %dma_start3A_696 : memref<1x80x128xf32, #tpu.memory_space<vmem>> -> memref<80x128xf32, #tpu.memory_space<vmem>>
      %dma_start3A_698 = arith.constant 256 : i32
      %dma_start3A_699 = tpu.memref_slice %arg9[%mul3A_456, %dma_start3A_698] : memref<50000x512xf32, #tpu.memory_space<hbm>> -> memref<80x128xf32, #tpu.memory_space<hbm>>
      %dma_start3A_700 = arith.constant 256 : i32
      %dma_start3A_701 = tpu.memref_slice %arg9[%mul3A_456, %dma_start3A_700] : memref<50000x512xf32, #tpu.memory_space<hbm>> -> memref<80x128xf32, #tpu.memory_space<hbm>>
      %dma_start3A_702 = arith.constant 0 : i32
      %dma_start3A_703 = arith.constant 0 : i32
      %dma_start3A_704 = tpu.memref_slice %arg15[%dma_start3A_693, %dma_start3A_702, %dma_start3A_703] : memref<4x80x128xf32, #tpu.memory_space<vmem>> -> memref<1x80x128xf32, #tpu.memory_space<vmem>>
      %dma_start3A_705 = tpu.memref_squeeze %dma_start3A_704 : memref<1x80x128xf32, #tpu.memory_space<vmem>> -> memref<80x128xf32, #tpu.memory_space<vmem>>
      tpu.enqueue_dma source(%dma_start3A_705 : memref<80x128xf32, #tpu.memory_space<vmem>>) target(%dma_start3A_701 : memref<80x128xf32, #tpu.memory_space<hbm>>) target_semaphore(%arg20 : memref<!tpu.dma_semaphore, #tpu.memory_space<semaphore_mem>>)
      %dma_start3A_706 = arith.constant 3 : i32
      %dma_start3A_707 = arith.constant 0 : i32
      %dma_start3A_708 = arith.constant 0 : i32
      %dma_start3A_709 = tpu.memref_slice %arg15[%dma_start3A_706, %dma_start3A_707, %dma_start3A_708] : memref<4x80x128xf32, #tpu.memory_space<vmem>> -> memref<1x80x128xf32, #tpu.memory_space<vmem>>
      %dma_start3A_710 = tpu.memref_squeeze %dma_start3A_709 : memref<1x80x128xf32, #tpu.memory_space<vmem>> -> memref<80x128xf32, #tpu.memory_space<vmem>>
      %dma_start3A_711 = arith.constant 384 : i32
      %dma_start3A_712 = tpu.memref_slice %arg9[%mul3A_456, %dma_start3A_711] : memref<50000x512xf32, #tpu.memory_space<hbm>> -> memref<80x128xf32, #tpu.memory_space<hbm>>
      %dma_start3A_713 = arith.constant 384 : i32
      %dma_start3A_714 = tpu.memref_slice %arg9[%mul3A_456, %dma_start3A_713] : memref<50000x512xf32, #tpu.memory_space<hbm>> -> memref<80x128xf32, #tpu.memory_space<hbm>>
      %dma_start3A_715 = arith.constant 0 : i32
      %dma_start3A_716 = arith.constant 0 : i32
      %dma_start3A_717 = tpu.memref_slice %arg15[%dma_start3A_706, %dma_start3A_715, %dma_start3A_716] : memref<4x80x128xf32, #tpu.memory_space<vmem>> -> memref<1x80x128xf32, #tpu.memory_space<vmem>>
      %dma_start3A_718 = tpu.memref_squeeze %dma_start3A_717 : memref<1x80x128xf32, #tpu.memory_space<vmem>> -> memref<80x128xf32, #tpu.memory_space<vmem>>
      tpu.enqueue_dma source(%dma_start3A_718 : memref<80x128xf32, #tpu.memory_space<vmem>>) target(%dma_start3A_714 : memref<80x128xf32, #tpu.memory_space<hbm>>) target_semaphore(%arg20 : memref<!tpu.dma_semaphore, #tpu.memory_space<semaphore_mem>>)
    }
    %while3A_260 = arith.constant 1 : i32
    scf.for %while3A_454 = %while3A_258 to %while3A_254 step %while3A_260  : i32 {
      %mul3A_455 = arith.constant 80 : i32
      %mul3A_456 = arith.muli %while3A_454, %mul3A_455 : i32
      "tpu.region"() ({
        %run_scoped3A = tpu.sem_alloc : memref<!tpu.dma_semaphore, #tpu.memory_space<semaphore_mem>>
        %dma_start3A_719 = arith.constant 160 : i32
        %dma_start3A_720 = tpu.memref_slice %arg14[%dma_start3A_719] : memref<560xi32, #tpu.memory_space<vmem>> -> memref<240xi32, #tpu.memory_space<vmem>>
        %dma_start3A_721 = arith.constant 0 : i32
        %dma_start3A_722 = tpu.memref_slice %arg3[%while3A_454, %dma_start3A_721] : memref<625x240xi32, #tpu.memory_space<hbm>> -> memref<1x240xi32, #tpu.memory_space<hbm>>
        %dma_start3A_723 = tpu.memref_squeeze %dma_start3A_722 : memref<1x240xi32, #tpu.memory_space<hbm>> -> memref<240xi32, #tpu.memory_space<hbm>>
        %dma_start3A_724 = arith.constant 160 : i32
        %dma_start3A_725 = tpu.memref_slice %arg14[%dma_start3A_724] : memref<560xi32, #tpu.memory_space<vmem>> -> memref<240xi32, #tpu.memory_space<vmem>>
        %dma_start3A_726 = arith.constant 0 : i32
        %dma_start3A_727 = tpu.memref_slice %arg3[%while3A_454, %dma_start3A_726] : memref<625x240xi32, #tpu.memory_space<hbm>> -> memref<1x240xi32, #tpu.memory_space<hbm>>
        %dma_start3A_728 = tpu.memref_squeeze %dma_start3A_727 : memref<1x240xi32, #tpu.memory_space<hbm>> -> memref<240xi32, #tpu.memory_space<hbm>>
        tpu.enqueue_dma source(%dma_start3A_728 : memref<240xi32, #tpu.memory_space<hbm>>) target(%dma_start3A_725 : memref<240xi32, #tpu.memory_space<vmem>>) target_semaphore(%run_scoped3A : memref<!tpu.dma_semaphore, #tpu.memory_space<semaphore_mem>>)
        %dma_wait3A_729 = arith.constant 160 : i32
        %dma_wait3A_730 = tpu.memref_slice %arg14[%dma_wait3A_729] : memref<560xi32, #tpu.memory_space<vmem>> -> memref<240xi32, #tpu.memory_space<vmem>>
        %dma_wait3A_731 = arith.constant 0 : i32
        %dma_wait3A_732 = tpu.memref_slice %arg3[%while3A_454, %dma_wait3A_731] : memref<625x240xi32, #tpu.memory_space<hbm>> -> memref<1x240xi32, #tpu.memory_space<hbm>>
        %dma_wait3A_733 = tpu.memref_squeeze %dma_wait3A_732 : memref<1x240xi32, #tpu.memory_space<hbm>> -> memref<240xi32, #tpu.memory_space<hbm>>
        %dma_wait3A_734 = arith.constant 160 : i32
        %dma_wait3A_735 = tpu.memref_slice %arg14[%dma_wait3A_734] : memref<560xi32, #tpu.memory_space<vmem>> -> memref<240xi32, #tpu.memory_space<vmem>>
        %dma_wait3A_736 = arith.constant 0 : i32
        %dma_wait3A_737 = tpu.memref_slice %arg3[%while3A_454, %dma_wait3A_736] : memref<625x240xi32, #tpu.memory_space<hbm>> -> memref<1x240xi32, #tpu.memory_space<hbm>>
        %dma_wait3A_738 = tpu.memref_squeeze %dma_wait3A_737 : memref<1x240xi32, #tpu.memory_space<hbm>> -> memref<240xi32, #tpu.memory_space<hbm>>
        tpu.wait_dma2 semaphore(%run_scoped3A : memref<!tpu.dma_semaphore, #tpu.memory_space<semaphore_mem>>) src(%dma_wait3A_738 : memref<240xi32, #tpu.memory_space<hbm>>) dst(%dma_wait3A_735 : memref<240xi32, #tpu.memory_space<vmem>>)
        tpu.yield
      }) : () -> ()
      %get3A_457 = arith.constant 160 : index
      %get3A_458 = tpu.vector_load %arg14[%get3A_457] {strides = array<i32>} : memref<560xi32, #tpu.memory_space<vmem>>, vector<16xi32>,
      %add3A_459 = arith.constant 51008 : i32
      %add3A_460 = vector.broadcast %add3A_459 : i32 to vector<16xi32>
      %add3A_461 = arith.addi %get3A_458, %add3A_460 : vector<16xi32>
      %gather3A_462 = tpu.vector_load_idx %arg13[%add3A_461] : memref<52016xi32, #tpu.memory_space<vmem>>[vector<16xi32>], vector<16xi32>,
      %swap3A_463 = arith.constant 400 : index
      %swap3A_464 = tpu.vector_load %arg14[%swap3A_463] {strides = array<i32>} : memref<560xi32, #tpu.memory_space<vmem>>, vector<16xi32>,
      tpu.vector_store %arg14[%swap3A_463], %gather3A_462 {strides = array<i32>} : memref<560xi32, #tpu.memory_space<vmem>>, vector<16xi32>,
      %add3A_465 = arith.constant 50008 : i32
      %add3A_466 = vector.broadcast %add3A_465 : i32 to vector<16xi32>
      %add3A_467 = arith.addi %get3A_458, %add3A_466 : vector<16xi32>
      %gather3A_468 = tpu.vector_load_idx %arg13[%add3A_467] : memref<52016xi32, #tpu.memory_space<vmem>>[vector<16xi32>], vector<16xi32>,
      %swap3A_469 = arith.constant 480 : index
      %swap3A_470 = tpu.vector_load %arg14[%swap3A_469] {strides = array<i32>} : memref<560xi32, #tpu.memory_space<vmem>>, vector<16xi32>,
      tpu.vector_store %arg14[%swap3A_469], %gather3A_468 {strides = array<i32>} : memref<560xi32, #tpu.memory_space<vmem>>, vector<16xi32>,
      %get3A_471 = arith.constant 176 : index
      %get3A_472 = tpu.vector_load %arg14[%get3A_471] {strides = array<i32>} : memref<560xi32, #tpu.memory_space<vmem>>, vector<16xi32>,
      %add3A_473 = arith.constant 51008 : i32
      %add3A_474 = vector.broadcast %add3A_473 : i32 to vector<16xi32>
      %add3A_475 = arith.addi %get3A_472, %add3A_474 : vector<16xi32>
      %gather3A_476 = tpu.vector_load_idx %arg13[%add3A_475] : memref<52016xi32, #tpu.memory_space<vmem>>[vector<16xi32>], vector<16xi32>,
      %swap3A_477 = arith.constant 416 : index
      %swap3A_478 = tpu.vector_load %arg14[%swap3A_477] {strides = array<i32>} : memref<560xi32, #tpu.memory_space<vmem>>, vector<16xi32>,
      tpu.vector_store %arg14[%swap3A_477], %gather3A_476 {strides = array<i32>} : memref<560xi32, #tpu.memory_space<vmem>>, vector<16xi32>,
      %add3A_479 = arith.constant 50008 : i32
      %add3A_480 = vector.broadcast %add3A_479 : i32 to vector<16xi32>
      %add3A_481 = arith.addi %get3A_472, %add3A_480 : vector<16xi32>
      %gather3A_482 = tpu.vector_load_idx %arg13[%add3A_481] : memref<52016xi32, #tpu.memory_space<vmem>>[vector<16xi32>], vector<16xi32>,
      %swap3A_483 = arith.constant 496 : index
      %swap3A_484 = tpu.vector_load %arg14[%swap3A_483] {strides = array<i32>} : memref<560xi32, #tpu.memory_space<vmem>>, vector<16xi32>,
      tpu.vector_store %arg14[%swap3A_483], %gather3A_482 {strides = array<i32>} : memref<560xi32, #tpu.memory_space<vmem>>, vector<16xi32>,
      %get3A_485 = arith.constant 192 : index
      %get3A_486 = tpu.vector_load %arg14[%get3A_485] {strides = array<i32>} : memref<560xi32, #tpu.memory_space<vmem>>, vector<16xi32>,
      %add3A_487 = arith.constant 51008 : i32
      %add3A_488 = vector.broadcast %add3A_487 : i32 to vector<16xi32>
      %add3A_489 = arith.addi %get3A_486, %add3A_488 : vector<16xi32>
      %gather3A_490 = tpu.vector_load_idx %arg13[%add3A_489] : memref<52016xi32, #tpu.memory_space<vmem>>[vector<16xi32>], vector<16xi32>,
      %swap3A_491 = arith.constant 432 : index
      %swap3A_492 = tpu.vector_load %arg14[%swap3A_491] {strides = array<i32>} : memref<560xi32, #tpu.memory_space<vmem>>, vector<16xi32>,
      tpu.vector_store %arg14[%swap3A_491], %gather3A_490 {strides = array<i32>} : memref<560xi32, #tpu.memory_space<vmem>>, vector<16xi32>,
      %add3A_493 = arith.constant 50008 : i32
      %add3A_494 = vector.broadcast %add3A_493 : i32 to vector<16xi32>
      %add3A_495 = arith.addi %get3A_486, %add3A_494 : vector<16xi32>
      %gather3A_496 = tpu.vector_load_idx %arg13[%add3A_495] : memref<52016xi32, #tpu.memory_space<vmem>>[vector<16xi32>], vector<16xi32>,
      %swap3A_497 = arith.constant 512 : index
      %swap3A_498 = tpu.vector_load %arg14[%swap3A_497] {strides = array<i32>} : memref<560xi32, #tpu.memory_space<vmem>>, vector<16xi32>,
      tpu.vector_store %arg14[%swap3A_497], %gather3A_496 {strides = array<i32>} : memref<560xi32, #tpu.memory_space<vmem>>, vector<16xi32>,
      %get3A_499 = arith.constant 208 : index
      %get3A_500 = tpu.vector_load %arg14[%get3A_499] {strides = array<i32>} : memref<560xi32, #tpu.memory_space<vmem>>, vector<16xi32>,
      %add3A_501 = arith.constant 51008 : i32
      %add3A_502 = vector.broadcast %add3A_501 : i32 to vector<16xi32>
      %add3A_503 = arith.addi %get3A_500, %add3A_502 : vector<16xi32>
      %gather3A_504 = tpu.vector_load_idx %arg13[%add3A_503] : memref<52016xi32, #tpu.memory_space<vmem>>[vector<16xi32>], vector<16xi32>,
      %swap3A_505 = arith.constant 448 : index
      %swap3A_506 = tpu.vector_load %arg14[%swap3A_505] {strides = array<i32>} : memref<560xi32, #tpu.memory_space<vmem>>, vector<16xi32>,
      tpu.vector_store %arg14[%swap3A_505], %gather3A_504 {strides = array<i32>} : memref<560xi32, #tpu.memory_space<vmem>>, vector<16xi32>,
      %add3A_507 = arith.constant 50008 : i32
      %add3A_508 = vector.broadcast %add3A_507 : i32 to vector<16xi32>
      %add3A_509 = arith.addi %get3A_500, %add3A_508 : vector<16xi32>
      %gather3A_510 = tpu.vector_load_idx %arg13[%add3A_509] : memref<52016xi32, #tpu.memory_space<vmem>>[vector<16xi32>], vector<16xi32>,
      %swap3A_511 = arith.constant 528 : index
      %swap3A_512 = tpu.vector_load %arg14[%swap3A_511] {strides = array<i32>} : memref<560xi32, #tpu.memory_space<vmem>>, vector<16xi32>,
      tpu.vector_store %arg14[%swap3A_511], %gather3A_510 {strides = array<i32>} : memref<560xi32, #tpu.memory_space<vmem>>, vector<16xi32>,
      %get3A_513 = arith.constant 224 : index
      %get3A_514 = tpu.vector_load %arg14[%get3A_513] {strides = array<i32>} : memref<560xi32, #tpu.memory_space<vmem>>, vector<16xi32>,
      %add3A_515 = arith.constant 51008 : i32
      %add3A_516 = vector.broadcast %add3A_515 : i32 to vector<16xi32>
      %add3A_517 = arith.addi %get3A_514, %add3A_516 : vector<16xi32>
      %gather3A_518 = tpu.vector_load_idx %arg13[%add3A_517] : memref<52016xi32, #tpu.memory_space<vmem>>[vector<16xi32>], vector<16xi32>,
      %swap3A_519 = arith.constant 464 : index
      %swap3A_520 = tpu.vector_load %arg14[%swap3A_519] {strides = array<i32>} : memref<560xi32, #tpu.memory_space<vmem>>, vector<16xi32>,
      tpu.vector_store %arg14[%swap3A_519], %gather3A_518 {strides = array<i32>} : memref<560xi32, #tpu.memory_space<vmem>>, vector<16xi32>,
      %add3A_521 = arith.constant 50008 : i32
      %add3A_522 = vector.broadcast %add3A_521 : i32 to vector<16xi32>
      %add3A_523 = arith.addi %get3A_514, %add3A_522 : vector<16xi32>
      %gather3A_524 = tpu.vector_load_idx %arg13[%add3A_523] : memref<52016xi32, #tpu.memory_space<vmem>>[vector<16xi32>], vector<16xi32>,
      %swap3A_525 = arith.constant 544 : index
      %swap3A_526 = tpu.vector_load %arg14[%swap3A_525] {strides = array<i32>} : memref<560xi32, #tpu.memory_space<vmem>>, vector<16xi32>,
      tpu.vector_store %arg14[%swap3A_525], %gather3A_524 {strides = array<i32>} : memref<560xi32, #tpu.memory_space<vmem>>, vector<16xi32>,
      %dma_wait3A_527 = arith.constant 0 : i32
      %dma_wait3A_528 = arith.constant 0 : i32
      %dma_wait3A_529 = arith.constant 0 : i32
      %dma_wait3A_530 = tpu.memref_slice %arg15[%dma_wait3A_527, %dma_wait3A_528, %dma_wait3A_529] : memref<4x80x128xf32, #tpu.memory_space<vmem>> -> memref<1x80x128xf32, #tpu.memory_space<vmem>>
      %dma_wait3A_531 = tpu.memref_squeeze %dma_wait3A_530 : memref<1x80x128xf32, #tpu.memory_space<vmem>> -> memref<80x128xf32, #tpu.memory_space<vmem>>
      %dma_wait3A_532 = arith.constant 0 : i32
      %dma_wait3A_533 = arith.constant 0 : i32
      %dma_wait3A_534 = tpu.memref_slice %arg9[%dma_wait3A_532, %dma_wait3A_533] : memref<50000x512xf32, #tpu.memory_space<hbm>> -> memref<80x128xf32, #tpu.memory_space<hbm>>
      %dma_wait3A_535 = arith.constant 0 : i32
      %dma_wait3A_536 = arith.constant 0 : i32
      %dma_wait3A_537 = tpu.memref_slice %arg9[%dma_wait3A_535, %dma_wait3A_536] : memref<50000x512xf32, #tpu.memory_space<hbm>> -> memref<80x128xf32, #tpu.memory_space<hbm>>
      %dma_wait3A_538 = arith.constant 0 : i32
      %dma_wait3A_539 = arith.constant 0 : i32
      %dma_wait3A_540 = tpu.memref_slice %arg15[%dma_wait3A_527, %dma_wait3A_538, %dma_wait3A_539] : memref<4x80x128xf32, #tpu.memory_space<vmem>> -> memref<1x80x128xf32, #tpu.memory_space<vmem>>
      %dma_wait3A_541 = tpu.memref_squeeze %dma_wait3A_540 : memref<1x80x128xf32, #tpu.memory_space<vmem>> -> memref<80x128xf32, #tpu.memory_space<vmem>>
      tpu.wait_dma2 semaphore(%arg20 : memref<!tpu.dma_semaphore, #tpu.memory_space<semaphore_mem>>) src(%dma_wait3A_541 : memref<80x128xf32, #tpu.memory_space<vmem>>) dst(%dma_wait3A_537 : memref<80x128xf32, #tpu.memory_space<hbm>>)
      %dma_wait3A_542 = arith.constant 0 : i32
      %dma_wait3A_543 = arith.constant 0 : i32
      %dma_wait3A_544 = arith.constant 0 : i32
      %dma_wait3A_545 = tpu.memref_slice %arg15[%dma_wait3A_542, %dma_wait3A_543, %dma_wait3A_544] : memref<4x80x128xf32, #tpu.memory_space<vmem>> -> memref<1x80x128xf32, #tpu.memory_space<vmem>>
      %dma_wait3A_546 = tpu.memref_squeeze %dma_wait3A_545 : memref<1x80x128xf32, #tpu.memory_space<vmem>> -> memref<80x128xf32, #tpu.memory_space<vmem>>
      %dma_wait3A_547 = arith.constant 0 : i32
      %dma_wait3A_548 = arith.constant 0 : i32
      %dma_wait3A_549 = tpu.memref_slice %arg9[%dma_wait3A_547, %dma_wait3A_548] : memref<50000x512xf32, #tpu.memory_space<hbm>> -> memref<80x128xf32, #tpu.memory_space<hbm>>
      %dma_wait3A_550 = arith.constant 0 : i32
      %dma_wait3A_551 = arith.constant 0 : i32
      %dma_wait3A_552 = tpu.memref_slice %arg9[%dma_wait3A_550, %dma_wait3A_551] : memref<50000x512xf32, #tpu.memory_space<hbm>> -> memref<80x128xf32, #tpu.memory_space<hbm>>
      %dma_wait3A_553 = arith.constant 0 : i32
      %dma_wait3A_554 = arith.constant 0 : i32
      %dma_wait3A_555 = tpu.memref_slice %arg15[%dma_wait3A_542, %dma_wait3A_553, %dma_wait3A_554] : memref<4x80x128xf32, #tpu.memory_space<vmem>> -> memref<1x80x128xf32, #tpu.memory_space<vmem>>
      %dma_wait3A_556 = tpu.memref_squeeze %dma_wait3A_555 : memref<1x80x128xf32, #tpu.memory_space<vmem>> -> memref<80x128xf32, #tpu.memory_space<vmem>>
      tpu.wait_dma2 semaphore(%arg20 : memref<!tpu.dma_semaphore, #tpu.memory_space<semaphore_mem>>) src(%dma_wait3A_556 : memref<80x128xf32, #tpu.memory_space<vmem>>) dst(%dma_wait3A_552 : memref<80x128xf32, #tpu.memory_space<hbm>>)
      %dma_wait3A_557 = arith.constant 0 : i32
      %dma_wait3A_558 = arith.constant 0 : i32
      %dma_wait3A_559 = arith.constant 0 : i32
      %dma_wait3A_560 = tpu.memref_slice %arg15[%dma_wait3A_557, %dma_wait3A_558, %dma_wait3A_559] : memref<4x80x128xf32, #tpu.memory_space<vmem>> -> memref<1x80x128xf32, #tpu.memory_space<vmem>>
      %dma_wait3A_561 = tpu.memref_squeeze %dma_wait3A_560 : memref<1x80x128xf32, #tpu.memory_space<vmem>> -> memref<80x128xf32, #tpu.memory_space<vmem>>
      %dma_wait3A_562 = arith.constant 0 : i32
      %dma_wait3A_563 = arith.constant 0 : i32
      %dma_wait3A_564 = tpu.memref_slice %arg9[%dma_wait3A_562, %dma_wait3A_563] : memref<50000x512xf32, #tpu.memory_space<hbm>> -> memref<80x128xf32, #tpu.memory_space<hbm>>
      %dma_wait3A_565 = arith.constant 0 : i32
      %dma_wait3A_566 = arith.constant 0 : i32
      %dma_wait3A_567 = tpu.memref_slice %arg9[%dma_wait3A_565, %dma_wait3A_566] : memref<50000x512xf32, #tpu.memory_space<hbm>> -> memref<80x128xf32, #tpu.memory_space<hbm>>
      %dma_wait3A_568 = arith.constant 0 : i32
      %dma_wait3A_569 = arith.constant 0 : i32
      %dma_wait3A_570 = tpu.memref_slice %arg15[%dma_wait3A_557, %dma_wait3A_568, %dma_wait3A_569] : memref<4x80x128xf32, #tpu.memory_space<vmem>> -> memref<1x80x128xf32, #tpu.memory_space<vmem>>
      %dma_wait3A_571 = tpu.memref_squeeze %dma_wait3A_570 : memref<1x80x128xf32, #tpu.memory_space<vmem>> -> memref<80x128xf32, #tpu.memory_space<vmem>>
      tpu.wait_dma2 semaphore(%arg20 : memref<!tpu.dma_semaphore, #tpu.memory_space<semaphore_mem>>) src(%dma_wait3A_571 : memref<80x128xf32, #tpu.memory_space<vmem>>) dst(%dma_wait3A_567 : memref<80x128xf32, #tpu.memory_space<hbm>>)
      %dma_wait3A_572 = arith.constant 0 : i32
      %dma_wait3A_573 = arith.constant 0 : i32
      %dma_wait3A_574 = arith.constant 0 : i32
      %dma_wait3A_575 = tpu.memref_slice %arg15[%dma_wait3A_572, %dma_wait3A_573, %dma_wait3A_574] : memref<4x80x128xf32, #tpu.memory_space<vmem>> -> memref<1x80x128xf32, #tpu.memory_space<vmem>>
      %dma_wait3A_576 = tpu.memref_squeeze %dma_wait3A_575 : memref<1x80x128xf32, #tpu.memory_space<vmem>> -> memref<80x128xf32, #tpu.memory_space<vmem>>
      %dma_wait3A_577 = arith.constant 0 : i32
      %dma_wait3A_578 = arith.constant 0 : i32
      %dma_wait3A_579 = tpu.memref_slice %arg9[%dma_wait3A_577, %dma_wait3A_578] : memref<50000x512xf32, #tpu.memory_space<hbm>> -> memref<80x128xf32, #tpu.memory_space<hbm>>
      %dma_wait3A_580 = arith.constant 0 : i32
      %dma_wait3A_581 = arith.constant 0 : i32
      %dma_wait3A_582 = tpu.memref_slice %arg9[%dma_wait3A_580, %dma_wait3A_581] : memref<50000x512xf32, #tpu.memory_space<hbm>> -> memref<80x128xf32, #tpu.memory_space<hbm>>
      %dma_wait3A_583 = arith.constant 0 : i32
      %dma_wait3A_584 = arith.constant 0 : i32
      %dma_wait3A_585 = tpu.memref_slice %arg15[%dma_wait3A_572, %dma_wait3A_583, %dma_wait3A_584] : memref<4x80x128xf32, #tpu.memory_space<vmem>> -> memref<1x80x128xf32, #tpu.memory_space<vmem>>
      %dma_wait3A_586 = tpu.memref_squeeze %dma_wait3A_585 : memref<1x80x128xf32, #tpu.memory_space<vmem>> -> memref<80x128xf32, #tpu.memory_space<vmem>>
      tpu.wait_dma2 semaphore(%arg20 : memref<!tpu.dma_semaphore, #tpu.memory_space<semaphore_mem>>) src(%dma_wait3A_586 : memref<80x128xf32, #tpu.memory_space<vmem>>) dst(%dma_wait3A_582 : memref<80x128xf32, #tpu.memory_space<hbm>>)
      %dma_start3A_587 = arith.constant 0 : i32
      %dma_start3A_588 = arith.constant 0 : i32
      %dma_start3A_589 = arith.constant 0 : i32
      %dma_start3A_590 = tpu.memref_slice %arg15[%dma_start3A_587, %dma_start3A_588, %dma_start3A_589] : memref<4x80x128xf32, #tpu.memory_space<vmem>> -> memref<1x80x128xf32, #tpu.memory_space<vmem>>
      %dma_start3A_591 = tpu.memref_squeeze %dma_start3A_590 : memref<1x80x128xf32, #tpu.memory_space<vmem>> -> memref<80x128xf32, #tpu.memory_space<vmem>>
      %dma_start3A_592 = arith.constant 240 : i32
      %dma_start3A_593 = tpu.memref_slice %arg14[%dma_start3A_592] : memref<560xi32, #tpu.memory_space<vmem>> -> memref<80xi32, #tpu.memory_space<vmem>>
      %dma_start3A_594 = arith.constant 0 : i32
      %dma_start3A_595 = arith.constant 0 : i32
      %dma_start3A_596 = tpu.memref_slice %arg17[%dma_start3A_594, %dma_start3A_595] : memref<1369x128xf32, #tpu.memory_space<vmem_shared>> -> memref<1369x128xf32, #tpu.memory_space<vmem_shared>>
      tpu.enqueue_indirect_dma source(%dma_start3A_596 : memref<1369x128xf32, #tpu.memory_space<vmem_shared>>) target(%dma_start3A_591 : memref<80x128xf32, #tpu.memory_space<vmem>>) offsets(%dma_start3A_593 : memref<80xi32, #tpu.memory_space<vmem>>) semaphore(%arg19 : memref<!tpu.dma_semaphore, #tpu.memory_space<semaphore_mem>>)
      %dma_start3A_597 = arith.constant 1 : i32
      %dma_start3A_598 = arith.constant 0 : i32
      %dma_start3A_599 = arith.constant 0 : i32
      %dma_start3A_600 = tpu.memref_slice %arg15[%dma_start3A_597, %dma_start3A_598, %dma_start3A_599] : memref<4x80x128xf32, #tpu.memory_space<vmem>> -> memref<1x80x128xf32, #tpu.memory_space<vmem>>
      %dma_start3A_601 = tpu.memref_squeeze %dma_start3A_600 : memref<1x80x128xf32, #tpu.memory_space<vmem>> -> memref<80x128xf32, #tpu.memory_space<vmem>>
      %dma_start3A_602 = arith.constant 320 : i32
      %dma_start3A_603 = tpu.memref_slice %arg14[%dma_start3A_602] : memref<560xi32, #tpu.memory_space<vmem>> -> memref<80xi32, #tpu.memory_space<vmem>>
      %dma_start3A_604 = arith.constant 0 : i32
      %dma_start3A_605 = arith.constant 0 : i32
      %dma_start3A_606 = tpu.memref_slice %arg17[%dma_start3A_604, %dma_start3A_605] : memref<1369x128xf32, #tpu.memory_space<vmem_shared>> -> memref<1369x128xf32, #tpu.memory_space<vmem_shared>>
      tpu.enqueue_indirect_dma source(%dma_start3A_606 : memref<1369x128xf32, #tpu.memory_space<vmem_shared>>) target(%dma_start3A_601 : memref<80x128xf32, #tpu.memory_space<vmem>>) offsets(%dma_start3A_603 : memref<80xi32, #tpu.memory_space<vmem>>) semaphore(%arg19 : memref<!tpu.dma_semaphore, #tpu.memory_space<semaphore_mem>>)
      %dma_start3A_607 = arith.constant 2 : i32
      %dma_start3A_608 = arith.constant 0 : i32
      %dma_start3A_609 = arith.constant 0 : i32
      %dma_start3A_610 = tpu.memref_slice %arg15[%dma_start3A_607, %dma_start3A_608, %dma_start3A_609] : memref<4x80x128xf32, #tpu.memory_space<vmem>> -> memref<1x80x128xf32, #tpu.memory_space<vmem>>
      %dma_start3A_611 = tpu.memref_squeeze %dma_start3A_610 : memref<1x80x128xf32, #tpu.memory_space<vmem>> -> memref<80x128xf32, #tpu.memory_space<vmem>>
      %dma_start3A_612 = arith.constant 400 : i32
      %dma_start3A_613 = tpu.memref_slice %arg14[%dma_start3A_612] : memref<560xi32, #tpu.memory_space<vmem>> -> memref<80xi32, #tpu.memory_space<vmem>>
      %dma_start3A_614 = arith.constant 0 : i32
      %dma_start3A_615 = arith.constant 0 : i32
      %dma_start3A_616 = tpu.memref_slice %arg17[%dma_start3A_614, %dma_start3A_615] : memref<1369x128xf32, #tpu.memory_space<vmem_shared>> -> memref<1369x128xf32, #tpu.memory_space<vmem_shared>>
      tpu.enqueue_indirect_dma source(%dma_start3A_616 : memref<1369x128xf32, #tpu.memory_space<vmem_shared>>) target(%dma_start3A_611 : memref<80x128xf32, #tpu.memory_space<vmem>>) offsets(%dma_start3A_613 : memref<80xi32, #tpu.memory_space<vmem>>) semaphore(%arg19 : memref<!tpu.dma_semaphore, #tpu.memory_space<semaphore_mem>>)
      %dma_start3A_617 = arith.constant 3 : i32
      %dma_start3A_618 = arith.constant 0 : i32
      %dma_start3A_619 = arith.constant 0 : i32
      %dma_start3A_620 = tpu.memref_slice %arg15[%dma_start3A_617, %dma_start3A_618, %dma_start3A_619] : memref<4x80x128xf32, #tpu.memory_space<vmem>> -> memref<1x80x128xf32, #tpu.memory_space<vmem>>
      %dma_start3A_621 = tpu.memref_squeeze %dma_start3A_620 : memref<1x80x128xf32, #tpu.memory_space<vmem>> -> memref<80x128xf32, #tpu.memory_space<vmem>>
      %dma_start3A_622 = arith.constant 480 : i32
      %dma_start3A_623 = tpu.memref_slice %arg14[%dma_start3A_622] : memref<560xi32, #tpu.memory_space<vmem>> -> memref<80xi32, #tpu.memory_space<vmem>>
      %dma_start3A_624 = arith.constant 0 : i32
      %dma_start3A_625 = arith.constant 0 : i32
      %dma_start3A_626 = tpu.memref_slice %arg17[%dma_start3A_624, %dma_start3A_625] : memref<1369x128xf32, #tpu.memory_space<vmem_shared>> -> memref<1369x128xf32, #tpu.memory_space<vmem_shared>>
      tpu.enqueue_indirect_dma source(%dma_start3A_626 : memref<1369x128xf32, #tpu.memory_space<vmem_shared>>) target(%dma_start3A_621 : memref<80x128xf32, #tpu.memory_space<vmem>>) offsets(%dma_start3A_623 : memref<80xi32, #tpu.memory_space<vmem>>) semaphore(%arg19 : memref<!tpu.dma_semaphore, #tpu.memory_space<semaphore_mem>>)
      %dma_wait3A_627 = arith.constant 0 : i32
      %dma_wait3A_628 = arith.constant 0 : i32
      %dma_wait3A_629 = arith.constant 0 : i32
      %dma_wait3A_630 = tpu.memref_slice %arg15[%dma_wait3A_627, %dma_wait3A_628, %dma_wait3A_629] : memref<4x80x128xf32, #tpu.memory_space<vmem>> -> memref<1x80x128xf32, #tpu.memory_space<vmem>>
      %dma_wait3A_631 = tpu.memref_squeeze %dma_wait3A_630 : memref<1x80x128xf32, #tpu.memory_space<vmem>> -> memref<80x128xf32, #tpu.memory_space<vmem>>
      %dma_wait3A_632 = arith.constant 240 : i32
      %dma_wait3A_633 = tpu.memref_slice %arg14[%dma_wait3A_632] : memref<560xi32, #tpu.memory_space<vmem>> -> memref<80xi32, #tpu.memory_space<vmem>>
      %dma_wait3A_634 = arith.constant 0 : i32
      %dma_wait3A_635 = arith.constant 0 : i32
      %dma_wait3A_636 = tpu.memref_slice %arg17[%dma_wait3A_634, %dma_wait3A_635] : memref<1369x128xf32, #tpu.memory_space<vmem_shared>> -> memref<1369x128xf32, #tpu.memory_space<vmem_shared>>
      tpu.wait_indirect_dma semaphore(%arg19 : memref<!tpu.dma_semaphore, #tpu.memory_space<semaphore_mem>>) src(%dma_wait3A_636 : memref<1369x128xf32, #tpu.memory_space<vmem_shared>>) dst(%dma_wait3A_631 : memref<80x128xf32, #tpu.memory_space<vmem>>)
      %dma_wait3A_637 = arith.constant 1 : i32
      %dma_wait3A_638 = arith.constant 0 : i32
      %dma_wait3A_639 = arith.constant 0 : i32
      %dma_wait3A_640 = tpu.memref_slice %arg15[%dma_wait3A_637, %dma_wait3A_638, %dma_wait3A_639] : memref<4x80x128xf32, #tpu.memory_space<vmem>> -> memref<1x80x128xf32, #tpu.memory_space<vmem>>
      %dma_wait3A_641 = tpu.memref_squeeze %dma_wait3A_640 : memref<1x80x128xf32, #tpu.memory_space<vmem>> -> memref<80x128xf32, #tpu.memory_space<vmem>>
      %dma_wait3A_642 = arith.constant 320 : i32
      %dma_wait3A_643 = tpu.memref_slice %arg14[%dma_wait3A_642] : memref<560xi32, #tpu.memory_space<vmem>> -> memref<80xi32, #tpu.memory_space<vmem>>
      %dma_wait3A_644 = arith.constant 0 : i32
      %dma_wait3A_645 = arith.constant 0 : i32
      %dma_wait3A_646 = tpu.memref_slice %arg17[%dma_wait3A_644, %dma_wait3A_645] : memref<1369x128xf32, #tpu.memory_space<vmem_shared>> -> memref<1369x128xf32, #tpu.memory_space<vmem_shared>>
      tpu.wait_indirect_dma semaphore(%arg19 : memref<!tpu.dma_semaphore, #tpu.memory_space<semaphore_mem>>) src(%dma_wait3A_646 : memref<1369x128xf32, #tpu.memory_space<vmem_shared>>) dst(%dma_wait3A_641 : memref<80x128xf32, #tpu.memory_space<vmem>>)
      %dma_wait3A_647 = arith.constant 2 : i32
      %dma_wait3A_648 = arith.constant 0 : i32
      %dma_wait3A_649 = arith.constant 0 : i32
      %dma_wait3A_650 = tpu.memref_slice %arg15[%dma_wait3A_647, %dma_wait3A_648, %dma_wait3A_649] : memref<4x80x128xf32, #tpu.memory_space<vmem>> -> memref<1x80x128xf32, #tpu.memory_space<vmem>>
      %dma_wait3A_651 = tpu.memref_squeeze %dma_wait3A_650 : memref<1x80x128xf32, #tpu.memory_space<vmem>> -> memref<80x128xf32, #tpu.memory_space<vmem>>
      %dma_wait3A_652 = arith.constant 400 : i32
      %dma_wait3A_653 = tpu.memref_slice %arg14[%dma_wait3A_652] : memref<560xi32, #tpu.memory_space<vmem>> -> memref<80xi32, #tpu.memory_space<vmem>>
      %dma_wait3A_654 = arith.constant 0 : i32
      %dma_wait3A_655 = arith.constant 0 : i32
      %dma_wait3A_656 = tpu.memref_slice %arg17[%dma_wait3A_654, %dma_wait3A_655] : memref<1369x128xf32, #tpu.memory_space<vmem_shared>> -> memref<1369x128xf32, #tpu.memory_space<vmem_shared>>
      tpu.wait_indirect_dma semaphore(%arg19 : memref<!tpu.dma_semaphore, #tpu.memory_space<semaphore_mem>>) src(%dma_wait3A_656 : memref<1369x128xf32, #tpu.memory_space<vmem_shared>>) dst(%dma_wait3A_651 : memref<80x128xf32, #tpu.memory_space<vmem>>)
      %dma_wait3A_657 = arith.constant 3 : i32
      %dma_wait3A_658 = arith.constant 0 : i32
      %dma_wait3A_659 = arith.constant 0 : i32
      %dma_wait3A_660 = tpu.memref_slice %arg15[%dma_wait3A_657, %dma_wait3A_658, %dma_wait3A_659] : memref<4x80x128xf32, #tpu.memory_space<vmem>> -> memref<1x80x128xf32, #tpu.memory_space<vmem>>
      %dma_wait3A_661 = tpu.memref_squeeze %dma_wait3A_660 : memref<1x80x128xf32, #tpu.memory_space<vmem>> -> memref<80x128xf32, #tpu.memory_space<vmem>>
      %dma_wait3A_662 = arith.constant 480 : i32
      %dma_wait3A_663 = tpu.memref_slice %arg14[%dma_wait3A_662] : memref<560xi32, #tpu.memory_space<vmem>> -> memref<80xi32, #tpu.memory_space<vmem>>
      %dma_wait3A_664 = arith.constant 0 : i32
      %dma_wait3A_665 = arith.constant 0 : i32
      %dma_wait3A_666 = tpu.memref_slice %arg17[%dma_wait3A_664, %dma_wait3A_665] : memref<1369x128xf32, #tpu.memory_space<vmem_shared>> -> memref<1369x128xf32, #tpu.memory_space<vmem_shared>>
      tpu.wait_indirect_dma semaphore(%arg19 : memref<!tpu.dma_semaphore, #tpu.memory_space<semaphore_mem>>) src(%dma_wait3A_666 : memref<1369x128xf32, #tpu.memory_space<vmem_shared>>) dst(%dma_wait3A_661 : memref<80x128xf32, #tpu.memory_space<vmem>>)
      %dma_start3A_667 = arith.constant 0 : i32
      %dma_start3A_668 = arith.constant 0 : i32
      %dma_start3A_669 = arith.constant 0 : i32
      %dma_start3A_670 = tpu.memref_slice %arg15[%dma_start3A_667, %dma_start3A_668, %dma_start3A_669] : memref<4x80x128xf32, #tpu.memory_space<vmem>> -> memref<1x80x128xf32, #tpu.memory_space<vmem>>
      %dma_start3A_671 = tpu.memref_squeeze %dma_start3A_670 : memref<1x80x128xf32, #tpu.memory_space<vmem>> -> memref<80x128xf32, #tpu.memory_space<vmem>>
      %dma_start3A_672 = arith.constant 0 : i32
      %dma_start3A_673 = tpu.memref_slice %arg9[%mul3A_456, %dma_start3A_672] : memref<50000x512xf32, #tpu.memory_space<hbm>> -> memref<80x128xf32, #tpu.memory_space<hbm>>
      %dma_start3A_674 = arith.constant 0 : i32
      %dma_start3A_675 = tpu.memref_slice %arg9[%mul3A_456, %dma_start3A_674] : memref<50000x512xf32, #tpu.memory_space<hbm>> -> memref<80x128xf32, #tpu.memory_space<hbm>>
      %dma_start3A_676 = arith.constant 0 : i32
      %dma_start3A_677 = arith.constant 0 : i32
      %dma_start3A_678 = tpu.memref_slice %arg15[%dma_start3A_667, %dma_start3A_676, %dma_start3A_677] : memref<4x80x128xf32, #tpu.memory_space<vmem>> -> memref<1x80x128xf32, #tpu.memory_space<vmem>>
      %dma_start3A_679 = tpu.memref_squeeze %dma_start3A_678 : memref<1x80x128xf32, #tpu.memory_space<vmem>> -> memref<80x128xf32, #tpu.memory_space<vmem>>
      tpu.enqueue_dma source(%dma_start3A_679 : memref<80x128xf32, #tpu.memory_space<vmem>>) target(%dma_start3A_675 : memref<80x128xf32, #tpu.memory_space<hbm>>) target_semaphore(%arg20 : memref<!tpu.dma_semaphore, #tpu.memory_space<semaphore_mem>>)
      %dma_start3A_680 = arith.constant 1 : i32
      %dma_start3A_681 = arith.constant 0 : i32
      %dma_start3A_682 = arith.constant 0 : i32
      %dma_start3A_683 = tpu.memref_slice %arg15[%dma_start3A_680, %dma_start3A_681, %dma_start3A_682] : memref<4x80x128xf32, #tpu.memory_space<vmem>> -> memref<1x80x128xf32, #tpu.memory_space<vmem>>
      %dma_start3A_684 = tpu.memref_squeeze %dma_start3A_683 : memref<1x80x128xf32, #tpu.memory_space<vmem>> -> memref<80x128xf32, #tpu.memory_space<vmem>>
      %dma_start3A_685 = arith.constant 128 : i32
      %dma_start3A_686 = tpu.memref_slice %arg9[%mul3A_456, %dma_start3A_685] : memref<50000x512xf32, #tpu.memory_space<hbm>> -> memref<80x128xf32, #tpu.memory_space<hbm>>
      %dma_start3A_687 = arith.constant 128 : i32
      %dma_start3A_688 = tpu.memref_slice %arg9[%mul3A_456, %dma_start3A_687] : memref<50000x512xf32, #tpu.memory_space<hbm>> -> memref<80x128xf32, #tpu.memory_space<hbm>>
      %dma_start3A_689 = arith.constant 0 : i32
      %dma_start3A_690 = arith.constant 0 : i32
      %dma_start3A_691 = tpu.memref_slice %arg15[%dma_start3A_680, %dma_start3A_689, %dma_start3A_690] : memref<4x80x128xf32, #tpu.memory_space<vmem>> -> memref<1x80x128xf32, #tpu.memory_space<vmem>>
      %dma_start3A_692 = tpu.memref_squeeze %dma_start3A_691 : memref<1x80x128xf32, #tpu.memory_space<vmem>> -> memref<80x128xf32, #tpu.memory_space<vmem>>
      tpu.enqueue_dma source(%dma_start3A_692 : memref<80x128xf32, #tpu.memory_space<vmem>>) target(%dma_start3A_688 : memref<80x128xf32, #tpu.memory_space<hbm>>) target_semaphore(%arg20 : memref<!tpu.dma_semaphore, #tpu.memory_space<semaphore_mem>>)
      %dma_start3A_693 = arith.constant 2 : i32
      %dma_start3A_694 = arith.constant 0 : i32
      %dma_start3A_695 = arith.constant 0 : i32
      %dma_start3A_696 = tpu.memref_slice %arg15[%dma_start3A_693, %dma_start3A_694, %dma_start3A_695] : memref<4x80x128xf32, #tpu.memory_space<vmem>> -> memref<1x80x128xf32, #tpu.memory_space<vmem>>
      %dma_start3A_697 = tpu.memref_squeeze %dma_start3A_696 : memref<1x80x128xf32, #tpu.memory_space<vmem>> -> memref<80x128xf32, #tpu.memory_space<vmem>>
      %dma_start3A_698 = arith.constant 256 : i32
      %dma_start3A_699 = tpu.memref_slice %arg9[%mul3A_456, %dma_start3A_698] : memref<50000x512xf32, #tpu.memory_space<hbm>> -> memref<80x128xf32, #tpu.memory_space<hbm>>
      %dma_start3A_700 = arith.constant 256 : i32
      %dma_start3A_701 = tpu.memref_slice %arg9[%mul3A_456, %dma_start3A_700] : memref<50000x512xf32, #tpu.memory_space<hbm>> -> memref<80x128xf32, #tpu.memory_space<hbm>>
      %dma_start3A_702 = arith.constant 0 : i32
      %dma_start3A_703 = arith.constant 0 : i32
      %dma_start3A_704 = tpu.memref_slice %arg15[%dma_start3A_693, %dma_start3A_702, %dma_start3A_703] : memref<4x80x128xf32, #tpu.memory_space<vmem>> -> memref<1x80x128xf32, #tpu.memory_space<vmem>>
      %dma_start3A_705 = tpu.memref_squeeze %dma_start3A_704 : memref<1x80x128xf32, #tpu.memory_space<vmem>> -> memref<80x128xf32, #tpu.memory_space<vmem>>
      tpu.enqueue_dma source(%dma_start3A_705 : memref<80x128xf32, #tpu.memory_space<vmem>>) target(%dma_start3A_701 : memref<80x128xf32, #tpu.memory_space<hbm>>) target_semaphore(%arg20 : memref<!tpu.dma_semaphore, #tpu.memory_space<semaphore_mem>>)
      %dma_start3A_706 = arith.constant 3 : i32
      %dma_start3A_707 = arith.constant 0 : i32
      %dma_start3A_708 = arith.constant 0 : i32
      %dma_start3A_709 = tpu.memref_slice %arg15[%dma_start3A_706, %dma_start3A_707, %dma_start3A_708] : memref<4x80x128xf32, #tpu.memory_space<vmem>> -> memref<1x80x128xf32, #tpu.memory_space<vmem>>
      %dma_start3A_710 = tpu.memref_squeeze %dma_start3A_709 : memref<1x80x128xf32, #tpu.memory_space<vmem>> -> memref<80x128xf32, #tpu.memory_space<vmem>>
      %dma_start3A_711 = arith.constant 384 : i32
      %dma_start3A_712 = tpu.memref_slice %arg9[%mul3A_456, %dma_start3A_711] : memref<50000x512xf32, #tpu.memory_space<hbm>> -> memref<80x128xf32, #tpu.memory_space<hbm>>
      %dma_start3A_713 = arith.constant 384 : i32
      %dma_start3A_714 = tpu.memref_slice %arg9[%mul3A_456, %dma_start3A_713] : memref<50000x512xf32, #tpu.memory_space<hbm>> -> memref<80x128xf32, #tpu.memory_space<hbm>>
      %dma_start3A_715 = arith.constant 0 : i32
      %dma_start3A_716 = arith.constant 0 : i32
      %dma_start3A_717 = tpu.memref_slice %arg15[%dma_start3A_706, %dma_start3A_715, %dma_start3A_716] : memref<4x80x128xf32, #tpu.memory_space<vmem>> -> memref<1x80x128xf32, #tpu.memory_space<vmem>>
      %dma_start3A_718 = tpu.memref_squeeze %dma_start3A_717 : memref<1x80x128xf32, #tpu.memory_space<vmem>> -> memref<80x128xf32, #tpu.memory_space<vmem>>
      tpu.enqueue_dma source(%dma_start3A_718 : memref<80x128xf32, #tpu.memory_space<vmem>>) target(%dma_start3A_714 : memref<80x128xf32, #tpu.memory_space<hbm>>) target_semaphore(%arg20 : memref<!tpu.dma_semaphore, #tpu.memory_space<semaphore_mem>>)
    }
    %dma_wait3A_261 = arith.constant 0 : i32
    %dma_wait3A_262 = arith.constant 0 : i32
    %dma_wait3A_263 = arith.constant 0 : i32
    %dma_wait3A_264 = tpu.memref_slice %arg15[%dma_wait3A_261, %dma_wait3A_262, %dma_wait3A_263] : memref<4x80x128xf32, #tpu.memory_space<vmem>> -> memref<1x80x128xf32, #tpu.memory_space<vmem>>
    %dma_wait3A_265 = tpu.memref_squeeze %dma_wait3A_264 : memref<1x80x128xf32, #tpu.memory_space<vmem>> -> memref<80x128xf32, #tpu.memory_space<vmem>>
    %dma_wait3A_266 = arith.constant 0 : i32
    %dma_wait3A_267 = arith.constant 0 : i32
    %dma_wait3A_268 = tpu.memref_slice %arg9[%dma_wait3A_266, %dma_wait3A_267] : memref<50000x512xf32, #tpu.memory_space<hbm>> -> memref<80x128xf32, #tpu.memory_space<hbm>>
    %dma_wait3A_269 = arith.constant 0 : i32
    %dma_wait3A_270 = arith.constant 0 : i32
    %dma_wait3A_271 = tpu.memref_slice %arg9[%dma_wait3A_269, %dma_wait3A_270] : memref<50000x512xf32, #tpu.memory_space<hbm>> -> memref<80x128xf32, #tpu.memory_space<hbm>>
    %dma_wait3A_272 = arith.constant 0 : i32
    %dma_wait3A_273 = arith.constant 0 : i32
    %dma_wait3A_274 = tpu.memref_slice %arg15[%dma_wait3A_261, %dma_wait3A_272, %dma_wait3A_273] : memref<4x80x128xf32, #tpu.memory_space<vmem>> -> memref<1x80x128xf32, #tpu.memory_space<vmem>>
    %dma_wait3A_275 = tpu.memref_squeeze %dma_wait3A_274 : memref<1x80x128xf32, #tpu.memory_space<vmem>> -> memref<80x128xf32, #tpu.memory_space<vmem>>
    tpu.wait_dma2 semaphore(%arg20 : memref<!tpu.dma_semaphore, #tpu.memory_space<semaphore_mem>>) src(%dma_wait3A_275 : memref<80x128xf32, #tpu.memory_space<vmem>>) dst(%dma_wait3A_271 : memref<80x128xf32, #tpu.memory_space<hbm>>)
    %dma_wait3A_276 = arith.constant 0 : i32
    %dma_wait3A_277 = arith.constant 0 : i32
    %dma_wait3A_278 = arith.constant 0 : i32
    %dma_wait3A_279 = tpu.memref_slice %arg15[%dma_wait3A_276, %dma_wait3A_277, %dma_wait3A_278] : memref<4x80x128xf32, #tpu.memory_space<vmem>> -> memref<1x80x128xf32, #tpu.memory_space<vmem>>
    %dma_wait3A_280 = tpu.memref_squeeze %dma_wait3A_279 : memref<1x80x128xf32, #tpu.memory_space<vmem>> -> memref<80x128xf32, #tpu.memory_space<vmem>>
    %dma_wait3A_281 = arith.constant 0 : i32
    %dma_wait3A_282 = arith.constant 0 : i32
    %dma_wait3A_283 = tpu.memref_slice %arg9[%dma_wait3A_281, %dma_wait3A_282] : memref<50000x512xf32, #tpu.memory_space<hbm>> -> memref<80x128xf32, #tpu.memory_space<hbm>>
    %dma_wait3A_284 = arith.constant 0 : i32
    %dma_wait3A_285 = arith.constant 0 : i32
    %dma_wait3A_286 = tpu.memref_slice %arg9[%dma_wait3A_284, %dma_wait3A_285] : memref<50000x512xf32, #tpu.memory_space<hbm>> -> memref<80x128xf32, #tpu.memory_space<hbm>>
    %dma_wait3A_287 = arith.constant 0 : i32
    %dma_wait3A_288 = arith.constant 0 : i32
    %dma_wait3A_289 = tpu.memref_slice %arg15[%dma_wait3A_276, %dma_wait3A_287, %dma_wait3A_288] : memref<4x80x128xf32, #tpu.memory_space<vmem>> -> memref<1x80x128xf32, #tpu.memory_space<vmem>>
    %dma_wait3A_290 = tpu.memref_squeeze %dma_wait3A_289 : memref<1x80x128xf32, #tpu.memory_space<vmem>> -> memref<80x128xf32, #tpu.memory_space<vmem>>
    tpu.wait_dma2 semaphore(%arg20 : memref<!tpu.dma_semaphore, #tpu.memory_space<semaphore_mem>>) src(%dma_wait3A_290 : memref<80x128xf32, #tpu.memory_space<vmem>>) dst(%dma_wait3A_286 : memref<80x128xf32, #tpu.memory_space<hbm>>)
    %dma_wait3A_291 = arith.constant 0 : i32
    %dma_wait3A_292 = arith.constant 0 : i32
    %dma_wait3A_293 = arith.constant 0 : i32
    %dma_wait3A_294 = tpu.memref_slice %arg15[%dma_wait3A_291, %dma_wait3A_292, %dma_wait3A_293] : memref<4x80x128xf32, #tpu.memory_space<vmem>> -> memref<1x80x128xf32, #tpu.memory_space<vmem>>
    %dma_wait3A_295 = tpu.memref_squeeze %dma_wait3A_294 : memref<1x80x128xf32, #tpu.memory_space<vmem>> -> memref<80x128xf32, #tpu.memory_space<vmem>>
    %dma_wait3A_296 = arith.constant 0 : i32
    %dma_wait3A_297 = arith.constant 0 : i32
    %dma_wait3A_298 = tpu.memref_slice %arg9[%dma_wait3A_296, %dma_wait3A_297] : memref<50000x512xf32, #tpu.memory_space<hbm>> -> memref<80x128xf32, #tpu.memory_space<hbm>>
    %dma_wait3A_299 = arith.constant 0 : i32
    %dma_wait3A_300 = arith.constant 0 : i32
    %dma_wait3A_301 = tpu.memref_slice %arg9[%dma_wait3A_299, %dma_wait3A_300] : memref<50000x512xf32, #tpu.memory_space<hbm>> -> memref<80x128xf32, #tpu.memory_space<hbm>>
    %dma_wait3A_302 = arith.constant 0 : i32
    %dma_wait3A_303 = arith.constant 0 : i32
    %dma_wait3A_304 = tpu.memref_slice %arg15[%dma_wait3A_291, %dma_wait3A_302, %dma_wait3A_303] : memref<4x80x128xf32, #tpu.memory_space<vmem>> -> memref<1x80x128xf32, #tpu.memory_space<vmem>>
    %dma_wait3A_305 = tpu.memref_squeeze %dma_wait3A_304 : memref<1x80x128xf32, #tpu.memory_space<vmem>> -> memref<80x128xf32, #tpu.memory_space<vmem>>
    tpu.wait_dma2 semaphore(%arg20 : memref<!tpu.dma_semaphore, #tpu.memory_space<semaphore_mem>>) src(%dma_wait3A_305 : memref<80x128xf32, #tpu.memory_space<vmem>>) dst(%dma_wait3A_301 : memref<80x128xf32, #tpu.memory_space<hbm>>)
    %dma_wait3A_306 = arith.constant 0 : i32
    %dma_wait3A_307 = arith.constant 0 : i32
    %dma_wait3A_308 = arith.constant 0 : i32
    %dma_wait3A_309 = tpu.memref_slice %arg15[%dma_wait3A_306, %dma_wait3A_307, %dma_wait3A_308] : memref<4x80x128xf32, #tpu.memory_space<vmem>> -> memref<1x80x128xf32, #tpu.memory_space<vmem>>
    %dma_wait3A_310 = tpu.memref_squeeze %dma_wait3A_309 : memref<1x80x128xf32, #tpu.memory_space<vmem>> -> memref<80x128xf32, #tpu.memory_space<vmem>>
    %dma_wait3A_311 = arith.constant 0 : i32
    %dma_wait3A_312 = arith.constant 0 : i32
    %dma_wait3A_313 = tpu.memref_slice %arg9[%dma_wait3A_311, %dma_wait3A_312] : memref<50000x512xf32, #tpu.memory_space<hbm>> -> memref<80x128xf32, #tpu.memory_space<hbm>>
    %dma_wait3A_314 = arith.constant 0 : i32
    %dma_wait3A_315 = arith.constant 0 : i32
    %dma_wait3A_316 = tpu.memref_slice %arg9[%dma_wait3A_314, %dma_wait3A_315] : memref<50000x512xf32, #tpu.memory_space<hbm>> -> memref<80x128xf32, #tpu.memory_space<hbm>>
    %dma_wait3A_317 = arith.constant 0 : i32
    %dma_wait3A_318 = arith.constant 0 : i32
    %dma_wait3A_319 = tpu.memref_slice %arg15[%dma_wait3A_306, %dma_wait3A_317, %dma_wait3A_318] : memref<4x80x128xf32, #tpu.memory_space<vmem>> -> memref<1x80x128xf32, #tpu.memory_space<vmem>>
    %dma_wait3A_320 = tpu.memref_squeeze %dma_wait3A_319 : memref<1x80x128xf32, #tpu.memory_space<vmem>> -> memref<80x128xf32, #tpu.memory_space<vmem>>
    tpu.wait_dma2 semaphore(%arg20 : memref<!tpu.dma_semaphore, #tpu.memory_space<semaphore_mem>>) src(%dma_wait3A_320 : memref<80x128xf32, #tpu.memory_space<vmem>>) dst(%dma_wait3A_316 : memref<80x128xf32, #tpu.memory_space<hbm>>)
    %mul3A_321 = arith.constant 50000 : i32
    %mul3A_322 = arith.muli %add3A, %mul3A_321 : i32
    "tpu.region"() ({
      %run_scoped3A = tpu.sem_alloc : memref<!tpu.dma_semaphore, #tpu.memory_space<semaphore_mem>>
      %dma_start3A_454 = arith.constant 0 : i32
      %dma_start3A_455 = tpu.memref_slice %arg13[%dma_start3A_454] : memref<52016xi32, #tpu.memory_space<vmem>> -> memref<50000xi32, #tpu.memory_space<vmem>>
      %dma_start3A_456 = tpu.memref_slice %arg4[%mul3A_322] : memref<1600000xi32, #tpu.memory_space<hbm>> -> memref<50000xi32, #tpu.memory_space<hbm>>
      %dma_start3A_457 = arith.constant 0 : i32
      %dma_start3A_458 = tpu.memref_slice %arg13[%dma_start3A_457] : memref<52016xi32, #tpu.memory_space<vmem>> -> memref<50000xi32, #tpu.memory_space<vmem>>
      %dma_start3A_459 = tpu.memref_slice %arg4[%mul3A_322] : memref<1600000xi32, #tpu.memory_space<hbm>> -> memref<50000xi32, #tpu.memory_space<hbm>>
      tpu.enqueue_dma source(%dma_start3A_459 : memref<50000xi32, #tpu.memory_space<hbm>>) target(%dma_start3A_458 : memref<50000xi32, #tpu.memory_space<vmem>>) target_semaphore(%run_scoped3A : memref<!tpu.dma_semaphore, #tpu.memory_space<semaphore_mem>>)
      %dma_wait3A_460 = arith.constant 0 : i32
      %dma_wait3A_461 = tpu.memref_slice %arg13[%dma_wait3A_460] : memref<52016xi32, #tpu.memory_space<vmem>> -> memref<50000xi32, #tpu.memory_space<vmem>>
      %dma_wait3A_462 = tpu.memref_slice %arg4[%mul3A_322] : memref<1600000xi32, #tpu.memory_space<hbm>> -> memref<50000xi32, #tpu.memory_space<hbm>>
      %dma_wait3A_463 = arith.constant 0 : i32
      %dma_wait3A_464 = tpu.memref_slice %arg13[%dma_wait3A_463] : memref<52016xi32, #tpu.memory_space<vmem>> -> memref<50000xi32, #tpu.memory_space<vmem>>
      %dma_wait3A_465 = tpu.memref_slice %arg4[%mul3A_322] : memref<1600000xi32, #tpu.memory_space<hbm>> -> memref<50000xi32, #tpu.memory_space<hbm>>
      tpu.wait_dma2 semaphore(%run_scoped3A : memref<!tpu.dma_semaphore, #tpu.memory_space<semaphore_mem>>) src(%dma_wait3A_465 : memref<50000xi32, #tpu.memory_space<hbm>>) dst(%dma_wait3A_464 : memref<50000xi32, #tpu.memory_space<vmem>>)
      tpu.yield
    }) : () -> ()
    %get3A_323 = arith.constant 0 : index
    %get3A_324 = tpu.vector_load %arg18[%get3A_323] {strides = array<i32>} : memref<256xf32, #tpu.memory_space<vmem>>, vector<16xf32>,
    %get3A_325 = arith.constant 16 : index
    %get3A_326 = tpu.vector_load %arg18[%get3A_325] {strides = array<i32>} : memref<256xf32, #tpu.memory_space<vmem>>, vector<16xf32>,
    %get3A_327 = arith.constant 32 : index
    %get3A_328 = tpu.vector_load %arg18[%get3A_327] {strides = array<i32>} : memref<256xf32, #tpu.memory_space<vmem>>, vector<16xf32>,
    %get3A_329 = arith.constant 48 : index
    %get3A_330 = tpu.vector_load %arg18[%get3A_329] {strides = array<i32>} : memref<256xf32, #tpu.memory_space<vmem>>, vector<16xf32>,
    %get3A_331 = arith.constant 64 : index
    %get3A_332 = tpu.vector_load %arg18[%get3A_331] {strides = array<i32>} : memref<256xf32, #tpu.memory_space<vmem>>, vector<16xf32>,
    %get3A_333 = arith.constant 80 : index
    %get3A_334 = tpu.vector_load %arg18[%get3A_333] {strides = array<i32>} : memref<256xf32, #tpu.memory_space<vmem>>, vector<16xf32>,
    %get3A_335 = arith.constant 96 : index
    %get3A_336 = tpu.vector_load %arg18[%get3A_335] {strides = array<i32>} : memref<256xf32, #tpu.memory_space<vmem>>, vector<16xf32>,
    %get3A_337 = arith.constant 112 : index
    %get3A_338 = tpu.vector_load %arg18[%get3A_337] {strides = array<i32>} : memref<256xf32, #tpu.memory_space<vmem>>, vector<16xf32>,
    %get3A_339 = arith.constant 128 : index
    %get3A_340 = tpu.vector_load %arg18[%get3A_339] {strides = array<i32>} : memref<256xf32, #tpu.memory_space<vmem>>, vector<16xf32>,
    %get3A_341 = arith.constant 144 : index
    %get3A_342 = tpu.vector_load %arg18[%get3A_341] {strides = array<i32>} : memref<256xf32, #tpu.memory_space<vmem>>, vector<16xf32>,
    %get3A_343 = arith.constant 160 : index
    %get3A_344 = tpu.vector_load %arg18[%get3A_343] {strides = array<i32>} : memref<256xf32, #tpu.memory_space<vmem>>, vector<16xf32>,
    %get3A_345 = arith.constant 176 : index
    %get3A_346 = tpu.vector_load %arg18[%get3A_345] {strides = array<i32>} : memref<256xf32, #tpu.memory_space<vmem>>, vector<16xf32>,
    %get3A_347 = arith.constant 192 : index
    %get3A_348 = tpu.vector_load %arg18[%get3A_347] {strides = array<i32>} : memref<256xf32, #tpu.memory_space<vmem>>, vector<16xf32>,
    %get3A_349 = arith.constant 208 : index
    %get3A_350 = tpu.vector_load %arg18[%get3A_349] {strides = array<i32>} : memref<256xf32, #tpu.memory_space<vmem>>, vector<16xf32>,
    %get3A_351 = arith.constant 224 : index
    %get3A_352 = tpu.vector_load %arg18[%get3A_351] {strides = array<i32>} : memref<256xf32, #tpu.memory_space<vmem>>, vector<16xf32>,
    %get3A_353 = arith.constant 240 : index
    %get3A_354 = tpu.vector_load %arg18[%get3A_353] {strides = array<i32>} : memref<256xf32, #tpu.memory_space<vmem>>, vector<16xf32>,
    %mul3A_355 = arith.constant 16 : i32
    %mul3A_356 = vector.broadcast %mul3A_355 : i32 to vector<16xi32>
    %mul3A_357 = arith.muli %iota3A, %mul3A_356 : vector<16xi32>
    %scan3A_358 = arith.constant 0 : i32
    %scan3A_359 = arith.constant 0 : i32
    %scan3A_360 = arith.constant 25 : i32
    %scan3A_361 = arith.addi %scan3A_359, %scan3A_360 : i32
    %scan3A_362 = arith.constant 1 : i32
    scf.for %scan3A_454 = %scan3A_359 to %scan3A_361 step %scan3A_362  : i32 {
      %mul3A_455 = arith.constant 16 : i32
      %mul3A_456 = arith.muli %scan3A_454, %mul3A_455 : i32
      %add3A_457 = arith.constant 0 : i32
      %add3A_458 = arith.addi %add3A_457, %mul3A_456 : i32
      %get3A_459 = arith.index_cast %add3A_458 : i32 to index
      %get3A_460 = tpu.vector_load %arg13[%get3A_459] {strides = array<i32>} : memref<52016xi32, #tpu.memory_space<vmem>>, vector<16xi32>,
      %mul3A_461 = arith.constant 16 : i32
      %mul3A_462 = arith.muli %scan3A_454, %mul3A_461 : i32
      %add3A_463 = arith.constant 0 : i32
      %add3A_464 = arith.addi %add3A_463, %mul3A_462 : i32
      %add3A_465 = vector.broadcast %add3A_464 : i32 to vector<16xi32>
      %add3A_466 = arith.addi %add3A_465, %iota3A : vector<16xi32>
      %broadcast_in_dim3A = vector.shape_cast %get3A_460 : vector<16xi32> to vector<16x1xi32>
      %gather3A_467 = vector.shape_cast %broadcast_in_dim3A : vector<16x1xi32> to vector<16xi32>
      %gather3A_468 = tpu.dynamic_gather %get3A_324[%gather3A_467] in [0] : vector<16xf32>, vector<16xi32> -> vector<16xf32>
      %broadcast_in_dim3A_469 = arith.constant 0 : i32
      %broadcast_in_dim3A_470 = vector.broadcast %broadcast_in_dim3A_469 : i32 to vector<16xi32>
      tpu.vector_store_idx %arg16[%add3A_466, %broadcast_in_dim3A_470], %gather3A_468 : memref<800x16xf32, #tpu.memory_space<vmem>>[vector<16xi32>, vector<16xi32>], vector<16xf32>,
      %broadcast_in_dim3A_471 = vector.shape_cast %get3A_460 : vector<16xi32> to vector<16x1xi32>
      %gather3A_472 = vector.shape_cast %broadcast_in_dim3A_471 : vector<16x1xi32> to vector<16xi32>
      %gather3A_473 = tpu.dynamic_gather %get3A_326[%gather3A_472] in [0] : vector<16xf32>, vector<16xi32> -> vector<16xf32>
      %broadcast_in_dim3A_474 = arith.constant 1 : i32
      %broadcast_in_dim3A_475 = vector.broadcast %broadcast_in_dim3A_474 : i32 to vector<16xi32>
      tpu.vector_store_idx %arg16[%add3A_466, %broadcast_in_dim3A_475], %gather3A_473 : memref<800x16xf32, #tpu.memory_space<vmem>>[vector<16xi32>, vector<16xi32>], vector<16xf32>,
      %broadcast_in_dim3A_476 = vector.shape_cast %get3A_460 : vector<16xi32> to vector<16x1xi32>
      %gather3A_477 = vector.shape_cast %broadcast_in_dim3A_476 : vector<16x1xi32> to vector<16xi32>
      %gather3A_478 = tpu.dynamic_gather %get3A_328[%gather3A_477] in [0] : vector<16xf32>, vector<16xi32> -> vector<16xf32>
      %broadcast_in_dim3A_479 = arith.constant 2 : i32
      %broadcast_in_dim3A_480 = vector.broadcast %broadcast_in_dim3A_479 : i32 to vector<16xi32>
      tpu.vector_store_idx %arg16[%add3A_466, %broadcast_in_dim3A_480], %gather3A_478 : memref<800x16xf32, #tpu.memory_space<vmem>>[vector<16xi32>, vector<16xi32>], vector<16xf32>,
      %broadcast_in_dim3A_481 = vector.shape_cast %get3A_460 : vector<16xi32> to vector<16x1xi32>
      %gather3A_482 = vector.shape_cast %broadcast_in_dim3A_481 : vector<16x1xi32> to vector<16xi32>
      %gather3A_483 = tpu.dynamic_gather %get3A_330[%gather3A_482] in [0] : vector<16xf32>, vector<16xi32> -> vector<16xf32>
      %broadcast_in_dim3A_484 = arith.constant 3 : i32
      %broadcast_in_dim3A_485 = vector.broadcast %broadcast_in_dim3A_484 : i32 to vector<16xi32>
      tpu.vector_store_idx %arg16[%add3A_466, %broadcast_in_dim3A_485], %gather3A_483 : memref<800x16xf32, #tpu.memory_space<vmem>>[vector<16xi32>, vector<16xi32>], vector<16xf32>,
      %broadcast_in_dim3A_486 = vector.shape_cast %get3A_460 : vector<16xi32> to vector<16x1xi32>
      %gather3A_487 = vector.shape_cast %broadcast_in_dim3A_486 : vector<16x1xi32> to vector<16xi32>
      %gather3A_488 = tpu.dynamic_gather %get3A_332[%gather3A_487] in [0] : vector<16xf32>, vector<16xi32> -> vector<16xf32>
      %broadcast_in_dim3A_489 = arith.constant 4 : i32
      %broadcast_in_dim3A_490 = vector.broadcast %broadcast_in_dim3A_489 : i32 to vector<16xi32>
      tpu.vector_store_idx %arg16[%add3A_466, %broadcast_in_dim3A_490], %gather3A_488 : memref<800x16xf32, #tpu.memory_space<vmem>>[vector<16xi32>, vector<16xi32>], vector<16xf32>,
      %broadcast_in_dim3A_491 = vector.shape_cast %get3A_460 : vector<16xi32> to vector<16x1xi32>
      %gather3A_492 = vector.shape_cast %broadcast_in_dim3A_491 : vector<16x1xi32> to vector<16xi32>
      %gather3A_493 = tpu.dynamic_gather %get3A_334[%gather3A_492] in [0] : vector<16xf32>, vector<16xi32> -> vector<16xf32>
      %broadcast_in_dim3A_494 = arith.constant 5 : i32
      %broadcast_in_dim3A_495 = vector.broadcast %broadcast_in_dim3A_494 : i32 to vector<16xi32>
      tpu.vector_store_idx %arg16[%add3A_466, %broadcast_in_dim3A_495], %gather3A_493 : memref<800x16xf32, #tpu.memory_space<vmem>>[vector<16xi32>, vector<16xi32>], vector<16xf32>,
      %broadcast_in_dim3A_496 = vector.shape_cast %get3A_460 : vector<16xi32> to vector<16x1xi32>
      %gather3A_497 = vector.shape_cast %broadcast_in_dim3A_496 : vector<16x1xi32> to vector<16xi32>
      %gather3A_498 = tpu.dynamic_gather %get3A_336[%gather3A_497] in [0] : vector<16xf32>, vector<16xi32> -> vector<16xf32>
      %broadcast_in_dim3A_499 = arith.constant 6 : i32
      %broadcast_in_dim3A_500 = vector.broadcast %broadcast_in_dim3A_499 : i32 to vector<16xi32>
      tpu.vector_store_idx %arg16[%add3A_466, %broadcast_in_dim3A_500], %gather3A_498 : memref<800x16xf32, #tpu.memory_space<vmem>>[vector<16xi32>, vector<16xi32>], vector<16xf32>,
      %broadcast_in_dim3A_501 = vector.shape_cast %get3A_460 : vector<16xi32> to vector<16x1xi32>
      %gather3A_502 = vector.shape_cast %broadcast_in_dim3A_501 : vector<16x1xi32> to vector<16xi32>
      %gather3A_503 = tpu.dynamic_gather %get3A_338[%gather3A_502] in [0] : vector<16xf32>, vector<16xi32> -> vector<16xf32>
      %broadcast_in_dim3A_504 = arith.constant 7 : i32
      %broadcast_in_dim3A_505 = vector.broadcast %broadcast_in_dim3A_504 : i32 to vector<16xi32>
      tpu.vector_store_idx %arg16[%add3A_466, %broadcast_in_dim3A_505], %gather3A_503 : memref<800x16xf32, #tpu.memory_space<vmem>>[vector<16xi32>, vector<16xi32>], vector<16xf32>,
      %broadcast_in_dim3A_506 = vector.shape_cast %get3A_460 : vector<16xi32> to vector<16x1xi32>
      %gather3A_507 = vector.shape_cast %broadcast_in_dim3A_506 : vector<16x1xi32> to vector<16xi32>
      %gather3A_508 = tpu.dynamic_gather %get3A_340[%gather3A_507] in [0] : vector<16xf32>, vector<16xi32> -> vector<16xf32>
      %broadcast_in_dim3A_509 = arith.constant 8 : i32
      %broadcast_in_dim3A_510 = vector.broadcast %broadcast_in_dim3A_509 : i32 to vector<16xi32>
      tpu.vector_store_idx %arg16[%add3A_466, %broadcast_in_dim3A_510], %gather3A_508 : memref<800x16xf32, #tpu.memory_space<vmem>>[vector<16xi32>, vector<16xi32>], vector<16xf32>,
      %broadcast_in_dim3A_511 = vector.shape_cast %get3A_460 : vector<16xi32> to vector<16x1xi32>
      %gather3A_512 = vector.shape_cast %broadcast_in_dim3A_511 : vector<16x1xi32> to vector<16xi32>
      %gather3A_513 = tpu.dynamic_gather %get3A_342[%gather3A_512] in [0] : vector<16xf32>, vector<16xi32> -> vector<16xf32>
      %broadcast_in_dim3A_514 = arith.constant 9 : i32
      %broadcast_in_dim3A_515 = vector.broadcast %broadcast_in_dim3A_514 : i32 to vector<16xi32>
      tpu.vector_store_idx %arg16[%add3A_466, %broadcast_in_dim3A_515], %gather3A_513 : memref<800x16xf32, #tpu.memory_space<vmem>>[vector<16xi32>, vector<16xi32>], vector<16xf32>,
      %broadcast_in_dim3A_516 = vector.shape_cast %get3A_460 : vector<16xi32> to vector<16x1xi32>
      %gather3A_517 = vector.shape_cast %broadcast_in_dim3A_516 : vector<16x1xi32> to vector<16xi32>
      %gather3A_518 = tpu.dynamic_gather %get3A_344[%gather3A_517] in [0] : vector<16xf32>, vector<16xi32> -> vector<16xf32>
      %broadcast_in_dim3A_519 = arith.constant 10 : i32
      %broadcast_in_dim3A_520 = vector.broadcast %broadcast_in_dim3A_519 : i32 to vector<16xi32>
      tpu.vector_store_idx %arg16[%add3A_466, %broadcast_in_dim3A_520], %gather3A_518 : memref<800x16xf32, #tpu.memory_space<vmem>>[vector<16xi32>, vector<16xi32>], vector<16xf32>,
      %broadcast_in_dim3A_521 = vector.shape_cast %get3A_460 : vector<16xi32> to vector<16x1xi32>
      %gather3A_522 = vector.shape_cast %broadcast_in_dim3A_521 : vector<16x1xi32> to vector<16xi32>
      %gather3A_523 = tpu.dynamic_gather %get3A_346[%gather3A_522] in [0] : vector<16xf32>, vector<16xi32> -> vector<16xf32>
      %broadcast_in_dim3A_524 = arith.constant 11 : i32
      %broadcast_in_dim3A_525 = vector.broadcast %broadcast_in_dim3A_524 : i32 to vector<16xi32>
      tpu.vector_store_idx %arg16[%add3A_466, %broadcast_in_dim3A_525], %gather3A_523 : memref<800x16xf32, #tpu.memory_space<vmem>>[vector<16xi32>, vector<16xi32>], vector<16xf32>,
      %broadcast_in_dim3A_526 = vector.shape_cast %get3A_460 : vector<16xi32> to vector<16x1xi32>
      %gather3A_527 = vector.shape_cast %broadcast_in_dim3A_526 : vector<16x1xi32> to vector<16xi32>
      %gather3A_528 = tpu.dynamic_gather %get3A_348[%gather3A_527] in [0] : vector<16xf32>, vector<16xi32> -> vector<16xf32>
      %broadcast_in_dim3A_529 = arith.constant 12 : i32
      %broadcast_in_dim3A_530 = vector.broadcast %broadcast_in_dim3A_529 : i32 to vector<16xi32>
      tpu.vector_store_idx %arg16[%add3A_466, %broadcast_in_dim3A_530], %gather3A_528 : memref<800x16xf32, #tpu.memory_space<vmem>>[vector<16xi32>, vector<16xi32>], vector<16xf32>,
      %broadcast_in_dim3A_531 = vector.shape_cast %get3A_460 : vector<16xi32> to vector<16x1xi32>
      %gather3A_532 = vector.shape_cast %broadcast_in_dim3A_531 : vector<16x1xi32> to vector<16xi32>
      %gather3A_533 = tpu.dynamic_gather %get3A_350[%gather3A_532] in [0] : vector<16xf32>, vector<16xi32> -> vector<16xf32>
      %broadcast_in_dim3A_534 = arith.constant 13 : i32
      %broadcast_in_dim3A_535 = vector.broadcast %broadcast_in_dim3A_534 : i32 to vector<16xi32>
      tpu.vector_store_idx %arg16[%add3A_466, %broadcast_in_dim3A_535], %gather3A_533 : memref<800x16xf32, #tpu.memory_space<vmem>>[vector<16xi32>, vector<16xi32>], vector<16xf32>,
      %broadcast_in_dim3A_536 = vector.shape_cast %get3A_460 : vector<16xi32> to vector<16x1xi32>
      %gather3A_537 = vector.shape_cast %broadcast_in_dim3A_536 : vector<16x1xi32> to vector<16xi32>
      %gather3A_538 = tpu.dynamic_gather %get3A_352[%gather3A_537] in [0] : vector<16xf32>, vector<16xi32> -> vector<16xf32>
      %broadcast_in_dim3A_539 = arith.constant 14 : i32
      %broadcast_in_dim3A_540 = vector.broadcast %broadcast_in_dim3A_539 : i32 to vector<16xi32>
      tpu.vector_store_idx %arg16[%add3A_466, %broadcast_in_dim3A_540], %gather3A_538 : memref<800x16xf32, #tpu.memory_space<vmem>>[vector<16xi32>, vector<16xi32>], vector<16xf32>,
      %broadcast_in_dim3A_541 = vector.shape_cast %get3A_460 : vector<16xi32> to vector<16x1xi32>
      %gather3A_542 = vector.shape_cast %broadcast_in_dim3A_541 : vector<16x1xi32> to vector<16xi32>
      %gather3A_543 = tpu.dynamic_gather %get3A_354[%gather3A_542] in [0] : vector<16xf32>, vector<16xi32> -> vector<16xf32>
      %broadcast_in_dim3A_544 = arith.constant 15 : i32
      %broadcast_in_dim3A_545 = vector.broadcast %broadcast_in_dim3A_544 : i32 to vector<16xi32>
      tpu.vector_store_idx %arg16[%add3A_466, %broadcast_in_dim3A_545], %gather3A_543 : memref<800x16xf32, #tpu.memory_space<vmem>>[vector<16xi32>, vector<16xi32>], vector<16xf32>,
    }
    %scan3A_363 = arith.constant 25 : i32
    %add3A_364 = arith.constant 0 : i32
    %add3A_365 = arith.addi %mul3A_322, %add3A_364 : i32
    %dma_start3A_366 = arith.constant 0 : i32
    %dma_start3A_367 = arith.constant 0 : i32
    %dma_start3A_368 = tpu.memref_slice %arg16[%dma_start3A_366, %dma_start3A_367] : memref<800x16xf32, #tpu.memory_space<vmem>> -> memref<400x16xf32, #tpu.memory_space<vmem>>
    %dma_start3A_369 = arith.constant 0 : i32
    %dma_start3A_370 = tpu.memref_slice %arg10[%add3A_365, %dma_start3A_369] : memref<1600000x16xf32, #tpu.memory_space<hbm>> -> memref<400x16xf32, #tpu.memory_space<hbm>>
    %dma_start3A_371 = arith.constant 0 : i32
    %dma_start3A_372 = tpu.memref_slice %arg10[%add3A_365, %dma_start3A_371] : memref<1600000x16xf32, #tpu.memory_space<hbm>> -> memref<400x16xf32, #tpu.memory_space<hbm>>
    %dma_start3A_373 = arith.constant 0 : i32
    %dma_start3A_374 = arith.constant 0 : i32
    %dma_start3A_375 = tpu.memref_slice %arg16[%dma_start3A_373, %dma_start3A_374] : memref<800x16xf32, #tpu.memory_space<vmem>> -> memref<400x16xf32, #tpu.memory_space<vmem>>
    tpu.enqueue_dma source(%dma_start3A_375 : memref<400x16xf32, #tpu.memory_space<vmem>>) target(%dma_start3A_372 : memref<400x16xf32, #tpu.memory_space<hbm>>) target_semaphore(%arg20 : memref<!tpu.dma_semaphore, #tpu.memory_space<semaphore_mem>>)
    %scan3A_376 = arith.constant 0 : i32
    %scan3A_377 = arith.constant 0 : i32
    %scan3A_378 = arith.constant 25 : i32
    %scan3A_379 = arith.addi %scan3A_377, %scan3A_378 : i32
    %scan3A_380 = arith.constant 1 : i32
    scf.for %scan3A_454 = %scan3A_377 to %scan3A_379 step %scan3A_380  : i32 {
      %mul3A_455 = arith.constant 16 : i32
      %mul3A_456 = arith.muli %scan3A_454, %mul3A_455 : i32
      %add3A_457 = arith.constant 400 : i32
      %add3A_458 = arith.addi %add3A_457, %mul3A_456 : i32
      %get3A_459 = arith.index_cast %add3A_458 : i32 to index
      %get3A_460 = tpu.vector_load %arg13[%get3A_459] {strides = array<i32>} : memref<52016xi32, #tpu.memory_space<vmem>>, vector<16xi32>,
      %mul3A_461 = arith.constant 16 : i32
      %mul3A_462 = arith.muli %scan3A_454, %mul3A_461 : i32
      %add3A_463 = arith.constant 400 : i32
      %add3A_464 = arith.addi %add3A_463, %mul3A_462 : i32
      %add3A_465 = vector.broadcast %add3A_464 : i32 to vector<16xi32>
      %add3A_466 = arith.addi %add3A_465, %iota3A : vector<16xi32>
      %broadcast_in_dim3A = vector.shape_cast %get3A_460 : vector<16xi32> to vector<16x1xi32>
      %gather3A_467 = vector.shape_cast %broadcast_in_dim3A : vector<16x1xi32> to vector<16xi32>
      %gather3A_468 = tpu.dynamic_gather %get3A_324[%gather3A_467] in [0] : vector<16xf32>, vector<16xi32> -> vector<16xf32>
      %broadcast_in_dim3A_469 = arith.constant 0 : i32
      %broadcast_in_dim3A_470 = vector.broadcast %broadcast_in_dim3A_469 : i32 to vector<16xi32>
      tpu.vector_store_idx %arg16[%add3A_466, %broadcast_in_dim3A_470], %gather3A_468 : memref<800x16xf32, #tpu.memory_space<vmem>>[vector<16xi32>, vector<16xi32>], vector<16xf32>,
      %broadcast_in_dim3A_471 = vector.shape_cast %get3A_460 : vector<16xi32> to vector<16x1xi32>
      %gather3A_472 = vector.shape_cast %broadcast_in_dim3A_471 : vector<16x1xi32> to vector<16xi32>
      %gather3A_473 = tpu.dynamic_gather %get3A_326[%gather3A_472] in [0] : vector<16xf32>, vector<16xi32> -> vector<16xf32>
      %broadcast_in_dim3A_474 = arith.constant 1 : i32
      %broadcast_in_dim3A_475 = vector.broadcast %broadcast_in_dim3A_474 : i32 to vector<16xi32>
      tpu.vector_store_idx %arg16[%add3A_466, %broadcast_in_dim3A_475], %gather3A_473 : memref<800x16xf32, #tpu.memory_space<vmem>>[vector<16xi32>, vector<16xi32>], vector<16xf32>,
      %broadcast_in_dim3A_476 = vector.shape_cast %get3A_460 : vector<16xi32> to vector<16x1xi32>
      %gather3A_477 = vector.shape_cast %broadcast_in_dim3A_476 : vector<16x1xi32> to vector<16xi32>
      %gather3A_478 = tpu.dynamic_gather %get3A_328[%gather3A_477] in [0] : vector<16xf32>, vector<16xi32> -> vector<16xf32>
      %broadcast_in_dim3A_479 = arith.constant 2 : i32
      %broadcast_in_dim3A_480 = vector.broadcast %broadcast_in_dim3A_479 : i32 to vector<16xi32>
      tpu.vector_store_idx %arg16[%add3A_466, %broadcast_in_dim3A_480], %gather3A_478 : memref<800x16xf32, #tpu.memory_space<vmem>>[vector<16xi32>, vector<16xi32>], vector<16xf32>,
      %broadcast_in_dim3A_481 = vector.shape_cast %get3A_460 : vector<16xi32> to vector<16x1xi32>
      %gather3A_482 = vector.shape_cast %broadcast_in_dim3A_481 : vector<16x1xi32> to vector<16xi32>
      %gather3A_483 = tpu.dynamic_gather %get3A_330[%gather3A_482] in [0] : vector<16xf32>, vector<16xi32> -> vector<16xf32>
      %broadcast_in_dim3A_484 = arith.constant 3 : i32
      %broadcast_in_dim3A_485 = vector.broadcast %broadcast_in_dim3A_484 : i32 to vector<16xi32>
      tpu.vector_store_idx %arg16[%add3A_466, %broadcast_in_dim3A_485], %gather3A_483 : memref<800x16xf32, #tpu.memory_space<vmem>>[vector<16xi32>, vector<16xi32>], vector<16xf32>,
      %broadcast_in_dim3A_486 = vector.shape_cast %get3A_460 : vector<16xi32> to vector<16x1xi32>
      %gather3A_487 = vector.shape_cast %broadcast_in_dim3A_486 : vector<16x1xi32> to vector<16xi32>
      %gather3A_488 = tpu.dynamic_gather %get3A_332[%gather3A_487] in [0] : vector<16xf32>, vector<16xi32> -> vector<16xf32>
      %broadcast_in_dim3A_489 = arith.constant 4 : i32
      %broadcast_in_dim3A_490 = vector.broadcast %broadcast_in_dim3A_489 : i32 to vector<16xi32>
      tpu.vector_store_idx %arg16[%add3A_466, %broadcast_in_dim3A_490], %gather3A_488 : memref<800x16xf32, #tpu.memory_space<vmem>>[vector<16xi32>, vector<16xi32>], vector<16xf32>,
      %broadcast_in_dim3A_491 = vector.shape_cast %get3A_460 : vector<16xi32> to vector<16x1xi32>
      %gather3A_492 = vector.shape_cast %broadcast_in_dim3A_491 : vector<16x1xi32> to vector<16xi32>
      %gather3A_493 = tpu.dynamic_gather %get3A_334[%gather3A_492] in [0] : vector<16xf32>, vector<16xi32> -> vector<16xf32>
      %broadcast_in_dim3A_494 = arith.constant 5 : i32
      %broadcast_in_dim3A_495 = vector.broadcast %broadcast_in_dim3A_494 : i32 to vector<16xi32>
      tpu.vector_store_idx %arg16[%add3A_466, %broadcast_in_dim3A_495], %gather3A_493 : memref<800x16xf32, #tpu.memory_space<vmem>>[vector<16xi32>, vector<16xi32>], vector<16xf32>,
      %broadcast_in_dim3A_496 = vector.shape_cast %get3A_460 : vector<16xi32> to vector<16x1xi32>
      %gather3A_497 = vector.shape_cast %broadcast_in_dim3A_496 : vector<16x1xi32> to vector<16xi32>
      %gather3A_498 = tpu.dynamic_gather %get3A_336[%gather3A_497] in [0] : vector<16xf32>, vector<16xi32> -> vector<16xf32>
      %broadcast_in_dim3A_499 = arith.constant 6 : i32
      %broadcast_in_dim3A_500 = vector.broadcast %broadcast_in_dim3A_499 : i32 to vector<16xi32>
      tpu.vector_store_idx %arg16[%add3A_466, %broadcast_in_dim3A_500], %gather3A_498 : memref<800x16xf32, #tpu.memory_space<vmem>>[vector<16xi32>, vector<16xi32>], vector<16xf32>,
      %broadcast_in_dim3A_501 = vector.shape_cast %get3A_460 : vector<16xi32> to vector<16x1xi32>
      %gather3A_502 = vector.shape_cast %broadcast_in_dim3A_501 : vector<16x1xi32> to vector<16xi32>
      %gather3A_503 = tpu.dynamic_gather %get3A_338[%gather3A_502] in [0] : vector<16xf32>, vector<16xi32> -> vector<16xf32>
      %broadcast_in_dim3A_504 = arith.constant 7 : i32
      %broadcast_in_dim3A_505 = vector.broadcast %broadcast_in_dim3A_504 : i32 to vector<16xi32>
      tpu.vector_store_idx %arg16[%add3A_466, %broadcast_in_dim3A_505], %gather3A_503 : memref<800x16xf32, #tpu.memory_space<vmem>>[vector<16xi32>, vector<16xi32>], vector<16xf32>,
      %broadcast_in_dim3A_506 = vector.shape_cast %get3A_460 : vector<16xi32> to vector<16x1xi32>
      %gather3A_507 = vector.shape_cast %broadcast_in_dim3A_506 : vector<16x1xi32> to vector<16xi32>
      %gather3A_508 = tpu.dynamic_gather %get3A_340[%gather3A_507] in [0] : vector<16xf32>, vector<16xi32> -> vector<16xf32>
      %broadcast_in_dim3A_509 = arith.constant 8 : i32
      %broadcast_in_dim3A_510 = vector.broadcast %broadcast_in_dim3A_509 : i32 to vector<16xi32>
      tpu.vector_store_idx %arg16[%add3A_466, %broadcast_in_dim3A_510], %gather3A_508 : memref<800x16xf32, #tpu.memory_space<vmem>>[vector<16xi32>, vector<16xi32>], vector<16xf32>,
      %broadcast_in_dim3A_511 = vector.shape_cast %get3A_460 : vector<16xi32> to vector<16x1xi32>
      %gather3A_512 = vector.shape_cast %broadcast_in_dim3A_511 : vector<16x1xi32> to vector<16xi32>
      %gather3A_513 = tpu.dynamic_gather %get3A_342[%gather3A_512] in [0] : vector<16xf32>, vector<16xi32> -> vector<16xf32>
      %broadcast_in_dim3A_514 = arith.constant 9 : i32
      %broadcast_in_dim3A_515 = vector.broadcast %broadcast_in_dim3A_514 : i32 to vector<16xi32>
      tpu.vector_store_idx %arg16[%add3A_466, %broadcast_in_dim3A_515], %gather3A_513 : memref<800x16xf32, #tpu.memory_space<vmem>>[vector<16xi32>, vector<16xi32>], vector<16xf32>,
      %broadcast_in_dim3A_516 = vector.shape_cast %get3A_460 : vector<16xi32> to vector<16x1xi32>
      %gather3A_517 = vector.shape_cast %broadcast_in_dim3A_516 : vector<16x1xi32> to vector<16xi32>
      %gather3A_518 = tpu.dynamic_gather %get3A_344[%gather3A_517] in [0] : vector<16xf32>, vector<16xi32> -> vector<16xf32>
      %broadcast_in_dim3A_519 = arith.constant 10 : i32
      %broadcast_in_dim3A_520 = vector.broadcast %broadcast_in_dim3A_519 : i32 to vector<16xi32>
      tpu.vector_store_idx %arg16[%add3A_466, %broadcast_in_dim3A_520], %gather3A_518 : memref<800x16xf32, #tpu.memory_space<vmem>>[vector<16xi32>, vector<16xi32>], vector<16xf32>,
      %broadcast_in_dim3A_521 = vector.shape_cast %get3A_460 : vector<16xi32> to vector<16x1xi32>
      %gather3A_522 = vector.shape_cast %broadcast_in_dim3A_521 : vector<16x1xi32> to vector<16xi32>
      %gather3A_523 = tpu.dynamic_gather %get3A_346[%gather3A_522] in [0] : vector<16xf32>, vector<16xi32> -> vector<16xf32>
      %broadcast_in_dim3A_524 = arith.constant 11 : i32
      %broadcast_in_dim3A_525 = vector.broadcast %broadcast_in_dim3A_524 : i32 to vector<16xi32>
      tpu.vector_store_idx %arg16[%add3A_466, %broadcast_in_dim3A_525], %gather3A_523 : memref<800x16xf32, #tpu.memory_space<vmem>>[vector<16xi32>, vector<16xi32>], vector<16xf32>,
      %broadcast_in_dim3A_526 = vector.shape_cast %get3A_460 : vector<16xi32> to vector<16x1xi32>
      %gather3A_527 = vector.shape_cast %broadcast_in_dim3A_526 : vector<16x1xi32> to vector<16xi32>
      %gather3A_528 = tpu.dynamic_gather %get3A_348[%gather3A_527] in [0] : vector<16xf32>, vector<16xi32> -> vector<16xf32>
      %broadcast_in_dim3A_529 = arith.constant 12 : i32
      %broadcast_in_dim3A_530 = vector.broadcast %broadcast_in_dim3A_529 : i32 to vector<16xi32>
      tpu.vector_store_idx %arg16[%add3A_466, %broadcast_in_dim3A_530], %gather3A_528 : memref<800x16xf32, #tpu.memory_space<vmem>>[vector<16xi32>, vector<16xi32>], vector<16xf32>,
      %broadcast_in_dim3A_531 = vector.shape_cast %get3A_460 : vector<16xi32> to vector<16x1xi32>
      %gather3A_532 = vector.shape_cast %broadcast_in_dim3A_531 : vector<16x1xi32> to vector<16xi32>
      %gather3A_533 = tpu.dynamic_gather %get3A_350[%gather3A_532] in [0] : vector<16xf32>, vector<16xi32> -> vector<16xf32>
      %broadcast_in_dim3A_534 = arith.constant 13 : i32
      %broadcast_in_dim3A_535 = vector.broadcast %broadcast_in_dim3A_534 : i32 to vector<16xi32>
      tpu.vector_store_idx %arg16[%add3A_466, %broadcast_in_dim3A_535], %gather3A_533 : memref<800x16xf32, #tpu.memory_space<vmem>>[vector<16xi32>, vector<16xi32>], vector<16xf32>,
      %broadcast_in_dim3A_536 = vector.shape_cast %get3A_460 : vector<16xi32> to vector<16x1xi32>
      %gather3A_537 = vector.shape_cast %broadcast_in_dim3A_536 : vector<16x1xi32> to vector<16xi32>
      %gather3A_538 = tpu.dynamic_gather %get3A_352[%gather3A_537] in [0] : vector<16xf32>, vector<16xi32> -> vector<16xf32>
      %broadcast_in_dim3A_539 = arith.constant 14 : i32
      %broadcast_in_dim3A_540 = vector.broadcast %broadcast_in_dim3A_539 : i32 to vector<16xi32>
      tpu.vector_store_idx %arg16[%add3A_466, %broadcast_in_dim3A_540], %gather3A_538 : memref<800x16xf32, #tpu.memory_space<vmem>>[vector<16xi32>, vector<16xi32>], vector<16xf32>,
      %broadcast_in_dim3A_541 = vector.shape_cast %get3A_460 : vector<16xi32> to vector<16x1xi32>
      %gather3A_542 = vector.shape_cast %broadcast_in_dim3A_541 : vector<16x1xi32> to vector<16xi32>
      %gather3A_543 = tpu.dynamic_gather %get3A_354[%gather3A_542] in [0] : vector<16xf32>, vector<16xi32> -> vector<16xf32>
      %broadcast_in_dim3A_544 = arith.constant 15 : i32
      %broadcast_in_dim3A_545 = vector.broadcast %broadcast_in_dim3A_544 : i32 to vector<16xi32>
      tpu.vector_store_idx %arg16[%add3A_466, %broadcast_in_dim3A_545], %gather3A_543 : memref<800x16xf32, #tpu.memory_space<vmem>>[vector<16xi32>, vector<16xi32>], vector<16xf32>,
    }
    %scan3A_381 = arith.constant 25 : i32
    %add3A_382 = arith.constant 0 : i32
    %add3A_383 = arith.addi %mul3A_322, %add3A_382 : i32
    %dma_wait3A_384 = arith.constant 0 : i32
    %dma_wait3A_385 = arith.constant 0 : i32
    %dma_wait3A_386 = tpu.memref_slice %arg16[%dma_wait3A_384, %dma_wait3A_385] : memref<800x16xf32, #tpu.memory_space<vmem>> -> memref<400x16xf32, #tpu.memory_space<vmem>>
    %dma_wait3A_387 = arith.constant 0 : i32
    %dma_wait3A_388 = tpu.memref_slice %arg10[%add3A_383, %dma_wait3A_387] : memref<1600000x16xf32, #tpu.memory_space<hbm>> -> memref<400x16xf32, #tpu.memory_space<hbm>>
    %dma_wait3A_389 = arith.constant 0 : i32
    %dma_wait3A_390 = tpu.memref_slice %arg10[%add3A_383, %dma_wait3A_389] : memref<1600000x16xf32, #tpu.memory_space<hbm>> -> memref<400x16xf32, #tpu.memory_space<hbm>>
    %dma_wait3A_391 = arith.constant 0 : i32
    %dma_wait3A_392 = arith.constant 0 : i32
    %dma_wait3A_393 = tpu.memref_slice %arg16[%dma_wait3A_391, %dma_wait3A_392] : memref<800x16xf32, #tpu.memory_space<vmem>> -> memref<400x16xf32, #tpu.memory_space<vmem>>
    tpu.wait_dma2 semaphore(%arg20 : memref<!tpu.dma_semaphore, #tpu.memory_space<semaphore_mem>>) src(%dma_wait3A_393 : memref<400x16xf32, #tpu.memory_space<vmem>>) dst(%dma_wait3A_390 : memref<400x16xf32, #tpu.memory_space<hbm>>)
    %add3A_394 = arith.constant 400 : i32
    %add3A_395 = arith.addi %mul3A_322, %add3A_394 : i32
    %dma_start3A_396 = arith.constant 400 : i32
    %dma_start3A_397 = arith.constant 0 : i32
    %dma_start3A_398 = tpu.memref_slice %arg16[%dma_start3A_396, %dma_start3A_397] : memref<800x16xf32, #tpu.memory_space<vmem>> -> memref<400x16xf32, #tpu.memory_space<vmem>>
    %dma_start3A_399 = arith.constant 0 : i32
    %dma_start3A_400 = tpu.memref_slice %arg10[%add3A_395, %dma_start3A_399] : memref<1600000x16xf32, #tpu.memory_space<hbm>> -> memref<400x16xf32, #tpu.memory_space<hbm>>
    %dma_start3A_401 = arith.constant 0 : i32
    %dma_start3A_402 = tpu.memref_slice %arg10[%add3A_395, %dma_start3A_401] : memref<1600000x16xf32, #tpu.memory_space<hbm>> -> memref<400x16xf32, #tpu.memory_space<hbm>>
    %dma_start3A_403 = arith.constant 400 : i32
    %dma_start3A_404 = arith.constant 0 : i32
    %dma_start3A_405 = tpu.memref_slice %arg16[%dma_start3A_403, %dma_start3A_404] : memref<800x16xf32, #tpu.memory_space<vmem>> -> memref<400x16xf32, #tpu.memory_space<vmem>>
    tpu.enqueue_dma source(%dma_start3A_405 : memref<400x16xf32, #tpu.memory_space<vmem>>) target(%dma_start3A_402 : memref<400x16xf32, #tpu.memory_space<hbm>>) target_semaphore(%arg20 : memref<!tpu.dma_semaphore, #tpu.memory_space<semaphore_mem>>)
    %scan3A_406 = arith.constant 0 : i32
    %scan3A_407 = arith.constant 1 : i32
    %scan3A_408 = arith.constant 61 : i32
    %scan3A_409 = arith.addi %scan3A_407, %scan3A_408 : i32
    %scan3A_410 = arith.constant 1 : i32
    scf.for %scan3A_454 = %scan3A_407 to %scan3A_409 step %scan3A_410  : i32 {
      %mul3A_455 = arith.constant 2 : i32
      %mul3A_456 = arith.muli %mul3A_455, %scan3A_454 : i32
      %mul3A_457 = arith.constant 400 : i32
      %mul3A_458 = arith.muli %mul3A_456, %mul3A_457 : i32
      %add3A_459 = arith.constant 400 : i32
      %add3A_460 = arith.addi %mul3A_458, %add3A_459 : i32
      %scan3A_461 = arith.constant 0 : i32
      %scan3A_462 = arith.constant 0 : i32
      %scan3A_463 = arith.constant 25 : i32
      %scan3A_464 = arith.addi %scan3A_462, %scan3A_463 : i32
      %scan3A_465 = arith.constant 1 : i32
      scf.for %scan3A_519 = %scan3A_462 to %scan3A_464 step %scan3A_465  : i32 {
        %mul3A_520 = arith.constant 16 : i32
        %mul3A_521 = arith.muli %scan3A_519, %mul3A_520 : i32
        %add3A_522 = arith.addi %mul3A_458, %mul3A_521 : i32
        %get3A_523 = arith.index_cast %add3A_522 : i32 to index
        %get3A_524 = tpu.vector_load %arg13[%get3A_523] {strides = array<i32>} : memref<52016xi32, #tpu.memory_space<vmem>>, vector<16xi32>,
        %mul3A_525 = arith.constant 16 : i32
        %mul3A_526 = arith.muli %scan3A_519, %mul3A_525 : i32
        %add3A_527 = arith.constant 0 : i32
        %add3A_528 = arith.addi %add3A_527, %mul3A_526 : i32
        %add3A_529 = vector.broadcast %add3A_528 : i32 to vector<16xi32>
        %add3A_530 = arith.addi %add3A_529, %iota3A : vector<16xi32>
        %broadcast_in_dim3A = vector.shape_cast %get3A_524 : vector<16xi32> to vector<16x1xi32>
        %gather3A_531 = vector.shape_cast %broadcast_in_dim3A : vector<16x1xi32> to vector<16xi32>
        %gather3A_532 = tpu.dynamic_gather %get3A_324[%gather3A_531] in [0] : vector<16xf32>, vector<16xi32> -> vector<16xf32>
        %broadcast_in_dim3A_533 = arith.constant 0 : i32
        %broadcast_in_dim3A_534 = vector.broadcast %broadcast_in_dim3A_533 : i32 to vector<16xi32>
        tpu.vector_store_idx %arg16[%add3A_530, %broadcast_in_dim3A_534], %gather3A_532 : memref<800x16xf32, #tpu.memory_space<vmem>>[vector<16xi32>, vector<16xi32>], vector<16xf32>,
        %broadcast_in_dim3A_535 = vector.shape_cast %get3A_524 : vector<16xi32> to vector<16x1xi32>
        %gather3A_536 = vector.shape_cast %broadcast_in_dim3A_535 : vector<16x1xi32> to vector<16xi32>
        %gather3A_537 = tpu.dynamic_gather %get3A_326[%gather3A_536] in [0] : vector<16xf32>, vector<16xi32> -> vector<16xf32>
        %broadcast_in_dim3A_538 = arith.constant 1 : i32
        %broadcast_in_dim3A_539 = vector.broadcast %broadcast_in_dim3A_538 : i32 to vector<16xi32>
        tpu.vector_store_idx %arg16[%add3A_530, %broadcast_in_dim3A_539], %gather3A_537 : memref<800x16xf32, #tpu.memory_space<vmem>>[vector<16xi32>, vector<16xi32>], vector<16xf32>,
        %broadcast_in_dim3A_540 = vector.shape_cast %get3A_524 : vector<16xi32> to vector<16x1xi32>
        %gather3A_541 = vector.shape_cast %broadcast_in_dim3A_540 : vector<16x1xi32> to vector<16xi32>
        %gather3A_542 = tpu.dynamic_gather %get3A_328[%gather3A_541] in [0] : vector<16xf32>, vector<16xi32> -> vector<16xf32>
        %broadcast_in_dim3A_543 = arith.constant 2 : i32
        %broadcast_in_dim3A_544 = vector.broadcast %broadcast_in_dim3A_543 : i32 to vector<16xi32>
        tpu.vector_store_idx %arg16[%add3A_530, %broadcast_in_dim3A_544], %gather3A_542 : memref<800x16xf32, #tpu.memory_space<vmem>>[vector<16xi32>, vector<16xi32>], vector<16xf32>,
        %broadcast_in_dim3A_545 = vector.shape_cast %get3A_524 : vector<16xi32> to vector<16x1xi32>
        %gather3A_546 = vector.shape_cast %broadcast_in_dim3A_545 : vector<16x1xi32> to vector<16xi32>
        %gather3A_547 = tpu.dynamic_gather %get3A_330[%gather3A_546] in [0] : vector<16xf32>, vector<16xi32> -> vector<16xf32>
        %broadcast_in_dim3A_548 = arith.constant 3 : i32
        %broadcast_in_dim3A_549 = vector.broadcast %broadcast_in_dim3A_548 : i32 to vector<16xi32>
        tpu.vector_store_idx %arg16[%add3A_530, %broadcast_in_dim3A_549], %gather3A_547 : memref<800x16xf32, #tpu.memory_space<vmem>>[vector<16xi32>, vector<16xi32>], vector<16xf32>,
        %broadcast_in_dim3A_550 = vector.shape_cast %get3A_524 : vector<16xi32> to vector<16x1xi32>
        %gather3A_551 = vector.shape_cast %broadcast_in_dim3A_550 : vector<16x1xi32> to vector<16xi32>
        %gather3A_552 = tpu.dynamic_gather %get3A_332[%gather3A_551] in [0] : vector<16xf32>, vector<16xi32> -> vector<16xf32>
        %broadcast_in_dim3A_553 = arith.constant 4 : i32
        %broadcast_in_dim3A_554 = vector.broadcast %broadcast_in_dim3A_553 : i32 to vector<16xi32>
        tpu.vector_store_idx %arg16[%add3A_530, %broadcast_in_dim3A_554], %gather3A_552 : memref<800x16xf32, #tpu.memory_space<vmem>>[vector<16xi32>, vector<16xi32>], vector<16xf32>,
        %broadcast_in_dim3A_555 = vector.shape_cast %get3A_524 : vector<16xi32> to vector<16x1xi32>
        %gather3A_556 = vector.shape_cast %broadcast_in_dim3A_555 : vector<16x1xi32> to vector<16xi32>
        %gather3A_557 = tpu.dynamic_gather %get3A_334[%gather3A_556] in [0] : vector<16xf32>, vector<16xi32> -> vector<16xf32>
        %broadcast_in_dim3A_558 = arith.constant 5 : i32
        %broadcast_in_dim3A_559 = vector.broadcast %broadcast_in_dim3A_558 : i32 to vector<16xi32>
        tpu.vector_store_idx %arg16[%add3A_530, %broadcast_in_dim3A_559], %gather3A_557 : memref<800x16xf32, #tpu.memory_space<vmem>>[vector<16xi32>, vector<16xi32>], vector<16xf32>,
        %broadcast_in_dim3A_560 = vector.shape_cast %get3A_524 : vector<16xi32> to vector<16x1xi32>
        %gather3A_561 = vector.shape_cast %broadcast_in_dim3A_560 : vector<16x1xi32> to vector<16xi32>
        %gather3A_562 = tpu.dynamic_gather %get3A_336[%gather3A_561] in [0] : vector<16xf32>, vector<16xi32> -> vector<16xf32>
        %broadcast_in_dim3A_563 = arith.constant 6 : i32
        %broadcast_in_dim3A_564 = vector.broadcast %broadcast_in_dim3A_563 : i32 to vector<16xi32>
        tpu.vector_store_idx %arg16[%add3A_530, %broadcast_in_dim3A_564], %gather3A_562 : memref<800x16xf32, #tpu.memory_space<vmem>>[vector<16xi32>, vector<16xi32>], vector<16xf32>,
        %broadcast_in_dim3A_565 = vector.shape_cast %get3A_524 : vector<16xi32> to vector<16x1xi32>
        %gather3A_566 = vector.shape_cast %broadcast_in_dim3A_565 : vector<16x1xi32> to vector<16xi32>
        %gather3A_567 = tpu.dynamic_gather %get3A_338[%gather3A_566] in [0] : vector<16xf32>, vector<16xi32> -> vector<16xf32>
        %broadcast_in_dim3A_568 = arith.constant 7 : i32
        %broadcast_in_dim3A_569 = vector.broadcast %broadcast_in_dim3A_568 : i32 to vector<16xi32>
        tpu.vector_store_idx %arg16[%add3A_530, %broadcast_in_dim3A_569], %gather3A_567 : memref<800x16xf32, #tpu.memory_space<vmem>>[vector<16xi32>, vector<16xi32>], vector<16xf32>,
        %broadcast_in_dim3A_570 = vector.shape_cast %get3A_524 : vector<16xi32> to vector<16x1xi32>
        %gather3A_571 = vector.shape_cast %broadcast_in_dim3A_570 : vector<16x1xi32> to vector<16xi32>
        %gather3A_572 = tpu.dynamic_gather %get3A_340[%gather3A_571] in [0] : vector<16xf32>, vector<16xi32> -> vector<16xf32>
        %broadcast_in_dim3A_573 = arith.constant 8 : i32
        %broadcast_in_dim3A_574 = vector.broadcast %broadcast_in_dim3A_573 : i32 to vector<16xi32>
        tpu.vector_store_idx %arg16[%add3A_530, %broadcast_in_dim3A_574], %gather3A_572 : memref<800x16xf32, #tpu.memory_space<vmem>>[vector<16xi32>, vector<16xi32>], vector<16xf32>,
        %broadcast_in_dim3A_575 = vector.shape_cast %get3A_524 : vector<16xi32> to vector<16x1xi32>
        %gather3A_576 = vector.shape_cast %broadcast_in_dim3A_575 : vector<16x1xi32> to vector<16xi32>
        %gather3A_577 = tpu.dynamic_gather %get3A_342[%gather3A_576] in [0] : vector<16xf32>, vector<16xi32> -> vector<16xf32>
        %broadcast_in_dim3A_578 = arith.constant 9 : i32
        %broadcast_in_dim3A_579 = vector.broadcast %broadcast_in_dim3A_578 : i32 to vector<16xi32>
        tpu.vector_store_idx %arg16[%add3A_530, %broadcast_in_dim3A_579], %gather3A_577 : memref<800x16xf32, #tpu.memory_space<vmem>>[vector<16xi32>, vector<16xi32>], vector<16xf32>,
        %broadcast_in_dim3A_580 = vector.shape_cast %get3A_524 : vector<16xi32> to vector<16x1xi32>
        %gather3A_581 = vector.shape_cast %broadcast_in_dim3A_580 : vector<16x1xi32> to vector<16xi32>
        %gather3A_582 = tpu.dynamic_gather %get3A_344[%gather3A_581] in [0] : vector<16xf32>, vector<16xi32> -> vector<16xf32>
        %broadcast_in_dim3A_583 = arith.constant 10 : i32
        %broadcast_in_dim3A_584 = vector.broadcast %broadcast_in_dim3A_583 : i32 to vector<16xi32>
        tpu.vector_store_idx %arg16[%add3A_530, %broadcast_in_dim3A_584], %gather3A_582 : memref<800x16xf32, #tpu.memory_space<vmem>>[vector<16xi32>, vector<16xi32>], vector<16xf32>,
        %broadcast_in_dim3A_585 = vector.shape_cast %get3A_524 : vector<16xi32> to vector<16x1xi32>
        %gather3A_586 = vector.shape_cast %broadcast_in_dim3A_585 : vector<16x1xi32> to vector<16xi32>
        %gather3A_587 = tpu.dynamic_gather %get3A_346[%gather3A_586] in [0] : vector<16xf32>, vector<16xi32> -> vector<16xf32>
        %broadcast_in_dim3A_588 = arith.constant 11 : i32
        %broadcast_in_dim3A_589 = vector.broadcast %broadcast_in_dim3A_588 : i32 to vector<16xi32>
        tpu.vector_store_idx %arg16[%add3A_530, %broadcast_in_dim3A_589], %gather3A_587 : memref<800x16xf32, #tpu.memory_space<vmem>>[vector<16xi32>, vector<16xi32>], vector<16xf32>,
        %broadcast_in_dim3A_590 = vector.shape_cast %get3A_524 : vector<16xi32> to vector<16x1xi32>
        %gather3A_591 = vector.shape_cast %broadcast_in_dim3A_590 : vector<16x1xi32> to vector<16xi32>
        %gather3A_592 = tpu.dynamic_gather %get3A_348[%gather3A_591] in [0] : vector<16xf32>, vector<16xi32> -> vector<16xf32>
        %broadcast_in_dim3A_593 = arith.constant 12 : i32
        %broadcast_in_dim3A_594 = vector.broadcast %broadcast_in_dim3A_593 : i32 to vector<16xi32>
        tpu.vector_store_idx %arg16[%add3A_530, %broadcast_in_dim3A_594], %gather3A_592 : memref<800x16xf32, #tpu.memory_space<vmem>>[vector<16xi32>, vector<16xi32>], vector<16xf32>,
        %broadcast_in_dim3A_595 = vector.shape_cast %get3A_524 : vector<16xi32> to vector<16x1xi32>
        %gather3A_596 = vector.shape_cast %broadcast_in_dim3A_595 : vector<16x1xi32> to vector<16xi32>
        %gather3A_597 = tpu.dynamic_gather %get3A_350[%gather3A_596] in [0] : vector<16xf32>, vector<16xi32> -> vector<16xf32>
        %broadcast_in_dim3A_598 = arith.constant 13 : i32
        %broadcast_in_dim3A_599 = vector.broadcast %broadcast_in_dim3A_598 : i32 to vector<16xi32>
        tpu.vector_store_idx %arg16[%add3A_530, %broadcast_in_dim3A_599], %gather3A_597 : memref<800x16xf32, #tpu.memory_space<vmem>>[vector<16xi32>, vector<16xi32>], vector<16xf32>,
        %broadcast_in_dim3A_600 = vector.shape_cast %get3A_524 : vector<16xi32> to vector<16x1xi32>
        %gather3A_601 = vector.shape_cast %broadcast_in_dim3A_600 : vector<16x1xi32> to vector<16xi32>
        %gather3A_602 = tpu.dynamic_gather %get3A_352[%gather3A_601] in [0] : vector<16xf32>, vector<16xi32> -> vector<16xf32>
        %broadcast_in_dim3A_603 = arith.constant 14 : i32
        %broadcast_in_dim3A_604 = vector.broadcast %broadcast_in_dim3A_603 : i32 to vector<16xi32>
        tpu.vector_store_idx %arg16[%add3A_530, %broadcast_in_dim3A_604], %gather3A_602 : memref<800x16xf32, #tpu.memory_space<vmem>>[vector<16xi32>, vector<16xi32>], vector<16xf32>,
        %broadcast_in_dim3A_605 = vector.shape_cast %get3A_524 : vector<16xi32> to vector<16x1xi32>
        %gather3A_606 = vector.shape_cast %broadcast_in_dim3A_605 : vector<16x1xi32> to vector<16xi32>
        %gather3A_607 = tpu.dynamic_gather %get3A_354[%gather3A_606] in [0] : vector<16xf32>, vector<16xi32> -> vector<16xf32>
        %broadcast_in_dim3A_608 = arith.constant 15 : i32
        %broadcast_in_dim3A_609 = vector.broadcast %broadcast_in_dim3A_608 : i32 to vector<16xi32>
        tpu.vector_store_idx %arg16[%add3A_530, %broadcast_in_dim3A_609], %gather3A_607 : memref<800x16xf32, #tpu.memory_space<vmem>>[vector<16xi32>, vector<16xi32>], vector<16xf32>,
      }
      %scan3A_466 = arith.constant 25 : i32
      %sub3A_467 = arith.constant 800 : i32
      %sub3A_468 = arith.subi %add3A_460, %sub3A_467 : i32
      %add3A_469 = arith.addi %mul3A_322, %sub3A_468 : i32
      %dma_wait3A_470 = arith.constant 400 : i32
      %dma_wait3A_471 = arith.constant 0 : i32
      %dma_wait3A_472 = tpu.memref_slice %arg16[%dma_wait3A_470, %dma_wait3A_471] : memref<800x16xf32, #tpu.memory_space<vmem>> -> memref<400x16xf32, #tpu.memory_space<vmem>>
      %dma_wait3A_473 = arith.constant 0 : i32
      %dma_wait3A_474 = tpu.memref_slice %arg10[%add3A_469, %dma_wait3A_473] : memref<1600000x16xf32, #tpu.memory_space<hbm>> -> memref<400x16xf32, #tpu.memory_space<hbm>>
      %dma_wait3A_475 = arith.constant 0 : i32
      %dma_wait3A_476 = tpu.memref_slice %arg10[%add3A_469, %dma_wait3A_475] : memref<1600000x16xf32, #tpu.memory_space<hbm>> -> memref<400x16xf32, #tpu.memory_space<hbm>>
      %dma_wait3A_477 = arith.constant 400 : i32
      %dma_wait3A_478 = arith.constant 0 : i32
      %dma_wait3A_479 = tpu.memref_slice %arg16[%dma_wait3A_477, %dma_wait3A_478] : memref<800x16xf32, #tpu.memory_space<vmem>> -> memref<400x16xf32, #tpu.memory_space<vmem>>
      tpu.wait_dma2 semaphore(%arg20 : memref<!tpu.dma_semaphore, #tpu.memory_space<semaphore_mem>>) src(%dma_wait3A_479 : memref<400x16xf32, #tpu.memory_space<vmem>>) dst(%dma_wait3A_476 : memref<400x16xf32, #tpu.memory_space<hbm>>)
      %add3A_480 = arith.addi %mul3A_322, %mul3A_458 : i32
      %dma_start3A_481 = arith.constant 0 : i32
      %dma_start3A_482 = arith.constant 0 : i32
      %dma_start3A_483 = tpu.memref_slice %arg16[%dma_start3A_481, %dma_start3A_482] : memref<800x16xf32, #tpu.memory_space<vmem>> -> memref<400x16xf32, #tpu.memory_space<vmem>>
      %dma_start3A_484 = arith.constant 0 : i32
      %dma_start3A_485 = tpu.memref_slice %arg10[%add3A_480, %dma_start3A_484] : memref<1600000x16xf32, #tpu.memory_space<hbm>> -> memref<400x16xf32, #tpu.memory_space<hbm>>
      %dma_start3A_486 = arith.constant 0 : i32
      %dma_start3A_487 = tpu.memref_slice %arg10[%add3A_480, %dma_start3A_486] : memref<1600000x16xf32, #tpu.memory_space<hbm>> -> memref<400x16xf32, #tpu.memory_space<hbm>>
      %dma_start3A_488 = arith.constant 0 : i32
      %dma_start3A_489 = arith.constant 0 : i32
      %dma_start3A_490 = tpu.memref_slice %arg16[%dma_start3A_488, %dma_start3A_489] : memref<800x16xf32, #tpu.memory_space<vmem>> -> memref<400x16xf32, #tpu.memory_space<vmem>>
      tpu.enqueue_dma source(%dma_start3A_490 : memref<400x16xf32, #tpu.memory_space<vmem>>) target(%dma_start3A_487 : memref<400x16xf32, #tpu.memory_space<hbm>>) target_semaphore(%arg20 : memref<!tpu.dma_semaphore, #tpu.memory_space<semaphore_mem>>)
      %scan3A_491 = arith.constant 0 : i32
      %scan3A_492 = arith.constant 0 : i32
      %scan3A_493 = arith.constant 25 : i32
      %scan3A_494 = arith.addi %scan3A_492, %scan3A_493 : i32
      %scan3A_495 = arith.constant 1 : i32
      scf.for %scan3A_519 = %scan3A_492 to %scan3A_494 step %scan3A_495  : i32 {
        %mul3A_520 = arith.constant 16 : i32
        %mul3A_521 = arith.muli %scan3A_519, %mul3A_520 : i32
        %add3A_522 = arith.addi %add3A_460, %mul3A_521 : i32
        %get3A_523 = arith.index_cast %add3A_522 : i32 to index
        %get3A_524 = tpu.vector_load %arg13[%get3A_523] {strides = array<i32>} : memref<52016xi32, #tpu.memory_space<vmem>>, vector<16xi32>,
        %mul3A_525 = arith.constant 16 : i32
        %mul3A_526 = arith.muli %scan3A_519, %mul3A_525 : i32
        %add3A_527 = arith.constant 400 : i32
        %add3A_528 = arith.addi %add3A_527, %mul3A_526 : i32
        %add3A_529 = vector.broadcast %add3A_528 : i32 to vector<16xi32>
        %add3A_530 = arith.addi %add3A_529, %iota3A : vector<16xi32>
        %broadcast_in_dim3A = vector.shape_cast %get3A_524 : vector<16xi32> to vector<16x1xi32>
        %gather3A_531 = vector.shape_cast %broadcast_in_dim3A : vector<16x1xi32> to vector<16xi32>
        %gather3A_532 = tpu.dynamic_gather %get3A_324[%gather3A_531] in [0] : vector<16xf32>, vector<16xi32> -> vector<16xf32>
        %broadcast_in_dim3A_533 = arith.constant 0 : i32
        %broadcast_in_dim3A_534 = vector.broadcast %broadcast_in_dim3A_533 : i32 to vector<16xi32>
        tpu.vector_store_idx %arg16[%add3A_530, %broadcast_in_dim3A_534], %gather3A_532 : memref<800x16xf32, #tpu.memory_space<vmem>>[vector<16xi32>, vector<16xi32>], vector<16xf32>,
        %broadcast_in_dim3A_535 = vector.shape_cast %get3A_524 : vector<16xi32> to vector<16x1xi32>
        %gather3A_536 = vector.shape_cast %broadcast_in_dim3A_535 : vector<16x1xi32> to vector<16xi32>
        %gather3A_537 = tpu.dynamic_gather %get3A_326[%gather3A_536] in [0] : vector<16xf32>, vector<16xi32> -> vector<16xf32>
        %broadcast_in_dim3A_538 = arith.constant 1 : i32
        %broadcast_in_dim3A_539 = vector.broadcast %broadcast_in_dim3A_538 : i32 to vector<16xi32>
        tpu.vector_store_idx %arg16[%add3A_530, %broadcast_in_dim3A_539], %gather3A_537 : memref<800x16xf32, #tpu.memory_space<vmem>>[vector<16xi32>, vector<16xi32>], vector<16xf32>,
        %broadcast_in_dim3A_540 = vector.shape_cast %get3A_524 : vector<16xi32> to vector<16x1xi32>
        %gather3A_541 = vector.shape_cast %broadcast_in_dim3A_540 : vector<16x1xi32> to vector<16xi32>
        %gather3A_542 = tpu.dynamic_gather %get3A_328[%gather3A_541] in [0] : vector<16xf32>, vector<16xi32> -> vector<16xf32>
        %broadcast_in_dim3A_543 = arith.constant 2 : i32
        %broadcast_in_dim3A_544 = vector.broadcast %broadcast_in_dim3A_543 : i32 to vector<16xi32>
        tpu.vector_store_idx %arg16[%add3A_530, %broadcast_in_dim3A_544], %gather3A_542 : memref<800x16xf32, #tpu.memory_space<vmem>>[vector<16xi32>, vector<16xi32>], vector<16xf32>,
        %broadcast_in_dim3A_545 = vector.shape_cast %get3A_524 : vector<16xi32> to vector<16x1xi32>
        %gather3A_546 = vector.shape_cast %broadcast_in_dim3A_545 : vector<16x1xi32> to vector<16xi32>
        %gather3A_547 = tpu.dynamic_gather %get3A_330[%gather3A_546] in [0] : vector<16xf32>, vector<16xi32> -> vector<16xf32>
        %broadcast_in_dim3A_548 = arith.constant 3 : i32
        %broadcast_in_dim3A_549 = vector.broadcast %broadcast_in_dim3A_548 : i32 to vector<16xi32>
        tpu.vector_store_idx %arg16[%add3A_530, %broadcast_in_dim3A_549], %gather3A_547 : memref<800x16xf32, #tpu.memory_space<vmem>>[vector<16xi32>, vector<16xi32>], vector<16xf32>,
        %broadcast_in_dim3A_550 = vector.shape_cast %get3A_524 : vector<16xi32> to vector<16x1xi32>
        %gather3A_551 = vector.shape_cast %broadcast_in_dim3A_550 : vector<16x1xi32> to vector<16xi32>
        %gather3A_552 = tpu.dynamic_gather %get3A_332[%gather3A_551] in [0] : vector<16xf32>, vector<16xi32> -> vector<16xf32>
        %broadcast_in_dim3A_553 = arith.constant 4 : i32
        %broadcast_in_dim3A_554 = vector.broadcast %broadcast_in_dim3A_553 : i32 to vector<16xi32>
        tpu.vector_store_idx %arg16[%add3A_530, %broadcast_in_dim3A_554], %gather3A_552 : memref<800x16xf32, #tpu.memory_space<vmem>>[vector<16xi32>, vector<16xi32>], vector<16xf32>,
        %broadcast_in_dim3A_555 = vector.shape_cast %get3A_524 : vector<16xi32> to vector<16x1xi32>
        %gather3A_556 = vector.shape_cast %broadcast_in_dim3A_555 : vector<16x1xi32> to vector<16xi32>
        %gather3A_557 = tpu.dynamic_gather %get3A_334[%gather3A_556] in [0] : vector<16xf32>, vector<16xi32> -> vector<16xf32>
        %broadcast_in_dim3A_558 = arith.constant 5 : i32
        %broadcast_in_dim3A_559 = vector.broadcast %broadcast_in_dim3A_558 : i32 to vector<16xi32>
        tpu.vector_store_idx %arg16[%add3A_530, %broadcast_in_dim3A_559], %gather3A_557 : memref<800x16xf32, #tpu.memory_space<vmem>>[vector<16xi32>, vector<16xi32>], vector<16xf32>,
        %broadcast_in_dim3A_560 = vector.shape_cast %get3A_524 : vector<16xi32> to vector<16x1xi32>
        %gather3A_561 = vector.shape_cast %broadcast_in_dim3A_560 : vector<16x1xi32> to vector<16xi32>
        %gather3A_562 = tpu.dynamic_gather %get3A_336[%gather3A_561] in [0] : vector<16xf32>, vector<16xi32> -> vector<16xf32>
        %broadcast_in_dim3A_563 = arith.constant 6 : i32
        %broadcast_in_dim3A_564 = vector.broadcast %broadcast_in_dim3A_563 : i32 to vector<16xi32>
        tpu.vector_store_idx %arg16[%add3A_530, %broadcast_in_dim3A_564], %gather3A_562 : memref<800x16xf32, #tpu.memory_space<vmem>>[vector<16xi32>, vector<16xi32>], vector<16xf32>,
        %broadcast_in_dim3A_565 = vector.shape_cast %get3A_524 : vector<16xi32> to vector<16x1xi32>
        %gather3A_566 = vector.shape_cast %broadcast_in_dim3A_565 : vector<16x1xi32> to vector<16xi32>
        %gather3A_567 = tpu.dynamic_gather %get3A_338[%gather3A_566] in [0] : vector<16xf32>, vector<16xi32> -> vector<16xf32>
        %broadcast_in_dim3A_568 = arith.constant 7 : i32
        %broadcast_in_dim3A_569 = vector.broadcast %broadcast_in_dim3A_568 : i32 to vector<16xi32>
        tpu.vector_store_idx %arg16[%add3A_530, %broadcast_in_dim3A_569], %gather3A_567 : memref<800x16xf32, #tpu.memory_space<vmem>>[vector<16xi32>, vector<16xi32>], vector<16xf32>,
        %broadcast_in_dim3A_570 = vector.shape_cast %get3A_524 : vector<16xi32> to vector<16x1xi32>
        %gather3A_571 = vector.shape_cast %broadcast_in_dim3A_570 : vector<16x1xi32> to vector<16xi32>
        %gather3A_572 = tpu.dynamic_gather %get3A_340[%gather3A_571] in [0] : vector<16xf32>, vector<16xi32> -> vector<16xf32>
        %broadcast_in_dim3A_573 = arith.constant 8 : i32
        %broadcast_in_dim3A_574 = vector.broadcast %broadcast_in_dim3A_573 : i32 to vector<16xi32>
        tpu.vector_store_idx %arg16[%add3A_530, %broadcast_in_dim3A_574], %gather3A_572 : memref<800x16xf32, #tpu.memory_space<vmem>>[vector<16xi32>, vector<16xi32>], vector<16xf32>,
        %broadcast_in_dim3A_575 = vector.shape_cast %get3A_524 : vector<16xi32> to vector<16x1xi32>
        %gather3A_576 = vector.shape_cast %broadcast_in_dim3A_575 : vector<16x1xi32> to vector<16xi32>
        %gather3A_577 = tpu.dynamic_gather %get3A_342[%gather3A_576] in [0] : vector<16xf32>, vector<16xi32> -> vector<16xf32>
        %broadcast_in_dim3A_578 = arith.constant 9 : i32
        %broadcast_in_dim3A_579 = vector.broadcast %broadcast_in_dim3A_578 : i32 to vector<16xi32>
        tpu.vector_store_idx %arg16[%add3A_530, %broadcast_in_dim3A_579], %gather3A_577 : memref<800x16xf32, #tpu.memory_space<vmem>>[vector<16xi32>, vector<16xi32>], vector<16xf32>,
        %broadcast_in_dim3A_580 = vector.shape_cast %get3A_524 : vector<16xi32> to vector<16x1xi32>
        %gather3A_581 = vector.shape_cast %broadcast_in_dim3A_580 : vector<16x1xi32> to vector<16xi32>
        %gather3A_582 = tpu.dynamic_gather %get3A_344[%gather3A_581] in [0] : vector<16xf32>, vector<16xi32> -> vector<16xf32>
        %broadcast_in_dim3A_583 = arith.constant 10 : i32
        %broadcast_in_dim3A_584 = vector.broadcast %broadcast_in_dim3A_583 : i32 to vector<16xi32>
        tpu.vector_store_idx %arg16[%add3A_530, %broadcast_in_dim3A_584], %gather3A_582 : memref<800x16xf32, #tpu.memory_space<vmem>>[vector<16xi32>, vector<16xi32>], vector<16xf32>,
        %broadcast_in_dim3A_585 = vector.shape_cast %get3A_524 : vector<16xi32> to vector<16x1xi32>
        %gather3A_586 = vector.shape_cast %broadcast_in_dim3A_585 : vector<16x1xi32> to vector<16xi32>
        %gather3A_587 = tpu.dynamic_gather %get3A_346[%gather3A_586] in [0] : vector<16xf32>, vector<16xi32> -> vector<16xf32>
        %broadcast_in_dim3A_588 = arith.constant 11 : i32
        %broadcast_in_dim3A_589 = vector.broadcast %broadcast_in_dim3A_588 : i32 to vector<16xi32>
        tpu.vector_store_idx %arg16[%add3A_530, %broadcast_in_dim3A_589], %gather3A_587 : memref<800x16xf32, #tpu.memory_space<vmem>>[vector<16xi32>, vector<16xi32>], vector<16xf32>,
        %broadcast_in_dim3A_590 = vector.shape_cast %get3A_524 : vector<16xi32> to vector<16x1xi32>
        %gather3A_591 = vector.shape_cast %broadcast_in_dim3A_590 : vector<16x1xi32> to vector<16xi32>
        %gather3A_592 = tpu.dynamic_gather %get3A_348[%gather3A_591] in [0] : vector<16xf32>, vector<16xi32> -> vector<16xf32>
        %broadcast_in_dim3A_593 = arith.constant 12 : i32
        %broadcast_in_dim3A_594 = vector.broadcast %broadcast_in_dim3A_593 : i32 to vector<16xi32>
        tpu.vector_store_idx %arg16[%add3A_530, %broadcast_in_dim3A_594], %gather3A_592 : memref<800x16xf32, #tpu.memory_space<vmem>>[vector<16xi32>, vector<16xi32>], vector<16xf32>,
        %broadcast_in_dim3A_595 = vector.shape_cast %get3A_524 : vector<16xi32> to vector<16x1xi32>
        %gather3A_596 = vector.shape_cast %broadcast_in_dim3A_595 : vector<16x1xi32> to vector<16xi32>
        %gather3A_597 = tpu.dynamic_gather %get3A_350[%gather3A_596] in [0] : vector<16xf32>, vector<16xi32> -> vector<16xf32>
        %broadcast_in_dim3A_598 = arith.constant 13 : i32
        %broadcast_in_dim3A_599 = vector.broadcast %broadcast_in_dim3A_598 : i32 to vector<16xi32>
        tpu.vector_store_idx %arg16[%add3A_530, %broadcast_in_dim3A_599], %gather3A_597 : memref<800x16xf32, #tpu.memory_space<vmem>>[vector<16xi32>, vector<16xi32>], vector<16xf32>,
        %broadcast_in_dim3A_600 = vector.shape_cast %get3A_524 : vector<16xi32> to vector<16x1xi32>
        %gather3A_601 = vector.shape_cast %broadcast_in_dim3A_600 : vector<16x1xi32> to vector<16xi32>
        %gather3A_602 = tpu.dynamic_gather %get3A_352[%gather3A_601] in [0] : vector<16xf32>, vector<16xi32> -> vector<16xf32>
        %broadcast_in_dim3A_603 = arith.constant 14 : i32
        %broadcast_in_dim3A_604 = vector.broadcast %broadcast_in_dim3A_603 : i32 to vector<16xi32>
        tpu.vector_store_idx %arg16[%add3A_530, %broadcast_in_dim3A_604], %gather3A_602 : memref<800x16xf32, #tpu.memory_space<vmem>>[vector<16xi32>, vector<16xi32>], vector<16xf32>,
        %broadcast_in_dim3A_605 = vector.shape_cast %get3A_524 : vector<16xi32> to vector<16x1xi32>
        %gather3A_606 = vector.shape_cast %broadcast_in_dim3A_605 : vector<16x1xi32> to vector<16xi32>
        %gather3A_607 = tpu.dynamic_gather %get3A_354[%gather3A_606] in [0] : vector<16xf32>, vector<16xi32> -> vector<16xf32>
        %broadcast_in_dim3A_608 = arith.constant 15 : i32
        %broadcast_in_dim3A_609 = vector.broadcast %broadcast_in_dim3A_608 : i32 to vector<16xi32>
        tpu.vector_store_idx %arg16[%add3A_530, %broadcast_in_dim3A_609], %gather3A_607 : memref<800x16xf32, #tpu.memory_space<vmem>>[vector<16xi32>, vector<16xi32>], vector<16xf32>,
      }
      %scan3A_496 = arith.constant 25 : i32
      %add3A_497 = arith.addi %mul3A_322, %mul3A_458 : i32
      %dma_wait3A_498 = arith.constant 0 : i32
      %dma_wait3A_499 = arith.constant 0 : i32
      %dma_wait3A_500 = tpu.memref_slice %arg16[%dma_wait3A_498, %dma_wait3A_499] : memref<800x16xf32, #tpu.memory_space<vmem>> -> memref<400x16xf32, #tpu.memory_space<vmem>>
      %dma_wait3A_501 = arith.constant 0 : i32
      %dma_wait3A_502 = tpu.memref_slice %arg10[%add3A_497, %dma_wait3A_501] : memref<1600000x16xf32, #tpu.memory_space<hbm>> -> memref<400x16xf32, #tpu.memory_space<hbm>>
      %dma_wait3A_503 = arith.constant 0 : i32
      %dma_wait3A_504 = tpu.memref_slice %arg10[%add3A_497, %dma_wait3A_503] : memref<1600000x16xf32, #tpu.memory_space<hbm>> -> memref<400x16xf32, #tpu.memory_space<hbm>>
      %dma_wait3A_505 = arith.constant 0 : i32
      %dma_wait3A_506 = arith.constant 0 : i32
      %dma_wait3A_507 = tpu.memref_slice %arg16[%dma_wait3A_505, %dma_wait3A_506] : memref<800x16xf32, #tpu.memory_space<vmem>> -> memref<400x16xf32, #tpu.memory_space<vmem>>
      tpu.wait_dma2 semaphore(%arg20 : memref<!tpu.dma_semaphore, #tpu.memory_space<semaphore_mem>>) src(%dma_wait3A_507 : memref<400x16xf32, #tpu.memory_space<vmem>>) dst(%dma_wait3A_504 : memref<400x16xf32, #tpu.memory_space<hbm>>)
      %add3A_508 = arith.addi %mul3A_322, %add3A_460 : i32
      %dma_start3A_509 = arith.constant 400 : i32
      %dma_start3A_510 = arith.constant 0 : i32
      %dma_start3A_511 = tpu.memref_slice %arg16[%dma_start3A_509, %dma_start3A_510] : memref<800x16xf32, #tpu.memory_space<vmem>> -> memref<400x16xf32, #tpu.memory_space<vmem>>
      %dma_start3A_512 = arith.constant 0 : i32
      %dma_start3A_513 = tpu.memref_slice %arg10[%add3A_508, %dma_start3A_512] : memref<1600000x16xf32, #tpu.memory_space<hbm>> -> memref<400x16xf32, #tpu.memory_space<hbm>>
      %dma_start3A_514 = arith.constant 0 : i32
      %dma_start3A_515 = tpu.memref_slice %arg10[%add3A_508, %dma_start3A_514] : memref<1600000x16xf32, #tpu.memory_space<hbm>> -> memref<400x16xf32, #tpu.memory_space<hbm>>
      %dma_start3A_516 = arith.constant 400 : i32
      %dma_start3A_517 = arith.constant 0 : i32
      %dma_start3A_518 = tpu.memref_slice %arg16[%dma_start3A_516, %dma_start3A_517] : memref<800x16xf32, #tpu.memory_space<vmem>> -> memref<400x16xf32, #tpu.memory_space<vmem>>
      tpu.enqueue_dma source(%dma_start3A_518 : memref<400x16xf32, #tpu.memory_space<vmem>>) target(%dma_start3A_515 : memref<400x16xf32, #tpu.memory_space<hbm>>) target_semaphore(%arg20 : memref<!tpu.dma_semaphore, #tpu.memory_space<semaphore_mem>>)
    }
    %scan3A_411 = arith.constant 61 : i32
    %scan3A_412 = arith.constant 0 : i32
    %scan3A_413 = arith.constant 0 : i32
    %scan3A_414 = arith.constant 25 : i32
    %scan3A_415 = arith.addi %scan3A_413, %scan3A_414 : i32
    %scan3A_416 = arith.constant 1 : i32
    scf.for %scan3A_454 = %scan3A_413 to %scan3A_415 step %scan3A_416  : i32 {
      %mul3A_455 = arith.constant 16 : i32
      %mul3A_456 = arith.muli %scan3A_454, %mul3A_455 : i32
      %add3A_457 = arith.constant 49600 : i32
      %add3A_458 = arith.addi %add3A_457, %mul3A_456 : i32
      %get3A_459 = arith.index_cast %add3A_458 : i32 to index
      %get3A_460 = tpu.vector_load %arg13[%get3A_459] {strides = array<i32>} : memref<52016xi32, #tpu.memory_space<vmem>>, vector<16xi32>,
      %mul3A_461 = arith.constant 16 : i32
      %mul3A_462 = arith.muli %scan3A_454, %mul3A_461 : i32
      %add3A_463 = arith.constant 0 : i32
      %add3A_464 = arith.addi %add3A_463, %mul3A_462 : i32
      %add3A_465 = vector.broadcast %add3A_464 : i32 to vector<16xi32>
      %add3A_466 = arith.addi %add3A_465, %iota3A : vector<16xi32>
      %broadcast_in_dim3A = vector.shape_cast %get3A_460 : vector<16xi32> to vector<16x1xi32>
      %gather3A_467 = vector.shape_cast %broadcast_in_dim3A : vector<16x1xi32> to vector<16xi32>
      %gather3A_468 = tpu.dynamic_gather %get3A_324[%gather3A_467] in [0] : vector<16xf32>, vector<16xi32> -> vector<16xf32>
      %broadcast_in_dim3A_469 = arith.constant 0 : i32
      %broadcast_in_dim3A_470 = vector.broadcast %broadcast_in_dim3A_469 : i32 to vector<16xi32>
      tpu.vector_store_idx %arg16[%add3A_466, %broadcast_in_dim3A_470], %gather3A_468 : memref<800x16xf32, #tpu.memory_space<vmem>>[vector<16xi32>, vector<16xi32>], vector<16xf32>,
      %broadcast_in_dim3A_471 = vector.shape_cast %get3A_460 : vector<16xi32> to vector<16x1xi32>
      %gather3A_472 = vector.shape_cast %broadcast_in_dim3A_471 : vector<16x1xi32> to vector<16xi32>
      %gather3A_473 = tpu.dynamic_gather %get3A_326[%gather3A_472] in [0] : vector<16xf32>, vector<16xi32> -> vector<16xf32>
      %broadcast_in_dim3A_474 = arith.constant 1 : i32
      %broadcast_in_dim3A_475 = vector.broadcast %broadcast_in_dim3A_474 : i32 to vector<16xi32>
      tpu.vector_store_idx %arg16[%add3A_466, %broadcast_in_dim3A_475], %gather3A_473 : memref<800x16xf32, #tpu.memory_space<vmem>>[vector<16xi32>, vector<16xi32>], vector<16xf32>,
      %broadcast_in_dim3A_476 = vector.shape_cast %get3A_460 : vector<16xi32> to vector<16x1xi32>
      %gather3A_477 = vector.shape_cast %broadcast_in_dim3A_476 : vector<16x1xi32> to vector<16xi32>
      %gather3A_478 = tpu.dynamic_gather %get3A_328[%gather3A_477] in [0] : vector<16xf32>, vector<16xi32> -> vector<16xf32>
      %broadcast_in_dim3A_479 = arith.constant 2 : i32
      %broadcast_in_dim3A_480 = vector.broadcast %broadcast_in_dim3A_479 : i32 to vector<16xi32>
      tpu.vector_store_idx %arg16[%add3A_466, %broadcast_in_dim3A_480], %gather3A_478 : memref<800x16xf32, #tpu.memory_space<vmem>>[vector<16xi32>, vector<16xi32>], vector<16xf32>,
      %broadcast_in_dim3A_481 = vector.shape_cast %get3A_460 : vector<16xi32> to vector<16x1xi32>
      %gather3A_482 = vector.shape_cast %broadcast_in_dim3A_481 : vector<16x1xi32> to vector<16xi32>
      %gather3A_483 = tpu.dynamic_gather %get3A_330[%gather3A_482] in [0] : vector<16xf32>, vector<16xi32> -> vector<16xf32>
      %broadcast_in_dim3A_484 = arith.constant 3 : i32
      %broadcast_in_dim3A_485 = vector.broadcast %broadcast_in_dim3A_484 : i32 to vector<16xi32>
      tpu.vector_store_idx %arg16[%add3A_466, %broadcast_in_dim3A_485], %gather3A_483 : memref<800x16xf32, #tpu.memory_space<vmem>>[vector<16xi32>, vector<16xi32>], vector<16xf32>,
      %broadcast_in_dim3A_486 = vector.shape_cast %get3A_460 : vector<16xi32> to vector<16x1xi32>
      %gather3A_487 = vector.shape_cast %broadcast_in_dim3A_486 : vector<16x1xi32> to vector<16xi32>
      %gather3A_488 = tpu.dynamic_gather %get3A_332[%gather3A_487] in [0] : vector<16xf32>, vector<16xi32> -> vector<16xf32>
      %broadcast_in_dim3A_489 = arith.constant 4 : i32
      %broadcast_in_dim3A_490 = vector.broadcast %broadcast_in_dim3A_489 : i32 to vector<16xi32>
      tpu.vector_store_idx %arg16[%add3A_466, %broadcast_in_dim3A_490], %gather3A_488 : memref<800x16xf32, #tpu.memory_space<vmem>>[vector<16xi32>, vector<16xi32>], vector<16xf32>,
      %broadcast_in_dim3A_491 = vector.shape_cast %get3A_460 : vector<16xi32> to vector<16x1xi32>
      %gather3A_492 = vector.shape_cast %broadcast_in_dim3A_491 : vector<16x1xi32> to vector<16xi32>
      %gather3A_493 = tpu.dynamic_gather %get3A_334[%gather3A_492] in [0] : vector<16xf32>, vector<16xi32> -> vector<16xf32>
      %broadcast_in_dim3A_494 = arith.constant 5 : i32
      %broadcast_in_dim3A_495 = vector.broadcast %broadcast_in_dim3A_494 : i32 to vector<16xi32>
      tpu.vector_store_idx %arg16[%add3A_466, %broadcast_in_dim3A_495], %gather3A_493 : memref<800x16xf32, #tpu.memory_space<vmem>>[vector<16xi32>, vector<16xi32>], vector<16xf32>,
      %broadcast_in_dim3A_496 = vector.shape_cast %get3A_460 : vector<16xi32> to vector<16x1xi32>
      %gather3A_497 = vector.shape_cast %broadcast_in_dim3A_496 : vector<16x1xi32> to vector<16xi32>
      %gather3A_498 = tpu.dynamic_gather %get3A_336[%gather3A_497] in [0] : vector<16xf32>, vector<16xi32> -> vector<16xf32>
      %broadcast_in_dim3A_499 = arith.constant 6 : i32
      %broadcast_in_dim3A_500 = vector.broadcast %broadcast_in_dim3A_499 : i32 to vector<16xi32>
      tpu.vector_store_idx %arg16[%add3A_466, %broadcast_in_dim3A_500], %gather3A_498 : memref<800x16xf32, #tpu.memory_space<vmem>>[vector<16xi32>, vector<16xi32>], vector<16xf32>,
      %broadcast_in_dim3A_501 = vector.shape_cast %get3A_460 : vector<16xi32> to vector<16x1xi32>
      %gather3A_502 = vector.shape_cast %broadcast_in_dim3A_501 : vector<16x1xi32> to vector<16xi32>
      %gather3A_503 = tpu.dynamic_gather %get3A_338[%gather3A_502] in [0] : vector<16xf32>, vector<16xi32> -> vector<16xf32>
      %broadcast_in_dim3A_504 = arith.constant 7 : i32
      %broadcast_in_dim3A_505 = vector.broadcast %broadcast_in_dim3A_504 : i32 to vector<16xi32>
      tpu.vector_store_idx %arg16[%add3A_466, %broadcast_in_dim3A_505], %gather3A_503 : memref<800x16xf32, #tpu.memory_space<vmem>>[vector<16xi32>, vector<16xi32>], vector<16xf32>,
      %broadcast_in_dim3A_506 = vector.shape_cast %get3A_460 : vector<16xi32> to vector<16x1xi32>
      %gather3A_507 = vector.shape_cast %broadcast_in_dim3A_506 : vector<16x1xi32> to vector<16xi32>
      %gather3A_508 = tpu.dynamic_gather %get3A_340[%gather3A_507] in [0] : vector<16xf32>, vector<16xi32> -> vector<16xf32>
      %broadcast_in_dim3A_509 = arith.constant 8 : i32
      %broadcast_in_dim3A_510 = vector.broadcast %broadcast_in_dim3A_509 : i32 to vector<16xi32>
      tpu.vector_store_idx %arg16[%add3A_466, %broadcast_in_dim3A_510], %gather3A_508 : memref<800x16xf32, #tpu.memory_space<vmem>>[vector<16xi32>, vector<16xi32>], vector<16xf32>,
      %broadcast_in_dim3A_511 = vector.shape_cast %get3A_460 : vector<16xi32> to vector<16x1xi32>
      %gather3A_512 = vector.shape_cast %broadcast_in_dim3A_511 : vector<16x1xi32> to vector<16xi32>
      %gather3A_513 = tpu.dynamic_gather %get3A_342[%gather3A_512] in [0] : vector<16xf32>, vector<16xi32> -> vector<16xf32>
      %broadcast_in_dim3A_514 = arith.constant 9 : i32
      %broadcast_in_dim3A_515 = vector.broadcast %broadcast_in_dim3A_514 : i32 to vector<16xi32>
      tpu.vector_store_idx %arg16[%add3A_466, %broadcast_in_dim3A_515], %gather3A_513 : memref<800x16xf32, #tpu.memory_space<vmem>>[vector<16xi32>, vector<16xi32>], vector<16xf32>,
      %broadcast_in_dim3A_516 = vector.shape_cast %get3A_460 : vector<16xi32> to vector<16x1xi32>
      %gather3A_517 = vector.shape_cast %broadcast_in_dim3A_516 : vector<16x1xi32> to vector<16xi32>
      %gather3A_518 = tpu.dynamic_gather %get3A_344[%gather3A_517] in [0] : vector<16xf32>, vector<16xi32> -> vector<16xf32>
      %broadcast_in_dim3A_519 = arith.constant 10 : i32
      %broadcast_in_dim3A_520 = vector.broadcast %broadcast_in_dim3A_519 : i32 to vector<16xi32>
      tpu.vector_store_idx %arg16[%add3A_466, %broadcast_in_dim3A_520], %gather3A_518 : memref<800x16xf32, #tpu.memory_space<vmem>>[vector<16xi32>, vector<16xi32>], vector<16xf32>,
      %broadcast_in_dim3A_521 = vector.shape_cast %get3A_460 : vector<16xi32> to vector<16x1xi32>
      %gather3A_522 = vector.shape_cast %broadcast_in_dim3A_521 : vector<16x1xi32> to vector<16xi32>
      %gather3A_523 = tpu.dynamic_gather %get3A_346[%gather3A_522] in [0] : vector<16xf32>, vector<16xi32> -> vector<16xf32>
      %broadcast_in_dim3A_524 = arith.constant 11 : i32
      %broadcast_in_dim3A_525 = vector.broadcast %broadcast_in_dim3A_524 : i32 to vector<16xi32>
      tpu.vector_store_idx %arg16[%add3A_466, %broadcast_in_dim3A_525], %gather3A_523 : memref<800x16xf32, #tpu.memory_space<vmem>>[vector<16xi32>, vector<16xi32>], vector<16xf32>,
      %broadcast_in_dim3A_526 = vector.shape_cast %get3A_460 : vector<16xi32> to vector<16x1xi32>
      %gather3A_527 = vector.shape_cast %broadcast_in_dim3A_526 : vector<16x1xi32> to vector<16xi32>
      %gather3A_528 = tpu.dynamic_gather %get3A_348[%gather3A_527] in [0] : vector<16xf32>, vector<16xi32> -> vector<16xf32>
      %broadcast_in_dim3A_529 = arith.constant 12 : i32
      %broadcast_in_dim3A_530 = vector.broadcast %broadcast_in_dim3A_529 : i32 to vector<16xi32>
      tpu.vector_store_idx %arg16[%add3A_466, %broadcast_in_dim3A_530], %gather3A_528 : memref<800x16xf32, #tpu.memory_space<vmem>>[vector<16xi32>, vector<16xi32>], vector<16xf32>,
      %broadcast_in_dim3A_531 = vector.shape_cast %get3A_460 : vector<16xi32> to vector<16x1xi32>
      %gather3A_532 = vector.shape_cast %broadcast_in_dim3A_531 : vector<16x1xi32> to vector<16xi32>
      %gather3A_533 = tpu.dynamic_gather %get3A_350[%gather3A_532] in [0] : vector<16xf32>, vector<16xi32> -> vector<16xf32>
      %broadcast_in_dim3A_534 = arith.constant 13 : i32
      %broadcast_in_dim3A_535 = vector.broadcast %broadcast_in_dim3A_534 : i32 to vector<16xi32>
      tpu.vector_store_idx %arg16[%add3A_466, %broadcast_in_dim3A_535], %gather3A_533 : memref<800x16xf32, #tpu.memory_space<vmem>>[vector<16xi32>, vector<16xi32>], vector<16xf32>,
      %broadcast_in_dim3A_536 = vector.shape_cast %get3A_460 : vector<16xi32> to vector<16x1xi32>
      %gather3A_537 = vector.shape_cast %broadcast_in_dim3A_536 : vector<16x1xi32> to vector<16xi32>
      %gather3A_538 = tpu.dynamic_gather %get3A_352[%gather3A_537] in [0] : vector<16xf32>, vector<16xi32> -> vector<16xf32>
      %broadcast_in_dim3A_539 = arith.constant 14 : i32
      %broadcast_in_dim3A_540 = vector.broadcast %broadcast_in_dim3A_539 : i32 to vector<16xi32>
      tpu.vector_store_idx %arg16[%add3A_466, %broadcast_in_dim3A_540], %gather3A_538 : memref<800x16xf32, #tpu.memory_space<vmem>>[vector<16xi32>, vector<16xi32>], vector<16xf32>,
      %broadcast_in_dim3A_541 = vector.shape_cast %get3A_460 : vector<16xi32> to vector<16x1xi32>
      %gather3A_542 = vector.shape_cast %broadcast_in_dim3A_541 : vector<16x1xi32> to vector<16xi32>
      %gather3A_543 = tpu.dynamic_gather %get3A_354[%gather3A_542] in [0] : vector<16xf32>, vector<16xi32> -> vector<16xf32>
      %broadcast_in_dim3A_544 = arith.constant 15 : i32
      %broadcast_in_dim3A_545 = vector.broadcast %broadcast_in_dim3A_544 : i32 to vector<16xi32>
      tpu.vector_store_idx %arg16[%add3A_466, %broadcast_in_dim3A_545], %gather3A_543 : memref<800x16xf32, #tpu.memory_space<vmem>>[vector<16xi32>, vector<16xi32>], vector<16xf32>,
    }
    %scan3A_417 = arith.constant 25 : i32
    %add3A_418 = arith.constant 49200 : i32
    %add3A_419 = arith.addi %mul3A_322, %add3A_418 : i32
    %dma_wait3A_420 = arith.constant 400 : i32
    %dma_wait3A_421 = arith.constant 0 : i32
    %dma_wait3A_422 = tpu.memref_slice %arg16[%dma_wait3A_420, %dma_wait3A_421] : memref<800x16xf32, #tpu.memory_space<vmem>> -> memref<400x16xf32, #tpu.memory_space<vmem>>
    %dma_wait3A_423 = arith.constant 0 : i32
    %dma_wait3A_424 = tpu.memref_slice %arg10[%add3A_419, %dma_wait3A_423] : memref<1600000x16xf32, #tpu.memory_space<hbm>> -> memref<400x16xf32, #tpu.memory_space<hbm>>
    %dma_wait3A_425 = arith.constant 0 : i32
    %dma_wait3A_426 = tpu.memref_slice %arg10[%add3A_419, %dma_wait3A_425] : memref<1600000x16xf32, #tpu.memory_space<hbm>> -> memref<400x16xf32, #tpu.memory_space<hbm>>
    %dma_wait3A_427 = arith.constant 400 : i32
    %dma_wait3A_428 = arith.constant 0 : i32
    %dma_wait3A_429 = tpu.memref_slice %arg16[%dma_wait3A_427, %dma_wait3A_428] : memref<800x16xf32, #tpu.memory_space<vmem>> -> memref<400x16xf32, #tpu.memory_space<vmem>>
    tpu.wait_dma2 semaphore(%arg20 : memref<!tpu.dma_semaphore, #tpu.memory_space<semaphore_mem>>) src(%dma_wait3A_429 : memref<400x16xf32, #tpu.memory_space<vmem>>) dst(%dma_wait3A_426 : memref<400x16xf32, #tpu.memory_space<hbm>>)
    %add3A_430 = arith.constant 49600 : i32
    %add3A_431 = arith.addi %mul3A_322, %add3A_430 : i32
    %dma_start3A_432 = arith.constant 0 : i32
    %dma_start3A_433 = arith.constant 0 : i32
    %dma_start3A_434 = tpu.memref_slice %arg16[%dma_start3A_432, %dma_start3A_433] : memref<800x16xf32, #tpu.memory_space<vmem>> -> memref<400x16xf32, #tpu.memory_space<vmem>>
    %dma_start3A_435 = arith.constant 0 : i32
    %dma_start3A_436 = tpu.memref_slice %arg10[%add3A_431, %dma_start3A_435] : memref<1600000x16xf32, #tpu.memory_space<hbm>> -> memref<400x16xf32, #tpu.memory_space<hbm>>
    %dma_start3A_437 = arith.constant 0 : i32
    %dma_start3A_438 = tpu.memref_slice %arg10[%add3A_431, %dma_start3A_437] : memref<1600000x16xf32, #tpu.memory_space<hbm>> -> memref<400x16xf32, #tpu.memory_space<hbm>>
    %dma_start3A_439 = arith.constant 0 : i32
    %dma_start3A_440 = arith.constant 0 : i32
    %dma_start3A_441 = tpu.memref_slice %arg16[%dma_start3A_439, %dma_start3A_440] : memref<800x16xf32, #tpu.memory_space<vmem>> -> memref<400x16xf32, #tpu.memory_space<vmem>>
    tpu.enqueue_dma source(%dma_start3A_441 : memref<400x16xf32, #tpu.memory_space<vmem>>) target(%dma_start3A_438 : memref<400x16xf32, #tpu.memory_space<hbm>>) target_semaphore(%arg20 : memref<!tpu.dma_semaphore, #tpu.memory_space<semaphore_mem>>)
    %add3A_442 = arith.constant 49600 : i32
    %add3A_443 = arith.addi %mul3A_322, %add3A_442 : i32
    %dma_wait3A_444 = arith.constant 0 : i32
    %dma_wait3A_445 = arith.constant 0 : i32
    %dma_wait3A_446 = tpu.memref_slice %arg16[%dma_wait3A_444, %dma_wait3A_445] : memref<800x16xf32, #tpu.memory_space<vmem>> -> memref<400x16xf32, #tpu.memory_space<vmem>>
    %dma_wait3A_447 = arith.constant 0 : i32
    %dma_wait3A_448 = tpu.memref_slice %arg10[%add3A_443, %dma_wait3A_447] : memref<1600000x16xf32, #tpu.memory_space<hbm>> -> memref<400x16xf32, #tpu.memory_space<hbm>>
    %dma_wait3A_449 = arith.constant 0 : i32
    %dma_wait3A_450 = tpu.memref_slice %arg10[%add3A_443, %dma_wait3A_449] : memref<1600000x16xf32, #tpu.memory_space<hbm>> -> memref<400x16xf32, #tpu.memory_space<hbm>>
    %dma_wait3A_451 = arith.constant 0 : i32
    %dma_wait3A_452 = arith.constant 0 : i32
    %dma_wait3A_453 = tpu.memref_slice %arg16[%dma_wait3A_451, %dma_wait3A_452] : memref<800x16xf32, #tpu.memory_space<vmem>> -> memref<400x16xf32, #tpu.memory_space<vmem>>
    tpu.wait_dma2 semaphore(%arg20 : memref<!tpu.dma_semaphore, #tpu.memory_space<semaphore_mem>>) src(%dma_wait3A_453 : memref<400x16xf32, #tpu.memory_space<vmem>>) dst(%dma_wait3A_450 : memref<400x16xf32, #tpu.memory_space<hbm>>)
    "tpu.region"() ({
      %run_scoped3A = tpu.sem_alloc : memref<!tpu.dma_semaphore, #tpu.memory_space<semaphore_mem>>
      %dma_start3A_454 = arith.constant 0 : i32
      %dma_start3A_455 = tpu.memref_slice %arg13[%dma_start3A_454] : memref<52016xi32, #tpu.memory_space<vmem>> -> memref<50000xi32, #tpu.memory_space<vmem>>
      %dma_start3A_456 = tpu.memref_slice %arg5[%mul3A_322] : memref<1600000xi32, #tpu.memory_space<hbm>> -> memref<50000xi32, #tpu.memory_space<hbm>>
      %dma_start3A_457 = arith.constant 0 : i32
      %dma_start3A_458 = tpu.memref_slice %arg13[%dma_start3A_457] : memref<52016xi32, #tpu.memory_space<vmem>> -> memref<50000xi32, #tpu.memory_space<vmem>>
      %dma_start3A_459 = tpu.memref_slice %arg5[%mul3A_322] : memref<1600000xi32, #tpu.memory_space<hbm>> -> memref<50000xi32, #tpu.memory_space<hbm>>
      tpu.enqueue_dma source(%dma_start3A_459 : memref<50000xi32, #tpu.memory_space<hbm>>) target(%dma_start3A_458 : memref<50000xi32, #tpu.memory_space<vmem>>) target_semaphore(%run_scoped3A : memref<!tpu.dma_semaphore, #tpu.memory_space<semaphore_mem>>)
      %dma_wait3A_460 = arith.constant 0 : i32
      %dma_wait3A_461 = tpu.memref_slice %arg13[%dma_wait3A_460] : memref<52016xi32, #tpu.memory_space<vmem>> -> memref<50000xi32, #tpu.memory_space<vmem>>
      %dma_wait3A_462 = tpu.memref_slice %arg5[%mul3A_322] : memref<1600000xi32, #tpu.memory_space<hbm>> -> memref<50000xi32, #tpu.memory_space<hbm>>
      %dma_wait3A_463 = arith.constant 0 : i32
      %dma_wait3A_464 = tpu.memref_slice %arg13[%dma_wait3A_463] : memref<52016xi32, #tpu.memory_space<vmem>> -> memref<50000xi32, #tpu.memory_space<vmem>>
      %dma_wait3A_465 = tpu.memref_slice %arg5[%mul3A_322] : memref<1600000xi32, #tpu.memory_space<hbm>> -> memref<50000xi32, #tpu.memory_space<hbm>>
      tpu.wait_dma2 semaphore(%run_scoped3A : memref<!tpu.dma_semaphore, #tpu.memory_space<semaphore_mem>>) src(%dma_wait3A_465 : memref<50000xi32, #tpu.memory_space<hbm>>) dst(%dma_wait3A_464 : memref<50000xi32, #tpu.memory_space<vmem>>)
      tpu.yield
    }) : () -> ()
    "tpu.region"() ({
      %run_scoped3A = tpu.sem_alloc : memref<!tpu.dma_semaphore, #tpu.memory_space<semaphore_mem>>
      %dma_start3A_454 = arith.constant 0 : i32
      %dma_start3A_455 = tpu.memref_slice %arg13[%dma_start3A_454] : memref<52016xi32, #tpu.memory_space<vmem>> -> memref<50000xi32, #tpu.memory_space<vmem>>
      %dma_start3A_456 = tpu.memref_slice %arg11[%mul3A_322] : memref<1600000xi32, #tpu.memory_space<hbm>> -> memref<50000xi32, #tpu.memory_space<hbm>>
      %dma_start3A_457 = tpu.memref_slice %arg11[%mul3A_322] : memref<1600000xi32, #tpu.memory_space<hbm>> -> memref<50000xi32, #tpu.memory_space<hbm>>
      %dma_start3A_458 = arith.constant 0 : i32
      %dma_start3A_459 = tpu.memref_slice %arg13[%dma_start3A_458] : memref<52016xi32, #tpu.memory_space<vmem>> -> memref<50000xi32, #tpu.memory_space<vmem>>
      tpu.enqueue_dma source(%dma_start3A_459 : memref<50000xi32, #tpu.memory_space<vmem>>) target(%dma_start3A_457 : memref<50000xi32, #tpu.memory_space<hbm>>) target_semaphore(%run_scoped3A : memref<!tpu.dma_semaphore, #tpu.memory_space<semaphore_mem>>)
      %dma_wait3A_460 = arith.constant 0 : i32
      %dma_wait3A_461 = tpu.memref_slice %arg13[%dma_wait3A_460] : memref<52016xi32, #tpu.memory_space<vmem>> -> memref<50000xi32, #tpu.memory_space<vmem>>
      %dma_wait3A_462 = tpu.memref_slice %arg11[%mul3A_322] : memref<1600000xi32, #tpu.memory_space<hbm>> -> memref<50000xi32, #tpu.memory_space<hbm>>
      %dma_wait3A_463 = tpu.memref_slice %arg11[%mul3A_322] : memref<1600000xi32, #tpu.memory_space<hbm>> -> memref<50000xi32, #tpu.memory_space<hbm>>
      %dma_wait3A_464 = arith.constant 0 : i32
      %dma_wait3A_465 = tpu.memref_slice %arg13[%dma_wait3A_464] : memref<52016xi32, #tpu.memory_space<vmem>> -> memref<50000xi32, #tpu.memory_space<vmem>>
      tpu.wait_dma2 semaphore(%run_scoped3A : memref<!tpu.dma_semaphore, #tpu.memory_space<semaphore_mem>>) src(%dma_wait3A_465 : memref<50000xi32, #tpu.memory_space<vmem>>) dst(%dma_wait3A_463 : memref<50000xi32, #tpu.memory_space<hbm>>)
      tpu.yield
    }) : () -> ()
    "tpu.region"() ({
      %run_scoped3A = tpu.sem_alloc : memref<!tpu.dma_semaphore, #tpu.memory_space<semaphore_mem>>
      %dma_start3A_454 = arith.constant 0 : i32
      %dma_start3A_455 = tpu.memref_slice %arg13[%dma_start3A_454] : memref<52016xi32, #tpu.memory_space<vmem>> -> memref<50000xi32, #tpu.memory_space<vmem>>
      %dma_start3A_456 = tpu.memref_slice %arg6[%mul3A_322] : memref<1600000xi32, #tpu.memory_space<hbm>> -> memref<50000xi32, #tpu.memory_space<hbm>>
      %dma_start3A_457 = arith.constant 0 : i32
      %dma_start3A_458 = tpu.memref_slice %arg13[%dma_start3A_457] : memref<52016xi32, #tpu.memory_space<vmem>> -> memref<50000xi32, #tpu.memory_space<vmem>>
      %dma_start3A_459 = tpu.memref_slice %arg6[%mul3A_322] : memref<1600000xi32, #tpu.memory_space<hbm>> -> memref<50000xi32, #tpu.memory_space<hbm>>
      tpu.enqueue_dma source(%dma_start3A_459 : memref<50000xi32, #tpu.memory_space<hbm>>) target(%dma_start3A_458 : memref<50000xi32, #tpu.memory_space<vmem>>) target_semaphore(%run_scoped3A : memref<!tpu.dma_semaphore, #tpu.memory_space<semaphore_mem>>)
      %dma_wait3A_460 = arith.constant 0 : i32
      %dma_wait3A_461 = tpu.memref_slice %arg13[%dma_wait3A_460] : memref<52016xi32, #tpu.memory_space<vmem>> -> memref<50000xi32, #tpu.memory_space<vmem>>
      %dma_wait3A_462 = tpu.memref_slice %arg6[%mul3A_322] : memref<1600000xi32, #tpu.memory_space<hbm>> -> memref<50000xi32, #tpu.memory_space<hbm>>
      %dma_wait3A_463 = arith.constant 0 : i32
      %dma_wait3A_464 = tpu.memref_slice %arg13[%dma_wait3A_463] : memref<52016xi32, #tpu.memory_space<vmem>> -> memref<50000xi32, #tpu.memory_space<vmem>>
      %dma_wait3A_465 = tpu.memref_slice %arg6[%mul3A_322] : memref<1600000xi32, #tpu.memory_space<hbm>> -> memref<50000xi32, #tpu.memory_space<hbm>>
      tpu.wait_dma2 semaphore(%run_scoped3A : memref<!tpu.dma_semaphore, #tpu.memory_space<semaphore_mem>>) src(%dma_wait3A_465 : memref<50000xi32, #tpu.memory_space<hbm>>) dst(%dma_wait3A_464 : memref<50000xi32, #tpu.memory_space<vmem>>)
      tpu.yield
    }) : () -> ()
    "tpu.region"() ({
      %run_scoped3A = tpu.sem_alloc : memref<!tpu.dma_semaphore, #tpu.memory_space<semaphore_mem>>
      %dma_start3A_454 = arith.constant 0 : i32
      %dma_start3A_455 = tpu.memref_slice %arg13[%dma_start3A_454] : memref<52016xi32, #tpu.memory_space<vmem>> -> memref<50000xi32, #tpu.memory_space<vmem>>
      %dma_start3A_456 = tpu.memref_slice %arg12[%mul3A_322] : memref<1600000xi32, #tpu.memory_space<hbm>> -> memref<50000xi32, #tpu.memory_space<hbm>>
      %dma_start3A_457 = tpu.memref_slice %arg12[%mul3A_322] : memref<1600000xi32, #tpu.memory_space<hbm>> -> memref<50000xi32, #tpu.memory_space<hbm>>
      %dma_start3A_458 = arith.constant 0 : i32
      %dma_start3A_459 = tpu.memref_slice %arg13[%dma_start3A_458] : memref<52016xi32, #tpu.memory_space<vmem>> -> memref<50000xi32, #tpu.memory_space<vmem>>
      tpu.enqueue_dma source(%dma_start3A_459 : memref<50000xi32, #tpu.memory_space<vmem>>) target(%dma_start3A_457 : memref<50000xi32, #tpu.memory_space<hbm>>) target_semaphore(%run_scoped3A : memref<!tpu.dma_semaphore, #tpu.memory_space<semaphore_mem>>)
      %dma_wait3A_460 = arith.constant 0 : i32
      %dma_wait3A_461 = tpu.memref_slice %arg13[%dma_wait3A_460] : memref<52016xi32, #tpu.memory_space<vmem>> -> memref<50000xi32, #tpu.memory_space<vmem>>
      %dma_wait3A_462 = tpu.memref_slice %arg12[%mul3A_322] : memref<1600000xi32, #tpu.memory_space<hbm>> -> memref<50000xi32, #tpu.memory_space<hbm>>
      %dma_wait3A_463 = tpu.memref_slice %arg12[%mul3A_322] : memref<1600000xi32, #tpu.memory_space<hbm>> -> memref<50000xi32, #tpu.memory_space<hbm>>
      %dma_wait3A_464 = arith.constant 0 : i32
      %dma_wait3A_465 = tpu.memref_slice %arg13[%dma_wait3A_464] : memref<52016xi32, #tpu.memory_space<vmem>> -> memref<50000xi32, #tpu.memory_space<vmem>>
      tpu.wait_dma2 semaphore(%run_scoped3A : memref<!tpu.dma_semaphore, #tpu.memory_space<semaphore_mem>>) src(%dma_wait3A_465 : memref<50000xi32, #tpu.memory_space<vmem>>) dst(%dma_wait3A_463 : memref<50000xi32, #tpu.memory_space<hbm>>)
      tpu.yield
    }) : () -> ()
    return
  }
}

</mosaic_0001>

<sc_bundles>
// kernel: kernel.3.cloned.1.call-start
scs
__scs_entry_jumppad:
0x0: {  	(pc) =	sbr.rel $0x88, $3  }
0x1: {  	(tag) =	ssettag $0x0;
	lr =	simm.s32 $0x1  }
0x2: {  	[smem:$0x3F96] =	sst lr;
	_ =	strace $0xD0000000  }
0x3: {  	_ = 	snop  }
0x4: {  	_ = 	snop  }
0x5: {  	_ = 	snop  }
0x6: {  	_ = 	snop  }
0x7: {  	_ = 	snop  }
__scs_overlays_trampoline_lowered:
0x8: {  	[smem:$0x3FA5] =	sst s0  }
0x9: {  	[smem:$0x3FA6] =	sst s1  }
0xa: {  	[smem:$0x3FA7] =	sst s2  }
0xb: {  	[smem:$0x3FA8] =	sst s3  }
0xc: {  	[smem:$0x3FA9] =	sst s4  }
0xd: {  	[smem:$0x3FAA] =	sst s5  }
0xe: {  	[smem:$0x3FAB] =	sst s6  }
0xf: {  	[smem:$0x3FAC] =	sst s7  }
0x10: {  	[smem:$0x3FAD] =	sst s8  }
0x11: {  	[smem:$0x3FAE] =	sst s9;
	s0 =	simm.s32 @!p0 $0x0  }
0x12: {  	s1 =	sld [smem:$0x3F94];
	s0 =	simm.s32 @p0 $0x1  }
0x13: {  	[smem:$0x3FAF] =	sst s0;
	s0 =	simm.s32 @!p1 $0x0  }
0x14: {  	s2 =	sld [smem:$0x3F93];
	s0 =	simm.s32 @p1 $0x1  }
0x15: {  	[smem:$0x3FB0] =	sst s0;
	s0 =	simm.s32 @!p2 $0x0  }
0x16: {  	s3 =	sld [smem:$0x3FDB];
	s0 =	simm.s32 @p2 $0x1  }
0x17: {  	s4 =	simm.s32 $0x1BF5;
	[smem:$0x3FB2] =	sst s0  }
0x18: {  	s0 =	sld [smem:$0x3F95];
	_ =	swait.ge [sflag:s4], $0x0  }
0x19: {  	s7 =	sld [smem:$0x3F96]  }
0x1a: {  	s8 =	sadd.s32 $0xFFFFE003, lr  }
0x1b: {  	s9 =	sadd.s32 $0xFFFFFEF7, lr;
	s5 =	simm.s32 $0xFFFFFFFF;
	p2 =	slt.u32 s8, $0xFFFFF086  }
0x1c: {  	p1 =	slt.u32 s9, $0xF7A;
	s5 =	simm.s32 @!p2 $0x0  }
0x1d: {  	s5 =	simm.s32 @p1 $0x1;
	p0 =	seq.s32 s7, s2  }
0x1e: {  	s7 =	smul.u32 @!p0 $0xF7A, s2;
	p2 =	seq.s32 @!p0 s5, $0x0  }
0x1f: {  	s9 =	smul.u32 $0xF7A, s1;
	s8 =	simm.s32 @!p0 $0x1BF5;
	p2 =	por !p2, p0  }
0x20: {  	[sflag:s8] =	ssyncset.s32 @!p0 $0xFFFFF086;
	s6 =	sadd.s32 @!p0 s3, s7;
	s7 =	simm.s32 @!p0 $0x108  }
0x21: {  	s3 =	sadd.s32 s3, s9;
	s6 =	sadd.s32 @!p0 $0x88, s6;
	s7 =	simm.s32 @p2 $0x1082  }
0x22: {  	[simem:s7], [sflag:s8] =	dma.local @!p0 [hbm:s6], $0xF7A  }
0x23: {  	s9 =	sor.u32 $0xD0000000, s2;
	s6 =	simm.s32 $0x108;
	_ =	swait.ge @!p0 [sflag:s8], $0x0  }
0x24: {  	s3 =	sadd.s32 $0x88, s3;
	s6 =	simm.s32 @!p1 $0x1082;
	[sflag:s4] =	ssyncset.s32 $0xFFFFF086  }
0x25: {  	[simem:s6], [sflag:s4] =	dma.local [hbm:s3], $0xF7A  }
0x26: {  	[smem:$0x3F96] =	sst s1;
	(tag) =	ssettag s2;
	_ =	strace s9  }
0x27: {  	s1 =	sld [smem:$0x3FA6]  }
0x28: {  	s2 =	sld [smem:$0x3FA7]  }
0x29: {  	s4 =	sld [smem:$0x3FA9]  }
0x2a: {  	p0 =	seq.s32 s5, $0x0;
	s5 =	sld [smem:$0x3FAA]  }
0x2b: {  	s6 =	sld [smem:$0x3FAB]  }
0x2c: {  	s7 =	sld [smem:$0x3FAC]  }
0x2d: {  	s3 =	simm.s32 $0x108;
	s8 =	sld [smem:$0x3FAD]  }
0x2e: {  	s3 =	simm.s32 @!p0 $0x1082;
	s9 =	sld [smem:$0x3FAE]  }
0x2f: {  	lr =	sadd.s32 s0, s3;
	s0 =	sld [smem:$0x3FA5]  }
0x30: {  	s3 =	sld [smem:$0x3FA8]  }
0x31: {  	[smem:$0x3FB1] =	sst s10  }
0x32: {  	s10 =	sld [smem:$0x3FAF];
	_ =	sdelay $0x3  }
0x33: {  	p0 =	seq.s32 s10, $0x1;
	s10 =	sld [smem:$0x3FB1];
	_ =	sdelay $0x3  }
0x34: {  	[smem:$0x3FB1] =	sst s10  }
0x35: {  	s10 =	sld [smem:$0x3FB0];
	_ =	sdelay $0x3  }
0x36: {  	p1 =	seq.s32 s10, $0x1;
	s10 =	sld [smem:$0x3FB1];
	_ =	sdelay $0x3  }
0x37: {  	[smem:$0x3FB1] =	sst s10  }
0x38: {  	s10 =	sld [smem:$0x3FB2]  }
0x39: {  	_ = 	snop;
	(pc) =	sbr.ind lr, $3  }
0x3a: {  	_ = 	snop  }
0x3b: {  	_ = 	snop  }
0x3c: {  	p2 =	seq.s32 s10, $0x1;
	s10 =	sld [smem:$0x3FB1]  }
0x3d: {  	_ =	shalt  }
0x3e: {  	_ =	shalt  }
0x3f: {  	_ =	shalt  }
0x40: {  	_ =	shalt  }
0x41: {  	_ =	shalt  }
0x42: {  	_ =	shalt  }
0x43: {  	_ =	shalt  }
0x44: {  	_ =	shalt  }
0x45: {  	_ =	shalt  }
0x46: {  	_ =	shalt  }
0x47: {  	_ =	shalt  }
0x48: {  	_ =	shalt  }
0x49: {  	_ =	shalt  }
0x4a: {  	_ =	shalt  }
0x4b: {  	_ =	shalt  }
0x4c: {  	_ =	shalt  }
0x4d: {  	_ =	shalt  }
0x4e: {  	_ =	shalt  }
0x4f: {  	_ =	shalt  }
0x50: {  	_ =	shalt  }
0x51: {  	_ =	shalt  }
0x52: {  	_ =	shalt  }
0x53: {  	_ =	shalt  }
0x54: {  	_ =	shalt  }
0x55: {  	_ =	shalt  }
0x56: {  	_ =	shalt  }
0x57: {  	_ =	shalt  }
0x58: {  	_ =	shalt  }
0x59: {  	_ =	shalt  }
0x5a: {  	_ =	shalt  }
0x5b: {  	_ =	shalt  }
0x5c: {  	_ =	shalt  }
0x5d: {  	_ =	shalt  }
0x5e: {  	_ =	shalt  }
0x5f: {  	_ =	shalt  }
0x60: {  	_ =	shalt  }
0x61: {  	_ =	shalt  }
0x62: {  	_ =	shalt  }
0x63: {  	_ =	shalt  }
0x64: {  	_ =	shalt  }
0x65: {  	_ =	shalt  }
0x66: {  	_ =	shalt  }
0x67: {  	_ =	shalt  }
0x68: {  	_ =	shalt  }
0x69: {  	_ =	shalt  }
0x6a: {  	_ =	shalt  }
0x6b: {  	_ =	shalt  }
0x6c: {  	_ =	shalt  }
0x6d: {  	_ =	shalt  }
0x6e: {  	_ =	shalt  }
0x6f: {  	_ =	shalt  }
0x70: {  	_ =	shalt  }
0x71: {  	_ =	shalt  }
0x72: {  	_ =	shalt  }
0x73: {  	_ =	shalt  }
0x74: {  	_ =	shalt  }
0x75: {  	_ =	shalt  }
0x76: {  	_ =	shalt  }
0x77: {  	_ =	shalt  }
0x78: {  	_ =	shalt  }
0x79: {  	_ =	shalt  }
0x7a: {  	_ =	shalt  }
0x7b: {  	_ =	shalt  }
0x7c: {  	_ =	shalt  }
0x7d: {  	_ =	shalt  }
0x7e: {  	_ =	shalt  }
0x7f: {  	_ =	shalt  }
0x80: {  	_ =	shalt  }
0x81: {  	_ =	shalt  }
0x82: {  	_ =	shalt  }
0x83: {  	_ =	shalt  }
0x84: {  	_ =	shalt  }
0x85: {  	_ =	shalt  }
0x86: {  	_ =	shalt  }
0x87: {  	_ =	shalt  }
.Lfunc_end0:
.L_simem_size_0:
called_computation.1_lowered:
.L_overlay_start_0:
0x88: {  	s2 =	sld [smem:$0x3FD9]  }
0x89: {  	s3 =	sld [smem:$0x3FFE];
	_ =	sdelay $0x1  }
0x8a: {  	s1 =	srdreg.scid  }
0x8b: {  	s0 =	sand.u32 $0x1, s1  }
0x8c: {  	s14 =	sshll.u32 s0, $0xA;
	s2 =	sadd.s32 s3, s2  }
0x8d: {  	s2 =	sadd.s32 s2, s14  }
0x8e: {  	[smem:$0x3FBD] =	sst s2  }
0x8f: {  	_ = 	snop  }
0x90: {  	s2 =	sld [smem:$0x3FD0];
	_ =	sdelay $0x2  }
0x91: {  	s4 =	simm.s32 $0xA;
	s5 =	simm.s32 $0x10;
	s15 =	sld [smem:$0x3FC7]  }
0x92: {  	[smem:s5], [sflag:s4] =	dma.local [hbm:s2], $0x1  }
0x93: {  	_ =	swait.eq [sflag:s4], $0x1  }
0x94: {  	s16 =	sld [smem:$0x10]  }
0x95: {  	s17 =	sld [smem:$0x11];
	[sflag:s4] =	ssyncset.done $0x0  }
0x96: {  	s6 =	sld [smem:$0x12];
	[sflag:s4] =	ssyncadd.s32 $0xFFFFFFFF  }
0x97: {  	s18 =	sld [smem:$0x13];
	(tm) =	ssettm $0x1  }
0x98: {  	s7 =	sld [smem:$0x3FFB];
	_ =	sdelay $0x3  }
0x99: {  	_ =	strace s7  }
0x9a: {  	s7 =	sld [smem:$0x3FFC];
	_ =	sdelay $0x3  }
0x9b: {  	_ =	strace s7  }
0x9c: {  	s7 =	sld [smem:$0x3FFD];
	_ =	sdelay $0x3  }
0x9d: {  	_ =	strace s7  }
0x9e: {  	_ =	strace $0x8FFFFFFF  }
0x9f: {  	s19 =	sld [smem:$0x3FDB];
	_ =	sdelay $0x1  }
0xa0: {  	s8 =	simm.s32 $_scs_section_size  }
0xa1: {  	s9 =	simm.s32 $_size__tile_overlayer_lowered;
	s10 =	simm.s32 $_tile_overlayer_lowered  }
0xa2: {  	s22 =	simm.s32 $0x1BFF;
	s21 =	sshll.u32 s10, $0x1;
	s7 =	sadd.s32 s8, s19  }
0xa3: {  	s11 =	simm.s32 $0x0;
	s20 =	sshll.u32 s9, $0x1;
	s9 =	sadd.s32 s21, s7  }
0xa4: {  	[timem:s11], [sflag:s22] =	dma.local [hbm:s9], s20  }
0xa5: {  	_ =	swait.ge [sflag:s22], s20  }
0xa6: {  	s8 =	ssub.s32 $0x0, s20;
	[sflag:s22] =	ssyncset.done $0x0  }
0xa7: {  	[sflag:s22] =	ssyncadd.s32 s8;
	_ =	sdelay $0x1  }
0xa8: {  	s23 =	simm.s32 $0x1B8B  }
0xa9: {  	_ =	swait.ge [sflag:s23], $0x1  }
0xaa: {  	[sflag:s23] =	ssyncset.done $0x0  }
0xab: {  	s25 =	simm.s32 $0x1B8E;
	s24 =	sld [smem:$0x3FFE];
	[sflag:s23] =	ssyncadd.s32 $0xFFFFFFFF  }
0xac: {  	s26 =	simm.s32 $execute0_lowered;
	[smem:$0x3FD2] =	sst s25  }
0xad: {  	s9 =	sshll.u32 s26, $0x1;
	_ =	strace $0x80000046;
	[dreg:$0x1] =	wrdreg $0xFFFFFFFF  }
0xae: {  	s28 =	simm.s32 $_size_execute0_lowered;
	s7 =	sadd.s32 s7, s9;
	[dreg:$0x0] =	wrdreg $0x0  }
0xaf: {  	s9 =	sshll.u32 s28, $0x1;
	[dreg:$0x2] =	wrdreg s7  }
0xb0: {  	[dreg:$0x3] =	wrdreg s9  }
0xb1: {  	[dreg:$0x4] =	wrdreg $0xC0  }
0xb2: {  	_ =	task [dreg:s11], $0x5FFFF  }
0xb3: {  	[dreg:$0x1] =	wrdreg $0xFFFFFFFF  }
0xb4: {  	[dreg:$0x0] =	wrdreg $0x60  }
0xb5: {  	[dreg:$0x2] =	wrdreg s24  }
0xb6: {  	[dreg:$0x3] =	wrdreg s15  }
0xb7: {  	[dreg:$0x4] =	wrdreg s16  }
0xb8: {  	[dreg:$0x5] =	wrdreg s18  }
0xb9: {  	[dreg:$0x6] =	wrdreg s17  }
0xba: {  	[dreg:$0x7] =	wrdreg s6  }
0xbb: {  	[dreg:$0x8] =	wrdreg $0x19F600  }
0xbc: {  	[dreg:$0x9] =	wrdreg $0x9  }
0xbd: {  	_ =	task.clear_ibuf [dreg:s11], $0xAFFFF;
	_ =	strace $0x90000046  }
0xbe: {  	s29 =	simm.s32 $0x9;
	_ =	strace $0x80000048  }
0xbf: {  	_ =	swait.ge [sflag:s29], $0x1  }
0xc0: {  	[sflag:s29] =	ssyncadd.s32 $0xFFFFFFFF  }
0xc1: {  	_ =	strace $0x90000048  }
0xc2: {  	_ =	sfence  }
0xc3: {  	s30 =	sld [smem:$0x0];
	_ =	sdelay $0x2  }
0xc4: {  	s31 =	sshll.u32 s1, $0xD;
	s1 =	sshrl.u32 s1, $0x2  }
0xc5: {  	s3 =	sand.u32 $0x4000, s31;
	s1 =	sadd.s32 s1, s30  }
0xc6: {  	s0 =	sor.u32 s3, s0;
	s1 =	sshll.u32 s1, $0x11  }
0xc7: {  	s0 =	sor.u32 s1, s0  }
0xc8: {  	s0 =	sadd.s32 $0x8F2B, s0  }
0xc9: {  	[sflag:s0] =	ssyncadd.remote.s32 $0x1  }
0xca: {  	_ =	sfence.sel $0xFFFF  }
0xcb: {  	[dreg:$0x0] =	wrdreg $0xFFFFFFFF;
	(pc) =	sbr.abs _section_cstart, $3  }
0xcc: {  	[dreg:$0x1] =	wrdreg $0xFFFFFFFF  }
0xcd: {  	_ =	task.clear_ibuf [dreg:s11], $0x2FFFF;
	_ =	strace $0x9FFFFFFF  }
0xce: {  	(tm) =	ssettm $0x7FFFFFFF  }
0xcf: {  	_ =	shalt  }
tec
execute0_lowered:
.L_overlay_start_1:
0x0: {  	(tag) =	ssettag $0x1  }
0x1: {  	s0 =	rddreg [dreg:$0x0]  }
0x2: {  	s2 =	rddreg [dreg:$0x1]  }
0x3: {  	s6 =	rddreg [dreg:$0x2]  }
0x4: {  	s1 =	rddreg [dreg:$0x3]  }
0x5: {  	s7 =	rddreg [dreg:$0x4];
	s3 =	srdreg.scid  }
0x6: {  	s17 =	stileid.u32;
	s8 =	rddreg [dreg:$0x5];
	s30 =	simm.s32 $0x3  }
0x7: {  	s31 =	simm.s32 $0x2;
	s29 =	simm.s32 $0xCC20;
	s9 =	sand.u32 $0x1, s3  }
0x8: {  	s4 =	sshll.u32 s17, $0x1;
	s3 =	rddreg [dreg:$0x6];
	s10 =	sadd.s32 $0x36200, s0  }
0x9: {  	s13 =	sadd.s32 $0xA00, s0;
	s16 =	sadd.s32 $0x37C00, s0;
	s20 =	sshll.u32 s17, $0x6  }
0xa: {  	s17 =	smul.u32 $0x4E2, s17;
	s11 =	sor.u32 s9, s4;
	s4 =	simm.s32 $0x0  }
0xb: {  	s19 =	ssub.s32 $0x2, s9;
	s9 =	smul.u32 $0x271, s9;
	[smem:$0x7FF] =	sst s4  }
0xc: {  	s5 =	smul.u32 $0xC350, s11;
	_ =	strace $0x80000047;
	[dreg:$0x8] =	wrdreg s10  }
0xd: {  	s18 =	sadd.s32 $0x800, s0;
	s23 =	smul.u32 $0xC3500, s11;
	[dreg:$0x9] =	wrdreg s16  }
0xe: {  	s15 =	sshrl.u32 s19, $0x1;
	[dreg:$0xa] =	wrdreg s18;
	s16 =	smul.u32 $0x271, s11  }
0xf: {  	s15 =	ssub.s32 s19, s15;
	s10 =	sor.u32 $0x1C02, s20;
	s22 =	sadd.s32 s9, s17  }
0x10: {  	s9 =	simm.s32 $0x11D60;
	s12 =	sshrl.u32 s5, $0x3;
	[dreg:$0xb] =	wrdreg s10  }
0x11: {  	s17 =	sshrl.u32 s23, $0x3;
	s14 =	sadd.s32 s12, s0;
	s0 =	sadd.s32 $0x3D200, s0  }
0x12: {  	s18 =	sshrl.u32 s16, $0x5;
	s16 =	sadd.s32 $0x271, s16;
	s2 =	sadd.s32 s2, s12  }
0x13: {  	s7 =	sadd.s32 s7, s12;
	s6 =	sadd.s32 s6, s12;
	s24 =	sadd.s32 s8, s12  }
0x14: {  	s8 =	simm.s32 $0xCCC0;
	s12 =	simm.s32 $0x14560;
	[dreg:$0xc] =	wrdreg s2  }
0x15: {  	s10 =	sshrl.u32 s16, $0x5;
	s21 =	smul.u32 $0x1E, s18;
	[dreg:$0xd] =	wrdreg s7  }
0x16: {  	s19 =	smul.u32 $0x1400, s18;
	s2 =	sshrl.u32 s22, $0x5;
	[dreg:$0xe] =	wrdreg s6  }
0x17: {  	[dreg:$0xf] =	wrdreg s24;
	s16 =	smul.u32 $0x186A0, s11;
	s20 =	sadd.s32 $0x1, s18  }
0x18: {  	s23 =	sadd.s32 $0x5400, s14;
	s24 =	smax.u32 s15, $0x1;
	s18 =	simm.s32 $0xCD60  }
0x19: {  	s11 =	simm.s32 $0xCD10;
	s14 =	simm.s32 $0x80;
	[dreg:$0x17] =	wrdreg s23  }
0x1a: {  	s15 =	simm.s32 $0x200;
	s25 =	smul.u32 $0x1400, s2;
	[dreg:$0x18] =	wrdreg s24  }
0x1b: {  	s2 =	smul.u32 $0x1E, s2;
	[dreg:$0x13] =	wrdreg s20;
	p0 =	sge.u32 s20, s10  }
0x1c: {  	s20 =	simm.s32 $0x0;
	s26 =	sadd.s32 s13, s21;
	s28 =	sadd.s32 s0, s19  }
0x1d: {  	s21 =	sadd.s32 s1, s17;
	s7 =	sadd.s32 s1, s16;
	[dreg:$0x10] =	wrdreg s26  }
0x1e: {  	s17 =	simm.s32 $0x16D60;
	s0 =	sadd.s32 s25, s0;
	[dreg:$0x14] =	wrdreg s7  }
0x1f: {  	s19 =	sadd.s32 $0x10, s28;
	s2 =	sadd.s32 s2, s13;
	[dreg:$0x11] =	wrdreg s28  }
0x20: {  	s22 =	sadd.s32 $0x320, s21;
	s6 =	sadd.s32 $0x18380, s21;
	[dreg:$0x12] =	wrdreg s19  }
0x21: {  	v2 =	vimm.s32 $0x61A8;
	s26 =	sadd.s32 $0x20, s28;
	s28 =	sadd.s32 $0x30, s28;
	[dreg:$0x15] =	wrdreg s22  }
0x22: {  	s7 =	simm.s32 $0xF560;
	s13 =	simm.s32 $0x1;
	[dreg:$0x16] =	wrdreg s6  }
0x23: {  	s24 =	sadd.s32 $0x1400, s0;
	s25 =	sadd.s32 $0x1E, s2;
	[dreg:$0x1a] =	wrdreg s26  }
0x24: {  	v0 =	vlaneseq.u32;
	[dreg:$0x1b] =	wrdreg s28;
	s2 =	simm.s32 $0xCBD0;
	s0 =	simm.s32 $0x50  }
0x25: {  	v3 =	vimm.s32 $0x0;
	v4 =	vimm.s32 $0x30D4;
	v1 =	vadd.s32 $0x1, v0;
	s6 =	simm.s32 $0xCC70;
	s19 =	simm.s32 $0x18660;
	[dreg:$0x19] =	wrdreg s25  }
.LBB2_1:
0x26: {  	s16 =	rddreg [dreg:$0x9]  }
0x27: {  	s21 =	sshrl.u32 s3, $0x3;
	s22 =	rddreg [dreg:$0xb]  }
0x28: {  	[spmem:s21], [sflag:s22] =	dma.local [hbm:s16], $0x5590  }
0x29: {  	s26 =	simm.s32 $0x1CA28;
	s16 =	rddreg [dreg:$0xa]  }
0x2a: {  	[tilespmem:s26], [sflag:$0x3] =	stream.linear.gather [hbm4b:s16+s4], $0x100, $0x38;
	[tilespmem:$0x1CB28] =	vst v63  }
0x2b: {  	_ =	swait.ge [sflag:s30], $0x100  }
0x2c: {  	[sflag:s30] =	ssyncset.done $0x0  }
0x2d: {  	s28 =	rddreg [dreg:$0x8];
	[sflag:s30] =	ssyncadd.s32 $0xFFFFFF00  }
0x2e: {  	[tilespmem:s4], [sflag:$0x3] =	stream.linear.gather [hbm4b:s28+s4], $0xC740, $0x38;
	[tilespmem:$0x1CB28] =	vst v63  }
0x2f: {  	_ =	swait.ge [sflag:s30], $0xC740  }
0x30: {  	[sflag:s30] =	ssyncset.done $0x0  }
0x31: {  	s21 =	simm.s32 $0xC740;
	s22 =	simm.s32 $0x0;
	[sflag:s30] =	ssyncadd.s32 $0xFFFF38C0  }
.LBB2_2:
0x32: {  	v7 =	vld.idx.msk [tilespmem:v2+s4+$0x0], $0xffff;
	_ =	sdelay $0x3  }
0x33: {  	v5 =	vadd.s32 s22, v1  }
0x34: {  	v6 =	vor.u32 s22, v0;
	vm0 =	vlt.s32 v7, v5  }
0x35: {  	vm1 =	vlt.s32 v7, v6;
	v8 =	vsel vm0, $0x927C, v4  }
0x36: {  	v7 =	vsel vm1, $0x927C, v4;
	_ =	sdelay $0x3  }
0x37: {  	v9 =	vld.idx.msk [tilespmem:v8+s4+$0x0], $0xffff  }
0x38: {  	v10 =	vld.idx.msk [tilespmem:v7+s4+$0x0], $0xffff;
	_ =	sdelay $0x1  }
0x39: {  	v11 =	vsel vm0, $0xC350, v2  }
0x3a: {  	v53 =	vsel vm0, $0x61A9, v3;
	v13 =	vsel vm1, $0xC350, v2;
	v54 =	vsel vm1, $0x61A9, v3  }
0x3b: {  	v12 =	vor.u32 $0x1, v8;
	v14 =	vor.u32 $0x1, v7;
	vm2 =	vlt.s32 v9, v5  }
0x3c: {  	vm10 =	vlt.s32 v10, v6;
	v8 =	vsel vm2, v11, v8;
	v9 =	vsel vm2, v12, v53  }
0x3d: {  	v7 =	vsel vm10, v13, v7;
	v10 =	vsel vm10, v14, v54;
	v11 =	vadd.s32 $0xFFFFFFFF, v8  }
0x3e: {  	v55 =	vadd.s32 $0xFFFFFFFF, v7;
	v12 =	vor.u32 v11, v9;
	v11 =	vxor.u32 v11, v9  }
0x3f: {  	v56 =	vxor.u32 v55, v10;
	v11 =	vshrl.u32 v11, $0x1  }
0x40: {  	v13 =	vshrl.u32 v56, $0x1;
	v11 =	vsub.s32 v12, v11;
	v12 =	vor.u32 v55, v10  }
0x41: {  	v12 =	vsub.s32 v12, v13;
	_ =	sdelay $0x3  }
0x42: {  	v57 =	vld.idx.msk [tilespmem:v11+s4+$0x0], $0xffff  }
0x43: {  	v58 =	vld.idx.msk [tilespmem:v12+s4+$0x0], $0xffff;
	_ =	sdelay $0x3  }
0x44: {  	v59 =	vor.u32 $0x1, v11;
	v60 =	vor.u32 $0x1, v12;
	vm11 =	vlt.s32 v57, v5  }
0x45: {  	v9 =	vsel vm11, v59, v9;
	v8 =	vsel vm11, v8, v11;
	vm12 =	vlt.s32 v58, v6  }
0x46: {  	v13 =	vxor.u32 v8, v9;
	v10 =	vsel vm12, v60, v10;
	v7 =	vsel vm12, v7, v12  }
0x47: {  	v11 =	vand.u32 v8, v9;
	v13 =	vshrl.u32 v13, $0x1;
	v12 =	vxor.u32 v7, v10  }
0x48: {  	v61 =	vand.u32 v7, v10;
	v11 =	vadd.s32 v13, v11;
	v12 =	vshrl.u32 v12, $0x1  }
0x49: {  	v12 =	vadd.s32 v12, v61;
	_ =	sdelay $0x3  }
0x4a: {  	v62 =	vld.idx.msk [tilespmem:v11+s4+$0x0], $0xffff  }
0x4b: {  	v63 =	vld.idx.msk [tilespmem:v12+s4+$0x0], $0xffff;
	_ =	sdelay $0x3  }
0x4c: {  	v16 =	vadd.s32 $0x1, v11;
	v17 =	vadd.s32 $0x1, v12;
	vm13 =	vlt.s32 v62, v5  }
0x4d: {  	v9 =	vsel vm13, v16, v9;
	v8 =	vsel vm13, v8, v11;
	vm14 =	vlt.s32 v63, v6  }
0x4e: {  	v11 =	vadd.s32 v8, v9;
	v10 =	vsel vm14, v17, v10;
	v7 =	vsel vm14, v7, v12  }
0x4f: {  	v11 =	vshrl.u32 v11, $0x1;
	v12 =	vadd.s32 v7, v10  }
0x50: {  	v12 =	vshrl.u32 v12, $0x1;
	_ =	sdelay $0x3  }
0x51: {  	v18 =	vld.idx.msk [tilespmem:v11+s4+$0x0], $0xffff  }
0x52: {  	v19 =	vld.idx.msk [tilespmem:v12+s4+$0x0], $0xffff;
	_ =	sdelay $0x3  }
0x53: {  	v20 =	vadd.s32 $0x1, v11;
	v21 =	vadd.s32 $0x1, v12;
	vm15 =	vlt.s32 v18, v5  }
0x54: {  	v9 =	vsel vm15, v20, v9;
	v8 =	vsel vm15, v8, v11;
	vm4 =	vlt.s32 v19, v6  }
0x55: {  	v11 =	vadd.s32 v8, v9;
	v10 =	vsel vm4, v21, v10;
	v7 =	vsel vm4, v7, v12  }
0x56: {  	v11 =	vshrl.u32 v11, $0x1;
	v12 =	vadd.s32 v7, v10  }
0x57: {  	v12 =	vshrl.u32 v12, $0x1;
	_ =	sdelay $0x3  }
0x58: {  	v22 =	vld.idx.msk [tilespmem:v11+s4+$0x0], $0xffff  }
0x59: {  	v23 =	vld.idx.msk [tilespmem:v12+s4+$0x0], $0xffff;
	_ =	sdelay $0x3  }
0x5a: {  	v24 =	vadd.s32 $0x1, v11;
	v25 =	vadd.s32 $0x1, v12;
	vm5 =	vlt.s32 v22, v5  }
0x5b: {  	v9 =	vsel vm5, v24, v9;
	v8 =	vsel vm5, v8, v11;
	vm6 =	vlt.s32 v23, v6  }
0x5c: {  	v11 =	vadd.s32 v8, v9;
	v10 =	vsel vm6, v25, v10;
	v7 =	vsel vm6, v7, v12  }
0x5d: {  	v11 =	vshrl.u32 v11, $0x1;
	v12 =	vadd.s32 v7, v10  }
0x5e: {  	v12 =	vshrl.u32 v12, $0x1;
	_ =	sdelay $0x3  }
0x5f: {  	v26 =	vld.idx.msk [tilespmem:v11+s4+$0x0], $0xffff  }
0x60: {  	v27 =	vld.idx.msk [tilespmem:v12+s4+$0x0], $0xffff;
	_ =	sdelay $0x3  }
0x61: {  	v28 =	vadd.s32 $0x1, v11;
	v29 =	vadd.s32 $0x1, v12;
	vm7 =	vlt.s32 v26, v5  }
0x62: {  	v9 =	vsel vm7, v28, v9;
	v8 =	vsel vm7, v8, v11;
	vm8 =	vlt.s32 v27, v6  }
0x63: {  	v11 =	vadd.s32 v8, v9;
	v10 =	vsel vm8, v29, v10;
	v7 =	vsel vm8, v7, v12  }
0x64: {  	v11 =	vshrl.u32 v11, $0x1;
	v12 =	vadd.s32 v7, v10  }
0x65: {  	v12 =	vshrl.u32 v12, $0x1;
	_ =	sdelay $0x3  }
0x66: {  	v30 =	vld.idx.msk [tilespmem:v11+s4+$0x0], $0xffff  }
0x67: {  	v31 =	vld.idx.msk [tilespmem:v12+s4+$0x0], $0xffff;
	_ =	sdelay $0x3  }
0x68: {  	v32 =	vadd.s32 $0x1, v11;
	v33 =	vadd.s32 $0x1, v12;
	vm9 =	vlt.s32 v30, v5  }
0x69: {  	v9 =	vsel vm9, v32, v9;
	v8 =	vsel vm9, v8, v11;
	vm10 =	vlt.s32 v31, v6  }
0x6a: {  	v11 =	vadd.s32 v8, v9;
	v10 =	vsel vm10, v33, v10;
	v7 =	vsel vm10, v7, v12  }
0x6b: {  	v11 =	vshrl.u32 v11, $0x1;
	v12 =	vadd.s32 v7, v10  }
0x6c: {  	v12 =	vshrl.u32 v12, $0x1;
	_ =	sdelay $0x3  }
0x6d: {  	v34 =	vld.idx.msk [tilespmem:v11+s4+$0x0], $0xffff  }
0x6e: {  	v35 =	vld.idx.msk [tilespmem:v12+s4+$0x0], $0xffff;
	_ =	sdelay $0x3  }
0x6f: {  	v36 =	vadd.s32 $0x1, v11;
	v37 =	vadd.s32 $0x1, v12;
	vm11 =	vlt.s32 v34, v5  }
0x70: {  	v9 =	vsel vm11, v36, v9;
	v8 =	vsel vm11, v8, v11;
	vm12 =	vlt.s32 v35, v6  }
0x71: {  	v11 =	vadd.s32 v8, v9;
	v10 =	vsel vm12, v37, v10;
	v7 =	vsel vm12, v7, v12  }
0x72: {  	v11 =	vshrl.u32 v11, $0x1;
	v12 =	vadd.s32 v7, v10  }
0x73: {  	v12 =	vshrl.u32 v12, $0x1;
	_ =	sdelay $0x3  }
0x74: {  	v38 =	vld.idx.msk [tilespmem:v11+s4+$0x0], $0xffff  }
0x75: {  	v39 =	vld.idx.msk [tilespmem:v12+s4+$0x0], $0xffff;
	_ =	sdelay $0x3  }
0x76: {  	v40 =	vadd.s32 $0x1, v11;
	v41 =	vadd.s32 $0x1, v12;
	vm13 =	vlt.s32 v38, v5  }
0x77: {  	v9 =	vsel vm13, v40, v9;
	v8 =	vsel vm13, v8, v11;
	vm14 =	vlt.s32 v39, v6  }
0x78: {  	v11 =	vadd.s32 v8, v9;
	v10 =	vsel vm14, v41, v10;
	v7 =	vsel vm14, v7, v12  }
0x79: {  	v11 =	vshrl.u32 v11, $0x1;
	v12 =	vadd.s32 v7, v10  }
0x7a: {  	v12 =	vshrl.u32 v12, $0x1;
	_ =	sdelay $0x3  }
0x7b: {  	v42 =	vld.idx.msk [tilespmem:v11+s4+$0x0], $0xffff  }
0x7c: {  	v43 =	vld.idx.msk [tilespmem:v12+s4+$0x0], $0xffff;
	_ =	sdelay $0x3  }
0x7d: {  	v44 =	vadd.s32 $0x1, v11;
	v45 =	vadd.s32 $0x1, v12;
	vm15 =	vlt.s32 v42, v5  }
0x7e: {  	v9 =	vsel vm15, v44, v9;
	v8 =	vsel vm15, v8, v11;
	vm4 =	vlt.s32 v43, v6  }
0x7f: {  	v11 =	vadd.s32 v8, v9;
	v10 =	vsel vm4, v45, v10;
	v7 =	vsel vm4, v7, v12  }
0x80: {  	v11 =	vshrl.u32 v11, $0x1;
	v12 =	vadd.s32 v7, v10  }
0x81: {  	v12 =	vshrl.u32 v12, $0x1;
	_ =	sdelay $0x3  }
0x82: {  	v46 =	vld.idx.msk [tilespmem:v11+s4+$0x0], $0xffff  }
0x83: {  	v47 =	vld.idx.msk [tilespmem:v12+s4+$0x0], $0xffff;
	_ =	sdelay $0x3  }
0x84: {  	v48 =	vadd.s32 $0x1, v11;
	v49 =	vadd.s32 $0x1, v12;
	vm5 =	vlt.s32 v46, v5  }
0x85: {  	v9 =	vsel vm5, v48, v9;
	v8 =	vsel vm5, v8, v11;
	vm6 =	vlt.s32 v47, v6  }
0x86: {  	v11 =	vadd.s32 v8, v9;
	v10 =	vsel vm6, v49, v10;
	v7 =	vsel vm6, v7, v12  }
0x87: {  	v11 =	vshrl.u32 v11, $0x1;
	v12 =	vadd.s32 v7, v10  }
0x88: {  	v12 =	vshrl.u32 v12, $0x1;
	_ =	sdelay $0x3  }
0x89: {  	v50 =	vld.idx.msk [tilespmem:v11+s4+$0x0], $0xffff  }
0x8a: {  	v51 =	vld.idx.msk [tilespmem:v12+s4+$0x0], $0xffff;
	_ =	sdelay $0x3  }
0x8b: {  	v52 =	vadd.s32 $0x1, v11;
	v53 =	vadd.s32 $0x1, v12;
	vm7 =	vlt.s32 v50, v5  }
0x8c: {  	v9 =	vsel vm7, v52, v9;
	v8 =	vsel vm7, v8, v11;
	vm8 =	vlt.s32 v51, v6  }
0x8d: {  	v11 =	vadd.s32 v8, v9;
	v10 =	vsel vm8, v53, v10;
	v7 =	vsel vm8, v7, v12  }
0x8e: {  	v11 =	vshrl.u32 v11, $0x1;
	v12 =	vadd.s32 v7, v10  }
0x8f: {  	v12 =	vshrl.u32 v12, $0x1;
	_ =	sdelay $0x3  }
0x90: {  	v54 =	vld.idx.msk [tilespmem:v11+s4+$0x0], $0xffff  }
0x91: {  	v55 =	vld.idx.msk [tilespmem:v12+s4+$0x0], $0xffff;
	_ =	sdelay $0x3  }
0x92: {  	v56 =	vadd.s32 $0x1, v11;
	v57 =	vadd.s32 $0x1, v12;
	vm9 =	vlt.s32 v54, v5  }
0x93: {  	v9 =	vsel vm9, v56, v9;
	v8 =	vsel vm9, v8, v11;
	vm10 =	vlt.s32 v55, v6  }
0x94: {  	v11 =	vadd.s32 v8, v9;
	v10 =	vsel vm10, v57, v10;
	v7 =	vsel vm10, v7, v12  }
0x95: {  	v11 =	vshrl.u32 v11, $0x1;
	v12 =	vadd.s32 v7, v10  }
0x96: {  	v12 =	vshrl.u32 v12, $0x1;
	_ =	sdelay $0x3  }
0x97: {  	v58 =	vld.idx.msk [tilespmem:v11+s4+$0x0], $0xffff  }
0x98: {  	v59 =	vld.idx.msk [tilespmem:v12+s4+$0x0], $0xffff;
	_ =	sdelay $0x3  }
0x99: {  	v60 =	vadd.s32 $0x1, v11;
	v61 =	vadd.s32 $0x1, v12;
	vm11 =	vlt.s32 v58, v5  }
0x9a: {  	v9 =	vsel vm11, v60, v9;
	v8 =	vsel vm11, v8, v11;
	vm12 =	vlt.s32 v59, v6  }
0x9b: {  	v10 =	vsel vm12, v61, v10;
	v8 =	vadd.s32 v8, v9;
	v7 =	vsel vm12, v7, v12  }
0x9c: {  	v8 =	vshrl.u32 v8, $0x1;
	v7 =	vadd.s32 v7, v10  }
0x9d: {  	v7 =	vshrl.u32 v7, $0x1;
	_ =	sdelay $0x3  }
0x9e: {  	v62 =	vld.idx.msk [tilespmem:v8+s4+$0x0], $0xffff  }
0x9f: {  	v63 =	vld.idx.msk [tilespmem:v7+s4+$0x0], $0xffff;
	_ =	sdelay $0x3  }
0xa0: {  	vm13 =	vlt.s32 v62, v5  }
0xa1: {  	v5 =	vadd.s32 $0x1, v8;
	vm14 =	vlt.s32 v63, v6;
	v6 =	vadd.s32 $0x1, v7  }
0xa2: {  	v5 =	vsel vm13, v5, v9;
	v6 =	vsel vm14, v6, v10  }
0xa3: {  	p1 =	sne.s32 s22, $0x3E0;
	v5 =	vsub.s32 v5, v6  }
.Ltmp0:
0xa4: {  	vm15 =	vgt.s32 v5, $0x0;
	(pc) =	sbr.rel @p1 .LBB2_2-.Ltmp0, $4  }
0xa5: {  	v5 =	vnsel vm15, $0x0, v5  }
0xa6: {  	v5 =	vmin.u32 v5, $0xFF  }
0xa7: {  	v5 =	vadd.s32 $0x459, v5  }
0xa8: {  	s22 =	sadd.s32 $0x10, s22;
	[tilespmem:s21+$0x0] =	vst v5;
	s21 =	sadd.s32 $0x10, s21  }
0xa9: {  	_ =	swait.ge [sflag:s31], $0x5590  }
0xaa: {  	[sflag:s31] =	ssyncset.done $0x0  }
0xab: {  	s16 =	rddreg [dreg:$0x10];
	[sflag:s31] =	ssyncadd.s32 $0xFFFFAA70  }
0xac: {  	[tilespmem:s2], [sflag:$0x3] =	stream.linear.gather [hbm4b:s16+s4], $0xF0, $0x38;
	[tilespmem:$0x1CB28] =	vst v63  }
0xad: {  	_ =	swait.ge [sflag:s30], $0xF0  }
0xae: {  	[sflag:s30] =	ssyncset.done $0x0  }
0xaf: {  	[sflag:s30] =	ssyncadd.s32 $0xFFFFFF10  }
0xb0: {  	v5 =	vld [tilespmem:$0xCBD0];
	_ =	sdelay $0x4  }
0xb1: {  	v6 =	vadd.s32 $0xC740, v5;
	_ =	sdelay $0x4  }
0xb2: {  	v6 =	vld.idx.msk [tilespmem:v6+s4+$0x0], $0xffff  }
0xb3: {  	v5 =	vadd.s32 $0xC358, v5  }
0xb4: {  	v7 =	vld [tilespmem:$0xCBE0];
	_ =	sdelay $0x2  }
0xb5: {  	[tilespmem:$0xCCC0] =	vst v6  }
0xb6: {  	v5 =	vld.idx.msk [tilespmem:v5+s4+$0x0], $0xffff  }
0xb7: {  	v6 =	vadd.s32 $0xC740, v7;
	_ =	sdelay $0x3  }
0xb8: {  	[tilespmem:$0xCD10] =	vst v5  }
0xb9: {  	v5 =	vld.idx.msk [tilespmem:v6+s4+$0x0], $0xffff  }
0xba: {  	v6 =	vadd.s32 $0xC358, v7  }
0xbb: {  	v7 =	vld [tilespmem:$0xCBF0];
	_ =	sdelay $0x2  }
0xbc: {  	[tilespmem:$0xCCD0] =	vst v5  }
0xbd: {  	v5 =	vld.idx.msk [tilespmem:v6+s4+$0x0], $0xffff  }
0xbe: {  	v6 =	vadd.s32 $0xC740, v7;
	_ =	sdelay $0x3  }
0xbf: {  	[tilespmem:$0xCD20] =	vst v5  }
0xc0: {  	v5 =	vld.idx.msk [tilespmem:v6+s4+$0x0], $0xffff  }
0xc1: {  	v6 =	vadd.s32 $0xC358, v7  }
0xc2: {  	v7 =	vld [tilespmem:$0xCC00];
	_ =	sdelay $0x2  }
0xc3: {  	[tilespmem:$0xCCE0] =	vst v5  }
0xc4: {  	v5 =	vld.idx.msk [tilespmem:v6+s4+$0x0], $0xffff  }
0xc5: {  	v6 =	vadd.s32 $0xC740, v7;
	_ =	sdelay $0x3  }
0xc6: {  	[tilespmem:$0xCD30] =	vst v5  }
0xc7: {  	v5 =	vld.idx.msk [tilespmem:v6+s4+$0x0], $0xffff  }
0xc8: {  	v6 =	vadd.s32 $0xC358, v7  }
0xc9: {  	v7 =	vld [tilespmem:$0xCC10];
	_ =	sdelay $0x2  }
0xca: {  	[tilespmem:$0xCCF0] =	vst v5  }
0xcb: {  	v5 =	vld.idx.msk [tilespmem:v6+s4+$0x0], $0xffff  }
0xcc: {  	v6 =	vadd.s32 $0xC740, v7;
	_ =	sdelay $0x3  }
0xcd: {  	[tilespmem:$0xCD40] =	vst v5  }
0xce: {  	v5 =	vld.idx.msk [tilespmem:v6+s4+$0x0], $0xffff  }
0xcf: {  	v6 =	vadd.s32 $0xC358, v7;
	_ =	sdelay $0x3  }
0xd0: {  	[tilespmem:$0xCD00] =	vst v5  }
0xd1: {  	v5 =	vld.idx.msk [tilespmem:v6+s4+$0x0], $0xffff;
	_ =	sdelay $0x4  }
0xd2: {  	[tilespmem:$0xCD50] =	vst v5  }
0xd3: {  	[tilespmem:s18], [sflag:$0x1] =	stream.indirect.gather [spmem:s3], $0x80, s29, s0, $0xb8;
	[tilespmem:$0x1CB28] =	vst v63  }
0xd4: {  	_ = 	snop  }
0xd5: {  	[tilespmem:s7], [sflag:$0x1] =	stream.indirect.gather [spmem:s3], $0x80, s6, s0, $0xb8;
	[tilespmem:$0x1CB28] =	vst v63  }
0xd6: {  	_ = 	snop  }
0xd7: {  	[tilespmem:s9], [sflag:$0x1] =	stream.indirect.gather [spmem:s3], $0x80, s8, s0, $0xb8;
	[tilespmem:$0x1CB28] =	vst v63  }
0xd8: {  	_ = 	snop  }
0xd9: {  	[tilespmem:s12], [sflag:$0x1] =	stream.indirect.gather [spmem:s3], $0x80, s11, s0, $0xb8;
	[tilespmem:$0x1CB28] =	vst v63  }
0xda: {  	_ =	swait.ge [sflag:s13], $0x2800  }
0xdb: {  	[sflag:s13] =	ssyncset.done $0x0  }
0xdc: {  	[sflag:s13] =	ssyncadd.s32 $0xFFFFD800  }
0xdd: {  	_ =	swait.ge [sflag:s13], $0x2800  }
0xde: {  	[sflag:s13] =	ssyncset.done $0x0  }
0xdf: {  	[sflag:s13] =	ssyncadd.s32 $0xFFFFD800  }
0xe0: {  	_ =	swait.ge [sflag:s13], $0x2800  }
0xe1: {  	[sflag:s13] =	ssyncset.done $0x0  }
0xe2: {  	[sflag:s13] =	ssyncadd.s32 $0xFFFFD800  }
0xe3: {  	_ =	swait.ge [sflag:s13], $0x2800  }
0xe4: {  	[sflag:s13] =	ssyncset.done $0x0  }
0xe5: {  	s23 =	rddreg [dreg:$0x11];
	[sflag:s13] =	ssyncadd.s32 $0xFFFFD800  }
0xe6: {  	[hbm4b:s23+s14] =	stream.strided.scatter [tilespmem:s18], [sflag:$0x2], $0x2800, s15, s14, $0x38;
	[tilespmem:$0x1CB28] =	vst v63  }
0xe7: {  	s25 =	rddreg [dreg:$0x12]  }
0xe8: {  	[hbm4b:s25+s14] =	stream.strided.scatter [tilespmem:s7], [sflag:$0x2], $0x2800, s15, s14, $0x38;
	[tilespmem:$0x1CB28] =	vst v63  }
.Ltmp1:
0xe9: {  	_ = 	snop;
	(pc) =	sbr.rel @p0 .LBB2_7-.Ltmp1, $4  }
0xea: {  	s26 =	rddreg [dreg:$0x1a]  }
0xeb: {  	[hbm4b:s26+s14] =	stream.strided.scatter [tilespmem:s9], [sflag:$0x2], $0x2800, s15, s14, $0x38;
	[tilespmem:$0x1CB28] =	vst v63  }
0xec: {  	s28 =	rddreg [dreg:$0x1b]  }
0xed: {  	[hbm4b:s28+s14] =	stream.strided.scatter [tilespmem:s12], [sflag:$0x2], $0x2800, s15, s14, $0x38;
	[tilespmem:$0x1CB28] =	vst v63  }
0xee: {  	s23 =	rddreg [dreg:$0x19]  }
0xef: {  	[tilespmem:s2], [sflag:$0x3] =	stream.linear.gather [hbm4b:s23+s4], $0xF0, $0x38;
	[tilespmem:$0x1CB28] =	vst v63  }
0xf0: {  	_ =	swait.ge [sflag:s30], $0xF0  }
0xf1: {  	[sflag:s30] =	ssyncset.done $0x0  }
0xf2: {  	[sflag:s30] =	ssyncadd.s32 $0xFFFFFF10  }
0xf3: {  	v5 =	vld [tilespmem:$0xCBD0];
	_ =	sdelay $0x4  }
0xf4: {  	v6 =	vadd.s32 $0xC740, v5;
	_ =	sdelay $0x4  }
0xf5: {  	v6 =	vld.idx.msk [tilespmem:v6+s4+$0x0], $0xffff  }
0xf6: {  	v5 =	vadd.s32 $0xC358, v5  }
0xf7: {  	v7 =	vld [tilespmem:$0xCBE0];
	_ =	sdelay $0x2  }
0xf8: {  	[tilespmem:$0xCCC0] =	vst v6  }
0xf9: {  	v5 =	vld.idx.msk [tilespmem:v5+s4+$0x0], $0xffff  }
0xfa: {  	v6 =	vadd.s32 $0xC740, v7;
	_ =	sdelay $0x3  }
0xfb: {  	[tilespmem:$0xCD10] =	vst v5  }
0xfc: {  	v5 =	vld.idx.msk [tilespmem:v6+s4+$0x0], $0xffff  }
0xfd: {  	v6 =	vadd.s32 $0xC358, v7  }
0xfe: {  	v7 =	vld [tilespmem:$0xCBF0];
	_ =	sdelay $0x2  }
0xff: {  	[tilespmem:$0xCCD0] =	vst v5  }
0x100: {  	v5 =	vld.idx.msk [tilespmem:v6+s4+$0x0], $0xffff  }
0x101: {  	v6 =	vadd.s32 $0xC740, v7;
	_ =	sdelay $0x3  }
0x102: {  	[tilespmem:$0xCD20] =	vst v5  }
0x103: {  	v5 =	vld.idx.msk [tilespmem:v6+s4+$0x0], $0xffff  }
0x104: {  	v6 =	vadd.s32 $0xC358, v7  }
0x105: {  	v7 =	vld [tilespmem:$0xCC00];
	_ =	sdelay $0x2  }
0x106: {  	[tilespmem:$0xCCE0] =	vst v5  }
0x107: {  	v5 =	vld.idx.msk [tilespmem:v6+s4+$0x0], $0xffff  }
0x108: {  	v6 =	vadd.s32 $0xC740, v7;
	_ =	sdelay $0x3  }
0x109: {  	[tilespmem:$0xCD30] =	vst v5  }
0x10a: {  	v5 =	vld.idx.msk [tilespmem:v6+s4+$0x0], $0xffff  }
0x10b: {  	v6 =	vadd.s32 $0xC358, v7  }
0x10c: {  	v7 =	vld [tilespmem:$0xCC10];
	_ =	sdelay $0x2  }
0x10d: {  	[tilespmem:$0xCCF0] =	vst v5  }
0x10e: {  	v5 =	vld.idx.msk [tilespmem:v6+s4+$0x0], $0xffff  }
0x10f: {  	v6 =	vadd.s32 $0xC740, v7;
	_ =	sdelay $0x3  }
0x110: {  	[tilespmem:$0xCD40] =	vst v5  }
0x111: {  	v5 =	vld.idx.msk [tilespmem:v6+s4+$0x0], $0xffff  }
0x112: {  	v6 =	vadd.s32 $0xC358, v7;
	_ =	sdelay $0x3  }
0x113: {  	[tilespmem:$0xCD00] =	vst v5  }
0x114: {  	v5 =	vld.idx.msk [tilespmem:v6+s4+$0x0], $0xffff;
	_ =	sdelay $0x4  }
0x115: {  	[tilespmem:$0xCD50] =	vst v5  }
0x116: {  	_ =	swait.ge [sflag:s31], $0x2800  }
0x117: {  	[sflag:s31] =	ssyncset.done $0x0  }
0x118: {  	[sflag:s31] =	ssyncadd.s32 $0xFFFFD800  }
0x119: {  	_ =	swait.ge [sflag:s31], $0x2800  }
0x11a: {  	[sflag:s31] =	ssyncset.done $0x0  }
0x11b: {  	[sflag:s31] =	ssyncadd.s32 $0xFFFFD800  }
0x11c: {  	_ =	swait.ge [sflag:s31], $0x2800  }
0x11d: {  	[sflag:s31] =	ssyncset.done $0x0  }
0x11e: {  	[sflag:s31] =	ssyncadd.s32 $0xFFFFD800  }
0x11f: {  	_ =	swait.ge [sflag:s31], $0x2800  }
0x120: {  	[sflag:s31] =	ssyncset.done $0x0  }
0x121: {  	[sflag:s31] =	ssyncadd.s32 $0xFFFFD800  }
0x122: {  	[tilespmem:s18], [sflag:$0x1] =	stream.indirect.gather [spmem:s3], $0x80, s29, s0, $0xb8;
	[tilespmem:$0x1CB28] =	vst v63  }
0x123: {  	_ = 	snop  }
0x124: {  	[tilespmem:s7], [sflag:$0x1] =	stream.indirect.gather [spmem:s3], $0x80, s6, s0, $0xb8;
	[tilespmem:$0x1CB28] =	vst v63  }
0x125: {  	_ = 	snop  }
0x126: {  	[tilespmem:s9], [sflag:$0x1] =	stream.indirect.gather [spmem:s3], $0x80, s8, s0, $0xb8;
	[tilespmem:$0x1CB28] =	vst v63  }
0x127: {  	_ = 	snop  }
0x128: {  	[tilespmem:s12], [sflag:$0x1] =	stream.indirect.gather [spmem:s3], $0x80, s11, s0, $0xb8;
	[tilespmem:$0x1CB28] =	vst v63  }
0x129: {  	_ =	swait.ge [sflag:s13], $0x2800  }
0x12a: {  	[sflag:s13] =	ssyncset.done $0x0  }
0x12b: {  	[sflag:s13] =	ssyncadd.s32 $0xFFFFD800  }
0x12c: {  	_ =	swait.ge [sflag:s13], $0x2800  }
0x12d: {  	[sflag:s13] =	ssyncset.done $0x0  }
0x12e: {  	[sflag:s13] =	ssyncadd.s32 $0xFFFFD800  }
0x12f: {  	_ =	swait.ge [sflag:s13], $0x2800  }
0x130: {  	[sflag:s13] =	ssyncset.done $0x0  }
0x131: {  	[sflag:s13] =	ssyncadd.s32 $0xFFFFD800  }
0x132: {  	_ =	swait.ge [sflag:s13], $0x2800  }
0x133: {  	[sflag:s13] =	ssyncset.done $0x0  }
0x134: {  	[sflag:s13] =	ssyncadd.s32 $0xFFFFD800  }
0x135: {  	[hbm4b:s24+s14] =	stream.strided.scatter [tilespmem:s18], [sflag:$0x2], $0x2800, s15, s14, $0x38;
	[tilespmem:$0x1CB28] =	vst v63  }
0x136: {  	s21 =	sadd.s32 $0x10, s24;
	s16 =	rddreg [dreg:$0x13]  }
0x137: {  	[hbm4b:s21+s14] =	stream.strided.scatter [tilespmem:s7], [sflag:$0x2], $0x2800, s15, s14, $0x38;
	[tilespmem:$0x1CB28] =	vst v63  }
0x138: {  	s21 =	sadd.s32 $0x1, s16  }
0x139: {  	p1 =	slt.u32 s21, s10  }
.Ltmp2:
0x13a: {  	_ = 	snop;
	(pc) =	sbr.rel @!p1 .LBB2_6-.Ltmp2, $4  }
0x13b: {  	_ = 	snop  }
0x13c: {  	s22 =	sadd.s32 $0x20, s24  }
0x13d: {  	[hbm4b:s22+s14] =	stream.strided.scatter [tilespmem:s9], [sflag:$0x2], $0x2800, s15, s14, $0x38;
	[tilespmem:$0x1CB28] =	vst v63  }
0x13e: {  	s25 =	sadd.s32 $0x30, s24;
	s23 =	sadd.s32 $0x1E, s23;
	s22 =	sadd.s32 $0x1400, s24  }
.LBB2_5:
0x13f: {  	[hbm4b:s25+s14] =	stream.strided.scatter [tilespmem:s12], [sflag:$0x2], $0x2800, s15, s14, $0x38;
	[tilespmem:$0x1CB28] =	vst v63  }
0x140: {  	s21 =	sadd.s32 $0x1, s21  }
0x141: {  	[tilespmem:s2], [sflag:$0x3] =	stream.linear.gather [hbm4b:s23+s4], $0xF0, $0x38;
	[tilespmem:$0x1CB28] =	vst v63  }
0x142: {  	p1 =	slt.u32 s21, s10;
	_ =	swait.ge [sflag:s30], $0xF0  }
0x143: {  	[sflag:s30] =	ssyncset.done $0x0  }
0x144: {  	[sflag:s30] =	ssyncadd.s32 $0xFFFFFF10  }
0x145: {  	v5 =	vld [tilespmem:$0xCBD0]  }
0x146: {  	v6 =	vld [tilespmem:$0xCBE0]  }
0x147: {  	v7 =	vld [tilespmem:$0xCBF0]  }
0x148: {  	v8 =	vld [tilespmem:$0xCC00]  }
0x149: {  	v9 =	vld [tilespmem:$0xCC10]  }
0x14a: {  	v10 =	vadd.s32 $0xC740, v5;
	_ =	sdelay $0x4  }
0x14b: {  	v10 =	vld.idx.msk [tilespmem:v10+s4+$0x0], $0xffff;
	_ =	sdelay $0x1  }
0x14c: {  	v5 =	vadd.s32 $0xC358, v5;
	_ =	sdelay $0x3  }
0x14d: {  	[tilespmem:$0xCCC0] =	vst v10  }
0x14e: {  	v5 =	vld.idx.msk [tilespmem:v5+s4+$0x0], $0xffff;
	_ =	sdelay $0x1  }
0x14f: {  	v10 =	vadd.s32 $0xC740, v6;
	_ =	sdelay $0x3  }
0x150: {  	[tilespmem:$0xCD10] =	vst v5  }
0x151: {  	v5 =	vld.idx.msk [tilespmem:v10+s4+$0x0], $0xffff;
	_ =	sdelay $0x1  }
0x152: {  	v6 =	vadd.s32 $0xC358, v6;
	_ =	sdelay $0x3  }
0x153: {  	[tilespmem:$0xCCD0] =	vst v5  }
0x154: {  	v5 =	vld.idx.msk [tilespmem:v6+s4+$0x0], $0xffff;
	_ =	sdelay $0x1  }
0x155: {  	v6 =	vadd.s32 $0xC740, v7;
	_ =	sdelay $0x3  }
0x156: {  	[tilespmem:$0xCD20] =	vst v5  }
0x157: {  	v5 =	vld.idx.msk [tilespmem:v6+s4+$0x0], $0xffff;
	_ =	sdelay $0x1  }
0x158: {  	v6 =	vadd.s32 $0xC358, v7;
	_ =	sdelay $0x3  }
0x159: {  	[tilespmem:$0xCCE0] =	vst v5  }
0x15a: {  	v5 =	vld.idx.msk [tilespmem:v6+s4+$0x0], $0xffff;
	_ =	sdelay $0x1  }
0x15b: {  	v6 =	vadd.s32 $0xC740, v8;
	_ =	sdelay $0x3  }
0x15c: {  	[tilespmem:$0xCD30] =	vst v5  }
0x15d: {  	v5 =	vld.idx.msk [tilespmem:v6+s4+$0x0], $0xffff;
	_ =	sdelay $0x1  }
0x15e: {  	v6 =	vadd.s32 $0xC358, v8;
	_ =	sdelay $0x3  }
0x15f: {  	[tilespmem:$0xCCF0] =	vst v5  }
0x160: {  	v5 =	vld.idx.msk [tilespmem:v6+s4+$0x0], $0xffff;
	_ =	sdelay $0x1  }
0x161: {  	v6 =	vadd.s32 $0xC740, v9;
	_ =	sdelay $0x3  }
0x162: {  	[tilespmem:$0xCD40] =	vst v5  }
0x163: {  	v5 =	vld.idx.msk [tilespmem:v6+s4+$0x0], $0xffff;
	_ =	sdelay $0x1  }
0x164: {  	v6 =	vadd.s32 $0xC358, v9;
	_ =	sdelay $0x3  }
0x165: {  	[tilespmem:$0xCD00] =	vst v5  }
0x166: {  	v5 =	vld.idx.msk [tilespmem:v6+s4+$0x0], $0xffff;
	_ =	sdelay $0x5  }
0x167: {  	[tilespmem:$0xCD50] =	vst v5  }
0x168: {  	_ =	swait.ge [sflag:s31], $0x2800  }
0x169: {  	[sflag:s31] =	ssyncset.done $0x0  }
0x16a: {  	[sflag:s31] =	ssyncadd.s32 $0xFFFFD800  }
0x16b: {  	_ =	swait.ge [sflag:s31], $0x2800  }
0x16c: {  	[sflag:s31] =	ssyncset.done $0x0  }
0x16d: {  	[sflag:s31] =	ssyncadd.s32 $0xFFFFD800  }
0x16e: {  	_ =	swait.ge [sflag:s31], $0x2800  }
0x16f: {  	[sflag:s31] =	ssyncset.done $0x0  }
0x170: {  	[sflag:s31] =	ssyncadd.s32 $0xFFFFD800  }
0x171: {  	_ =	swait.ge [sflag:s31], $0x2800  }
0x172: {  	[sflag:s31] =	ssyncset.done $0x0  }
0x173: {  	[sflag:s31] =	ssyncadd.s32 $0xFFFFD800  }
0x174: {  	[tilespmem:s18], [sflag:$0x1] =	stream.indirect.gather [spmem:s3], $0x80, s29, s0, $0xb8;
	[tilespmem:$0x1CB28] =	vst v63  }
0x175: {  	_ = 	snop  }
0x176: {  	[tilespmem:s7], [sflag:$0x1] =	stream.indirect.gather [spmem:s3], $0x80, s6, s0, $0xb8;
	[tilespmem:$0x1CB28] =	vst v63  }
0x177: {  	_ = 	snop  }
0x178: {  	[tilespmem:s9], [sflag:$0x1] =	stream.indirect.gather [spmem:s3], $0x80, s8, s0, $0xb8;
	[tilespmem:$0x1CB28] =	vst v63  }
0x179: {  	_ = 	snop  }
0x17a: {  	[tilespmem:s12], [sflag:$0x1] =	stream.indirect.gather [spmem:s3], $0x80, s11, s0, $0xb8;
	[tilespmem:$0x1CB28] =	vst v63  }
0x17b: {  	_ =	swait.ge [sflag:s13], $0x2800  }
0x17c: {  	[sflag:s13] =	ssyncset.done $0x0  }
0x17d: {  	[sflag:s13] =	ssyncadd.s32 $0xFFFFD800  }
0x17e: {  	_ =	swait.ge [sflag:s13], $0x2800  }
0x17f: {  	[sflag:s13] =	ssyncset.done $0x0  }
0x180: {  	[sflag:s13] =	ssyncadd.s32 $0xFFFFD800  }
0x181: {  	_ =	swait.ge [sflag:s13], $0x2800  }
0x182: {  	[sflag:s13] =	ssyncset.done $0x0  }
0x183: {  	[sflag:s13] =	ssyncadd.s32 $0xFFFFD800  }
0x184: {  	_ =	swait.ge [sflag:s13], $0x2800  }
0x185: {  	[sflag:s13] =	ssyncset.done $0x0  }
0x186: {  	[sflag:s13] =	ssyncadd.s32 $0xFFFFD800  }
0x187: {  	[hbm4b:s22+s14] =	stream.strided.scatter [tilespmem:s18], [sflag:$0x2], $0x2800, s15, s14, $0x38;
	[tilespmem:$0x1CB28] =	vst v63  }
.Ltmp3:
0x188: {  	s25 =	sadd.s32 $0x10, s22;
	(pc) =	sbr.rel @p1 .LBB2_5-.Ltmp3, $4  }
0x189: {  	[hbm4b:s25+s14] =	stream.strided.scatter [tilespmem:s7], [sflag:$0x2], $0x2800, s15, s14, $0x38;
	[tilespmem:$0x1CB28] =	vst v63  }
0x18a: {  	s25 =	sadd.s32 $0x20, s22  }
0x18b: {  	[hbm4b:s25+s14] =	stream.strided.scatter [tilespmem:s9], [sflag:$0x2], $0x2800, s15, s14, $0x38;
	[tilespmem:$0x1CB28] =	vst v63  }
0x18c: {  	s23 =	sadd.s32 $0x1E, s23;
	s25 =	sadd.s32 $0x30, s22;
	s22 =	sadd.s32 $0x1400, s22  }
.LBB2_6:
0x18d: {  	[hbm4b:s25+s14] =	stream.strided.scatter [tilespmem:s12], [sflag:$0x2], $0x2800, s15, s14, $0x38;
	[tilespmem:$0x1CB28] =	vst v63  }
.LBB2_7:
0x18e: {  	_ =	swait.ge [sflag:s31], $0x2800  }
0x18f: {  	[sflag:s31] =	ssyncset.done $0x0  }
0x190: {  	[sflag:s31] =	ssyncadd.s32 $0xFFFFD800  }
0x191: {  	_ =	swait.ge [sflag:s31], $0x2800  }
0x192: {  	[sflag:s31] =	ssyncset.done $0x0  }
0x193: {  	[sflag:s31] =	ssyncadd.s32 $0xFFFFD800  }
0x194: {  	_ =	swait.ge [sflag:s31], $0x2800  }
0x195: {  	[sflag:s31] =	ssyncset.done $0x0  }
0x196: {  	[sflag:s31] =	ssyncadd.s32 $0xFFFFD800  }
0x197: {  	_ =	swait.ge [sflag:s31], $0x2800  }
0x198: {  	[sflag:s31] =	ssyncset.done $0x0  }
0x199: {  	s21 =	simm.s32 $0x0;
	s16 =	rddreg [dreg:$0xc];
	[sflag:s31] =	ssyncadd.s32 $0xFFFFD800  }
0x19a: {  	[tilespmem:s21], [sflag:$0x3] =	stream.linear.gather [hbm4b:s16+s21], $0xC350, $0x38;
	[tilespmem:$0x1CB28] =	vst v63  }
0x19b: {  	_ =	swait.ge [sflag:s30], $0xC350  }
0x19c: {  	[sflag:s30] =	ssyncset.done $0x0  }
0x19d: {  	[sflag:s30] =	ssyncadd.s32 $0xFFFF3CB0  }
0x19e: {  	v5 =	vld [tilespmem:$0x1CA28]  }
0x19f: {  	v6 =	vld [tilespmem:$0x1CA38]  }
0x1a0: {  	v7 =	vld [tilespmem:$0x1CA48]  }
0x1a1: {  	v8 =	vld [tilespmem:$0x1CA58]  }
0x1a2: {  	v9 =	vld [tilespmem:$0x1CA68]  }
0x1a3: {  	v10 =	vld [tilespmem:$0x1CA78]  }
0x1a4: {  	v11 =	vld [tilespmem:$0x1CA88]  }
0x1a5: {  	v12 =	vld [tilespmem:$0x1CA98]  }
0x1a6: {  	v13 =	vld [tilespmem:$0x1CAA8]  }
0x1a7: {  	v15 =	vmul.u32 $0x10, v0;
	v17 =	vmov s21;
	v23 =	vld [tilespmem:s21+$0x0]  }
0x1a8: {  	v18 =	vshll.u32 v17, $0x4;
	v14 =	vld [tilespmem:$0x1CAB8]  }
0x1a9: {  	v22 =	vor.u32 v15, v18;
	v16 =	vld [tilespmem:$0x1CAC8]  }
0x1aa: {  	v24 =	vor.u32 $0x1, v22;
	v17 =	vld [tilespmem:$0x1CAD8]  }
0x1ab: {  	v25 =	vor.u32 $0x2, v22;
	v18 =	vld [tilespmem:$0x1CAE8]  }
0x1ac: {  	v27 =	vor.u32 $0x3, v22;
	v19 =	vld [tilespmem:$0x1CAF8];
	v26 =	vperm.xlane v5, v23  }
0x1ad: {  	v29 =	vor.u32 $0x4, v22;
	v20 =	vld [tilespmem:$0x1CB08];
	v28 =	vperm.xlane v6, v23  }
0x1ae: {  	v30 =	vor.u32 $0x5, v22;
	v21 =	vld [tilespmem:$0x1CB18];
	v42 =	vperm.xlane v7, v23;
	[tilespmem:v22+s17+$0x0] =	vst.idx.msk $0xffff, v26  }
0x1af: {  	v44 =	vor.u32 $0x6, v22;
	v43 =	vperm.xlane v8, v23;
	[tilespmem:v24+s17+$0x0] =	vst.idx.msk $0xffff, v28  }
0x1b0: {  	v46 =	vor.u32 $0x7, v22;
	v45 =	vperm.xlane v9, v23;
	[tilespmem:v25+s17+$0x0] =	vst.idx.msk $0xffff, v42  }
0x1b1: {  	v48 =	vor.u32 $0x8, v22;
	v47 =	vperm.xlane v10, v23;
	[tilespmem:v27+s17+$0x0] =	vst.idx.msk $0xffff, v43  }
0x1b2: {  	v50 =	vor.u32 $0x9, v22;
	v49 =	vperm.xlane v11, v23;
	[tilespmem:v29+s17+$0x0] =	vst.idx.msk $0xffff, v45  }
0x1b3: {  	v52 =	vor.u32 $0xA, v22;
	v51 =	vperm.xlane v12, v23;
	[tilespmem:v30+s17+$0x0] =	vst.idx.msk $0xffff, v47  }
0x1b4: {  	v54 =	vor.u32 $0xB, v22;
	v53 =	vperm.xlane v13, v23;
	[tilespmem:v44+s17+$0x0] =	vst.idx.msk $0xffff, v49  }
0x1b5: {  	v56 =	vor.u32 $0xC, v22;
	v55 =	vperm.xlane v14, v23;
	[tilespmem:v46+s17+$0x0] =	vst.idx.msk $0xffff, v51  }
0x1b6: {  	v58 =	vor.u32 $0xD, v22;
	v57 =	vperm.xlane v16, v23;
	[tilespmem:v48+s17+$0x0] =	vst.idx.msk $0xffff, v53  }
0x1b7: {  	v60 =	vor.u32 $0xE, v22;
	v59 =	vperm.xlane v17, v23;
	[tilespmem:v50+s17+$0x0] =	vst.idx.msk $0xffff, v55  }
0x1b8: {  	v61 =	vperm.xlane v18, v23;
	[tilespmem:v52+s17+$0x0] =	vst.idx.msk $0xffff, v57  }
0x1b9: {  	v62 =	vperm.xlane v19, v23;
	v22 =	vor.u32 $0xF, v22;
	[tilespmem:v54+s17+$0x0] =	vst.idx.msk $0xffff, v59  }
0x1ba: {  	v63 =	vperm.xlane v20, v23;
	[tilespmem:v56+s17+$0x0] =	vst.idx.msk $0xffff, v61  }
0x1bb: {  	[tilespmem:v58+s17+$0x0] =	vst.idx.msk $0xffff, v62  }
0x1bc: {  	s22 =	simm.s32 $0x10;
	v23 =	vperm.xlane v21, v23;
	[tilespmem:v60+s17+$0x0] =	vst.idx.msk $0xffff, v63  }
.LBB2_8:
0x1bd: {  	p1 =	sne.s32 s22, $0x180  }
0x1be: {  	[tilespmem:v22+s17+$0x0] =	vst.idx.msk $0xffff, v23;
	s21 =	sadd.s32 $0x10, s21;
	s23 =	smov.u32 s22;
	s22 =	sadd.s32 $0x10, s22  }
0x1bf: {  	v23 =	vld [tilespmem:s21+$0x0];
	v22 =	vmov s23  }
0x1c0: {  	v22 =	vshll.u32 v22, $0x4  }
0x1c1: {  	v22 =	vor.u32 v15, v22  }
0x1c2: {  	v24 =	vor.u32 $0x1, v22  }
0x1c3: {  	v25 =	vor.u32 $0x2, v22  }
0x1c4: {  	v27 =	vor.u32 $0x3, v22;
	v26 =	vperm.xlane v5, v23  }
0x1c5: {  	v29 =	vor.u32 $0x4, v22;
	v28 =	vperm.xlane v6, v23  }
0x1c6: {  	v30 =	vor.u32 $0x5, v22;
	[tilespmem:v22+s17+$0x0] =	vst.idx.msk $0xffff, v26;
	v26 =	vperm.xlane v7, v23  }
0x1c7: {  	[tilespmem:v24+s17+$0x0] =	vst.idx.msk $0xffff, v28;
	v24 =	vperm.xlane v8, v23;
	v28 =	vor.u32 $0x6, v22  }
0x1c8: {  	[tilespmem:v25+s17+$0x0] =	vst.idx.msk $0xffff, v26;
	v25 =	vperm.xlane v9, v23;
	v26 =	vor.u32 $0x7, v22  }
0x1c9: {  	[tilespmem:v27+s17+$0x0] =	vst.idx.msk $0xffff, v24;
	v24 =	vperm.xlane v10, v23;
	v27 =	vor.u32 $0x8, v22  }
0x1ca: {  	[tilespmem:v29+s17+$0x0] =	vst.idx.msk $0xffff, v25;
	v25 =	vperm.xlane v11, v23;
	v29 =	vor.u32 $0x9, v22  }
0x1cb: {  	[tilespmem:v30+s17+$0x0] =	vst.idx.msk $0xffff, v24;
	v24 =	vperm.xlane v12, v23;
	v30 =	vor.u32 $0xA, v22  }
0x1cc: {  	[tilespmem:v28+s17+$0x0] =	vst.idx.msk $0xffff, v25;
	v25 =	vperm.xlane v13, v23;
	v28 =	vor.u32 $0xB, v22  }
0x1cd: {  	[tilespmem:v26+s17+$0x0] =	vst.idx.msk $0xffff, v24;
	v24 =	vperm.xlane v14, v23;
	v26 =	vor.u32 $0xC, v22  }
0x1ce: {  	[tilespmem:v27+s17+$0x0] =	vst.idx.msk $0xffff, v25;
	v25 =	vperm.xlane v16, v23;
	v27 =	vor.u32 $0xD, v22  }
0x1cf: {  	[tilespmem:v29+s17+$0x0] =	vst.idx.msk $0xffff, v24;
	v24 =	vperm.xlane v17, v23;
	v29 =	vor.u32 $0xE, v22  }
.Ltmp4:
0x1d0: {  	v22 =	vor.u32 $0xF, v22;
	[tilespmem:v30+s17+$0x0] =	vst.idx.msk $0xffff, v25;
	v25 =	vperm.xlane v18, v23;
	(pc) =	sbr.rel @p1 .LBB2_8-.Ltmp4, $4  }
0x1d1: {  	[tilespmem:v28+s17+$0x0] =	vst.idx.msk $0xffff, v24;
	v24 =	vperm.xlane v19, v23  }
0x1d2: {  	[tilespmem:v26+s17+$0x0] =	vst.idx.msk $0xffff, v25;
	v25 =	vperm.xlane v20, v23  }
0x1d3: {  	v23 =	vperm.xlane v21, v23;
	[tilespmem:v27+s17+$0x0] =	vst.idx.msk $0xffff, v24  }
0x1d4: {  	[tilespmem:v29+s17+$0x0] =	vst.idx.msk $0xffff, v25  }
0x1d5: {  	_ =	sdelay $0x3  }
0x1d6: {  	[tilespmem:v22+s17+$0x0] =	vst.idx.msk $0xffff, v23;
	s16 =	rddreg [dreg:$0x14];
	s21 =	simm.s32 $0x190  }
0x1d7: {  	[hbm4b:s16+s4] =	stream.linear.scatter [tilespmem:s17], [sflag:$0x2], $0x1900, $0x38;
	[tilespmem:$0x1CB28] =	vst v63  }
0x1d8: {  	v22 =	vmov s21;
	v23 =	vld [tilespmem:s21+$0x0]  }
0x1d9: {  	v22 =	vshll.u32 v22, $0x4  }
0x1da: {  	v22 =	vor.u32 v15, v22  }
0x1db: {  	v24 =	vor.u32 $0x1, v22  }
0x1dc: {  	v25 =	vor.u32 $0x2, v22  }
0x1dd: {  	v27 =	vor.u32 $0x3, v22;
	v26 =	vperm.xlane v5, v23  }
0x1de: {  	v29 =	vor.u32 $0x4, v22;
	v28 =	vperm.xlane v6, v23  }
0x1df: {  	v30 =	vor.u32 $0x5, v22;
	v42 =	vperm.xlane v7, v23;
	[tilespmem:v22+s17+$0x0] =	vst.idx.msk $0xffff, v26  }
0x1e0: {  	v44 =	vor.u32 $0x6, v22;
	v43 =	vperm.xlane v8, v23;
	[tilespmem:v24+s17+$0x0] =	vst.idx.msk $0xffff, v28  }
0x1e1: {  	v46 =	vor.u32 $0x7, v22;
	v45 =	vperm.xlane v9, v23;
	[tilespmem:v25+s17+$0x0] =	vst.idx.msk $0xffff, v42  }
0x1e2: {  	v48 =	vor.u32 $0x8, v22;
	v47 =	vperm.xlane v10, v23;
	[tilespmem:v27+s17+$0x0] =	vst.idx.msk $0xffff, v43  }
0x1e3: {  	v50 =	vor.u32 $0x9, v22;
	v49 =	vperm.xlane v11, v23;
	[tilespmem:v29+s17+$0x0] =	vst.idx.msk $0xffff, v45  }
0x1e4: {  	v52 =	vor.u32 $0xA, v22;
	v51 =	vperm.xlane v12, v23;
	[tilespmem:v30+s17+$0x0] =	vst.idx.msk $0xffff, v47  }
0x1e5: {  	v54 =	vor.u32 $0xB, v22;
	v53 =	vperm.xlane v13, v23;
	[tilespmem:v44+s17+$0x0] =	vst.idx.msk $0xffff, v49  }
0x1e6: {  	v56 =	vor.u32 $0xC, v22;
	v55 =	vperm.xlane v14, v23;
	[tilespmem:v46+s17+$0x0] =	vst.idx.msk $0xffff, v51  }
0x1e7: {  	v58 =	vor.u32 $0xD, v22;
	v57 =	vperm.xlane v16, v23;
	[tilespmem:v48+s17+$0x0] =	vst.idx.msk $0xffff, v53  }
0x1e8: {  	v60 =	vor.u32 $0xE, v22;
	v59 =	vperm.xlane v17, v23;
	[tilespmem:v50+s17+$0x0] =	vst.idx.msk $0xffff, v55  }
0x1e9: {  	v61 =	vperm.xlane v18, v23;
	[tilespmem:v52+s17+$0x0] =	vst.idx.msk $0xffff, v57  }
0x1ea: {  	v62 =	vperm.xlane v19, v23;
	v22 =	vor.u32 $0xF, v22;
	[tilespmem:v54+s17+$0x0] =	vst.idx.msk $0xffff, v59  }
0x1eb: {  	v63 =	vperm.xlane v20, v23;
	[tilespmem:v56+s17+$0x0] =	vst.idx.msk $0xffff, v61  }
0x1ec: {  	[tilespmem:v58+s17+$0x0] =	vst.idx.msk $0xffff, v62  }
0x1ed: {  	s22 =	simm.s32 $0x1A0;
	v23 =	vperm.xlane v21, v23;
	[tilespmem:v60+s17+$0x0] =	vst.idx.msk $0xffff, v63  }
.LBB2_10:
0x1ee: {  	p1 =	sne.s32 s22, $0x310  }
0x1ef: {  	[tilespmem:v22+s17+$0x0] =	vst.idx.msk $0xffff, v23;
	s21 =	sadd.s32 $0x10, s21;
	s23 =	smov.u32 s22;
	s22 =	sadd.s32 $0x10, s22  }
0x1f0: {  	v23 =	vld [tilespmem:s21+$0x0];
	v22 =	vmov s23  }
0x1f1: {  	v22 =	vshll.u32 v22, $0x4  }
0x1f2: {  	v22 =	vor.u32 v15, v22  }
0x1f3: {  	v24 =	vor.u32 $0x1, v22  }
0x1f4: {  	v25 =	vor.u32 $0x2, v22  }
0x1f5: {  	v27 =	vor.u32 $0x3, v22;
	v26 =	vperm.xlane v5, v23  }
0x1f6: {  	v29 =	vor.u32 $0x4, v22;
	v28 =	vperm.xlane v6, v23  }
0x1f7: {  	v30 =	vor.u32 $0x5, v22;
	[tilespmem:v22+s17+$0x0] =	vst.idx.msk $0xffff, v26;
	v26 =	vperm.xlane v7, v23  }
0x1f8: {  	[tilespmem:v24+s17+$0x0] =	vst.idx.msk $0xffff, v28;
	v24 =	vperm.xlane v8, v23;
	v28 =	vor.u32 $0x6, v22  }
0x1f9: {  	[tilespmem:v25+s17+$0x0] =	vst.idx.msk $0xffff, v26;
	v25 =	vperm.xlane v9, v23;
	v26 =	vor.u32 $0x7, v22  }
0x1fa: {  	[tilespmem:v27+s17+$0x0] =	vst.idx.msk $0xffff, v24;
	v24 =	vperm.xlane v10, v23;
	v27 =	vor.u32 $0x8, v22  }
0x1fb: {  	[tilespmem:v29+s17+$0x0] =	vst.idx.msk $0xffff, v25;
	v25 =	vperm.xlane v11, v23;
	v29 =	vor.u32 $0x9, v22  }
0x1fc: {  	[tilespmem:v30+s17+$0x0] =	vst.idx.msk $0xffff, v24;
	v24 =	vperm.xlane v12, v23;
	v30 =	vor.u32 $0xA, v22  }
0x1fd: {  	[tilespmem:v28+s17+$0x0] =	vst.idx.msk $0xffff, v25;
	v25 =	vperm.xlane v13, v23;
	v28 =	vor.u32 $0xB, v22  }
0x1fe: {  	[tilespmem:v26+s17+$0x0] =	vst.idx.msk $0xffff, v24;
	v24 =	vperm.xlane v14, v23;
	v26 =	vor.u32 $0xC, v22  }
0x1ff: {  	[tilespmem:v27+s17+$0x0] =	vst.idx.msk $0xffff, v25;
	v25 =	vperm.xlane v16, v23;
	v27 =	vor.u32 $0xD, v22  }
0x200: {  	[tilespmem:v29+s17+$0x0] =	vst.idx.msk $0xffff, v24;
	v24 =	vperm.xlane v17, v23;
	v29 =	vor.u32 $0xE, v22  }
.Ltmp5:
0x201: {  	v22 =	vor.u32 $0xF, v22;
	[tilespmem:v30+s17+$0x0] =	vst.idx.msk $0xffff, v25;
	v25 =	vperm.xlane v18, v23;
	(pc) =	sbr.rel @p1 .LBB2_10-.Ltmp5, $4  }
0x202: {  	[tilespmem:v28+s17+$0x0] =	vst.idx.msk $0xffff, v24;
	v24 =	vperm.xlane v19, v23  }
0x203: {  	[tilespmem:v26+s17+$0x0] =	vst.idx.msk $0xffff, v25;
	v25 =	vperm.xlane v20, v23  }
0x204: {  	v23 =	vperm.xlane v21, v23;
	[tilespmem:v27+s17+$0x0] =	vst.idx.msk $0xffff, v24  }
0x205: {  	[tilespmem:v29+s17+$0x0] =	vst.idx.msk $0xffff, v25  }
0x206: {  	_ =	sdelay $0x3  }
0x207: {  	[tilespmem:v22+s17+$0x0] =	vst.idx.msk $0xffff, v23  }
0x208: {  	_ =	swait.ge [sflag:s31], $0x1900  }
0x209: {  	s21 =	simm.s32 $0x1;
	s28 =	simm.s32 $0x320;
	[sflag:s31] =	ssyncset.done $0x0  }
0x20a: {  	s23 =	simm.s32 $0x4B0;
	s16 =	rddreg [dreg:$0x15];
	[sflag:s31] =	ssyncadd.s32 $0xFFFFE700  }
0x20b: {  	[hbm4b:s16+s4] =	stream.linear.scatter [tilespmem:s19], [sflag:$0x2], $0x1900, $0x38;
	[tilespmem:$0x1CB28] =	vst v63  }
.LBB2_12:
0x20c: {  	s22 =	simm.s32 $0x0  }
0x20d: {  	v23 =	vld [tilespmem:s28+$0x0];
	v22 =	vmov s22  }
0x20e: {  	v22 =	vshll.u32 v22, $0x4  }
0x20f: {  	v22 =	vor.u32 v15, v22  }
0x210: {  	v24 =	vor.u32 $0x1, v22  }
0x211: {  	v25 =	vor.u32 $0x2, v22  }
0x212: {  	v27 =	vor.u32 $0x3, v22;
	v26 =	vperm.xlane v5, v23  }
0x213: {  	v29 =	vor.u32 $0x4, v22;
	v28 =	vperm.xlane v6, v23  }
0x214: {  	v30 =	vor.u32 $0x5, v22;
	v42 =	vperm.xlane v7, v23;
	[tilespmem:v22+s17+$0x0] =	vst.idx.msk $0xffff, v26  }
0x215: {  	v44 =	vor.u32 $0x6, v22;
	v43 =	vperm.xlane v8, v23;
	[tilespmem:v24+s17+$0x0] =	vst.idx.msk $0xffff, v28  }
0x216: {  	v46 =	vor.u32 $0x7, v22;
	v45 =	vperm.xlane v9, v23;
	[tilespmem:v25+s17+$0x0] =	vst.idx.msk $0xffff, v42  }
0x217: {  	v48 =	vor.u32 $0x8, v22;
	v47 =	vperm.xlane v10, v23;
	[tilespmem:v27+s17+$0x0] =	vst.idx.msk $0xffff, v43  }
0x218: {  	v50 =	vor.u32 $0x9, v22;
	v49 =	vperm.xlane v11, v23;
	[tilespmem:v29+s17+$0x0] =	vst.idx.msk $0xffff, v45  }
0x219: {  	v52 =	vor.u32 $0xA, v22;
	v51 =	vperm.xlane v12, v23;
	[tilespmem:v30+s17+$0x0] =	vst.idx.msk $0xffff, v47  }
0x21a: {  	v54 =	vor.u32 $0xB, v22;
	v53 =	vperm.xlane v13, v23;
	[tilespmem:v44+s17+$0x0] =	vst.idx.msk $0xffff, v49  }
0x21b: {  	v56 =	vor.u32 $0xC, v22;
	v55 =	vperm.xlane v14, v23;
	[tilespmem:v46+s17+$0x0] =	vst.idx.msk $0xffff, v51  }
0x21c: {  	v58 =	vor.u32 $0xD, v22;
	v57 =	vperm.xlane v16, v23;
	[tilespmem:v48+s17+$0x0] =	vst.idx.msk $0xffff, v53  }
0x21d: {  	v60 =	vor.u32 $0xE, v22;
	v59 =	vperm.xlane v17, v23;
	[tilespmem:v50+s17+$0x0] =	vst.idx.msk $0xffff, v55  }
0x21e: {  	v61 =	vperm.xlane v18, v23;
	[tilespmem:v52+s17+$0x0] =	vst.idx.msk $0xffff, v57  }
0x21f: {  	v62 =	vperm.xlane v19, v23;
	v22 =	vor.u32 $0xF, v22;
	[tilespmem:v54+s17+$0x0] =	vst.idx.msk $0xffff, v59  }
0x220: {  	v63 =	vperm.xlane v20, v23;
	[tilespmem:v56+s17+$0x0] =	vst.idx.msk $0xffff, v61  }
0x221: {  	[tilespmem:v58+s17+$0x0] =	vst.idx.msk $0xffff, v62  }
0x222: {  	s25 =	smul.u32 $0x320, s21;
	s26 =	simm.s32 $0x10;
	s22 =	smov.u32 s28;
	v23 =	vperm.xlane v21, v23;
	[tilespmem:v60+s17+$0x0] =	vst.idx.msk $0xffff, v63  }
.LBB2_13:
0x223: {  	p1 =	sne.s32 s26, $0x180  }
0x224: {  	[tilespmem:v22+s17+$0x0] =	vst.idx.msk $0xffff, v23;
	s22 =	sadd.s32 $0x10, s22;
	s16 =	smov.u32 s26;
	s26 =	sadd.s32 $0x10, s26  }
0x225: {  	v23 =	vld [tilespmem:s22+$0x0];
	v22 =	vmov s16  }
0x226: {  	v22 =	vshll.u32 v22, $0x4  }
0x227: {  	v22 =	vor.u32 v15, v22  }
0x228: {  	v24 =	vor.u32 $0x1, v22  }
0x229: {  	v25 =	vor.u32 $0x2, v22  }
0x22a: {  	v27 =	vor.u32 $0x3, v22;
	v26 =	vperm.xlane v5, v23  }
0x22b: {  	v29 =	vor.u32 $0x4, v22;
	v28 =	vperm.xlane v6, v23  }
0x22c: {  	v30 =	vor.u32 $0x5, v22;
	[tilespmem:v22+s17+$0x0] =	vst.idx.msk $0xffff, v26;
	v26 =	vperm.xlane v7, v23  }
0x22d: {  	[tilespmem:v24+s17+$0x0] =	vst.idx.msk $0xffff, v28;
	v24 =	vperm.xlane v8, v23;
	v28 =	vor.u32 $0x6, v22  }
0x22e: {  	[tilespmem:v25+s17+$0x0] =	vst.idx.msk $0xffff, v26;
	v25 =	vperm.xlane v9, v23;
	v26 =	vor.u32 $0x7, v22  }
0x22f: {  	[tilespmem:v27+s17+$0x0] =	vst.idx.msk $0xffff, v24;
	v24 =	vperm.xlane v10, v23;
	v27 =	vor.u32 $0x8, v22  }
0x230: {  	[tilespmem:v29+s17+$0x0] =	vst.idx.msk $0xffff, v25;
	v25 =	vperm.xlane v11, v23;
	v29 =	vor.u32 $0x9, v22  }
0x231: {  	[tilespmem:v30+s17+$0x0] =	vst.idx.msk $0xffff, v24;
	v24 =	vperm.xlane v12, v23;
	v30 =	vor.u32 $0xA, v22  }
0x232: {  	[tilespmem:v28+s17+$0x0] =	vst.idx.msk $0xffff, v25;
	v25 =	vperm.xlane v13, v23;
	v28 =	vor.u32 $0xB, v22  }
0x233: {  	[tilespmem:v26+s17+$0x0] =	vst.idx.msk $0xffff, v24;
	v24 =	vperm.xlane v14, v23;
	v26 =	vor.u32 $0xC, v22  }
0x234: {  	[tilespmem:v27+s17+$0x0] =	vst.idx.msk $0xffff, v25;
	v25 =	vperm.xlane v16, v23;
	v27 =	vor.u32 $0xD, v22  }
0x235: {  	[tilespmem:v29+s17+$0x0] =	vst.idx.msk $0xffff, v24;
	v24 =	vperm.xlane v17, v23;
	v29 =	vor.u32 $0xE, v22  }
.Ltmp6:
0x236: {  	v22 =	vor.u32 $0xF, v22;
	[tilespmem:v30+s17+$0x0] =	vst.idx.msk $0xffff, v25;
	v25 =	vperm.xlane v18, v23;
	(pc) =	sbr.rel @p1 .LBB2_13-.Ltmp6, $4  }
0x237: {  	[tilespmem:v28+s17+$0x0] =	vst.idx.msk $0xffff, v24;
	v24 =	vperm.xlane v19, v23  }
0x238: {  	[tilespmem:v26+s17+$0x0] =	vst.idx.msk $0xffff, v25;
	v25 =	vperm.xlane v20, v23  }
0x239: {  	v23 =	vperm.xlane v21, v23;
	[tilespmem:v27+s17+$0x0] =	vst.idx.msk $0xffff, v24  }
0x23a: {  	[tilespmem:v29+s17+$0x0] =	vst.idx.msk $0xffff, v25  }
0x23b: {  	_ =	sdelay $0x3  }
0x23c: {  	[tilespmem:v22+s17+$0x0] =	vst.idx.msk $0xffff, v23;
	s16 =	sadd.s32 s5, s25  }
0x23d: {  	_ =	swait.ge [sflag:s31], $0x1900;
	s16 =	sshll.u32 s16, $0x1  }
0x23e: {  	[sflag:s31] =	ssyncset.done $0x0;
	s16 =	sand.u32 $0x1FFFFFE0, s16  }
0x23f: {  	s26 =	simm.s32 $0x190;
	[sflag:s31] =	ssyncadd.s32 $0xFFFFE700;
	s16 =	sadd.s32 s1, s16  }
0x240: {  	[hbm4b:s16+s4] =	stream.linear.scatter [tilespmem:s17], [sflag:$0x2], $0x1900, $0x38;
	[tilespmem:$0x1CB28] =	vst v63  }
0x241: {  	v22 =	vmov s26;
	v23 =	vld [tilespmem:s23+$0x0]  }
0x242: {  	v22 =	vshll.u32 v22, $0x4  }
0x243: {  	v22 =	vor.u32 v15, v22  }
0x244: {  	v24 =	vor.u32 $0x1, v22  }
0x245: {  	v25 =	vor.u32 $0x2, v22  }
0x246: {  	v27 =	vor.u32 $0x3, v22;
	v26 =	vperm.xlane v5, v23  }
0x247: {  	v29 =	vor.u32 $0x4, v22;
	v28 =	vperm.xlane v6, v23  }
0x248: {  	v30 =	vor.u32 $0x5, v22;
	v42 =	vperm.xlane v7, v23;
	[tilespmem:v22+s17+$0x0] =	vst.idx.msk $0xffff, v26  }
0x249: {  	v44 =	vor.u32 $0x6, v22;
	v43 =	vperm.xlane v8, v23;
	[tilespmem:v24+s17+$0x0] =	vst.idx.msk $0xffff, v28  }
0x24a: {  	v46 =	vor.u32 $0x7, v22;
	v45 =	vperm.xlane v9, v23;
	[tilespmem:v25+s17+$0x0] =	vst.idx.msk $0xffff, v42  }
0x24b: {  	v48 =	vor.u32 $0x8, v22;
	v47 =	vperm.xlane v10, v23;
	[tilespmem:v27+s17+$0x0] =	vst.idx.msk $0xffff, v43  }
0x24c: {  	v50 =	vor.u32 $0x9, v22;
	v49 =	vperm.xlane v11, v23;
	[tilespmem:v29+s17+$0x0] =	vst.idx.msk $0xffff, v45  }
0x24d: {  	v52 =	vor.u32 $0xA, v22;
	v51 =	vperm.xlane v12, v23;
	[tilespmem:v30+s17+$0x0] =	vst.idx.msk $0xffff, v47  }
0x24e: {  	v54 =	vor.u32 $0xB, v22;
	v53 =	vperm.xlane v13, v23;
	[tilespmem:v44+s17+$0x0] =	vst.idx.msk $0xffff, v49  }
0x24f: {  	v56 =	vor.u32 $0xC, v22;
	v55 =	vperm.xlane v14, v23;
	[tilespmem:v46+s17+$0x0] =	vst.idx.msk $0xffff, v51  }
0x250: {  	v58 =	vor.u32 $0xD, v22;
	v57 =	vperm.xlane v16, v23;
	[tilespmem:v48+s17+$0x0] =	vst.idx.msk $0xffff, v53  }
0x251: {  	v60 =	vor.u32 $0xE, v22;
	v59 =	vperm.xlane v17, v23;
	[tilespmem:v50+s17+$0x0] =	vst.idx.msk $0xffff, v55  }
0x252: {  	v61 =	vperm.xlane v18, v23;
	[tilespmem:v52+s17+$0x0] =	vst.idx.msk $0xffff, v57  }
0x253: {  	v62 =	vperm.xlane v19, v23;
	v22 =	vor.u32 $0xF, v22;
	[tilespmem:v54+s17+$0x0] =	vst.idx.msk $0xffff, v59  }
0x254: {  	v63 =	vperm.xlane v20, v23;
	[tilespmem:v56+s17+$0x0] =	vst.idx.msk $0xffff, v61  }
0x255: {  	[tilespmem:v58+s17+$0x0] =	vst.idx.msk $0xffff, v62  }
0x256: {  	s25 =	sadd.s32 $0x190, s25;
	s22 =	smov.u32 s23;
	s26 =	simm.s32 $0x1A0;
	v23 =	vperm.xlane v21, v23;
	[tilespmem:v60+s17+$0x0] =	vst.idx.msk $0xffff, v63  }
.LBB2_15:
0x257: {  	p1 =	sne.s32 s26, $0x310  }
0x258: {  	[tilespmem:v22+s17+$0x0] =	vst.idx.msk $0xffff, v23;
	s22 =	sadd.s32 $0x10, s22;
	s16 =	smov.u32 s26;
	s26 =	sadd.s32 $0x10, s26  }
0x259: {  	v23 =	vld [tilespmem:s22+$0x0];
	v22 =	vmov s16  }
0x25a: {  	v22 =	vshll.u32 v22, $0x4  }
0x25b: {  	v22 =	vor.u32 v15, v22  }
0x25c: {  	v24 =	vor.u32 $0x1, v22  }
0x25d: {  	v25 =	vor.u32 $0x2, v22  }
0x25e: {  	v27 =	vor.u32 $0x3, v22;
	v26 =	vperm.xlane v5, v23  }
0x25f: {  	v29 =	vor.u32 $0x4, v22;
	v28 =	vperm.xlane v6, v23  }
0x260: {  	v30 =	vor.u32 $0x5, v22;
	[tilespmem:v22+s17+$0x0] =	vst.idx.msk $0xffff, v26;
	v26 =	vperm.xlane v7, v23  }
0x261: {  	[tilespmem:v24+s17+$0x0] =	vst.idx.msk $0xffff, v28;
	v24 =	vperm.xlane v8, v23;
	v28 =	vor.u32 $0x6, v22  }
0x262: {  	[tilespmem:v25+s17+$0x0] =	vst.idx.msk $0xffff, v26;
	v25 =	vperm.xlane v9, v23;
	v26 =	vor.u32 $0x7, v22  }
0x263: {  	[tilespmem:v27+s17+$0x0] =	vst.idx.msk $0xffff, v24;
	v24 =	vperm.xlane v10, v23;
	v27 =	vor.u32 $0x8, v22  }
0x264: {  	[tilespmem:v29+s17+$0x0] =	vst.idx.msk $0xffff, v25;
	v25 =	vperm.xlane v11, v23;
	v29 =	vor.u32 $0x9, v22  }
0x265: {  	[tilespmem:v30+s17+$0x0] =	vst.idx.msk $0xffff, v24;
	v24 =	vperm.xlane v12, v23;
	v30 =	vor.u32 $0xA, v22  }
0x266: {  	[tilespmem:v28+s17+$0x0] =	vst.idx.msk $0xffff, v25;
	v25 =	vperm.xlane v13, v23;
	v28 =	vor.u32 $0xB, v22  }
0x267: {  	[tilespmem:v26+s17+$0x0] =	vst.idx.msk $0xffff, v24;
	v24 =	vperm.xlane v14, v23;
	v26 =	vor.u32 $0xC, v22  }
0x268: {  	[tilespmem:v27+s17+$0x0] =	vst.idx.msk $0xffff, v25;
	v25 =	vperm.xlane v16, v23;
	v27 =	vor.u32 $0xD, v22  }
0x269: {  	[tilespmem:v29+s17+$0x0] =	vst.idx.msk $0xffff, v24;
	v24 =	vperm.xlane v17, v23;
	v29 =	vor.u32 $0xE, v22  }
.Ltmp7:
0x26a: {  	v22 =	vor.u32 $0xF, v22;
	[tilespmem:v30+s17+$0x0] =	vst.idx.msk $0xffff, v25;
	v25 =	vperm.xlane v18, v23;
	(pc) =	sbr.rel @p1 .LBB2_15-.Ltmp7, $4  }
0x26b: {  	[tilespmem:v28+s17+$0x0] =	vst.idx.msk $0xffff, v24;
	v24 =	vperm.xlane v19, v23  }
0x26c: {  	[tilespmem:v26+s17+$0x0] =	vst.idx.msk $0xffff, v25;
	v25 =	vperm.xlane v20, v23  }
0x26d: {  	v23 =	vperm.xlane v21, v23;
	[tilespmem:v27+s17+$0x0] =	vst.idx.msk $0xffff, v24  }
0x26e: {  	[tilespmem:v29+s17+$0x0] =	vst.idx.msk $0xffff, v25  }
0x26f: {  	_ =	sdelay $0x1  }
0x270: {  	s21 =	sadd.s32 $0x1, s21  }
0x271: {  	p1 =	sne.s32 s21, $0x3E  }
.Ltmp8:
0x272: {  	[tilespmem:v22+s17+$0x0] =	vst.idx.msk $0xffff, v23;
	s16 =	sadd.s32 s5, s25;
	(pc) =	sbr.rel @p1 .LBB2_12-.Ltmp8, $4  }
0x273: {  	s22 =	simm.s32 $0x0;
	_ =	swait.ge [sflag:s31], $0x1900;
	s16 =	sshll.u32 s16, $0x1  }
0x274: {  	s28 =	sadd.s32 $0x320, s28;
	[sflag:s31] =	ssyncset.done $0x0;
	s16 =	sand.u32 $0x1FFFFFE0, s16  }
0x275: {  	s23 =	sadd.s32 $0x320, s23;
	[sflag:s31] =	ssyncadd.s32 $0xFFFFE700;
	s16 =	sadd.s32 s1, s16  }
0x276: {  	[hbm4b:s16+s22] =	stream.linear.scatter [tilespmem:s19], [sflag:$0x2], $0x1900, $0x38;
	[tilespmem:$0x1CB28] =	vst v63  }
0x277: {  	s21 =	simm.s32 $0xC1C0  }
0x278: {  	v22 =	vmov s22;
	v23 =	vld [tilespmem:s21+$0x0]  }
0x279: {  	v22 =	vshll.u32 v22, $0x4  }
0x27a: {  	v22 =	vor.u32 v15, v22  }
0x27b: {  	v24 =	vor.u32 $0x1, v22  }
0x27c: {  	v25 =	vor.u32 $0x2, v22  }
0x27d: {  	v27 =	vor.u32 $0x3, v22;
	v26 =	vperm.xlane v5, v23  }
0x27e: {  	v29 =	vor.u32 $0x4, v22;
	v28 =	vperm.xlane v6, v23  }
0x27f: {  	v30 =	vor.u32 $0x5, v22;
	v42 =	vperm.xlane v7, v23;
	[tilespmem:v22+s17+$0x0] =	vst.idx.msk $0xffff, v26  }
0x280: {  	v44 =	vor.u32 $0x6, v22;
	v43 =	vperm.xlane v8, v23;
	[tilespmem:v24+s17+$0x0] =	vst.idx.msk $0xffff, v28  }
0x281: {  	v46 =	vor.u32 $0x7, v22;
	v45 =	vperm.xlane v9, v23;
	[tilespmem:v25+s17+$0x0] =	vst.idx.msk $0xffff, v42  }
0x282: {  	v48 =	vor.u32 $0x8, v22;
	v47 =	vperm.xlane v10, v23;
	[tilespmem:v27+s17+$0x0] =	vst.idx.msk $0xffff, v43  }
0x283: {  	v50 =	vor.u32 $0x9, v22;
	v49 =	vperm.xlane v11, v23;
	[tilespmem:v29+s17+$0x0] =	vst.idx.msk $0xffff, v45  }
0x284: {  	v52 =	vor.u32 $0xA, v22;
	v51 =	vperm.xlane v12, v23;
	[tilespmem:v30+s17+$0x0] =	vst.idx.msk $0xffff, v47  }
0x285: {  	v54 =	vor.u32 $0xB, v22;
	v53 =	vperm.xlane v13, v23;
	[tilespmem:v44+s17+$0x0] =	vst.idx.msk $0xffff, v49  }
0x286: {  	v56 =	vor.u32 $0xC, v22;
	v55 =	vperm.xlane v14, v23;
	[tilespmem:v46+s17+$0x0] =	vst.idx.msk $0xffff, v51  }
0x287: {  	v58 =	vor.u32 $0xD, v22;
	v57 =	vperm.xlane v16, v23;
	[tilespmem:v48+s17+$0x0] =	vst.idx.msk $0xffff, v53  }
0x288: {  	v60 =	vor.u32 $0xE, v22;
	v59 =	vperm.xlane v17, v23;
	[tilespmem:v50+s17+$0x0] =	vst.idx.msk $0xffff, v55  }
0x289: {  	v61 =	vperm.xlane v18, v23;
	[tilespmem:v52+s17+$0x0] =	vst.idx.msk $0xffff, v57  }
0x28a: {  	v62 =	vperm.xlane v19, v23;
	v22 =	vor.u32 $0xF, v22;
	[tilespmem:v54+s17+$0x0] =	vst.idx.msk $0xffff, v59  }
0x28b: {  	v63 =	vperm.xlane v20, v23;
	[tilespmem:v56+s17+$0x0] =	vst.idx.msk $0xffff, v61  }
0x28c: {  	[tilespmem:v58+s17+$0x0] =	vst.idx.msk $0xffff, v62  }
0x28d: {  	s22 =	simm.s32 $0x10;
	v23 =	vperm.xlane v21, v23;
	[tilespmem:v60+s17+$0x0] =	vst.idx.msk $0xffff, v63  }
.LBB2_18:
0x28e: {  	p1 =	sne.s32 s22, $0x180  }
0x28f: {  	[tilespmem:v22+s17+$0x0] =	vst.idx.msk $0xffff, v23;
	s21 =	sadd.s32 $0x10, s21;
	s16 =	smov.u32 s22;
	s22 =	sadd.s32 $0x10, s22  }
0x290: {  	v23 =	vld [tilespmem:s21+$0x0];
	v22 =	vmov s16  }
0x291: {  	v22 =	vshll.u32 v22, $0x4  }
0x292: {  	v22 =	vor.u32 v15, v22  }
0x293: {  	v24 =	vor.u32 $0x1, v22  }
0x294: {  	v25 =	vor.u32 $0x2, v22  }
0x295: {  	v27 =	vor.u32 $0x3, v22;
	v26 =	vperm.xlane v5, v23  }
0x296: {  	v29 =	vor.u32 $0x4, v22;
	v28 =	vperm.xlane v6, v23  }
0x297: {  	v30 =	vor.u32 $0x5, v22;
	[tilespmem:v22+s17+$0x0] =	vst.idx.msk $0xffff, v26;
	v26 =	vperm.xlane v7, v23  }
0x298: {  	[tilespmem:v24+s17+$0x0] =	vst.idx.msk $0xffff, v28;
	v24 =	vperm.xlane v8, v23;
	v28 =	vor.u32 $0x6, v22  }
0x299: {  	[tilespmem:v25+s17+$0x0] =	vst.idx.msk $0xffff, v26;
	v25 =	vperm.xlane v9, v23;
	v26 =	vor.u32 $0x7, v22  }
0x29a: {  	[tilespmem:v27+s17+$0x0] =	vst.idx.msk $0xffff, v24;
	v24 =	vperm.xlane v10, v23;
	v27 =	vor.u32 $0x8, v22  }
0x29b: {  	[tilespmem:v29+s17+$0x0] =	vst.idx.msk $0xffff, v25;
	v25 =	vperm.xlane v11, v23;
	v29 =	vor.u32 $0x9, v22  }
0x29c: {  	[tilespmem:v30+s17+$0x0] =	vst.idx.msk $0xffff, v24;
	v24 =	vperm.xlane v12, v23;
	v30 =	vor.u32 $0xA, v22  }
0x29d: {  	[tilespmem:v28+s17+$0x0] =	vst.idx.msk $0xffff, v25;
	v25 =	vperm.xlane v13, v23;
	v28 =	vor.u32 $0xB, v22  }
0x29e: {  	[tilespmem:v26+s17+$0x0] =	vst.idx.msk $0xffff, v24;
	v24 =	vperm.xlane v14, v23;
	v26 =	vor.u32 $0xC, v22  }
0x29f: {  	[tilespmem:v27+s17+$0x0] =	vst.idx.msk $0xffff, v25;
	v25 =	vperm.xlane v16, v23;
	v27 =	vor.u32 $0xD, v22  }
0x2a0: {  	[tilespmem:v29+s17+$0x0] =	vst.idx.msk $0xffff, v24;
	v24 =	vperm.xlane v17, v23;
	v29 =	vor.u32 $0xE, v22  }
.Ltmp9:
0x2a1: {  	v22 =	vor.u32 $0xF, v22;
	[tilespmem:v30+s17+$0x0] =	vst.idx.msk $0xffff, v25;
	v25 =	vperm.xlane v18, v23;
	(pc) =	sbr.rel @p1 .LBB2_18-.Ltmp9, $4  }
0x2a2: {  	[tilespmem:v28+s17+$0x0] =	vst.idx.msk $0xffff, v24;
	v24 =	vperm.xlane v19, v23  }
0x2a3: {  	[tilespmem:v26+s17+$0x0] =	vst.idx.msk $0xffff, v25;
	v25 =	vperm.xlane v20, v23  }
0x2a4: {  	v23 =	vperm.xlane v21, v23;
	[tilespmem:v27+s17+$0x0] =	vst.idx.msk $0xffff, v24  }
0x2a5: {  	[tilespmem:v29+s17+$0x0] =	vst.idx.msk $0xffff, v25  }
0x2a6: {  	_ =	sdelay $0x3  }
0x2a7: {  	[tilespmem:v22+s17+$0x0] =	vst.idx.msk $0xffff, v23  }
0x2a8: {  	_ =	swait.ge [sflag:s31], $0x1900  }
0x2a9: {  	[sflag:s31] =	ssyncset.done $0x0  }
0x2aa: {  	s16 =	rddreg [dreg:$0x16];
	[sflag:s31] =	ssyncadd.s32 $0xFFFFE700  }
0x2ab: {  	[hbm4b:s16+s4] =	stream.linear.scatter [tilespmem:s17], [sflag:$0x2], $0x1900, $0x38;
	[tilespmem:$0x1CB28] =	vst v63  }
0x2ac: {  	_ =	swait.ge [sflag:s31], $0x1900  }
0x2ad: {  	[sflag:s31] =	ssyncset.done $0x0  }
0x2ae: {  	s22 =	rddreg [dreg:$0x17];
	[sflag:s31] =	ssyncadd.s32 $0xFFFFE700  }
0x2af: {  	[tilespmem:s4], [sflag:$0x3] =	stream.linear.gather [hbm4b:s22+s4], $0xC350, $0x38;
	[tilespmem:$0x1CB28] =	vst v63  }
0x2b0: {  	_ =	swait.ge [sflag:s30], $0xC350  }
0x2b1: {  	[sflag:s30] =	ssyncset.done $0x0  }
0x2b2: {  	s23 =	rddreg [dreg:$0xd];
	[sflag:s30] =	ssyncadd.s32 $0xFFFF3CB0  }
0x2b3: {  	[hbm4b:s23+s4] =	stream.linear.scatter [tilespmem:s4], [sflag:$0x3], $0xC350, $0x38;
	[tilespmem:$0x1CB28] =	vst v63  }
0x2b4: {  	_ =	swait.ge [sflag:s30], $0xC350  }
0x2b5: {  	[sflag:s30] =	ssyncset.done $0x0  }
0x2b6: {  	s25 =	rddreg [dreg:$0xe];
	[sflag:s30] =	ssyncadd.s32 $0xFFFF3CB0  }
0x2b7: {  	[tilespmem:s4], [sflag:$0x3] =	stream.linear.gather [hbm4b:s25+s4], $0xC350, $0x38;
	[tilespmem:$0x1CB28] =	vst v63  }
0x2b8: {  	_ =	swait.ge [sflag:s30], $0xC350  }
0x2b9: {  	[sflag:s30] =	ssyncset.done $0x0  }
0x2ba: {  	s26 =	rddreg [dreg:$0xf];
	[sflag:s30] =	ssyncadd.s32 $0xFFFF3CB0  }
0x2bb: {  	[hbm4b:s26+s4] =	stream.linear.scatter [tilespmem:s4], [sflag:$0x3], $0xC350, $0x38;
	[tilespmem:$0x1CB28] =	vst v63  }
0x2bc: {  	_ =	swait.ge [sflag:s30], $0xC350  }
0x2bd: {  	s20 =	sadd.s32 $0x1, s20;
	s28 =	rddreg [dreg:$0x18]  }
0x2be: {  	p1 =	sne.s32 s20, s28  }
.Ltmp10:
0x2bf: {  	_ = 	snop;
	(pc) =	sbr.rel @p1 .LBB2_1-.Ltmp10, $3  }
0x2c0: {  	_ =	sdelay $0x1  }
0x2c1: {  	[sflag:s30] =	ssyncset.done $0x0  }
0x2c2: {  	[sflag:s30] =	ssyncadd.s32 $0xFFFF3CB0  }
0x2c3: {  	_ =	sfence.sel $0x180000  }
0x2c4: {  	[bflag:$0x0] =	sbarrier.arrive $0xFFFF  }
0x2c5: {  	_ =	strace $0x90000047  }
0x2c6: {  	s0 =	stileid.u32;
	[bflag:$0x2] =	sbarrier.arrive $0xFFFF  }
0x2c7: {  	p0 =	sne.s32 s0, $0x0;
	s0 =	rddreg [dreg:$0x7]  }
0x2c8: {  	s0 =	sadd.s32 @!p0 $0x100000, s0  }
0x2c9: {  	[sflag:s0] =	ssyncadd.tile.s32 @!p0 $0x1;
	_ =	shalt  }
.Lfunc_end2:
_tile_overlayer_lowered:
.L_overlay_start_2:
0x2ca: {  	(tag) =	ssettag $0x2  }
0x2cb: {  	s0 =	rddreg [dreg:$0x0];
	s2 =	stileid.u32  }
0x2cc: {  	s1 =	rddreg [dreg:$0x1];
	p0 =	sne.s32 s2, $0x0  }
0x2cd: {  	s3 =	rddreg [dreg:$0x2];
	[bflag:$0x3] =	sbarrier.arrive $0xFFFF;
	s2 =	simm.s32 @!p0 $0x1C03  }
0x2ce: {  	[timem:s3], [sflag:s2] =	dma.local @!p0 [hbm:s0], s1  }
0x2cf: {  	s0 =	simm.s32 @!p0 $0x3  }
0x2d0: {  	_ =	swait.ge @!p0 [sflag:s0], s1  }
0x2d1: {  	s1 =	ssub.s32 @!p0 $0x0, s1;
	[sflag:s0] =	ssyncset.done @!p0 $0x0  }
0x2d2: {  	[sflag:s0] =	ssyncadd.s32 @!p0 s1  }
0x2d3: {  	[bflag:$0x3] =	sbarrier.arrive $0xFFFF  }
0x2d4: {  	_ =	shalt  }

// kernel: sparse-core-data-format-call.cloned.1.call-start
scs
called_computation_lowered:
.L_overlay_start_0:
0x0: {  	s2 =	sld [smem:$0x3FD9]  }
0x1: {  	s3 =	sld [smem:$0x3FFE];
	_ =	sdelay $0x1  }
0x2: {  	s1 =	srdreg.scid  }
0x3: {  	s0 =	sand.u32 $0x1, s1  }
0x4: {  	s15 =	sshll.u32 s0, $0xA;
	s2 =	sadd.s32 s3, s2  }
0x5: {  	s2 =	sadd.s32 s2, s15  }
0x6: {  	[smem:$0x3FBD] =	sst s2  }
0x7: {  	_ = 	snop  }
0x8: {  	s2 =	sld [smem:$0x3FD0];
	_ =	sdelay $0x2  }
0x9: {  	s16 =	simm.s32 $0xA;
	s4 =	simm.s32 $0x10  }
0xa: {  	[smem:s4], [sflag:s16] =	dma.local [hbm:s2], $0x1  }
0xb: {  	_ =	swait.eq [sflag:s16], $0x1  }
0xc: {  	[sflag:s16] =	ssyncset.done $0x0  }
0xd: {  	[sflag:s16] =	ssyncadd.s32 $0xFFFFFFFF  }
0xe: {  	s17 =	sld [smem:$0x13];
	(tm) =	ssettm $0x1  }
0xf: {  	s18 =	sld [smem:$0x3FFB];
	_ =	sdelay $0x3  }
0x10: {  	_ =	strace s18  }
0x11: {  	s3 =	sld [smem:$0x3FFC];
	_ =	sdelay $0x3  }
0x12: {  	_ =	strace s3  }
0x13: {  	s3 =	sld [smem:$0x3FFD];
	_ =	sdelay $0x3  }
0x14: {  	_ =	strace s3  }
0x15: {  	_ =	strace $0x8FFFFFFF  }
0x16: {  	s19 =	sld [smem:$0x3FDB];
	_ =	sdelay $0x1  }
0x17: {  	s20 =	simm.s32 $_scs_section_size  }
0x18: {  	s5 =	simm.s32 $_size__tile_overlayer_lowered;
	s6 =	simm.s32 $_tile_overlayer_lowered  }
0x19: {  	s23 =	simm.s32 $0x1BFF;
	s22 =	sshll.u32 s6, $0x1;
	s3 =	sadd.s32 s20, s19  }
0x1a: {  	s7 =	simm.s32 $0x0;
	s21 =	sshll.u32 s5, $0x1;
	s5 =	sadd.s32 s22, s3  }
0x1b: {  	[timem:s7], [sflag:s23] =	dma.local [hbm:s5], s21  }
0x1c: {  	_ =	swait.ge [sflag:s23], s21  }
0x1d: {  	s4 =	ssub.s32 $0x0, s21;
	[sflag:s23] =	ssyncset.done $0x0  }
0x1e: {  	[sflag:s23] =	ssyncadd.s32 s4;
	_ =	sdelay $0x1  }
0x1f: {  	s24 =	simm.s32 $0x1B8B  }
0x20: {  	_ =	swait.ge [sflag:s24], $0x1  }
0x21: {  	[sflag:s24] =	ssyncset.done $0x0  }
0x22: {  	s26 =	simm.s32 $0x1B8E;
	s25 =	sld [smem:$0x3FFE];
	[sflag:s24] =	ssyncadd.s32 $0xFFFFFFFF  }
0x23: {  	s27 =	simm.s32 $execute0_lowered;
	[smem:$0x3FD2] =	sst s26  }
0x24: {  	s5 =	sshll.u32 s27, $0x1;
	_ =	strace $0x80000049;
	[dreg:$0x1] =	wrdreg $0xFFFFFFFF  }
0x25: {  	s28 =	simm.s32 $_size_execute0_lowered;
	s3 =	sadd.s32 s3, s5;
	[dreg:$0x0] =	wrdreg $0x0  }
0x26: {  	s5 =	sshll.u32 s28, $0x1;
	[dreg:$0x2] =	wrdreg s3  }
0x27: {  	[dreg:$0x3] =	wrdreg s5  }
0x28: {  	[dreg:$0x4] =	wrdreg $0xC0  }
0x29: {  	_ =	task [dreg:s7], $0x5FFFF  }
0x2a: {  	[dreg:$0x1] =	wrdreg $0xFFFFFFFF  }
0x2b: {  	[dreg:$0x0] =	wrdreg $0x60  }
0x2c: {  	[dreg:$0x2] =	wrdreg s25  }
0x2d: {  	[dreg:$0x3] =	wrdreg s17  }
0x2e: {  	[dreg:$0x4] =	wrdreg $0x9  }
0x2f: {  	_ =	task.clear_ibuf [dreg:s7], $0x5FFFF;
	_ =	strace $0x90000049  }
0x30: {  	s29 =	simm.s32 $0x9;
	_ =	strace $0x8000004B  }
0x31: {  	_ =	swait.ge [sflag:s29], $0x1  }
0x32: {  	[sflag:s29] =	ssyncadd.s32 $0xFFFFFFFF  }
0x33: {  	_ =	strace $0x9000004B  }
0x34: {  	_ =	sfence  }
0x35: {  	s30 =	sld [smem:$0x0];
	_ =	sdelay $0x2  }
0x36: {  	s31 =	sshll.u32 s1, $0xD;
	s1 =	sshrl.u32 s1, $0x2  }
0x37: {  	s3 =	sand.u32 $0x4000, s31;
	s1 =	sadd.s32 s1, s30  }
0x38: {  	s0 =	sor.u32 s3, s0;
	s1 =	sshll.u32 s1, $0x11  }
0x39: {  	s0 =	sor.u32 s1, s0  }
0x3a: {  	s0 =	sadd.s32 $0x8F2B, s0  }
0x3b: {  	[sflag:s0] =	ssyncadd.remote.s32 $0x1  }
0x3c: {  	_ =	sfence.sel $0xFFFF  }
0x3d: {  	[dreg:$0x0] =	wrdreg $0xFFFFFFFF;
	(pc) =	sbr.abs _section_cstart, $3  }
0x3e: {  	[dreg:$0x1] =	wrdreg $0xFFFFFFFF  }
0x3f: {  	_ =	task.clear_ibuf [dreg:s7], $0x2FFFF;
	_ =	strace $0x9FFFFFFF  }
0x40: {  	(tm) =	ssettm $0x7FFFFFFF  }
0x41: {  	_ =	shalt  }
tec
execute0_lowered:
.L_overlay_start_1:
0x0: {  	(tag) =	ssettag $0x1  }
0x1: {  	s0 =	srdreg.scid  }
0x2: {  	s1 =	sshll.u32 s0, $0x4  }
0x3: {  	s4 =	rddreg [dreg:$0x0];
	s0 =	stileid.u32;
	s1 =	sand.u32 $0x10, s1  }
0x4: {  	s2 =	rddreg [dreg:$0x1];
	s7 =	simm.s32 $0x1;
	s1 =	sor.u32 s0, s1  }
0x5: {  	s8 =	simm.s32 $0x2;
	s11 =	simm.s32 $0x0;
	s3 =	sshll.u32 s1, $0x7  }
0x6: {  	s10 =	simm.s32 $0x0;
	s4 =	sadd.s32 $0x34A600, s4;
	s6 =	ssub.s32 $0x186A00, s3  }
.Ltmp0:
0x7: {  	s1 =	rddreg [dreg:$0x2];
	s5 =	sand.u32 $0xF80, s6;
	(pc) =	sbr.rel .LBB1_1-.Ltmp0, $4  }
0x8: {  	_ =	strace $0x8000004A;
	s9 =	smov.u32 s3;
	p0 =	sne.s32 s5, $0x0  }
0x9: {  	s6 =	sshrl.u32 s6, $0xC;
	s5 =	simm.s32 $0x1;
	s7 =	simm.s32 @!p0 $0x0  }
0xa: {  	[sflag:s5] =	ssyncpa.u1 $0x0;
	p0 =	por $0x0, $0x0;
	s6 =	sadd.s32 s7, s6  }
0xb: {  	[sflag:s8] =	ssyncpa.u1 $0x0;
	s8 =	simm.s32 $0xC35000;
	s7 =	sadd.s32 $0x1, s6  }
.LBB1_4:
0xc: {  	s14 =	sshll.u32 s11, $0x3  }
0xd: {  	s14 =	sand.u32 $0xFFFFFC00, s14  }
0xe: {  	s15 =	sshrl.u32 s14, $0x9  }
0xf: {  	s15 =	smulhi.u32 $0xA7C5AD, s15;
	_ =	sdelay $0x1  }
0x10: {  	s15 =	sshrl.u32 s15, $0x3  }
0x11: {  	s28 =	sand.u32 $0x7F, s11;
	s16 =	smul.u32 $0x186A00, s15  }
0x12: {  	[tilespmem:s12+$0xFFFFFFFC ss:$0x81] =	vst.msk $0xffff, v0;
	s11 =	sor.u32 s28, s14  }
0x13: {  	[tilespmem:s12+$0xFFFFFFFD ss:$0x81] =	vst.msk $0xffff, v3;
	s29 =	sand.u32 $0xF, s15;
	s11 =	ssub.s32 s11, s16  }
0x14: {  	[tilespmem:s12+$0xFFFFFFFE ss:$0x81] =	vst.msk $0xffff, v1;
	s14 =	smul.u32 $0x30D40, s29;
	s30 =	sshrl.u32 s11, $0x3;
	s11 =	sand.u32 $0x7, s11  }
0x15: {  	[tilespmem:s12+$0xFFFFFFFF ss:$0x81] =	vst.msk $0xffff, v4;
	s15 =	sadd.s32 s2, s30;
	s11 =	sshll.u32 s11, $0x12  }
0x16: {  	[tilespmem:s12+$0xFFFFFFF9 ss:$0x81] =	vst.msk $0xffff, v2;
	s31 =	sadd.s32 s14, s15;
	s11 =	sor.u32 $0x400, s11  }
0x17: {  	[hbm4b:s31+s11] =	stream.strided.scatter [tilespmem:s13], [sflag:$0x2], $0x800, s8, s11, $0x20;
	[tilespmem:$0x2020] =	vst v63  }
.LBB1_5:
0x18: {  	s13 =	sadd.s32 $0x1000, s9  }
0x19: {  	p2 =	sgt.s32 s13, $0x1869FF  }
0x1a: {  	s13 =	smov.u32 @p2 s3;
	p2 =	sne.s32 s10, s7  }
.Ltmp1:
0x1b: {  	p1 =	slt.u32 s10, $0x2;
	(pc) =	sbr.rel @!p2 .LBB1_6-.Ltmp1, $4  }
0x1c: {  	s12 =	simm.s32 @!p1 $0x2  }
0x1d: {  	s14 =	sadd.s32 $0x1, s10;
	_ =	swait.ge @!p1 [sflag:s12], $0x800  }
0x1e: {  	s11 =	smov.u32 s9;
	p0 =	por !p0, !p0;
	[sflag:s12] =	ssyncset.done @!p1 $0x0  }
0x1f: {  	s10 =	smov.u32 s14;
	s9 =	smov.u32 s13;
	[sflag:s12] =	ssyncadd.s32 @!p1 $0xFFFFF800  }
.LBB1_1:
0x20: {  	p1 =	sge.u32 s10, s6  }
0x21: {  	s12 =	sand.u32 @!p1 $0x1FFFFFF, s9  }
0x22: {  	s13 =	smulhi.u32 @!p1 $0x14F8B59, s12;
	_ =	sdelay $0x1  }
0x23: {  	s13 =	sshrl.u32 @!p1 s13, $0xD  }
0x24: {  	s13 =	smul.u32 @!p1 $0x186A00, s13;
	_ =	sdelay $0x1  }
0x25: {  	s31 =	sadd.s32 $0xFFFFFFFF, s10;
	s14 =	sxor.u32 @!p1 $0xFFFFFFFF, s10;
	s12 =	ssub.s32 @!p1 s12, s13  }
0x26: {  	s15 =	simm.s32 @!p1 $0x80;
	s14 =	sshll.u32 @!p1 s14, $0xB;
	s12 =	sshll.u32 @!p1 s12, $0x4  }
0x27: {  	s13 =	sand.u32 @!p1 $0x800, s14;
	s14 =	simm.s32 @!p1 $0x10;
	s12 =	sadd.s32 @!p1 s4, s12  }
0x28: {  	[tilespmem:s13], [sflag:$0x1] =	stream.strided.gather @!p1 [hbm4b:s12+s14], $0x800, s15, s14, $0x38;
	[tilespmem:$0x2020] =	vst v63  }
0x29: {  	p1 =	sge.u32 s31, s6  }
.Ltmp2:
0x2a: {  	_ = 	snop;
	(pc) =	sbr.rel @p1 .LBB1_5-.Ltmp2, $1  }
0x2b: {  	_ =	sdelay $0x3  }
0x2c: {  	s12 =	simm.s32 $0x1  }
0x2d: {  	_ =	swait.ge [sflag:s5], $0x800;
	s12 =	simm.s32 @!p0 $0x0  }
0x2e: {  	[sflag:s5] =	ssyncset.done $0x0;
	s13 =	sshll.u32 s12, $0xB  }
0x2f: {  	[sflag:s5] =	ssyncadd.s32 $0xFFFFF800;
	s15 =	sor.u32 $0x40, s13  }
0x30: {  	v2 =	vld [tilespmem:s15+$0x30]  }
0x31: {  	s12 =	smul.u32 $0x2040, s12;
	v4 =	vld [tilespmem:s15+$0xFFFFFFD0]  }
0x32: {  	v5 =	vld [tilespmem:s15+$0xFFFFFFE0]  }
0x33: {  	s31 =	sand.u32 $0x1, s10;
	s12 =	sshrl.u32 s12, $0x2;
	v0 =	vld [tilespmem:s15+$0xFFFFFFF0]  }
0x34: {  	s13 =	smul.u32 $0x2040, s31;
	v3 =	vld [tilespmem:s15+$0x0];
	s12 =	sor.u32 $0x1007, s12  }
0x35: {  	v1 =	vld [tilespmem:s15+$0x10];
	[tilespmem:s12+$0x0 ss:$0x81] =	vst.msk $0xffff, v2  }
0x36: {  	s13 =	sshrl.u32 s13, $0x2;
	[tilespmem:s12+$0xFFFFFFFA ss:$0x81] =	vst.msk $0xffff, v4;
	v4 =	vld [tilespmem:s15+$0x20]  }
0x37: {  	s14 =	simm.s32 $0x0;
	s13 =	sor.u32 $0x1000, s13;
	v2 =	vld [tilespmem:s15+$0xFFFFFFC0];
	[tilespmem:s12+$0xFFFFFFFB ss:$0x81] =	vst.msk $0xffff, v5;
	s15 =	sadd.s32 $0x80, s15  }
.LBB1_3:
0x38: {  	v5 =	vld [tilespmem:s15+$0x30];
	s14 =	sadd.s32 $0x8, s14;
	[tilespmem:s12+$0xFFFFFFFC ss:$0x81] =	vst.msk $0xffff, v0  }
0x39: {  	v6 =	vld [tilespmem:s15+$0xFFFFFFD0];
	p1 =	slt.u32 s14, $0x78;
	[tilespmem:s12+$0xFFFFFFFD ss:$0x81] =	vst.msk $0xffff, v3  }
0x3a: {  	v7 =	vld [tilespmem:s15+$0xFFFFFFE0];
	[tilespmem:s12+$0xFFFFFFFE ss:$0x81] =	vst.msk $0xffff, v1  }
.Ltmp3:
0x3b: {  	v0 =	vld [tilespmem:s15+$0xFFFFFFF0];
	[tilespmem:s12+$0xFFFFFFFF ss:$0x81] =	vst.msk $0xffff, v4;
	(pc) =	sbr.rel @p1 .LBB1_3-.Ltmp3, $4  }
0x3c: {  	v3 =	vld [tilespmem:s15+$0x0];
	[tilespmem:s12+$0xFFFFFFF9 ss:$0x81] =	vst.msk $0xffff, v2;
	s12 =	sadd.s32 $0x8, s12  }
0x3d: {  	v1 =	vld [tilespmem:s15+$0x10];
	[tilespmem:s12+$0x0 ss:$0x81] =	vst.msk $0xffff, v5  }
0x3e: {  	[tilespmem:s12+$0xFFFFFFFA ss:$0x81] =	vst.msk $0xffff, v6;
	v4 =	vld [tilespmem:s15+$0x20]  }
0x3f: {  	v2 =	vld [tilespmem:s15+$0xFFFFFFC0];
	[tilespmem:s12+$0xFFFFFFFB ss:$0x81] =	vst.msk $0xffff, v7;
	s15 =	sadd.s32 $0x80, s15  }
.Ltmp4:
0x40: {  	_ = 	snop;
	(pc) =	sbr.rel .LBB1_4-.Ltmp4, $1  }
0x41: {  	_ =	sdelay $0x3  }
.LBB1_6:
0x42: {  	_ =	sfence.sel $0x180000  }
0x43: {  	s2 =	simm.s32 $0x1;
	[bflag:$0x0] =	sbarrier.arrive $0xFFFF  }
0x44: {  	s31 =	simm.s32 $0x2;
	[sflag:s2] =	ssyncpa.u1 $0x1  }
0x45: {  	[sflag:s31] =	ssyncpa.u1 $0x1  }
0x46: {  	p0 =	sne.s32 s0, $0x0;
	_ =	strace $0x9000004A  }
0x47: {  	s0 =	sadd.s32 @!p0 $0x100000, s1;
	[bflag:$0x2] =	sbarrier.arrive $0xFFFF  }
0x48: {  	[sflag:s0] =	ssyncadd.tile.s32 @!p0 $0x1;
	_ =	shalt  }
.Lfunc_end1:
_tile_overlayer_lowered:
.L_overlay_start_2:
0x49: {  	(tag) =	ssettag $0x2  }
0x4a: {  	s0 =	rddreg [dreg:$0x0];
	s2 =	stileid.u32  }
0x4b: {  	s1 =	rddreg [dreg:$0x1];
	p0 =	sne.s32 s2, $0x0  }
0x4c: {  	s3 =	rddreg [dreg:$0x2];
	[bflag:$0x3] =	sbarrier.arrive $0xFFFF;
	s2 =	simm.s32 @!p0 $0x1C01  }
0x4d: {  	[timem:s3], [sflag:s2] =	dma.local @!p0 [hbm:s0], s1  }
0x4e: {  	s0 =	simm.s32 @!p0 $0x1  }
0x4f: {  	_ =	swait.ge @!p0 [sflag:s0], s1  }
0x50: {  	s1 =	ssub.s32 @!p0 $0x0, s1;
	[sflag:s0] =	ssyncset.done @!p0 $0x0  }
0x51: {  	[sflag:s0] =	ssyncadd.s32 @!p0 s1  }
0x52: {  	[bflag:$0x3] =	sbarrier.arrive $0xFFFF  }
0x53: {  	_ =	shalt  }

</sc_bundles>
